<compile_context>
chip_gen: v7x
topology: tpu7x:2x2x1
jax: 0.10.2.dev20260603
libtpu: 0.0.44.dev20260713+nightly
codegen_flags: <defaults>
</compile_context>

<pallas_src>
import functools

import jax
import jax.numpy as jnp
from jax import lax
from jax.experimental import pallas as pl
from jax.experimental.pallas import tpu as pltpu
from jax.experimental.pallas import tpu_sc as plsc

N = 10000
E = 320000
F = 128
H = 32
OUT = 128

NC = 2
NS = 16
NW = NC * NS
BATCH = 128
EROWS = E // BATCH
RPT = EROWS // NW
REM = EROWS - RPT * NW
TPW = 80
NPAD = N + 16
NCNT = 10240
BLK = 2000
GRID = N // BLK
EDT = jnp.float32



def _mm1_body(x_ref, wn_ref, ws_ref, bs_ref, xn_ref, xs_ref):
    xb = x_ref[:]
    xn_ref[:] = jnp.dot(
        xb, wn_ref[:], preferred_element_type=jnp.float32).astype(EDT)
    xs_ref[:] = (jnp.dot(xb, ws_ref[:], preferred_element_type=jnp.float32)
                 + bs_ref[0:1, :])


def _tc1(x, wnT, wsT, bs):
    return pl.pallas_call(
        _mm1_body,
        grid=(GRID,),
        in_specs=[
            pl.BlockSpec((BLK, F), lambda i: (i, 0)),
            pl.BlockSpec((F, H), lambda i: (0, 0)),
            pl.BlockSpec((F, H), lambda i: (0, 0)),
            pl.BlockSpec((8, H), lambda i: (0, 0)),
        ],
        out_specs=[
            pl.BlockSpec((BLK, H), lambda i: (i, 0)),
            pl.BlockSpec((BLK, H), lambda i: (i, 0)),
        ],
        out_shape=[
            jax.ShapeDtypeStruct((N, H), EDT),
            jax.ShapeDtypeStruct((N, H), jnp.float32),
        ],
    )(x, wnT, wsT, bs)


def _mm2_body(agg_ref, cnt_ref, xs1_ref, bn_ref, w2n_ref, w2s_ref, b2s_ref,
              xn2_ref, xs2_ref):
    asum = (agg_ref[0].astype(jnp.float32)
            + agg_ref[1].astype(jnp.float32))
    csum = cnt_ref[0] + cnt_ref[1]
    mean = asum / jnp.maximum(csum, 1.0)
    h1 = jnp.maximum(mean + bn_ref[0:1, :] + xs1_ref[:], 0.0)
    xn2_ref[:] = jnp.dot(
        h1, w2n_ref[:], preferred_element_type=jnp.float32).astype(EDT)
    xs2_ref[:] = (jnp.dot(h1, w2s_ref[:], preferred_element_type=jnp.float32)
                  + b2s_ref[0:1, :])


def _tc2(agg, cnt3, xs1, bn, w2nT, w2sT, b2s):
    return pl.pallas_call(
        _mm2_body,
        grid=(GRID,),
        in_specs=[
            pl.BlockSpec((2, BLK, H), lambda i: (0, i, 0)),
            pl.BlockSpec((2, BLK, 1), lambda i: (0, i, 0)),
            pl.BlockSpec((BLK, H), lambda i: (i, 0)),
            pl.BlockSpec((8, H), lambda i: (0, 0)),
            pl.BlockSpec((H, H), lambda i: (0, 0)),
            pl.BlockSpec((H, H), lambda i: (0, 0)),
            pl.BlockSpec((8, H), lambda i: (0, 0)),
        ],
        out_specs=[
            pl.BlockSpec((BLK, H), lambda i: (i, 0)),
            pl.BlockSpec((BLK, H), lambda i: (i, 0)),
        ],
        out_shape=[
            jax.ShapeDtypeStruct((N, H), EDT),
            jax.ShapeDtypeStruct((N, H), jnp.float32),
        ],
    )(agg, cnt3, xs1, bn, w2nT, w2sT, b2s)


def _mm3_body(agg_ref, cnt_ref, xs2_ref, bn_ref, wout_ref, bout_ref,
              h2_ref, out_ref):
    asum = (agg_ref[0].astype(jnp.float32)
            + agg_ref[1].astype(jnp.float32))
    csum = cnt_ref[0] + cnt_ref[1]
    mean = asum / jnp.maximum(csum, 1.0)
    h2 = jnp.maximum(mean + bn_ref[0:1, :] + xs2_ref[:], 0.0)
    h2_ref[:] = h2
    out_ref[:] = (jnp.dot(h2, wout_ref[:], preferred_element_type=jnp.float32)
                  + bout_ref[0:1, :])


def _tc3(agg, cnt3, xs2, bn, woutT, bout):
    return pl.pallas_call(
        _mm3_body,
        grid=(GRID,),
        in_specs=[
            pl.BlockSpec((2, BLK, H), lambda i: (0, i, 0)),
            pl.BlockSpec((2, BLK, 1), lambda i: (0, i, 0)),
            pl.BlockSpec((BLK, H), lambda i: (i, 0)),
            pl.BlockSpec((8, H), lambda i: (0, 0)),
            pl.BlockSpec((H, OUT), lambda i: (0, 0)),
            pl.BlockSpec((8, OUT), lambda i: (0, 0)),
        ],
        out_specs=[
            pl.BlockSpec((BLK, H), lambda i: (i, 0)),
            pl.BlockSpec((BLK, OUT), lambda i: (i, 0)),
        ],
        out_shape=[
            jax.ShapeDtypeStruct((N, H), jnp.float32),
            jax.ShapeDtypeStruct((N, OUT), jnp.float32),
        ],
    )(agg, cnt3, xs2, bn, woutT, bout)



def _sc_agg_call(xn, e3, zagg, zcnt, with_cnt):
    mesh = plsc.VectorSubcoreMesh(core_axis_name="c", subcore_axis_name="s")
    if with_cnt:
        out_type = (jax.ShapeDtypeStruct((2, N, H), jnp.float32),
                    jax.ShapeDtypeStruct((2, NCNT), jnp.float32))
    else:
        out_type = jax.ShapeDtypeStruct((2, N, H), jnp.float32)

    k = 8 if with_cnt else 16
    ngroups = TPW // k

    scratch = [
        pltpu.VMEM((TPW, BATCH), jnp.int32),
        pltpu.VMEM((TPW, BATCH), jnp.int32),
        pltpu.VMEM((k, BATCH, H), EDT),
        pltpu.VMEM((BATCH,), jnp.float32),
        pltpu.VMEM_SHARED((NPAD, H), jnp.float32),
        pltpu.VMEM_SHARED((NCNT,), jnp.float32),
        pltpu.VMEM_SHARED((N, H), EDT),
    ] + [pltpu.SemaphoreType.DMA] * k

    def body(xn_hbm, e3_hbm, zagg_hbm, zcnt_hbm, *rest):
        if with_cnt:
            agg_out, cnt_out = rest[0], rest[1]
            rest = rest[2:]
        else:
            agg_out = rest[0]
            rest = rest[1:]
        idx_src, idx_dst, rows, ones_v = rest[:4]
        sh_agg, sh_cnt, sh_xn = rest[4], rest[5], rest[6]
        sems = rest[7:7 + k]

        c = lax.axis_index("c")
        s = lax.axis_index("s")
        wid = c * NS + s
        base = wid * RPT + jnp.minimum(wid, REM)
        for r in (RPT, RPT + 1):
            for i in range(BATCH // 16):
                idx_src[r, pl.ds(i * 16, 16)] = jnp.zeros((16,), jnp.int32)
                idx_dst[r, pl.ds(i * 16, 16)] = jnp.full((16,), N, jnp.int32)
        pltpu.sync_copy(e3_hbm.at[0].at[pl.ds(base, RPT)],
                        idx_src.at[pl.ds(0, RPT)])
        pltpu.sync_copy(e3_hbm.at[1].at[pl.ds(base, RPT)],
                        idx_dst.at[pl.ds(0, RPT)])

        @pl.when(wid < REM)
        def _extra_row():
            pltpu.sync_copy(e3_hbm.at[0].at[pl.ds(base + RPT, 1)],
                            idx_src.at[pl.ds(RPT, 1)])
            pltpu.sync_copy(e3_hbm.at[1].at[pl.ds(base + RPT, 1)],
                            idx_dst.at[pl.ds(RPT, 1)])

        if with_cnt:
            for i in range(BATCH // 16):
                ones_v[pl.ds(i * 16, 16)] = jnp.ones((16,), jnp.float32)

        rz = pl.multiple_of(s * (NPAD // NS), NPAD // NS)
        pltpu.sync_copy(zagg_hbm.at[pl.ds(rz, NPAD // NS)],
                        sh_agg.at[pl.ds(rz, NPAD // NS)])
        rx = pl.multiple_of(s * (N // NS), N // NS)
        pltpu.sync_copy(xn_hbm.at[pl.ds(rx, N // NS)],
                        sh_xn.at[pl.ds(rx, N // NS)])
        if with_cnt:
            rc = pl.multiple_of(s * (NCNT // NS), NCNT // NS)
            pltpu.sync_copy(zcnt_hbm.at[pl.ds(rc, NCNT // NS)],
                            sh_cnt.at[pl.ds(rc, NCNT // NS)])

        plsc.subcore_barrier()

        for i in range(k):
            pltpu.async_copy(sh_xn.at[idx_src.at[i]], rows.at[i], sems[i])

        def group(g, carry):
            for i in range(k):
                b = g * k + i
                pltpu.make_async_copy(sh_xn.at[idx_src.at[b]], rows.at[i],
                                      sems[i]).wait()
                pltpu.sync_copy(rows.at[i], sh_agg.at[idx_dst.at[b]],
                                add=True)
                if with_cnt:
                    pltpu.sync_copy(ones_v, sh_cnt.at[idx_dst.at[b]],
                                    add=True)

                @pl.when(g < ngroups - 1)
                def _rearm():
                    pltpu.async_copy(sh_xn.at[idx_src.at[b + k]],
                                     rows.at[i], sems[i])
            return carry

        lax.fori_loop(0, ngroups, group, 0)
        plsc.subcore_barrier()

        ro = pl.multiple_of(s * (N // NS), N // NS)
        pltpu.sync_copy(sh_agg.at[pl.ds(ro, N // NS)],
                        agg_out.at[c].at[pl.ds(ro, N // NS)])
        if with_cnt:
            rc2 = pl.multiple_of(s * (NCNT // NS), NCNT // NS)
            pltpu.sync_copy(sh_cnt.at[pl.ds(rc2, NCNT // NS)],
                            cnt_out.at[c].at[pl.ds(rc2, NCNT // NS)])

    fn = pl.kernel(body, out_type=out_type, mesh=mesh, scratch_types=scratch,
                   compiler_params=pltpu.CompilerParams(
                       use_tc_tiling_on_sc=False))
    return fn(xn, e3, zagg, zcnt)



def kernel(x, edge_index, W1_self, b1_self, W1_neigh, b1_neigh,
           W2_self, b2_self, W2_neigh, b2_neigh, W_out, b_out,
           W_lin1, b_lin1):
    e3 = edge_index.reshape(2, EROWS, BATCH)
    zagg = jnp.zeros((NPAD, H), jnp.float32)
    zcnt = jnp.zeros((NCNT,), jnp.float32)

    def rep(b):
        return jnp.tile(b.reshape(1, -1), (8, 1))

    xn1, xs1 = _tc1(x, W1_neigh.T, W1_self.T, rep(b1_self))
    agg1, cnt = _sc_agg_call(xn1, e3, zagg, zcnt, with_cnt=True)
    cnt3 = cnt[:, :N].reshape(2, N, 1)
    xn2, xs2 = _tc2(agg1, cnt3, xs1, rep(b1_neigh), W2_neigh.T, W2_self.T,
                    rep(b2_self))

    agg2 = _sc_agg_call(xn2, e3, zagg, zcnt, with_cnt=False)
    h2, out = _tc3(agg2, cnt3, xs2, rep(b2_neigh), W_out.T, rep(b_out))
    return (h2, out)

# --- scband reference (transcript-rebuilt; emitter-appended) ---
"""Pipeline reference for scband-dga-89601607729378 (READ-ONLY COPY).

The authoritative reference and input builder live on the scoring server;
editing this copy changes nothing except your own understanding.
"""

import jax, jax.numpy as jnp
import numpy as np

N = 10000
E = 320000
IN_FEATS = 128
HIDDEN = 32
OUT_FEATS = 128


def _linear_params(key, fan_in, fan_out):
    k1, k2 = jax.random.split(key)
    bound = 1.0 / np.sqrt(fan_in)
    W = jax.random.uniform(k1, (fan_out, fan_in), minval=-bound, maxval=bound, dtype=jnp.float32)
    b = jax.random.uniform(k2, (fan_out,), minval=-bound, maxval=bound, dtype=jnp.float32)
    return W, b


def setup_inputs(seed: int = 0) -> dict:
    key = jax.random.key(seed)
    ks = jax.random.split(key, 8)
    inp = {}
    inp["x"] = jax.random.normal(ks[0], (N, IN_FEATS), dtype=jnp.float32)
    inp["edge_index"] = jax.random.randint(ks[1], (2, E), 0, N, dtype=jnp.int32)
    # layer 1 (IntraConv in_feats -> hidden)
    inp["W1_self"], inp["b1_self"] = _linear_params(ks[2], IN_FEATS, HIDDEN)
    inp["W1_neigh"], inp["b1_neigh"] = _linear_params(ks[3], IN_FEATS, HIDDEN)
    # layer 2 (IntraConv hidden -> hidden)
    inp["W2_self"], inp["b2_self"] = _linear_params(ks[4], HIDDEN, HIDDEN)
    inp["W2_neigh"], inp["b2_neigh"] = _linear_params(ks[5], HIDDEN, HIDDEN)
    # fc_out (hidden -> out_feats)
    inp["W_out"], inp["b_out"] = _linear_params(ks[6], HIDDEN, OUT_FEATS)
    # linear1 (in_feats -> out_feats); computed in forward but unused in output
    inp["W_lin1"], inp["b_lin1"] = _linear_params(ks[7], IN_FEATS, OUT_FEATS)
    return inp


def _intra_conv(x, edge_index, W_self, b_self, W_neigh, b_neigh):
    # dropout is identity in eval mode
    src = edge_index[0]  # x_j source nodes
    dst = edge_index[1]  # aggregation index (target nodes)
    x_self = x @ W_self.T + b_self
    msgs = jnp.take(x, src, axis=0)
    summed = jax.ops.segment_sum(msgs, dst, num_segments=N)
    cnt = jax.ops.segment_sum(jnp.ones((E,), dtype=x.dtype), dst, num_segments=N)
    mean = summed / jnp.maximum(cnt, 1.0)[:, None]
    out = mean @ W_neigh.T + b_neigh
    out = out + x_self
    return jax.nn.relu(out)


def reference(x, edge_index, W1_self, b1_self, W1_neigh, b1_neigh,
              W2_self, b2_self, W2_neigh, b2_neigh, W_out, b_out,
              W_lin1, b_lin1):
    initial_x = x @ W_lin1.T + b_lin1  # computed but unused, as in original
    h = _intra_conv(x, edge_index, W1_self, b1_self, W1_neigh, b1_neigh)
    # dropout identity; h has width 32 -> x32 = h
    x32 = h
    h = _intra_conv(h, edge_index, W2_self, b2_self, W2_neigh, b2_neigh)
    x32 = h
    return (x32, h @ W_out.T + b_out)

if __name__ == "__main__":
    import jax
    _d = setup_inputs()
    print(jax.jit(kernel)(*tuple(_d.values())))

</pallas_src>

<mosaic_0001>
#map = affine_map<(d0, d1) -> (0, 0)>
#map1 = affine_map<(d0, d1) -> (0, 0, 0)>
#map2 = affine_map<(d0, d1) -> (0)>
module attributes {stable_mosaic.version = 14 : i64} {
  func.func @body(%arg0: i32, %arg1: i32, %arg2: memref<10000x32xf32, #tpu.memory_space<hbm>>, %arg3: memref<2x2500x128xi32, #tpu.memory_space<hbm>>, %arg4: memref<10016x32xf32, #tpu.memory_space<hbm>>, %arg5: memref<10240xf32, #tpu.memory_space<hbm>>, %arg6: memref<2x10000x32xf32, #tpu.memory_space<hbm>>, %arg7: memref<2x10240xf32, #tpu.memory_space<hbm>>, %arg8: memref<80x128xi32, #tpu.memory_space<vmem>>, %arg9: memref<80x128xi32, #tpu.memory_space<vmem>>, %arg10: memref<8x128x32xf32, #tpu.memory_space<vmem>>, %arg11: memref<128xf32, #tpu.memory_space<vmem>>, %arg12: memref<10016x32xf32, #tpu.memory_space<vmem_shared>>, %arg13: memref<10240xf32, #tpu.memory_space<vmem_shared>>, %arg14: memref<10000x32xf32, #tpu.memory_space<vmem_shared>>, %arg15: memref<!tpu.dma_semaphore, #tpu.memory_space<semaphore_mem>>, %arg16: memref<!tpu.dma_semaphore, #tpu.memory_space<semaphore_mem>>, %arg17: memref<!tpu.dma_semaphore, #tpu.memory_space<semaphore_mem>>, %arg18: memref<!tpu.dma_semaphore, #tpu.memory_space<semaphore_mem>>, %arg19: memref<!tpu.dma_semaphore, #tpu.memory_space<semaphore_mem>>, %arg20: memref<!tpu.dma_semaphore, #tpu.memory_space<semaphore_mem>>, %arg21: memref<!tpu.dma_semaphore, #tpu.memory_space<semaphore_mem>>, %arg22: memref<!tpu.dma_semaphore, #tpu.memory_space<semaphore_mem>>) attributes {dimension_semantics = [#tpu.dimension_semantics<core_parallel>, #tpu.dimension_semantics<subcore_parallel>], iteration_bounds = array<i64: 2, 16>, scalar_prefetch = 0 : i64, scratch_operands = 15 : i64, tpu.core_type = #tpu.core_type<sc_vector_subcore>, window_params = [{transform_indices = #map}, {transform_indices = #map1}, {transform_indices = #map}, {transform_indices = #map2}, {transform_indices = #map1}, {transform_indices = #map}]} {
    %mul3A = arith.constant 16 : i32
    %mul3A_0 = arith.muli %arg0, %mul3A : i32
    %add3A = arith.addi %mul3A_0, %arg1 : i32
    %mul3A_1 = arith.constant 78 : i32
    %mul3A_2 = arith.muli %add3A, %mul3A_1 : i32
    %min3A = arith.constant 4 : i32
    %min3A_3 = arith.minsi %add3A, %min3A : i32
    %add3A_4 = arith.addi %mul3A_2, %min3A_3 : i32
    %broadcast_in_dim3A = arith.constant 0 : i32
    %broadcast_in_dim3A_5 = vector.broadcast %broadcast_in_dim3A : i32 to vector<16xi32>
    %swap3A = arith.constant 78 : i32
    %swap3A_6 = arith.index_cast %swap3A : i32 to index
    %swap3A_7 = arith.constant 0 : index
    %swap3A_8 = tpu.vector_load %arg8[%swap3A_6, %swap3A_7] {strides = array<i32>} : memref<80x128xi32, #tpu.memory_space<vmem>>, vector<1x16xi32>,
    %swap3A_9 = vector.shape_cast %swap3A_8 : vector<1x16xi32> to vector<16xi32>
    %swap3A_10 = vector.shape_cast %broadcast_in_dim3A_5 : vector<16xi32> to vector<1x16xi32>
    tpu.vector_store %arg8[%swap3A_6, %swap3A_7], %swap3A_10 {strides = array<i32>} : memref<80x128xi32, #tpu.memory_space<vmem>>, vector<1x16xi32>,
    %broadcast_in_dim3A_11 = arith.constant 10000 : i32
    %broadcast_in_dim3A_12 = vector.broadcast %broadcast_in_dim3A_11 : i32 to vector<16xi32>
    %swap3A_13 = arith.constant 78 : i32
    %swap3A_14 = arith.index_cast %swap3A_13 : i32 to index
    %swap3A_15 = arith.constant 0 : index
    %swap3A_16 = tpu.vector_load %arg9[%swap3A_14, %swap3A_15] {strides = array<i32>} : memref<80x128xi32, #tpu.memory_space<vmem>>, vector<1x16xi32>,
    %swap3A_17 = vector.shape_cast %swap3A_16 : vector<1x16xi32> to vector<16xi32>
    %swap3A_18 = vector.shape_cast %broadcast_in_dim3A_12 : vector<16xi32> to vector<1x16xi32>
    tpu.vector_store %arg9[%swap3A_14, %swap3A_15], %swap3A_18 {strides = array<i32>} : memref<80x128xi32, #tpu.memory_space<vmem>>, vector<1x16xi32>,
    %broadcast_in_dim3A_19 = arith.constant 0 : i32
    %broadcast_in_dim3A_20 = vector.broadcast %broadcast_in_dim3A_19 : i32 to vector<16xi32>
    %swap3A_21 = arith.constant 78 : i32
    %swap3A_22 = arith.index_cast %swap3A_21 : i32 to index
    %swap3A_23 = arith.constant 16 : index
    %swap3A_24 = tpu.vector_load %arg8[%swap3A_22, %swap3A_23] {strides = array<i32>} : memref<80x128xi32, #tpu.memory_space<vmem>>, vector<1x16xi32>,
    %swap3A_25 = vector.shape_cast %swap3A_24 : vector<1x16xi32> to vector<16xi32>
    %swap3A_26 = vector.shape_cast %broadcast_in_dim3A_20 : vector<16xi32> to vector<1x16xi32>
    tpu.vector_store %arg8[%swap3A_22, %swap3A_23], %swap3A_26 {strides = array<i32>} : memref<80x128xi32, #tpu.memory_space<vmem>>, vector<1x16xi32>,
    %broadcast_in_dim3A_27 = arith.constant 10000 : i32
    %broadcast_in_dim3A_28 = vector.broadcast %broadcast_in_dim3A_27 : i32 to vector<16xi32>
    %swap3A_29 = arith.constant 78 : i32
    %swap3A_30 = arith.index_cast %swap3A_29 : i32 to index
    %swap3A_31 = arith.constant 16 : index
    %swap3A_32 = tpu.vector_load %arg9[%swap3A_30, %swap3A_31] {strides = array<i32>} : memref<80x128xi32, #tpu.memory_space<vmem>>, vector<1x16xi32>,
    %swap3A_33 = vector.shape_cast %swap3A_32 : vector<1x16xi32> to vector<16xi32>
    %swap3A_34 = vector.shape_cast %broadcast_in_dim3A_28 : vector<16xi32> to vector<1x16xi32>
    tpu.vector_store %arg9[%swap3A_30, %swap3A_31], %swap3A_34 {strides = array<i32>} : memref<80x128xi32, #tpu.memory_space<vmem>>, vector<1x16xi32>,
    %broadcast_in_dim3A_35 = arith.constant 0 : i32
    %broadcast_in_dim3A_36 = vector.broadcast %broadcast_in_dim3A_35 : i32 to vector<16xi32>
    %swap3A_37 = arith.constant 78 : i32
    %swap3A_38 = arith.index_cast %swap3A_37 : i32 to index
    %swap3A_39 = arith.constant 32 : index
    %swap3A_40 = tpu.vector_load %arg8[%swap3A_38, %swap3A_39] {strides = array<i32>} : memref<80x128xi32, #tpu.memory_space<vmem>>, vector<1x16xi32>,
    %swap3A_41 = vector.shape_cast %swap3A_40 : vector<1x16xi32> to vector<16xi32>
    %swap3A_42 = vector.shape_cast %broadcast_in_dim3A_36 : vector<16xi32> to vector<1x16xi32>
    tpu.vector_store %arg8[%swap3A_38, %swap3A_39], %swap3A_42 {strides = array<i32>} : memref<80x128xi32, #tpu.memory_space<vmem>>, vector<1x16xi32>,
    %broadcast_in_dim3A_43 = arith.constant 10000 : i32
    %broadcast_in_dim3A_44 = vector.broadcast %broadcast_in_dim3A_43 : i32 to vector<16xi32>
    %swap3A_45 = arith.constant 78 : i32
    %swap3A_46 = arith.index_cast %swap3A_45 : i32 to index
    %swap3A_47 = arith.constant 32 : index
    %swap3A_48 = tpu.vector_load %arg9[%swap3A_46, %swap3A_47] {strides = array<i32>} : memref<80x128xi32, #tpu.memory_space<vmem>>, vector<1x16xi32>,
    %swap3A_49 = vector.shape_cast %swap3A_48 : vector<1x16xi32> to vector<16xi32>
    %swap3A_50 = vector.shape_cast %broadcast_in_dim3A_44 : vector<16xi32> to vector<1x16xi32>
    tpu.vector_store %arg9[%swap3A_46, %swap3A_47], %swap3A_50 {strides = array<i32>} : memref<80x128xi32, #tpu.memory_space<vmem>>, vector<1x16xi32>,
    %broadcast_in_dim3A_51 = arith.constant 0 : i32
    %broadcast_in_dim3A_52 = vector.broadcast %broadcast_in_dim3A_51 : i32 to vector<16xi32>
    %swap3A_53 = arith.constant 78 : i32
    %swap3A_54 = arith.index_cast %swap3A_53 : i32 to index
    %swap3A_55 = arith.constant 48 : index
    %swap3A_56 = tpu.vector_load %arg8[%swap3A_54, %swap3A_55] {strides = array<i32>} : memref<80x128xi32, #tpu.memory_space<vmem>>, vector<1x16xi32>,
    %swap3A_57 = vector.shape_cast %swap3A_56 : vector<1x16xi32> to vector<16xi32>
    %swap3A_58 = vector.shape_cast %broadcast_in_dim3A_52 : vector<16xi32> to vector<1x16xi32>
    tpu.vector_store %arg8[%swap3A_54, %swap3A_55], %swap3A_58 {strides = array<i32>} : memref<80x128xi32, #tpu.memory_space<vmem>>, vector<1x16xi32>,
    %broadcast_in_dim3A_59 = arith.constant 10000 : i32
    %broadcast_in_dim3A_60 = vector.broadcast %broadcast_in_dim3A_59 : i32 to vector<16xi32>
    %swap3A_61 = arith.constant 78 : i32
    %swap3A_62 = arith.index_cast %swap3A_61 : i32 to index
    %swap3A_63 = arith.constant 48 : index
    %swap3A_64 = tpu.vector_load %arg9[%swap3A_62, %swap3A_63] {strides = array<i32>} : memref<80x128xi32, #tpu.memory_space<vmem>>, vector<1x16xi32>,
    %swap3A_65 = vector.shape_cast %swap3A_64 : vector<1x16xi32> to vector<16xi32>
    %swap3A_66 = vector.shape_cast %broadcast_in_dim3A_60 : vector<16xi32> to vector<1x16xi32>
    tpu.vector_store %arg9[%swap3A_62, %swap3A_63], %swap3A_66 {strides = array<i32>} : memref<80x128xi32, #tpu.memory_space<vmem>>, vector<1x16xi32>,
    %broadcast_in_dim3A_67 = arith.constant 0 : i32
    %broadcast_in_dim3A_68 = vector.broadcast %broadcast_in_dim3A_67 : i32 to vector<16xi32>
    %swap3A_69 = arith.constant 78 : i32
    %swap3A_70 = arith.index_cast %swap3A_69 : i32 to index
    %swap3A_71 = arith.constant 64 : index
    %swap3A_72 = tpu.vector_load %arg8[%swap3A_70, %swap3A_71] {strides = array<i32>} : memref<80x128xi32, #tpu.memory_space<vmem>>, vector<1x16xi32>,
    %swap3A_73 = vector.shape_cast %swap3A_72 : vector<1x16xi32> to vector<16xi32>
    %swap3A_74 = vector.shape_cast %broadcast_in_dim3A_68 : vector<16xi32> to vector<1x16xi32>
    tpu.vector_store %arg8[%swap3A_70, %swap3A_71], %swap3A_74 {strides = array<i32>} : memref<80x128xi32, #tpu.memory_space<vmem>>, vector<1x16xi32>,
    %broadcast_in_dim3A_75 = arith.constant 10000 : i32
    %broadcast_in_dim3A_76 = vector.broadcast %broadcast_in_dim3A_75 : i32 to vector<16xi32>
    %swap3A_77 = arith.constant 78 : i32
    %swap3A_78 = arith.index_cast %swap3A_77 : i32 to index
    %swap3A_79 = arith.constant 64 : index
    %swap3A_80 = tpu.vector_load %arg9[%swap3A_78, %swap3A_79] {strides = array<i32>} : memref<80x128xi32, #tpu.memory_space<vmem>>, vector<1x16xi32>,
    %swap3A_81 = vector.shape_cast %swap3A_80 : vector<1x16xi32> to vector<16xi32>
    %swap3A_82 = vector.shape_cast %broadcast_in_dim3A_76 : vector<16xi32> to vector<1x16xi32>
    tpu.vector_store %arg9[%swap3A_78, %swap3A_79], %swap3A_82 {strides = array<i32>} : memref<80x128xi32, #tpu.memory_space<vmem>>, vector<1x16xi32>,
    %broadcast_in_dim3A_83 = arith.constant 0 : i32
    %broadcast_in_dim3A_84 = vector.broadcast %broadcast_in_dim3A_83 : i32 to vector<16xi32>
    %swap3A_85 = arith.constant 78 : i32
    %swap3A_86 = arith.index_cast %swap3A_85 : i32 to index
    %swap3A_87 = arith.constant 80 : index
    %swap3A_88 = tpu.vector_load %arg8[%swap3A_86, %swap3A_87] {strides = array<i32>} : memref<80x128xi32, #tpu.memory_space<vmem>>, vector<1x16xi32>,
    %swap3A_89 = vector.shape_cast %swap3A_88 : vector<1x16xi32> to vector<16xi32>
    %swap3A_90 = vector.shape_cast %broadcast_in_dim3A_84 : vector<16xi32> to vector<1x16xi32>
    tpu.vector_store %arg8[%swap3A_86, %swap3A_87], %swap3A_90 {strides = array<i32>} : memref<80x128xi32, #tpu.memory_space<vmem>>, vector<1x16xi32>,
    %broadcast_in_dim3A_91 = arith.constant 10000 : i32
    %broadcast_in_dim3A_92 = vector.broadcast %broadcast_in_dim3A_91 : i32 to vector<16xi32>
    %swap3A_93 = arith.constant 78 : i32
    %swap3A_94 = arith.index_cast %swap3A_93 : i32 to index
    %swap3A_95 = arith.constant 80 : index
    %swap3A_96 = tpu.vector_load %arg9[%swap3A_94, %swap3A_95] {strides = array<i32>} : memref<80x128xi32, #tpu.memory_space<vmem>>, vector<1x16xi32>,
    %swap3A_97 = vector.shape_cast %swap3A_96 : vector<1x16xi32> to vector<16xi32>
    %swap3A_98 = vector.shape_cast %broadcast_in_dim3A_92 : vector<16xi32> to vector<1x16xi32>
    tpu.vector_store %arg9[%swap3A_94, %swap3A_95], %swap3A_98 {strides = array<i32>} : memref<80x128xi32, #tpu.memory_space<vmem>>, vector<1x16xi32>,
    %broadcast_in_dim3A_99 = arith.constant 0 : i32
    %broadcast_in_dim3A_100 = vector.broadcast %broadcast_in_dim3A_99 : i32 to vector<16xi32>
    %swap3A_101 = arith.constant 78 : i32
    %swap3A_102 = arith.index_cast %swap3A_101 : i32 to index
    %swap3A_103 = arith.constant 96 : index
    %swap3A_104 = tpu.vector_load %arg8[%swap3A_102, %swap3A_103] {strides = array<i32>} : memref<80x128xi32, #tpu.memory_space<vmem>>, vector<1x16xi32>,
    %swap3A_105 = vector.shape_cast %swap3A_104 : vector<1x16xi32> to vector<16xi32>
    %swap3A_106 = vector.shape_cast %broadcast_in_dim3A_100 : vector<16xi32> to vector<1x16xi32>
    tpu.vector_store %arg8[%swap3A_102, %swap3A_103], %swap3A_106 {strides = array<i32>} : memref<80x128xi32, #tpu.memory_space<vmem>>, vector<1x16xi32>,
    %broadcast_in_dim3A_107 = arith.constant 10000 : i32
    %broadcast_in_dim3A_108 = vector.broadcast %broadcast_in_dim3A_107 : i32 to vector<16xi32>
    %swap3A_109 = arith.constant 78 : i32
    %swap3A_110 = arith.index_cast %swap3A_109 : i32 to index
    %swap3A_111 = arith.constant 96 : index
    %swap3A_112 = tpu.vector_load %arg9[%swap3A_110, %swap3A_111] {strides = array<i32>} : memref<80x128xi32, #tpu.memory_space<vmem>>, vector<1x16xi32>,
    %swap3A_113 = vector.shape_cast %swap3A_112 : vector<1x16xi32> to vector<16xi32>
    %swap3A_114 = vector.shape_cast %broadcast_in_dim3A_108 : vector<16xi32> to vector<1x16xi32>
    tpu.vector_store %arg9[%swap3A_110, %swap3A_111], %swap3A_114 {strides = array<i32>} : memref<80x128xi32, #tpu.memory_space<vmem>>, vector<1x16xi32>,
    %broadcast_in_dim3A_115 = arith.constant 0 : i32
    %broadcast_in_dim3A_116 = vector.broadcast %broadcast_in_dim3A_115 : i32 to vector<16xi32>
    %swap3A_117 = arith.constant 78 : i32
    %swap3A_118 = arith.index_cast %swap3A_117 : i32 to index
    %swap3A_119 = arith.constant 112 : index
    %swap3A_120 = tpu.vector_load %arg8[%swap3A_118, %swap3A_119] {strides = array<i32>} : memref<80x128xi32, #tpu.memory_space<vmem>>, vector<1x16xi32>,
    %swap3A_121 = vector.shape_cast %swap3A_120 : vector<1x16xi32> to vector<16xi32>
    %swap3A_122 = vector.shape_cast %broadcast_in_dim3A_116 : vector<16xi32> to vector<1x16xi32>
    tpu.vector_store %arg8[%swap3A_118, %swap3A_119], %swap3A_122 {strides = array<i32>} : memref<80x128xi32, #tpu.memory_space<vmem>>, vector<1x16xi32>,
    %broadcast_in_dim3A_123 = arith.constant 10000 : i32
    %broadcast_in_dim3A_124 = vector.broadcast %broadcast_in_dim3A_123 : i32 to vector<16xi32>
    %swap3A_125 = arith.constant 78 : i32
    %swap3A_126 = arith.index_cast %swap3A_125 : i32 to index
    %swap3A_127 = arith.constant 112 : index
    %swap3A_128 = tpu.vector_load %arg9[%swap3A_126, %swap3A_127] {strides = array<i32>} : memref<80x128xi32, #tpu.memory_space<vmem>>, vector<1x16xi32>,
    %swap3A_129 = vector.shape_cast %swap3A_128 : vector<1x16xi32> to vector<16xi32>
    %swap3A_130 = vector.shape_cast %broadcast_in_dim3A_124 : vector<16xi32> to vector<1x16xi32>
    tpu.vector_store %arg9[%swap3A_126, %swap3A_127], %swap3A_130 {strides = array<i32>} : memref<80x128xi32, #tpu.memory_space<vmem>>, vector<1x16xi32>,
    %broadcast_in_dim3A_131 = arith.constant 0 : i32
    %broadcast_in_dim3A_132 = vector.broadcast %broadcast_in_dim3A_131 : i32 to vector<16xi32>
    %swap3A_133 = arith.constant 79 : i32
    %swap3A_134 = arith.index_cast %swap3A_133 : i32 to index
    %swap3A_135 = arith.constant 0 : index
    %swap3A_136 = tpu.vector_load %arg8[%swap3A_134, %swap3A_135] {strides = array<i32>} : memref<80x128xi32, #tpu.memory_space<vmem>>, vector<1x16xi32>,
    %swap3A_137 = vector.shape_cast %swap3A_136 : vector<1x16xi32> to vector<16xi32>
    %swap3A_138 = vector.shape_cast %broadcast_in_dim3A_132 : vector<16xi32> to vector<1x16xi32>
    tpu.vector_store %arg8[%swap3A_134, %swap3A_135], %swap3A_138 {strides = array<i32>} : memref<80x128xi32, #tpu.memory_space<vmem>>, vector<1x16xi32>,
    %broadcast_in_dim3A_139 = arith.constant 10000 : i32
    %broadcast_in_dim3A_140 = vector.broadcast %broadcast_in_dim3A_139 : i32 to vector<16xi32>
    %swap3A_141 = arith.constant 79 : i32
    %swap3A_142 = arith.index_cast %swap3A_141 : i32 to index
    %swap3A_143 = arith.constant 0 : index
    %swap3A_144 = tpu.vector_load %arg9[%swap3A_142, %swap3A_143] {strides = array<i32>} : memref<80x128xi32, #tpu.memory_space<vmem>>, vector<1x16xi32>,
    %swap3A_145 = vector.shape_cast %swap3A_144 : vector<1x16xi32> to vector<16xi32>
    %swap3A_146 = vector.shape_cast %broadcast_in_dim3A_140 : vector<16xi32> to vector<1x16xi32>
    tpu.vector_store %arg9[%swap3A_142, %swap3A_143], %swap3A_146 {strides = array<i32>} : memref<80x128xi32, #tpu.memory_space<vmem>>, vector<1x16xi32>,
    %broadcast_in_dim3A_147 = arith.constant 0 : i32
    %broadcast_in_dim3A_148 = vector.broadcast %broadcast_in_dim3A_147 : i32 to vector<16xi32>
    %swap3A_149 = arith.constant 79 : i32
    %swap3A_150 = arith.index_cast %swap3A_149 : i32 to index
    %swap3A_151 = arith.constant 16 : index
    %swap3A_152 = tpu.vector_load %arg8[%swap3A_150, %swap3A_151] {strides = array<i32>} : memref<80x128xi32, #tpu.memory_space<vmem>>, vector<1x16xi32>,
    %swap3A_153 = vector.shape_cast %swap3A_152 : vector<1x16xi32> to vector<16xi32>
    %swap3A_154 = vector.shape_cast %broadcast_in_dim3A_148 : vector<16xi32> to vector<1x16xi32>
    tpu.vector_store %arg8[%swap3A_150, %swap3A_151], %swap3A_154 {strides = array<i32>} : memref<80x128xi32, #tpu.memory_space<vmem>>, vector<1x16xi32>,
    %broadcast_in_dim3A_155 = arith.constant 10000 : i32
    %broadcast_in_dim3A_156 = vector.broadcast %broadcast_in_dim3A_155 : i32 to vector<16xi32>
    %swap3A_157 = arith.constant 79 : i32
    %swap3A_158 = arith.index_cast %swap3A_157 : i32 to index
    %swap3A_159 = arith.constant 16 : index
    %swap3A_160 = tpu.vector_load %arg9[%swap3A_158, %swap3A_159] {strides = array<i32>} : memref<80x128xi32, #tpu.memory_space<vmem>>, vector<1x16xi32>,
    %swap3A_161 = vector.shape_cast %swap3A_160 : vector<1x16xi32> to vector<16xi32>
    %swap3A_162 = vector.shape_cast %broadcast_in_dim3A_156 : vector<16xi32> to vector<1x16xi32>
    tpu.vector_store %arg9[%swap3A_158, %swap3A_159], %swap3A_162 {strides = array<i32>} : memref<80x128xi32, #tpu.memory_space<vmem>>, vector<1x16xi32>,
    %broadcast_in_dim3A_163 = arith.constant 0 : i32
    %broadcast_in_dim3A_164 = vector.broadcast %broadcast_in_dim3A_163 : i32 to vector<16xi32>
    %swap3A_165 = arith.constant 79 : i32
    %swap3A_166 = arith.index_cast %swap3A_165 : i32 to index
    %swap3A_167 = arith.constant 32 : index
    %swap3A_168 = tpu.vector_load %arg8[%swap3A_166, %swap3A_167] {strides = array<i32>} : memref<80x128xi32, #tpu.memory_space<vmem>>, vector<1x16xi32>,
    %swap3A_169 = vector.shape_cast %swap3A_168 : vector<1x16xi32> to vector<16xi32>
    %swap3A_170 = vector.shape_cast %broadcast_in_dim3A_164 : vector<16xi32> to vector<1x16xi32>
    tpu.vector_store %arg8[%swap3A_166, %swap3A_167], %swap3A_170 {strides = array<i32>} : memref<80x128xi32, #tpu.memory_space<vmem>>, vector<1x16xi32>,
    %broadcast_in_dim3A_171 = arith.constant 10000 : i32
    %broadcast_in_dim3A_172 = vector.broadcast %broadcast_in_dim3A_171 : i32 to vector<16xi32>
    %swap3A_173 = arith.constant 79 : i32
    %swap3A_174 = arith.index_cast %swap3A_173 : i32 to index
    %swap3A_175 = arith.constant 32 : index
    %swap3A_176 = tpu.vector_load %arg9[%swap3A_174, %swap3A_175] {strides = array<i32>} : memref<80x128xi32, #tpu.memory_space<vmem>>, vector<1x16xi32>,
    %swap3A_177 = vector.shape_cast %swap3A_176 : vector<1x16xi32> to vector<16xi32>
    %swap3A_178 = vector.shape_cast %broadcast_in_dim3A_172 : vector<16xi32> to vector<1x16xi32>
    tpu.vector_store %arg9[%swap3A_174, %swap3A_175], %swap3A_178 {strides = array<i32>} : memref<80x128xi32, #tpu.memory_space<vmem>>, vector<1x16xi32>,
    %broadcast_in_dim3A_179 = arith.constant 0 : i32
    %broadcast_in_dim3A_180 = vector.broadcast %broadcast_in_dim3A_179 : i32 to vector<16xi32>
    %swap3A_181 = arith.constant 79 : i32
    %swap3A_182 = arith.index_cast %swap3A_181 : i32 to index
    %swap3A_183 = arith.constant 48 : index
    %swap3A_184 = tpu.vector_load %arg8[%swap3A_182, %swap3A_183] {strides = array<i32>} : memref<80x128xi32, #tpu.memory_space<vmem>>, vector<1x16xi32>,
    %swap3A_185 = vector.shape_cast %swap3A_184 : vector<1x16xi32> to vector<16xi32>
    %swap3A_186 = vector.shape_cast %broadcast_in_dim3A_180 : vector<16xi32> to vector<1x16xi32>
    tpu.vector_store %arg8[%swap3A_182, %swap3A_183], %swap3A_186 {strides = array<i32>} : memref<80x128xi32, #tpu.memory_space<vmem>>, vector<1x16xi32>,
    %broadcast_in_dim3A_187 = arith.constant 10000 : i32
    %broadcast_in_dim3A_188 = vector.broadcast %broadcast_in_dim3A_187 : i32 to vector<16xi32>
    %swap3A_189 = arith.constant 79 : i32
    %swap3A_190 = arith.index_cast %swap3A_189 : i32 to index
    %swap3A_191 = arith.constant 48 : index
    %swap3A_192 = tpu.vector_load %arg9[%swap3A_190, %swap3A_191] {strides = array<i32>} : memref<80x128xi32, #tpu.memory_space<vmem>>, vector<1x16xi32>,
    %swap3A_193 = vector.shape_cast %swap3A_192 : vector<1x16xi32> to vector<16xi32>
    %swap3A_194 = vector.shape_cast %broadcast_in_dim3A_188 : vector<16xi32> to vector<1x16xi32>
    tpu.vector_store %arg9[%swap3A_190, %swap3A_191], %swap3A_194 {strides = array<i32>} : memref<80x128xi32, #tpu.memory_space<vmem>>, vector<1x16xi32>,
    %broadcast_in_dim3A_195 = arith.constant 0 : i32
    %broadcast_in_dim3A_196 = vector.broadcast %broadcast_in_dim3A_195 : i32 to vector<16xi32>
    %swap3A_197 = arith.constant 79 : i32
    %swap3A_198 = arith.index_cast %swap3A_197 : i32 to index
    %swap3A_199 = arith.constant 64 : index
    %swap3A_200 = tpu.vector_load %arg8[%swap3A_198, %swap3A_199] {strides = array<i32>} : memref<80x128xi32, #tpu.memory_space<vmem>>, vector<1x16xi32>,
    %swap3A_201 = vector.shape_cast %swap3A_200 : vector<1x16xi32> to vector<16xi32>
    %swap3A_202 = vector.shape_cast %broadcast_in_dim3A_196 : vector<16xi32> to vector<1x16xi32>
    tpu.vector_store %arg8[%swap3A_198, %swap3A_199], %swap3A_202 {strides = array<i32>} : memref<80x128xi32, #tpu.memory_space<vmem>>, vector<1x16xi32>,
    %broadcast_in_dim3A_203 = arith.constant 10000 : i32
    %broadcast_in_dim3A_204 = vector.broadcast %broadcast_in_dim3A_203 : i32 to vector<16xi32>
    %swap3A_205 = arith.constant 79 : i32
    %swap3A_206 = arith.index_cast %swap3A_205 : i32 to index
    %swap3A_207 = arith.constant 64 : index
    %swap3A_208 = tpu.vector_load %arg9[%swap3A_206, %swap3A_207] {strides = array<i32>} : memref<80x128xi32, #tpu.memory_space<vmem>>, vector<1x16xi32>,
    %swap3A_209 = vector.shape_cast %swap3A_208 : vector<1x16xi32> to vector<16xi32>
    %swap3A_210 = vector.shape_cast %broadcast_in_dim3A_204 : vector<16xi32> to vector<1x16xi32>
    tpu.vector_store %arg9[%swap3A_206, %swap3A_207], %swap3A_210 {strides = array<i32>} : memref<80x128xi32, #tpu.memory_space<vmem>>, vector<1x16xi32>,
    %broadcast_in_dim3A_211 = arith.constant 0 : i32
    %broadcast_in_dim3A_212 = vector.broadcast %broadcast_in_dim3A_211 : i32 to vector<16xi32>
    %swap3A_213 = arith.constant 79 : i32
    %swap3A_214 = arith.index_cast %swap3A_213 : i32 to index
    %swap3A_215 = arith.constant 80 : index
    %swap3A_216 = tpu.vector_load %arg8[%swap3A_214, %swap3A_215] {strides = array<i32>} : memref<80x128xi32, #tpu.memory_space<vmem>>, vector<1x16xi32>,
    %swap3A_217 = vector.shape_cast %swap3A_216 : vector<1x16xi32> to vector<16xi32>
    %swap3A_218 = vector.shape_cast %broadcast_in_dim3A_212 : vector<16xi32> to vector<1x16xi32>
    tpu.vector_store %arg8[%swap3A_214, %swap3A_215], %swap3A_218 {strides = array<i32>} : memref<80x128xi32, #tpu.memory_space<vmem>>, vector<1x16xi32>,
    %broadcast_in_dim3A_219 = arith.constant 10000 : i32
    %broadcast_in_dim3A_220 = vector.broadcast %broadcast_in_dim3A_219 : i32 to vector<16xi32>
    %swap3A_221 = arith.constant 79 : i32
    %swap3A_222 = arith.index_cast %swap3A_221 : i32 to index
    %swap3A_223 = arith.constant 80 : index
    %swap3A_224 = tpu.vector_load %arg9[%swap3A_222, %swap3A_223] {strides = array<i32>} : memref<80x128xi32, #tpu.memory_space<vmem>>, vector<1x16xi32>,
    %swap3A_225 = vector.shape_cast %swap3A_224 : vector<1x16xi32> to vector<16xi32>
    %swap3A_226 = vector.shape_cast %broadcast_in_dim3A_220 : vector<16xi32> to vector<1x16xi32>
    tpu.vector_store %arg9[%swap3A_222, %swap3A_223], %swap3A_226 {strides = array<i32>} : memref<80x128xi32, #tpu.memory_space<vmem>>, vector<1x16xi32>,
    %broadcast_in_dim3A_227 = arith.constant 0 : i32
    %broadcast_in_dim3A_228 = vector.broadcast %broadcast_in_dim3A_227 : i32 to vector<16xi32>
    %swap3A_229 = arith.constant 79 : i32
    %swap3A_230 = arith.index_cast %swap3A_229 : i32 to index
    %swap3A_231 = arith.constant 96 : index
    %swap3A_232 = tpu.vector_load %arg8[%swap3A_230, %swap3A_231] {strides = array<i32>} : memref<80x128xi32, #tpu.memory_space<vmem>>, vector<1x16xi32>,
    %swap3A_233 = vector.shape_cast %swap3A_232 : vector<1x16xi32> to vector<16xi32>
    %swap3A_234 = vector.shape_cast %broadcast_in_dim3A_228 : vector<16xi32> to vector<1x16xi32>
    tpu.vector_store %arg8[%swap3A_230, %swap3A_231], %swap3A_234 {strides = array<i32>} : memref<80x128xi32, #tpu.memory_space<vmem>>, vector<1x16xi32>,
    %broadcast_in_dim3A_235 = arith.constant 10000 : i32
    %broadcast_in_dim3A_236 = vector.broadcast %broadcast_in_dim3A_235 : i32 to vector<16xi32>
    %swap3A_237 = arith.constant 79 : i32
    %swap3A_238 = arith.index_cast %swap3A_237 : i32 to index
    %swap3A_239 = arith.constant 96 : index
    %swap3A_240 = tpu.vector_load %arg9[%swap3A_238, %swap3A_239] {strides = array<i32>} : memref<80x128xi32, #tpu.memory_space<vmem>>, vector<1x16xi32>,
    %swap3A_241 = vector.shape_cast %swap3A_240 : vector<1x16xi32> to vector<16xi32>
    %swap3A_242 = vector.shape_cast %broadcast_in_dim3A_236 : vector<16xi32> to vector<1x16xi32>
    tpu.vector_store %arg9[%swap3A_238, %swap3A_239], %swap3A_242 {strides = array<i32>} : memref<80x128xi32, #tpu.memory_space<vmem>>, vector<1x16xi32>,
    %broadcast_in_dim3A_243 = arith.constant 0 : i32
    %broadcast_in_dim3A_244 = vector.broadcast %broadcast_in_dim3A_243 : i32 to vector<16xi32>
    %swap3A_245 = arith.constant 79 : i32
    %swap3A_246 = arith.index_cast %swap3A_245 : i32 to index
    %swap3A_247 = arith.constant 112 : index
    %swap3A_248 = tpu.vector_load %arg8[%swap3A_246, %swap3A_247] {strides = array<i32>} : memref<80x128xi32, #tpu.memory_space<vmem>>, vector<1x16xi32>,
    %swap3A_249 = vector.shape_cast %swap3A_248 : vector<1x16xi32> to vector<16xi32>
    %swap3A_250 = vector.shape_cast %broadcast_in_dim3A_244 : vector<16xi32> to vector<1x16xi32>
    tpu.vector_store %arg8[%swap3A_246, %swap3A_247], %swap3A_250 {strides = array<i32>} : memref<80x128xi32, #tpu.memory_space<vmem>>, vector<1x16xi32>,
    %broadcast_in_dim3A_251 = arith.constant 10000 : i32
    %broadcast_in_dim3A_252 = vector.broadcast %broadcast_in_dim3A_251 : i32 to vector<16xi32>
    %swap3A_253 = arith.constant 79 : i32
    %swap3A_254 = arith.index_cast %swap3A_253 : i32 to index
    %swap3A_255 = arith.constant 112 : index
    %swap3A_256 = tpu.vector_load %arg9[%swap3A_254, %swap3A_255] {strides = array<i32>} : memref<80x128xi32, #tpu.memory_space<vmem>>, vector<1x16xi32>,
    %swap3A_257 = vector.shape_cast %swap3A_256 : vector<1x16xi32> to vector<16xi32>
    %swap3A_258 = vector.shape_cast %broadcast_in_dim3A_252 : vector<16xi32> to vector<1x16xi32>
    tpu.vector_store %arg9[%swap3A_254, %swap3A_255], %swap3A_258 {strides = array<i32>} : memref<80x128xi32, #tpu.memory_space<vmem>>, vector<1x16xi32>,
    %run_scoped3A = arith.constant 0 : i32
    "tpu.region"() ({
      %run_scoped3A_425 = tpu.sem_alloc : memref<!tpu.dma_semaphore, #tpu.memory_space<semaphore_mem>>
      %dma_start3A_426 = arith.constant 0 : i32
      %dma_start3A_427 = arith.constant 0 : i32
      %dma_start3A_428 = tpu.memref_slice %arg8[%dma_start3A_426, %dma_start3A_427] : memref<80x128xi32, #tpu.memory_space<vmem>> -> memref<78x128xi32, #tpu.memory_space<vmem>>
      %dma_start3A_429 = arith.constant 0 : i32
      %dma_start3A_430 = arith.constant 0 : i32
      %dma_start3A_431 = tpu.memref_slice %arg3[%run_scoped3A, %dma_start3A_429, %dma_start3A_430] : memref<2x2500x128xi32, #tpu.memory_space<hbm>> -> memref<1x2500x128xi32, #tpu.memory_space<hbm>>
      %dma_start3A_432 = tpu.memref_squeeze %dma_start3A_431 : memref<1x2500x128xi32, #tpu.memory_space<hbm>> -> memref<2500x128xi32, #tpu.memory_space<hbm>>
      %dma_start3A_433 = arith.constant 0 : i32
      %dma_start3A_434 = tpu.memref_slice %dma_start3A_432[%add3A_4, %dma_start3A_433] : memref<2500x128xi32, #tpu.memory_space<hbm>> -> memref<78x128xi32, #tpu.memory_space<hbm>>
      %dma_start3A_435 = arith.constant 0 : i32
      %dma_start3A_436 = arith.constant 0 : i32
      %dma_start3A_437 = tpu.memref_slice %arg8[%dma_start3A_435, %dma_start3A_436] : memref<80x128xi32, #tpu.memory_space<vmem>> -> memref<78x128xi32, #tpu.memory_space<vmem>>
      %dma_start3A_438 = arith.constant 0 : i32
      %dma_start3A_439 = arith.constant 0 : i32
      %dma_start3A_440 = tpu.memref_slice %arg3[%run_scoped3A, %dma_start3A_438, %dma_start3A_439] : memref<2x2500x128xi32, #tpu.memory_space<hbm>> -> memref<1x2500x128xi32, #tpu.memory_space<hbm>>
      %dma_start3A_441 = tpu.memref_squeeze %dma_start3A_440 : memref<1x2500x128xi32, #tpu.memory_space<hbm>> -> memref<2500x128xi32, #tpu.memory_space<hbm>>
      %dma_start3A_442 = arith.constant 0 : i32
      %dma_start3A_443 = tpu.memref_slice %dma_start3A_441[%add3A_4, %dma_start3A_442] : memref<2500x128xi32, #tpu.memory_space<hbm>> -> memref<78x128xi32, #tpu.memory_space<hbm>>
      tpu.enqueue_dma source(%dma_start3A_443 : memref<78x128xi32, #tpu.memory_space<hbm>>) target(%dma_start3A_437 : memref<78x128xi32, #tpu.memory_space<vmem>>) target_semaphore(%run_scoped3A_425 : memref<!tpu.dma_semaphore, #tpu.memory_space<semaphore_mem>>)
      %dma_wait3A = arith.constant 0 : i32
      %dma_wait3A_444 = arith.constant 0 : i32
      %dma_wait3A_445 = tpu.memref_slice %arg8[%dma_wait3A, %dma_wait3A_444] : memref<80x128xi32, #tpu.memory_space<vmem>> -> memref<78x128xi32, #tpu.memory_space<vmem>>
      %dma_wait3A_446 = arith.constant 0 : i32
      %dma_wait3A_447 = arith.constant 0 : i32
      %dma_wait3A_448 = tpu.memref_slice %arg3[%run_scoped3A, %dma_wait3A_446, %dma_wait3A_447] : memref<2x2500x128xi32, #tpu.memory_space<hbm>> -> memref<1x2500x128xi32, #tpu.memory_space<hbm>>
      %dma_wait3A_449 = tpu.memref_squeeze %dma_wait3A_448 : memref<1x2500x128xi32, #tpu.memory_space<hbm>> -> memref<2500x128xi32, #tpu.memory_space<hbm>>
      %dma_wait3A_450 = arith.constant 0 : i32
      %dma_wait3A_451 = tpu.memref_slice %dma_wait3A_449[%add3A_4, %dma_wait3A_450] : memref<2500x128xi32, #tpu.memory_space<hbm>> -> memref<78x128xi32, #tpu.memory_space<hbm>>
      %dma_wait3A_452 = arith.constant 0 : i32
      %dma_wait3A_453 = arith.constant 0 : i32
      %dma_wait3A_454 = tpu.memref_slice %arg8[%dma_wait3A_452, %dma_wait3A_453] : memref<80x128xi32, #tpu.memory_space<vmem>> -> memref<78x128xi32, #tpu.memory_space<vmem>>
      %dma_wait3A_455 = arith.constant 0 : i32
      %dma_wait3A_456 = arith.constant 0 : i32
      %dma_wait3A_457 = tpu.memref_slice %arg3[%run_scoped3A, %dma_wait3A_455, %dma_wait3A_456] : memref<2x2500x128xi32, #tpu.memory_space<hbm>> -> memref<1x2500x128xi32, #tpu.memory_space<hbm>>
      %dma_wait3A_458 = tpu.memref_squeeze %dma_wait3A_457 : memref<1x2500x128xi32, #tpu.memory_space<hbm>> -> memref<2500x128xi32, #tpu.memory_space<hbm>>
      %dma_wait3A_459 = arith.constant 0 : i32
      %dma_wait3A_460 = tpu.memref_slice %dma_wait3A_458[%add3A_4, %dma_wait3A_459] : memref<2500x128xi32, #tpu.memory_space<hbm>> -> memref<78x128xi32, #tpu.memory_space<hbm>>
      tpu.wait_dma2 semaphore(%run_scoped3A_425 : memref<!tpu.dma_semaphore, #tpu.memory_space<semaphore_mem>>) src(%dma_wait3A_460 : memref<78x128xi32, #tpu.memory_space<hbm>>) dst(%dma_wait3A_454 : memref<78x128xi32, #tpu.memory_space<vmem>>)
      tpu.yield
    }) : () -> ()
    %run_scoped3A_259 = arith.constant 1 : i32
    "tpu.region"() ({
      %run_scoped3A_425 = tpu.sem_alloc : memref<!tpu.dma_semaphore, #tpu.memory_space<semaphore_mem>>
      %dma_start3A_426 = arith.constant 0 : i32
      %dma_start3A_427 = arith.constant 0 : i32
      %dma_start3A_428 = tpu.memref_slice %arg9[%dma_start3A_426, %dma_start3A_427] : memref<80x128xi32, #tpu.memory_space<vmem>> -> memref<78x128xi32, #tpu.memory_space<vmem>>
      %dma_start3A_429 = arith.constant 0 : i32
      %dma_start3A_430 = arith.constant 0 : i32
      %dma_start3A_431 = tpu.memref_slice %arg3[%run_scoped3A_259, %dma_start3A_429, %dma_start3A_430] : memref<2x2500x128xi32, #tpu.memory_space<hbm>> -> memref<1x2500x128xi32, #tpu.memory_space<hbm>>
      %dma_start3A_432 = tpu.memref_squeeze %dma_start3A_431 : memref<1x2500x128xi32, #tpu.memory_space<hbm>> -> memref<2500x128xi32, #tpu.memory_space<hbm>>
      %dma_start3A_433 = arith.constant 0 : i32
      %dma_start3A_434 = tpu.memref_slice %dma_start3A_432[%add3A_4, %dma_start3A_433] : memref<2500x128xi32, #tpu.memory_space<hbm>> -> memref<78x128xi32, #tpu.memory_space<hbm>>
      %dma_start3A_435 = arith.constant 0 : i32
      %dma_start3A_436 = arith.constant 0 : i32
      %dma_start3A_437 = tpu.memref_slice %arg9[%dma_start3A_435, %dma_start3A_436] : memref<80x128xi32, #tpu.memory_space<vmem>> -> memref<78x128xi32, #tpu.memory_space<vmem>>
      %dma_start3A_438 = arith.constant 0 : i32
      %dma_start3A_439 = arith.constant 0 : i32
      %dma_start3A_440 = tpu.memref_slice %arg3[%run_scoped3A_259, %dma_start3A_438, %dma_start3A_439] : memref<2x2500x128xi32, #tpu.memory_space<hbm>> -> memref<1x2500x128xi32, #tpu.memory_space<hbm>>
      %dma_start3A_441 = tpu.memref_squeeze %dma_start3A_440 : memref<1x2500x128xi32, #tpu.memory_space<hbm>> -> memref<2500x128xi32, #tpu.memory_space<hbm>>
      %dma_start3A_442 = arith.constant 0 : i32
      %dma_start3A_443 = tpu.memref_slice %dma_start3A_441[%add3A_4, %dma_start3A_442] : memref<2500x128xi32, #tpu.memory_space<hbm>> -> memref<78x128xi32, #tpu.memory_space<hbm>>
      tpu.enqueue_dma source(%dma_start3A_443 : memref<78x128xi32, #tpu.memory_space<hbm>>) target(%dma_start3A_437 : memref<78x128xi32, #tpu.memory_space<vmem>>) target_semaphore(%run_scoped3A_425 : memref<!tpu.dma_semaphore, #tpu.memory_space<semaphore_mem>>)
      %dma_wait3A = arith.constant 0 : i32
      %dma_wait3A_444 = arith.constant 0 : i32
      %dma_wait3A_445 = tpu.memref_slice %arg9[%dma_wait3A, %dma_wait3A_444] : memref<80x128xi32, #tpu.memory_space<vmem>> -> memref<78x128xi32, #tpu.memory_space<vmem>>
      %dma_wait3A_446 = arith.constant 0 : i32
      %dma_wait3A_447 = arith.constant 0 : i32
      %dma_wait3A_448 = tpu.memref_slice %arg3[%run_scoped3A_259, %dma_wait3A_446, %dma_wait3A_447] : memref<2x2500x128xi32, #tpu.memory_space<hbm>> -> memref<1x2500x128xi32, #tpu.memory_space<hbm>>
      %dma_wait3A_449 = tpu.memref_squeeze %dma_wait3A_448 : memref<1x2500x128xi32, #tpu.memory_space<hbm>> -> memref<2500x128xi32, #tpu.memory_space<hbm>>
      %dma_wait3A_450 = arith.constant 0 : i32
      %dma_wait3A_451 = tpu.memref_slice %dma_wait3A_449[%add3A_4, %dma_wait3A_450] : memref<2500x128xi32, #tpu.memory_space<hbm>> -> memref<78x128xi32, #tpu.memory_space<hbm>>
      %dma_wait3A_452 = arith.constant 0 : i32
      %dma_wait3A_453 = arith.constant 0 : i32
      %dma_wait3A_454 = tpu.memref_slice %arg9[%dma_wait3A_452, %dma_wait3A_453] : memref<80x128xi32, #tpu.memory_space<vmem>> -> memref<78x128xi32, #tpu.memory_space<vmem>>
      %dma_wait3A_455 = arith.constant 0 : i32
      %dma_wait3A_456 = arith.constant 0 : i32
      %dma_wait3A_457 = tpu.memref_slice %arg3[%run_scoped3A_259, %dma_wait3A_455, %dma_wait3A_456] : memref<2x2500x128xi32, #tpu.memory_space<hbm>> -> memref<1x2500x128xi32, #tpu.memory_space<hbm>>
      %dma_wait3A_458 = tpu.memref_squeeze %dma_wait3A_457 : memref<1x2500x128xi32, #tpu.memory_space<hbm>> -> memref<2500x128xi32, #tpu.memory_space<hbm>>
      %dma_wait3A_459 = arith.constant 0 : i32
      %dma_wait3A_460 = tpu.memref_slice %dma_wait3A_458[%add3A_4, %dma_wait3A_459] : memref<2500x128xi32, #tpu.memory_space<hbm>> -> memref<78x128xi32, #tpu.memory_space<hbm>>
      tpu.wait_dma2 semaphore(%run_scoped3A_425 : memref<!tpu.dma_semaphore, #tpu.memory_space<semaphore_mem>>) src(%dma_wait3A_460 : memref<78x128xi32, #tpu.memory_space<hbm>>) dst(%dma_wait3A_454 : memref<78x128xi32, #tpu.memory_space<vmem>>)
      tpu.yield
    }) : () -> ()
    %lt3A = arith.constant 4 : i32
    %lt3A_260 = arith.cmpi slt, %add3A, %lt3A : i32
    %convert_element_type3A = arith.extui %lt3A_260 : i1 to i32
    %cond3A = arith.constant 0 : i32
    %cond3A_261 = arith.cmpi ne, %convert_element_type3A, %cond3A : i32
    scf.if %cond3A_261 {
      %add3A_425 = arith.constant 78 : i32
      %add3A_426 = arith.addi %add3A_4, %add3A_425 : i32
      %run_scoped3A_427 = arith.constant 0 : i32
      "tpu.region"() ({
        %run_scoped3A_431 = tpu.sem_alloc : memref<!tpu.dma_semaphore, #tpu.memory_space<semaphore_mem>>
        %dma_start3A_432 = arith.constant 78 : i32
        %dma_start3A_433 = arith.constant 0 : i32
        %dma_start3A_434 = tpu.memref_slice %arg8[%dma_start3A_432, %dma_start3A_433] : memref<80x128xi32, #tpu.memory_space<vmem>> -> memref<1x128xi32, #tpu.memory_space<vmem>>
        %dma_start3A_435 = arith.constant 0 : i32
        %dma_start3A_436 = arith.constant 0 : i32
        %dma_start3A_437 = tpu.memref_slice %arg3[%run_scoped3A_427, %dma_start3A_435, %dma_start3A_436] : memref<2x2500x128xi32, #tpu.memory_space<hbm>> -> memref<1x2500x128xi32, #tpu.memory_space<hbm>>
        %dma_start3A_438 = tpu.memref_squeeze %dma_start3A_437 : memref<1x2500x128xi32, #tpu.memory_space<hbm>> -> memref<2500x128xi32, #tpu.memory_space<hbm>>
        %dma_start3A_439 = arith.constant 0 : i32
        %dma_start3A_440 = tpu.memref_slice %dma_start3A_438[%add3A_426, %dma_start3A_439] : memref<2500x128xi32, #tpu.memory_space<hbm>> -> memref<1x128xi32, #tpu.memory_space<hbm>>
        %dma_start3A_441 = arith.constant 78 : i32
        %dma_start3A_442 = arith.constant 0 : i32
        %dma_start3A_443 = tpu.memref_slice %arg8[%dma_start3A_441, %dma_start3A_442] : memref<80x128xi32, #tpu.memory_space<vmem>> -> memref<1x128xi32, #tpu.memory_space<vmem>>
        %dma_start3A_444 = arith.constant 0 : i32
        %dma_start3A_445 = arith.constant 0 : i32
        %dma_start3A_446 = tpu.memref_slice %arg3[%run_scoped3A_427, %dma_start3A_444, %dma_start3A_445] : memref<2x2500x128xi32, #tpu.memory_space<hbm>> -> memref<1x2500x128xi32, #tpu.memory_space<hbm>>
        %dma_start3A_447 = tpu.memref_squeeze %dma_start3A_446 : memref<1x2500x128xi32, #tpu.memory_space<hbm>> -> memref<2500x128xi32, #tpu.memory_space<hbm>>
        %dma_start3A_448 = arith.constant 0 : i32
        %dma_start3A_449 = tpu.memref_slice %dma_start3A_447[%add3A_426, %dma_start3A_448] : memref<2500x128xi32, #tpu.memory_space<hbm>> -> memref<1x128xi32, #tpu.memory_space<hbm>>
        tpu.enqueue_dma source(%dma_start3A_449 : memref<1x128xi32, #tpu.memory_space<hbm>>) target(%dma_start3A_443 : memref<1x128xi32, #tpu.memory_space<vmem>>) target_semaphore(%run_scoped3A_431 : memref<!tpu.dma_semaphore, #tpu.memory_space<semaphore_mem>>)
        %dma_wait3A = arith.constant 78 : i32
        %dma_wait3A_450 = arith.constant 0 : i32
        %dma_wait3A_451 = tpu.memref_slice %arg8[%dma_wait3A, %dma_wait3A_450] : memref<80x128xi32, #tpu.memory_space<vmem>> -> memref<1x128xi32, #tpu.memory_space<vmem>>
        %dma_wait3A_452 = arith.constant 0 : i32
        %dma_wait3A_453 = arith.constant 0 : i32
        %dma_wait3A_454 = tpu.memref_slice %arg3[%run_scoped3A_427, %dma_wait3A_452, %dma_wait3A_453] : memref<2x2500x128xi32, #tpu.memory_space<hbm>> -> memref<1x2500x128xi32, #tpu.memory_space<hbm>>
        %dma_wait3A_455 = tpu.memref_squeeze %dma_wait3A_454 : memref<1x2500x128xi32, #tpu.memory_space<hbm>> -> memref<2500x128xi32, #tpu.memory_space<hbm>>
        %dma_wait3A_456 = arith.constant 0 : i32
        %dma_wait3A_457 = tpu.memref_slice %dma_wait3A_455[%add3A_426, %dma_wait3A_456] : memref<2500x128xi32, #tpu.memory_space<hbm>> -> memref<1x128xi32, #tpu.memory_space<hbm>>
        %dma_wait3A_458 = arith.constant 78 : i32
        %dma_wait3A_459 = arith.constant 0 : i32
        %dma_wait3A_460 = tpu.memref_slice %arg8[%dma_wait3A_458, %dma_wait3A_459] : memref<80x128xi32, #tpu.memory_space<vmem>> -> memref<1x128xi32, #tpu.memory_space<vmem>>
        %dma_wait3A_461 = arith.constant 0 : i32
        %dma_wait3A_462 = arith.constant 0 : i32
        %dma_wait3A_463 = tpu.memref_slice %arg3[%run_scoped3A_427, %dma_wait3A_461, %dma_wait3A_462] : memref<2x2500x128xi32, #tpu.memory_space<hbm>> -> memref<1x2500x128xi32, #tpu.memory_space<hbm>>
        %dma_wait3A_464 = tpu.memref_squeeze %dma_wait3A_463 : memref<1x2500x128xi32, #tpu.memory_space<hbm>> -> memref<2500x128xi32, #tpu.memory_space<hbm>>
        %dma_wait3A_465 = arith.constant 0 : i32
        %dma_wait3A_466 = tpu.memref_slice %dma_wait3A_464[%add3A_426, %dma_wait3A_465] : memref<2500x128xi32, #tpu.memory_space<hbm>> -> memref<1x128xi32, #tpu.memory_space<hbm>>
        tpu.wait_dma2 semaphore(%run_scoped3A_431 : memref<!tpu.dma_semaphore, #tpu.memory_space<semaphore_mem>>) src(%dma_wait3A_466 : memref<1x128xi32, #tpu.memory_space<hbm>>) dst(%dma_wait3A_460 : memref<1x128xi32, #tpu.memory_space<vmem>>)
        tpu.yield
      }) : () -> ()
      %add3A_428 = arith.constant 78 : i32
      %add3A_429 = arith.addi %add3A_4, %add3A_428 : i32
      %run_scoped3A_430 = arith.constant 1 : i32
      "tpu.region"() ({
        %run_scoped3A_431 = tpu.sem_alloc : memref<!tpu.dma_semaphore, #tpu.memory_space<semaphore_mem>>
        %dma_start3A_432 = arith.constant 78 : i32
        %dma_start3A_433 = arith.constant 0 : i32
        %dma_start3A_434 = tpu.memref_slice %arg9[%dma_start3A_432, %dma_start3A_433] : memref<80x128xi32, #tpu.memory_space<vmem>> -> memref<1x128xi32, #tpu.memory_space<vmem>>
        %dma_start3A_435 = arith.constant 0 : i32
        %dma_start3A_436 = arith.constant 0 : i32
        %dma_start3A_437 = tpu.memref_slice %arg3[%run_scoped3A_430, %dma_start3A_435, %dma_start3A_436] : memref<2x2500x128xi32, #tpu.memory_space<hbm>> -> memref<1x2500x128xi32, #tpu.memory_space<hbm>>
        %dma_start3A_438 = tpu.memref_squeeze %dma_start3A_437 : memref<1x2500x128xi32, #tpu.memory_space<hbm>> -> memref<2500x128xi32, #tpu.memory_space<hbm>>
        %dma_start3A_439 = arith.constant 0 : i32
        %dma_start3A_440 = tpu.memref_slice %dma_start3A_438[%add3A_429, %dma_start3A_439] : memref<2500x128xi32, #tpu.memory_space<hbm>> -> memref<1x128xi32, #tpu.memory_space<hbm>>
        %dma_start3A_441 = arith.constant 78 : i32
        %dma_start3A_442 = arith.constant 0 : i32
        %dma_start3A_443 = tpu.memref_slice %arg9[%dma_start3A_441, %dma_start3A_442] : memref<80x128xi32, #tpu.memory_space<vmem>> -> memref<1x128xi32, #tpu.memory_space<vmem>>
        %dma_start3A_444 = arith.constant 0 : i32
        %dma_start3A_445 = arith.constant 0 : i32
        %dma_start3A_446 = tpu.memref_slice %arg3[%run_scoped3A_430, %dma_start3A_444, %dma_start3A_445] : memref<2x2500x128xi32, #tpu.memory_space<hbm>> -> memref<1x2500x128xi32, #tpu.memory_space<hbm>>
        %dma_start3A_447 = tpu.memref_squeeze %dma_start3A_446 : memref<1x2500x128xi32, #tpu.memory_space<hbm>> -> memref<2500x128xi32, #tpu.memory_space<hbm>>
        %dma_start3A_448 = arith.constant 0 : i32
        %dma_start3A_449 = tpu.memref_slice %dma_start3A_447[%add3A_429, %dma_start3A_448] : memref<2500x128xi32, #tpu.memory_space<hbm>> -> memref<1x128xi32, #tpu.memory_space<hbm>>
        tpu.enqueue_dma source(%dma_start3A_449 : memref<1x128xi32, #tpu.memory_space<hbm>>) target(%dma_start3A_443 : memref<1x128xi32, #tpu.memory_space<vmem>>) target_semaphore(%run_scoped3A_431 : memref<!tpu.dma_semaphore, #tpu.memory_space<semaphore_mem>>)
        %dma_wait3A = arith.constant 78 : i32
        %dma_wait3A_450 = arith.constant 0 : i32
        %dma_wait3A_451 = tpu.memref_slice %arg9[%dma_wait3A, %dma_wait3A_450] : memref<80x128xi32, #tpu.memory_space<vmem>> -> memref<1x128xi32, #tpu.memory_space<vmem>>
        %dma_wait3A_452 = arith.constant 0 : i32
        %dma_wait3A_453 = arith.constant 0 : i32
        %dma_wait3A_454 = tpu.memref_slice %arg3[%run_scoped3A_430, %dma_wait3A_452, %dma_wait3A_453] : memref<2x2500x128xi32, #tpu.memory_space<hbm>> -> memref<1x2500x128xi32, #tpu.memory_space<hbm>>
        %dma_wait3A_455 = tpu.memref_squeeze %dma_wait3A_454 : memref<1x2500x128xi32, #tpu.memory_space<hbm>> -> memref<2500x128xi32, #tpu.memory_space<hbm>>
        %dma_wait3A_456 = arith.constant 0 : i32
        %dma_wait3A_457 = tpu.memref_slice %dma_wait3A_455[%add3A_429, %dma_wait3A_456] : memref<2500x128xi32, #tpu.memory_space<hbm>> -> memref<1x128xi32, #tpu.memory_space<hbm>>
        %dma_wait3A_458 = arith.constant 78 : i32
        %dma_wait3A_459 = arith.constant 0 : i32
        %dma_wait3A_460 = tpu.memref_slice %arg9[%dma_wait3A_458, %dma_wait3A_459] : memref<80x128xi32, #tpu.memory_space<vmem>> -> memref<1x128xi32, #tpu.memory_space<vmem>>
        %dma_wait3A_461 = arith.constant 0 : i32
        %dma_wait3A_462 = arith.constant 0 : i32
        %dma_wait3A_463 = tpu.memref_slice %arg3[%run_scoped3A_430, %dma_wait3A_461, %dma_wait3A_462] : memref<2x2500x128xi32, #tpu.memory_space<hbm>> -> memref<1x2500x128xi32, #tpu.memory_space<hbm>>
        %dma_wait3A_464 = tpu.memref_squeeze %dma_wait3A_463 : memref<1x2500x128xi32, #tpu.memory_space<hbm>> -> memref<2500x128xi32, #tpu.memory_space<hbm>>
        %dma_wait3A_465 = arith.constant 0 : i32
        %dma_wait3A_466 = tpu.memref_slice %dma_wait3A_464[%add3A_429, %dma_wait3A_465] : memref<2500x128xi32, #tpu.memory_space<hbm>> -> memref<1x128xi32, #tpu.memory_space<hbm>>
        tpu.wait_dma2 semaphore(%run_scoped3A_431 : memref<!tpu.dma_semaphore, #tpu.memory_space<semaphore_mem>>) src(%dma_wait3A_466 : memref<1x128xi32, #tpu.memory_space<hbm>>) dst(%dma_wait3A_460 : memref<1x128xi32, #tpu.memory_space<vmem>>)
        tpu.yield
      }) : () -> ()
    } else {
    }
    %broadcast_in_dim3A_262 = arith.constant 1.000000e+00 : f32
    %broadcast_in_dim3A_263 = vector.broadcast %broadcast_in_dim3A_262 : f32 to vector<16xf32>
    %swap3A_264 = arith.constant 0 : index
    %swap3A_265 = tpu.vector_load %arg11[%swap3A_264] {strides = array<i32>} : memref<128xf32, #tpu.memory_space<vmem>>, vector<16xf32>,
    %swap3A_266 = vector.shape_cast %swap3A_265 : vector<16xf32> to vector<16xf32>
    %swap3A_267 = vector.shape_cast %broadcast_in_dim3A_263 : vector<16xf32> to vector<16xf32>
    tpu.vector_store %arg11[%swap3A_264], %swap3A_267 {strides = array<i32>} : memref<128xf32, #tpu.memory_space<vmem>>, vector<16xf32>,
    %broadcast_in_dim3A_268 = arith.constant 1.000000e+00 : f32
    %broadcast_in_dim3A_269 = vector.broadcast %broadcast_in_dim3A_268 : f32 to vector<16xf32>
    %swap3A_270 = arith.constant 16 : index
    %swap3A_271 = tpu.vector_load %arg11[%swap3A_270] {strides = array<i32>} : memref<128xf32, #tpu.memory_space<vmem>>, vector<16xf32>,
    %swap3A_272 = vector.shape_cast %swap3A_271 : vector<16xf32> to vector<16xf32>
    %swap3A_273 = vector.shape_cast %broadcast_in_dim3A_269 : vector<16xf32> to vector<16xf32>
    tpu.vector_store %arg11[%swap3A_270], %swap3A_273 {strides = array<i32>} : memref<128xf32, #tpu.memory_space<vmem>>, vector<16xf32>,
    %broadcast_in_dim3A_274 = arith.constant 1.000000e+00 : f32
    %broadcast_in_dim3A_275 = vector.broadcast %broadcast_in_dim3A_274 : f32 to vector<16xf32>
    %swap3A_276 = arith.constant 32 : index
    %swap3A_277 = tpu.vector_load %arg11[%swap3A_276] {strides = array<i32>} : memref<128xf32, #tpu.memory_space<vmem>>, vector<16xf32>,
    %swap3A_278 = vector.shape_cast %swap3A_277 : vector<16xf32> to vector<16xf32>
    %swap3A_279 = vector.shape_cast %broadcast_in_dim3A_275 : vector<16xf32> to vector<16xf32>
    tpu.vector_store %arg11[%swap3A_276], %swap3A_279 {strides = array<i32>} : memref<128xf32, #tpu.memory_space<vmem>>, vector<16xf32>,
    %broadcast_in_dim3A_280 = arith.constant 1.000000e+00 : f32
    %broadcast_in_dim3A_281 = vector.broadcast %broadcast_in_dim3A_280 : f32 to vector<16xf32>
    %swap3A_282 = arith.constant 48 : index
    %swap3A_283 = tpu.vector_load %arg11[%swap3A_282] {strides = array<i32>} : memref<128xf32, #tpu.memory_space<vmem>>, vector<16xf32>,
    %swap3A_284 = vector.shape_cast %swap3A_283 : vector<16xf32> to vector<16xf32>
    %swap3A_285 = vector.shape_cast %broadcast_in_dim3A_281 : vector<16xf32> to vector<16xf32>
    tpu.vector_store %arg11[%swap3A_282], %swap3A_285 {strides = array<i32>} : memref<128xf32, #tpu.memory_space<vmem>>, vector<16xf32>,
    %broadcast_in_dim3A_286 = arith.constant 1.000000e+00 : f32
    %broadcast_in_dim3A_287 = vector.broadcast %broadcast_in_dim3A_286 : f32 to vector<16xf32>
    %swap3A_288 = arith.constant 64 : index
    %swap3A_289 = tpu.vector_load %arg11[%swap3A_288] {strides = array<i32>} : memref<128xf32, #tpu.memory_space<vmem>>, vector<16xf32>,
    %swap3A_290 = vector.shape_cast %swap3A_289 : vector<16xf32> to vector<16xf32>
    %swap3A_291 = vector.shape_cast %broadcast_in_dim3A_287 : vector<16xf32> to vector<16xf32>
    tpu.vector_store %arg11[%swap3A_288], %swap3A_291 {strides = array<i32>} : memref<128xf32, #tpu.memory_space<vmem>>, vector<16xf32>,
    %broadcast_in_dim3A_292 = arith.constant 1.000000e+00 : f32
    %broadcast_in_dim3A_293 = vector.broadcast %broadcast_in_dim3A_292 : f32 to vector<16xf32>
    %swap3A_294 = arith.constant 80 : index
    %swap3A_295 = tpu.vector_load %arg11[%swap3A_294] {strides = array<i32>} : memref<128xf32, #tpu.memory_space<vmem>>, vector<16xf32>,
    %swap3A_296 = vector.shape_cast %swap3A_295 : vector<16xf32> to vector<16xf32>
    %swap3A_297 = vector.shape_cast %broadcast_in_dim3A_293 : vector<16xf32> to vector<16xf32>
    tpu.vector_store %arg11[%swap3A_294], %swap3A_297 {strides = array<i32>} : memref<128xf32, #tpu.memory_space<vmem>>, vector<16xf32>,
    %broadcast_in_dim3A_298 = arith.constant 1.000000e+00 : f32
    %broadcast_in_dim3A_299 = vector.broadcast %broadcast_in_dim3A_298 : f32 to vector<16xf32>
    %swap3A_300 = arith.constant 96 : index
    %swap3A_301 = tpu.vector_load %arg11[%swap3A_300] {strides = array<i32>} : memref<128xf32, #tpu.memory_space<vmem>>, vector<16xf32>,
    %swap3A_302 = vector.shape_cast %swap3A_301 : vector<16xf32> to vector<16xf32>
    %swap3A_303 = vector.shape_cast %broadcast_in_dim3A_299 : vector<16xf32> to vector<16xf32>
    tpu.vector_store %arg11[%swap3A_300], %swap3A_303 {strides = array<i32>} : memref<128xf32, #tpu.memory_space<vmem>>, vector<16xf32>,
    %broadcast_in_dim3A_304 = arith.constant 1.000000e+00 : f32
    %broadcast_in_dim3A_305 = vector.broadcast %broadcast_in_dim3A_304 : f32 to vector<16xf32>
    %swap3A_306 = arith.constant 112 : index
    %swap3A_307 = tpu.vector_load %arg11[%swap3A_306] {strides = array<i32>} : memref<128xf32, #tpu.memory_space<vmem>>, vector<16xf32>,
    %swap3A_308 = vector.shape_cast %swap3A_307 : vector<16xf32> to vector<16xf32>
    %swap3A_309 = vector.shape_cast %broadcast_in_dim3A_305 : vector<16xf32> to vector<16xf32>
    tpu.vector_store %arg11[%swap3A_306], %swap3A_309 {strides = array<i32>} : memref<128xf32, #tpu.memory_space<vmem>>, vector<16xf32>,
    %mul3A_310 = arith.constant 626 : i32
    %mul3A_311 = arith.muli %arg1, %mul3A_310 : i32
    %multiple_of3A = tpu.assume_multiple %mul3A_311, 626 : i32
    "tpu.region"() ({
      %run_scoped3A_425 = tpu.sem_alloc : memref<!tpu.dma_semaphore, #tpu.memory_space<semaphore_mem>>
      %dma_start3A_426 = arith.constant 0 : i32
      %dma_start3A_427 = tpu.memref_slice %arg12[%multiple_of3A, %dma_start3A_426] : memref<10016x32xf32, #tpu.memory_space<vmem_shared>> -> memref<626x32xf32, #tpu.memory_space<vmem_shared>>
      %dma_start3A_428 = arith.constant 0 : i32
      %dma_start3A_429 = tpu.memref_slice %arg4[%multiple_of3A, %dma_start3A_428] : memref<10016x32xf32, #tpu.memory_space<hbm>> -> memref<626x32xf32, #tpu.memory_space<hbm>>
      tpu.enqueue_dma source(%dma_start3A_429 : memref<626x32xf32, #tpu.memory_space<hbm>>) target(%dma_start3A_427 : memref<626x32xf32, #tpu.memory_space<vmem_shared>>) target_semaphore(%run_scoped3A_425 : memref<!tpu.dma_semaphore, #tpu.memory_space<semaphore_mem>>)
      %dma_wait3A = arith.constant 0 : i32
      %dma_wait3A_430 = tpu.memref_slice %arg12[%multiple_of3A, %dma_wait3A] : memref<10016x32xf32, #tpu.memory_space<vmem_shared>> -> memref<626x32xf32, #tpu.memory_space<vmem_shared>>
      %dma_wait3A_431 = arith.constant 0 : i32
      %dma_wait3A_432 = tpu.memref_slice %arg4[%multiple_of3A, %dma_wait3A_431] : memref<10016x32xf32, #tpu.memory_space<hbm>> -> memref<626x32xf32, #tpu.memory_space<hbm>>
      tpu.wait_dma2 semaphore(%run_scoped3A_425 : memref<!tpu.dma_semaphore, #tpu.memory_space<semaphore_mem>>) src(%dma_wait3A_432 : memref<626x32xf32, #tpu.memory_space<hbm>>) dst(%dma_wait3A_430 : memref<626x32xf32, #tpu.memory_space<vmem_shared>>)
      tpu.yield
    }) : () -> ()
    %mul3A_312 = arith.constant 625 : i32
    %mul3A_313 = arith.muli %arg1, %mul3A_312 : i32
    %multiple_of3A_314 = tpu.assume_multiple %mul3A_313, 625 : i32
    "tpu.region"() ({
      %run_scoped3A_425 = tpu.sem_alloc : memref<!tpu.dma_semaphore, #tpu.memory_space<semaphore_mem>>
      %dma_start3A_426 = arith.constant 0 : i32
      %dma_start3A_427 = tpu.memref_slice %arg14[%multiple_of3A_314, %dma_start3A_426] : memref<10000x32xf32, #tpu.memory_space<vmem_shared>> -> memref<625x32xf32, #tpu.memory_space<vmem_shared>>
      %dma_start3A_428 = arith.constant 0 : i32
      %dma_start3A_429 = tpu.memref_slice %arg2[%multiple_of3A_314, %dma_start3A_428] : memref<10000x32xf32, #tpu.memory_space<hbm>> -> memref<625x32xf32, #tpu.memory_space<hbm>>
      tpu.enqueue_dma source(%dma_start3A_429 : memref<625x32xf32, #tpu.memory_space<hbm>>) target(%dma_start3A_427 : memref<625x32xf32, #tpu.memory_space<vmem_shared>>) target_semaphore(%run_scoped3A_425 : memref<!tpu.dma_semaphore, #tpu.memory_space<semaphore_mem>>)
      %dma_wait3A = arith.constant 0 : i32
      %dma_wait3A_430 = tpu.memref_slice %arg14[%multiple_of3A_314, %dma_wait3A] : memref<10000x32xf32, #tpu.memory_space<vmem_shared>> -> memref<625x32xf32, #tpu.memory_space<vmem_shared>>
      %dma_wait3A_431 = arith.constant 0 : i32
      %dma_wait3A_432 = tpu.memref_slice %arg2[%multiple_of3A_314, %dma_wait3A_431] : memref<10000x32xf32, #tpu.memory_space<hbm>> -> memref<625x32xf32, #tpu.memory_space<hbm>>
      tpu.wait_dma2 semaphore(%run_scoped3A_425 : memref<!tpu.dma_semaphore, #tpu.memory_space<semaphore_mem>>) src(%dma_wait3A_432 : memref<625x32xf32, #tpu.memory_space<hbm>>) dst(%dma_wait3A_430 : memref<625x32xf32, #tpu.memory_space<vmem_shared>>)
      tpu.yield
    }) : () -> ()
    %mul3A_315 = arith.constant 640 : i32
    %mul3A_316 = arith.muli %arg1, %mul3A_315 : i32
    %multiple_of3A_317 = tpu.assume_multiple %mul3A_316, 640 : i32
    "tpu.region"() ({
      %run_scoped3A_425 = tpu.sem_alloc : memref<!tpu.dma_semaphore, #tpu.memory_space<semaphore_mem>>
      %dma_start3A_426 = tpu.memref_slice %arg13[%multiple_of3A_317] : memref<10240xf32, #tpu.memory_space<vmem_shared>> -> memref<640xf32, #tpu.memory_space<vmem_shared>>
      %dma_start3A_427 = tpu.memref_slice %arg5[%multiple_of3A_317] : memref<10240xf32, #tpu.memory_space<hbm>> -> memref<640xf32, #tpu.memory_space<hbm>>
      tpu.enqueue_dma source(%dma_start3A_427 : memref<640xf32, #tpu.memory_space<hbm>>) target(%dma_start3A_426 : memref<640xf32, #tpu.memory_space<vmem_shared>>) target_semaphore(%run_scoped3A_425 : memref<!tpu.dma_semaphore, #tpu.memory_space<semaphore_mem>>)
      %dma_wait3A = tpu.memref_slice %arg13[%multiple_of3A_317] : memref<10240xf32, #tpu.memory_space<vmem_shared>> -> memref<640xf32, #tpu.memory_space<vmem_shared>>
      %dma_wait3A_428 = tpu.memref_slice %arg5[%multiple_of3A_317] : memref<10240xf32, #tpu.memory_space<hbm>> -> memref<640xf32, #tpu.memory_space<hbm>>
      tpu.wait_dma2 semaphore(%run_scoped3A_425 : memref<!tpu.dma_semaphore, #tpu.memory_space<semaphore_mem>>) src(%dma_wait3A_428 : memref<640xf32, #tpu.memory_space<hbm>>) dst(%dma_wait3A : memref<640xf32, #tpu.memory_space<vmem_shared>>)
      tpu.yield
    }) : () -> ()
    %barrier3A = arith.constant 0 : index
    tpu.barrier barrier_id(%barrier3A)
    %dma_start3A = arith.constant 0 : i32
    %dma_start3A_318 = arith.constant 0 : i32
    %dma_start3A_319 = arith.constant 0 : i32
    %dma_start3A_320 = arith.constant 0 : i32
    %dma_start3A_321 = tpu.memref_slice %arg10[%dma_start3A_318, %dma_start3A_319, %dma_start3A_320] : memref<8x128x32xf32, #tpu.memory_space<vmem>> -> memref<1x128x32xf32, #tpu.memory_space<vmem>>
    %dma_start3A_322 = tpu.memref_squeeze %dma_start3A_321 : memref<1x128x32xf32, #tpu.memory_space<vmem>> -> memref<128x32xf32, #tpu.memory_space<vmem>>
    %dma_start3A_323 = arith.constant 0 : i32
    %dma_start3A_324 = tpu.memref_slice %arg8[%dma_start3A, %dma_start3A_323] : memref<80x128xi32, #tpu.memory_space<vmem>> -> memref<1x128xi32, #tpu.memory_space<vmem>>
    %dma_start3A_325 = tpu.memref_squeeze %dma_start3A_324 : memref<1x128xi32, #tpu.memory_space<vmem>> -> memref<128xi32, #tpu.memory_space<vmem>>
    %dma_start3A_326 = arith.constant 0 : i32
    %dma_start3A_327 = arith.constant 0 : i32
    %dma_start3A_328 = tpu.memref_slice %arg14[%dma_start3A_326, %dma_start3A_327] : memref<10000x32xf32, #tpu.memory_space<vmem_shared>> -> memref<10000x32xf32, #tpu.memory_space<vmem_shared>>
    tpu.enqueue_indirect_dma source(%dma_start3A_328 : memref<10000x32xf32, #tpu.memory_space<vmem_shared>>) target(%dma_start3A_322 : memref<128x32xf32, #tpu.memory_space<vmem>>) offsets(%dma_start3A_325 : memref<128xi32, #tpu.memory_space<vmem>>) semaphore(%arg15 : memref<!tpu.dma_semaphore, #tpu.memory_space<semaphore_mem>>)
    %dma_start3A_329 = arith.constant 1 : i32
    %dma_start3A_330 = arith.constant 1 : i32
    %dma_start3A_331 = arith.constant 0 : i32
    %dma_start3A_332 = arith.constant 0 : i32
    %dma_start3A_333 = tpu.memref_slice %arg10[%dma_start3A_330, %dma_start3A_331, %dma_start3A_332] : memref<8x128x32xf32, #tpu.memory_space<vmem>> -> memref<1x128x32xf32, #tpu.memory_space<vmem>>
    %dma_start3A_334 = tpu.memref_squeeze %dma_start3A_333 : memref<1x128x32xf32, #tpu.memory_space<vmem>> -> memref<128x32xf32, #tpu.memory_space<vmem>>
    %dma_start3A_335 = arith.constant 0 : i32
    %dma_start3A_336 = tpu.memref_slice %arg8[%dma_start3A_329, %dma_start3A_335] : memref<80x128xi32, #tpu.memory_space<vmem>> -> memref<1x128xi32, #tpu.memory_space<vmem>>
    %dma_start3A_337 = tpu.memref_squeeze %dma_start3A_336 : memref<1x128xi32, #tpu.memory_space<vmem>> -> memref<128xi32, #tpu.memory_space<vmem>>
    %dma_start3A_338 = arith.constant 0 : i32
    %dma_start3A_339 = arith.constant 0 : i32
    %dma_start3A_340 = tpu.memref_slice %arg14[%dma_start3A_338, %dma_start3A_339] : memref<10000x32xf32, #tpu.memory_space<vmem_shared>> -> memref<10000x32xf32, #tpu.memory_space<vmem_shared>>
    tpu.enqueue_indirect_dma source(%dma_start3A_340 : memref<10000x32xf32, #tpu.memory_space<vmem_shared>>) target(%dma_start3A_334 : memref<128x32xf32, #tpu.memory_space<vmem>>) offsets(%dma_start3A_337 : memref<128xi32, #tpu.memory_space<vmem>>) semaphore(%arg16 : memref<!tpu.dma_semaphore, #tpu.memory_space<semaphore_mem>>)
    %dma_start3A_341 = arith.constant 2 : i32
    %dma_start3A_342 = arith.constant 2 : i32
    %dma_start3A_343 = arith.constant 0 : i32
    %dma_start3A_344 = arith.constant 0 : i32
    %dma_start3A_345 = tpu.memref_slice %arg10[%dma_start3A_342, %dma_start3A_343, %dma_start3A_344] : memref<8x128x32xf32, #tpu.memory_space<vmem>> -> memref<1x128x32xf32, #tpu.memory_space<vmem>>
    %dma_start3A_346 = tpu.memref_squeeze %dma_start3A_345 : memref<1x128x32xf32, #tpu.memory_space<vmem>> -> memref<128x32xf32, #tpu.memory_space<vmem>>
    %dma_start3A_347 = arith.constant 0 : i32
    %dma_start3A_348 = tpu.memref_slice %arg8[%dma_start3A_341, %dma_start3A_347] : memref<80x128xi32, #tpu.memory_space<vmem>> -> memref<1x128xi32, #tpu.memory_space<vmem>>
    %dma_start3A_349 = tpu.memref_squeeze %dma_start3A_348 : memref<1x128xi32, #tpu.memory_space<vmem>> -> memref<128xi32, #tpu.memory_space<vmem>>
    %dma_start3A_350 = arith.constant 0 : i32
    %dma_start3A_351 = arith.constant 0 : i32
    %dma_start3A_352 = tpu.memref_slice %arg14[%dma_start3A_350, %dma_start3A_351] : memref<10000x32xf32, #tpu.memory_space<vmem_shared>> -> memref<10000x32xf32, #tpu.memory_space<vmem_shared>>
    tpu.enqueue_indirect_dma source(%dma_start3A_352 : memref<10000x32xf32, #tpu.memory_space<vmem_shared>>) target(%dma_start3A_346 : memref<128x32xf32, #tpu.memory_space<vmem>>) offsets(%dma_start3A_349 : memref<128xi32, #tpu.memory_space<vmem>>) semaphore(%arg17 : memref<!tpu.dma_semaphore, #tpu.memory_space<semaphore_mem>>)
    %dma_start3A_353 = arith.constant 3 : i32
    %dma_start3A_354 = arith.constant 3 : i32
    %dma_start3A_355 = arith.constant 0 : i32
    %dma_start3A_356 = arith.constant 0 : i32
    %dma_start3A_357 = tpu.memref_slice %arg10[%dma_start3A_354, %dma_start3A_355, %dma_start3A_356] : memref<8x128x32xf32, #tpu.memory_space<vmem>> -> memref<1x128x32xf32, #tpu.memory_space<vmem>>
    %dma_start3A_358 = tpu.memref_squeeze %dma_start3A_357 : memref<1x128x32xf32, #tpu.memory_space<vmem>> -> memref<128x32xf32, #tpu.memory_space<vmem>>
    %dma_start3A_359 = arith.constant 0 : i32
    %dma_start3A_360 = tpu.memref_slice %arg8[%dma_start3A_353, %dma_start3A_359] : memref<80x128xi32, #tpu.memory_space<vmem>> -> memref<1x128xi32, #tpu.memory_space<vmem>>
    %dma_start3A_361 = tpu.memref_squeeze %dma_start3A_360 : memref<1x128xi32, #tpu.memory_space<vmem>> -> memref<128xi32, #tpu.memory_space<vmem>>
    %dma_start3A_362 = arith.constant 0 : i32
    %dma_start3A_363 = arith.constant 0 : i32
    %dma_start3A_364 = tpu.memref_slice %arg14[%dma_start3A_362, %dma_start3A_363] : memref<10000x32xf32, #tpu.memory_space<vmem_shared>> -> memref<10000x32xf32, #tpu.memory_space<vmem_shared>>
    tpu.enqueue_indirect_dma source(%dma_start3A_364 : memref<10000x32xf32, #tpu.memory_space<vmem_shared>>) target(%dma_start3A_358 : memref<128x32xf32, #tpu.memory_space<vmem>>) offsets(%dma_start3A_361 : memref<128xi32, #tpu.memory_space<vmem>>) semaphore(%arg18 : memref<!tpu.dma_semaphore, #tpu.memory_space<semaphore_mem>>)
    %dma_start3A_365 = arith.constant 4 : i32
    %dma_start3A_366 = arith.constant 4 : i32
    %dma_start3A_367 = arith.constant 0 : i32
    %dma_start3A_368 = arith.constant 0 : i32
    %dma_start3A_369 = tpu.memref_slice %arg10[%dma_start3A_366, %dma_start3A_367, %dma_start3A_368] : memref<8x128x32xf32, #tpu.memory_space<vmem>> -> memref<1x128x32xf32, #tpu.memory_space<vmem>>
    %dma_start3A_370 = tpu.memref_squeeze %dma_start3A_369 : memref<1x128x32xf32, #tpu.memory_space<vmem>> -> memref<128x32xf32, #tpu.memory_space<vmem>>
    %dma_start3A_371 = arith.constant 0 : i32
    %dma_start3A_372 = tpu.memref_slice %arg8[%dma_start3A_365, %dma_start3A_371] : memref<80x128xi32, #tpu.memory_space<vmem>> -> memref<1x128xi32, #tpu.memory_space<vmem>>
    %dma_start3A_373 = tpu.memref_squeeze %dma_start3A_372 : memref<1x128xi32, #tpu.memory_space<vmem>> -> memref<128xi32, #tpu.memory_space<vmem>>
    %dma_start3A_374 = arith.constant 0 : i32
    %dma_start3A_375 = arith.constant 0 : i32
    %dma_start3A_376 = tpu.memref_slice %arg14[%dma_start3A_374, %dma_start3A_375] : memref<10000x32xf32, #tpu.memory_space<vmem_shared>> -> memref<10000x32xf32, #tpu.memory_space<vmem_shared>>
    tpu.enqueue_indirect_dma source(%dma_start3A_376 : memref<10000x32xf32, #tpu.memory_space<vmem_shared>>) target(%dma_start3A_370 : memref<128x32xf32, #tpu.memory_space<vmem>>) offsets(%dma_start3A_373 : memref<128xi32, #tpu.memory_space<vmem>>) semaphore(%arg19 : memref<!tpu.dma_semaphore, #tpu.memory_space<semaphore_mem>>)
    %dma_start3A_377 = arith.constant 5 : i32
    %dma_start3A_378 = arith.constant 5 : i32
    %dma_start3A_379 = arith.constant 0 : i32
    %dma_start3A_380 = arith.constant 0 : i32
    %dma_start3A_381 = tpu.memref_slice %arg10[%dma_start3A_378, %dma_start3A_379, %dma_start3A_380] : memref<8x128x32xf32, #tpu.memory_space<vmem>> -> memref<1x128x32xf32, #tpu.memory_space<vmem>>
    %dma_start3A_382 = tpu.memref_squeeze %dma_start3A_381 : memref<1x128x32xf32, #tpu.memory_space<vmem>> -> memref<128x32xf32, #tpu.memory_space<vmem>>
    %dma_start3A_383 = arith.constant 0 : i32
    %dma_start3A_384 = tpu.memref_slice %arg8[%dma_start3A_377, %dma_start3A_383] : memref<80x128xi32, #tpu.memory_space<vmem>> -> memref<1x128xi32, #tpu.memory_space<vmem>>
    %dma_start3A_385 = tpu.memref_squeeze %dma_start3A_384 : memref<1x128xi32, #tpu.memory_space<vmem>> -> memref<128xi32, #tpu.memory_space<vmem>>
    %dma_start3A_386 = arith.constant 0 : i32
    %dma_start3A_387 = arith.constant 0 : i32
    %dma_start3A_388 = tpu.memref_slice %arg14[%dma_start3A_386, %dma_start3A_387] : memref<10000x32xf32, #tpu.memory_space<vmem_shared>> -> memref<10000x32xf32, #tpu.memory_space<vmem_shared>>
    tpu.enqueue_indirect_dma source(%dma_start3A_388 : memref<10000x32xf32, #tpu.memory_space<vmem_shared>>) target(%dma_start3A_382 : memref<128x32xf32, #tpu.memory_space<vmem>>) offsets(%dma_start3A_385 : memref<128xi32, #tpu.memory_space<vmem>>) semaphore(%arg20 : memref<!tpu.dma_semaphore, #tpu.memory_space<semaphore_mem>>)
    %dma_start3A_389 = arith.constant 6 : i32
    %dma_start3A_390 = arith.constant 6 : i32
    %dma_start3A_391 = arith.constant 0 : i32
    %dma_start3A_392 = arith.constant 0 : i32
    %dma_start3A_393 = tpu.memref_slice %arg10[%dma_start3A_390, %dma_start3A_391, %dma_start3A_392] : memref<8x128x32xf32, #tpu.memory_space<vmem>> -> memref<1x128x32xf32, #tpu.memory_space<vmem>>
    %dma_start3A_394 = tpu.memref_squeeze %dma_start3A_393 : memref<1x128x32xf32, #tpu.memory_space<vmem>> -> memref<128x32xf32, #tpu.memory_space<vmem>>
    %dma_start3A_395 = arith.constant 0 : i32
    %dma_start3A_396 = tpu.memref_slice %arg8[%dma_start3A_389, %dma_start3A_395] : memref<80x128xi32, #tpu.memory_space<vmem>> -> memref<1x128xi32, #tpu.memory_space<vmem>>
    %dma_start3A_397 = tpu.memref_squeeze %dma_start3A_396 : memref<1x128xi32, #tpu.memory_space<vmem>> -> memref<128xi32, #tpu.memory_space<vmem>>
    %dma_start3A_398 = arith.constant 0 : i32
    %dma_start3A_399 = arith.constant 0 : i32
    %dma_start3A_400 = tpu.memref_slice %arg14[%dma_start3A_398, %dma_start3A_399] : memref<10000x32xf32, #tpu.memory_space<vmem_shared>> -> memref<10000x32xf32, #tpu.memory_space<vmem_shared>>
    tpu.enqueue_indirect_dma source(%dma_start3A_400 : memref<10000x32xf32, #tpu.memory_space<vmem_shared>>) target(%dma_start3A_394 : memref<128x32xf32, #tpu.memory_space<vmem>>) offsets(%dma_start3A_397 : memref<128xi32, #tpu.memory_space<vmem>>) semaphore(%arg21 : memref<!tpu.dma_semaphore, #tpu.memory_space<semaphore_mem>>)
    %dma_start3A_401 = arith.constant 7 : i32
    %dma_start3A_402 = arith.constant 7 : i32
    %dma_start3A_403 = arith.constant 0 : i32
    %dma_start3A_404 = arith.constant 0 : i32
    %dma_start3A_405 = tpu.memref_slice %arg10[%dma_start3A_402, %dma_start3A_403, %dma_start3A_404] : memref<8x128x32xf32, #tpu.memory_space<vmem>> -> memref<1x128x32xf32, #tpu.memory_space<vmem>>
    %dma_start3A_406 = tpu.memref_squeeze %dma_start3A_405 : memref<1x128x32xf32, #tpu.memory_space<vmem>> -> memref<128x32xf32, #tpu.memory_space<vmem>>
    %dma_start3A_407 = arith.constant 0 : i32
    %dma_start3A_408 = tpu.memref_slice %arg8[%dma_start3A_401, %dma_start3A_407] : memref<80x128xi32, #tpu.memory_space<vmem>> -> memref<1x128xi32, #tpu.memory_space<vmem>>
    %dma_start3A_409 = tpu.memref_squeeze %dma_start3A_408 : memref<1x128xi32, #tpu.memory_space<vmem>> -> memref<128xi32, #tpu.memory_space<vmem>>
    %dma_start3A_410 = arith.constant 0 : i32
    %dma_start3A_411 = arith.constant 0 : i32
    %dma_start3A_412 = tpu.memref_slice %arg14[%dma_start3A_410, %dma_start3A_411] : memref<10000x32xf32, #tpu.memory_space<vmem_shared>> -> memref<10000x32xf32, #tpu.memory_space<vmem_shared>>
    tpu.enqueue_indirect_dma source(%dma_start3A_412 : memref<10000x32xf32, #tpu.memory_space<vmem_shared>>) target(%dma_start3A_406 : memref<128x32xf32, #tpu.memory_space<vmem>>) offsets(%dma_start3A_409 : memref<128xi32, #tpu.memory_space<vmem>>) semaphore(%arg22 : memref<!tpu.dma_semaphore, #tpu.memory_space<semaphore_mem>>)
    %scan3A = arith.constant 0 : i32
    %scan3A_413 = arith.constant 0 : i32
    %scan3A_414 = arith.constant 10 : i32
    %scan3A_415 = arith.addi %scan3A_413, %scan3A_414 : i32
    %scan3A_416 = arith.constant 1 : i32
    scf.for %scan3A_425 = %scan3A_413 to %scan3A_415 step %scan3A_416  : i32 {
      %mul3A_426 = arith.constant 8 : i32
      %mul3A_427 = arith.muli %scan3A_425, %mul3A_426 : i32
      %add3A_428 = arith.constant 0 : i32
      %add3A_429 = arith.addi %mul3A_427, %add3A_428 : i32
      %dma_wait3A = arith.constant 0 : i32
      %dma_wait3A_430 = arith.constant 0 : i32
      %dma_wait3A_431 = arith.constant 0 : i32
      %dma_wait3A_432 = tpu.memref_slice %arg10[%dma_wait3A, %dma_wait3A_430, %dma_wait3A_431] : memref<8x128x32xf32, #tpu.memory_space<vmem>> -> memref<1x128x32xf32, #tpu.memory_space<vmem>>
      %dma_wait3A_433 = tpu.memref_squeeze %dma_wait3A_432 : memref<1x128x32xf32, #tpu.memory_space<vmem>> -> memref<128x32xf32, #tpu.memory_space<vmem>>
      %dma_wait3A_434 = arith.constant 0 : i32
      %dma_wait3A_435 = tpu.memref_slice %arg8[%add3A_429, %dma_wait3A_434] : memref<80x128xi32, #tpu.memory_space<vmem>> -> memref<1x128xi32, #tpu.memory_space<vmem>>
      %dma_wait3A_436 = tpu.memref_squeeze %dma_wait3A_435 : memref<1x128xi32, #tpu.memory_space<vmem>> -> memref<128xi32, #tpu.memory_space<vmem>>
      %dma_wait3A_437 = arith.constant 0 : i32
      %dma_wait3A_438 = arith.constant 0 : i32
      %dma_wait3A_439 = tpu.memref_slice %arg14[%dma_wait3A_437, %dma_wait3A_438] : memref<10000x32xf32, #tpu.memory_space<vmem_shared>> -> memref<10000x32xf32, #tpu.memory_space<vmem_shared>>
      tpu.wait_indirect_dma semaphore(%arg15 : memref<!tpu.dma_semaphore, #tpu.memory_space<semaphore_mem>>) src(%dma_wait3A_439 : memref<10000x32xf32, #tpu.memory_space<vmem_shared>>) dst(%dma_wait3A_433 : memref<128x32xf32, #tpu.memory_space<vmem>>)
      %run_scoped3A_440 = arith.constant 0 : i32
      "tpu.region"() ({
        %run_scoped3A_593 = tpu.sem_alloc : memref<!tpu.dma_semaphore, #tpu.memory_space<semaphore_mem>>
        %dma_start3A_594 = arith.constant 0 : i32
        %dma_start3A_595 = arith.constant 0 : i32
        %dma_start3A_596 = tpu.memref_slice %arg10[%run_scoped3A_440, %dma_start3A_594, %dma_start3A_595] : memref<8x128x32xf32, #tpu.memory_space<vmem>> -> memref<1x128x32xf32, #tpu.memory_space<vmem>>
        %dma_start3A_597 = tpu.memref_squeeze %dma_start3A_596 : memref<1x128x32xf32, #tpu.memory_space<vmem>> -> memref<128x32xf32, #tpu.memory_space<vmem>>
        %dma_start3A_598 = arith.constant 0 : i32
        %dma_start3A_599 = tpu.memref_slice %arg9[%add3A_429, %dma_start3A_598] : memref<80x128xi32, #tpu.memory_space<vmem>> -> memref<1x128xi32, #tpu.memory_space<vmem>>
        %dma_start3A_600 = tpu.memref_squeeze %dma_start3A_599 : memref<1x128xi32, #tpu.memory_space<vmem>> -> memref<128xi32, #tpu.memory_space<vmem>>
        %dma_start3A_601 = arith.constant 0 : i32
        %dma_start3A_602 = arith.constant 0 : i32
        %dma_start3A_603 = tpu.memref_slice %arg12[%dma_start3A_601, %dma_start3A_602] : memref<10016x32xf32, #tpu.memory_space<vmem_shared>> -> memref<10016x32xf32, #tpu.memory_space<vmem_shared>>
        tpu.enqueue_indirect_dma source(%dma_start3A_597 : memref<128x32xf32, #tpu.memory_space<vmem>>) target(%dma_start3A_603 : memref<10016x32xf32, #tpu.memory_space<vmem_shared>>) offsets(%dma_start3A_600 : memref<128xi32, #tpu.memory_space<vmem>>) semaphore(%run_scoped3A_593 : memref<!tpu.dma_semaphore, #tpu.memory_space<semaphore_mem>>) {add = true}
        %dma_wait3A_604 = arith.constant 0 : i32
        %dma_wait3A_605 = arith.constant 0 : i32
        %dma_wait3A_606 = tpu.memref_slice %arg10[%run_scoped3A_440, %dma_wait3A_604, %dma_wait3A_605] : memref<8x128x32xf32, #tpu.memory_space<vmem>> -> memref<1x128x32xf32, #tpu.memory_space<vmem>>
        %dma_wait3A_607 = tpu.memref_squeeze %dma_wait3A_606 : memref<1x128x32xf32, #tpu.memory_space<vmem>> -> memref<128x32xf32, #tpu.memory_space<vmem>>
        %dma_wait3A_608 = arith.constant 0 : i32
        %dma_wait3A_609 = tpu.memref_slice %arg9[%add3A_429, %dma_wait3A_608] : memref<80x128xi32, #tpu.memory_space<vmem>> -> memref<1x128xi32, #tpu.memory_space<vmem>>
        %dma_wait3A_610 = tpu.memref_squeeze %dma_wait3A_609 : memref<1x128xi32, #tpu.memory_space<vmem>> -> memref<128xi32, #tpu.memory_space<vmem>>
        %dma_wait3A_611 = arith.constant 0 : i32
        %dma_wait3A_612 = arith.constant 0 : i32
        %dma_wait3A_613 = tpu.memref_slice %arg12[%dma_wait3A_611, %dma_wait3A_612] : memref<10016x32xf32, #tpu.memory_space<vmem_shared>> -> memref<10016x32xf32, #tpu.memory_space<vmem_shared>>
        tpu.wait_indirect_dma semaphore(%run_scoped3A_593 : memref<!tpu.dma_semaphore, #tpu.memory_space<semaphore_mem>>) src(%dma_wait3A_607 : memref<128x32xf32, #tpu.memory_space<vmem>>) dst(%dma_wait3A_613 : memref<10016x32xf32, #tpu.memory_space<vmem_shared>>)
        tpu.yield
      }) : () -> ()
      "tpu.region"() ({
        %run_scoped3A_593 = tpu.sem_alloc : memref<!tpu.dma_semaphore, #tpu.memory_space<semaphore_mem>>
        %dma_start3A_594 = arith.constant 0 : i32
        %dma_start3A_595 = tpu.memref_slice %arg9[%add3A_429, %dma_start3A_594] : memref<80x128xi32, #tpu.memory_space<vmem>> -> memref<1x128xi32, #tpu.memory_space<vmem>>
        %dma_start3A_596 = tpu.memref_squeeze %dma_start3A_595 : memref<1x128xi32, #tpu.memory_space<vmem>> -> memref<128xi32, #tpu.memory_space<vmem>>
        %dma_start3A_597 = arith.constant 0 : i32
        %dma_start3A_598 = tpu.memref_slice %arg13[%dma_start3A_597] : memref<10240xf32, #tpu.memory_space<vmem_shared>> -> memref<10240xf32, #tpu.memory_space<vmem_shared>>
        tpu.enqueue_indirect_dma source(%arg11 : memref<128xf32, #tpu.memory_space<vmem>>) target(%dma_start3A_598 : memref<10240xf32, #tpu.memory_space<vmem_shared>>) offsets(%dma_start3A_596 : memref<128xi32, #tpu.memory_space<vmem>>) semaphore(%run_scoped3A_593 : memref<!tpu.dma_semaphore, #tpu.memory_space<semaphore_mem>>) {add = true}
        %dma_wait3A_599 = arith.constant 0 : i32
        %dma_wait3A_600 = tpu.memref_slice %arg9[%add3A_429, %dma_wait3A_599] : memref<80x128xi32, #tpu.memory_space<vmem>> -> memref<1x128xi32, #tpu.memory_space<vmem>>
        %dma_wait3A_601 = tpu.memref_squeeze %dma_wait3A_600 : memref<1x128xi32, #tpu.memory_space<vmem>> -> memref<128xi32, #tpu.memory_space<vmem>>
        %dma_wait3A_602 = arith.constant 0 : i32
        %dma_wait3A_603 = tpu.memref_slice %arg13[%dma_wait3A_602] : memref<10240xf32, #tpu.memory_space<vmem_shared>> -> memref<10240xf32, #tpu.memory_space<vmem_shared>>
        tpu.wait_indirect_dma semaphore(%run_scoped3A_593 : memref<!tpu.dma_semaphore, #tpu.memory_space<semaphore_mem>>) src(%arg11 : memref<128xf32, #tpu.memory_space<vmem>>) dst(%dma_wait3A_603 : memref<10240xf32, #tpu.memory_space<vmem_shared>>)
        tpu.yield
      }) : () -> ()
      %lt3A_441 = arith.constant 9 : i32
      %lt3A_442 = arith.cmpi slt, %scan3A_425, %lt3A_441 : i32
      %convert_element_type3A_443 = arith.extui %lt3A_442 : i1 to i32
      %cond3A_444 = arith.constant 0 : i32
      %cond3A_445 = arith.cmpi ne, %convert_element_type3A_443, %cond3A_444 : i32
      scf.if %cond3A_445 {
        %add3A_593 = arith.constant 8 : i32
        %add3A_594 = arith.addi %add3A_429, %add3A_593 : i32
        %dma_start3A_595 = arith.constant 0 : i32
        %dma_start3A_596 = arith.constant 0 : i32
        %dma_start3A_597 = arith.constant 0 : i32
        %dma_start3A_598 = tpu.memref_slice %arg10[%dma_start3A_595, %dma_start3A_596, %dma_start3A_597] : memref<8x128x32xf32, #tpu.memory_space<vmem>> -> memref<1x128x32xf32, #tpu.memory_space<vmem>>
        %dma_start3A_599 = tpu.memref_squeeze %dma_start3A_598 : memref<1x128x32xf32, #tpu.memory_space<vmem>> -> memref<128x32xf32, #tpu.memory_space<vmem>>
        %dma_start3A_600 = arith.constant 0 : i32
        %dma_start3A_601 = tpu.memref_slice %arg8[%add3A_594, %dma_start3A_600] : memref<80x128xi32, #tpu.memory_space<vmem>> -> memref<1x128xi32, #tpu.memory_space<vmem>>
        %dma_start3A_602 = tpu.memref_squeeze %dma_start3A_601 : memref<1x128xi32, #tpu.memory_space<vmem>> -> memref<128xi32, #tpu.memory_space<vmem>>
        %dma_start3A_603 = arith.constant 0 : i32
        %dma_start3A_604 = arith.constant 0 : i32
        %dma_start3A_605 = tpu.memref_slice %arg14[%dma_start3A_603, %dma_start3A_604] : memref<10000x32xf32, #tpu.memory_space<vmem_shared>> -> memref<10000x32xf32, #tpu.memory_space<vmem_shared>>
        tpu.enqueue_indirect_dma source(%dma_start3A_605 : memref<10000x32xf32, #tpu.memory_space<vmem_shared>>) target(%dma_start3A_599 : memref<128x32xf32, #tpu.memory_space<vmem>>) offsets(%dma_start3A_602 : memref<128xi32, #tpu.memory_space<vmem>>) semaphore(%arg15 : memref<!tpu.dma_semaphore, #tpu.memory_space<semaphore_mem>>)
      } else {
      }
      %mul3A_446 = arith.constant 8 : i32
      %mul3A_447 = arith.muli %scan3A_425, %mul3A_446 : i32
      %add3A_448 = arith.constant 1 : i32
      %add3A_449 = arith.addi %mul3A_447, %add3A_448 : i32
      %dma_wait3A_450 = arith.constant 1 : i32
      %dma_wait3A_451 = arith.constant 0 : i32
      %dma_wait3A_452 = arith.constant 0 : i32
      %dma_wait3A_453 = tpu.memref_slice %arg10[%dma_wait3A_450, %dma_wait3A_451, %dma_wait3A_452] : memref<8x128x32xf32, #tpu.memory_space<vmem>> -> memref<1x128x32xf32, #tpu.memory_space<vmem>>
      %dma_wait3A_454 = tpu.memref_squeeze %dma_wait3A_453 : memref<1x128x32xf32, #tpu.memory_space<vmem>> -> memref<128x32xf32, #tpu.memory_space<vmem>>
      %dma_wait3A_455 = arith.constant 0 : i32
      %dma_wait3A_456 = tpu.memref_slice %arg8[%add3A_449, %dma_wait3A_455] : memref<80x128xi32, #tpu.memory_space<vmem>> -> memref<1x128xi32, #tpu.memory_space<vmem>>
      %dma_wait3A_457 = tpu.memref_squeeze %dma_wait3A_456 : memref<1x128xi32, #tpu.memory_space<vmem>> -> memref<128xi32, #tpu.memory_space<vmem>>
      %dma_wait3A_458 = arith.constant 0 : i32
      %dma_wait3A_459 = arith.constant 0 : i32
      %dma_wait3A_460 = tpu.memref_slice %arg14[%dma_wait3A_458, %dma_wait3A_459] : memref<10000x32xf32, #tpu.memory_space<vmem_shared>> -> memref<10000x32xf32, #tpu.memory_space<vmem_shared>>
      tpu.wait_indirect_dma semaphore(%arg16 : memref<!tpu.dma_semaphore, #tpu.memory_space<semaphore_mem>>) src(%dma_wait3A_460 : memref<10000x32xf32, #tpu.memory_space<vmem_shared>>) dst(%dma_wait3A_454 : memref<128x32xf32, #tpu.memory_space<vmem>>)
      %run_scoped3A_461 = arith.constant 1 : i32
      "tpu.region"() ({
        %run_scoped3A_593 = tpu.sem_alloc : memref<!tpu.dma_semaphore, #tpu.memory_space<semaphore_mem>>
        %dma_start3A_594 = arith.constant 0 : i32
        %dma_start3A_595 = arith.constant 0 : i32
        %dma_start3A_596 = tpu.memref_slice %arg10[%run_scoped3A_461, %dma_start3A_594, %dma_start3A_595] : memref<8x128x32xf32, #tpu.memory_space<vmem>> -> memref<1x128x32xf32, #tpu.memory_space<vmem>>
        %dma_start3A_597 = tpu.memref_squeeze %dma_start3A_596 : memref<1x128x32xf32, #tpu.memory_space<vmem>> -> memref<128x32xf32, #tpu.memory_space<vmem>>
        %dma_start3A_598 = arith.constant 0 : i32
        %dma_start3A_599 = tpu.memref_slice %arg9[%add3A_449, %dma_start3A_598] : memref<80x128xi32, #tpu.memory_space<vmem>> -> memref<1x128xi32, #tpu.memory_space<vmem>>
        %dma_start3A_600 = tpu.memref_squeeze %dma_start3A_599 : memref<1x128xi32, #tpu.memory_space<vmem>> -> memref<128xi32, #tpu.memory_space<vmem>>
        %dma_start3A_601 = arith.constant 0 : i32
        %dma_start3A_602 = arith.constant 0 : i32
        %dma_start3A_603 = tpu.memref_slice %arg12[%dma_start3A_601, %dma_start3A_602] : memref<10016x32xf32, #tpu.memory_space<vmem_shared>> -> memref<10016x32xf32, #tpu.memory_space<vmem_shared>>
        tpu.enqueue_indirect_dma source(%dma_start3A_597 : memref<128x32xf32, #tpu.memory_space<vmem>>) target(%dma_start3A_603 : memref<10016x32xf32, #tpu.memory_space<vmem_shared>>) offsets(%dma_start3A_600 : memref<128xi32, #tpu.memory_space<vmem>>) semaphore(%run_scoped3A_593 : memref<!tpu.dma_semaphore, #tpu.memory_space<semaphore_mem>>) {add = true}
        %dma_wait3A_604 = arith.constant 0 : i32
        %dma_wait3A_605 = arith.constant 0 : i32
        %dma_wait3A_606 = tpu.memref_slice %arg10[%run_scoped3A_461, %dma_wait3A_604, %dma_wait3A_605] : memref<8x128x32xf32, #tpu.memory_space<vmem>> -> memref<1x128x32xf32, #tpu.memory_space<vmem>>
        %dma_wait3A_607 = tpu.memref_squeeze %dma_wait3A_606 : memref<1x128x32xf32, #tpu.memory_space<vmem>> -> memref<128x32xf32, #tpu.memory_space<vmem>>
        %dma_wait3A_608 = arith.constant 0 : i32
        %dma_wait3A_609 = tpu.memref_slice %arg9[%add3A_449, %dma_wait3A_608] : memref<80x128xi32, #tpu.memory_space<vmem>> -> memref<1x128xi32, #tpu.memory_space<vmem>>
        %dma_wait3A_610 = tpu.memref_squeeze %dma_wait3A_609 : memref<1x128xi32, #tpu.memory_space<vmem>> -> memref<128xi32, #tpu.memory_space<vmem>>
        %dma_wait3A_611 = arith.constant 0 : i32
        %dma_wait3A_612 = arith.constant 0 : i32
        %dma_wait3A_613 = tpu.memref_slice %arg12[%dma_wait3A_611, %dma_wait3A_612] : memref<10016x32xf32, #tpu.memory_space<vmem_shared>> -> memref<10016x32xf32, #tpu.memory_space<vmem_shared>>
        tpu.wait_indirect_dma semaphore(%run_scoped3A_593 : memref<!tpu.dma_semaphore, #tpu.memory_space<semaphore_mem>>) src(%dma_wait3A_607 : memref<128x32xf32, #tpu.memory_space<vmem>>) dst(%dma_wait3A_613 : memref<10016x32xf32, #tpu.memory_space<vmem_shared>>)
        tpu.yield
      }) : () -> ()
      "tpu.region"() ({
        %run_scoped3A_593 = tpu.sem_alloc : memref<!tpu.dma_semaphore, #tpu.memory_space<semaphore_mem>>
        %dma_start3A_594 = arith.constant 0 : i32
        %dma_start3A_595 = tpu.memref_slice %arg9[%add3A_449, %dma_start3A_594] : memref<80x128xi32, #tpu.memory_space<vmem>> -> memref<1x128xi32, #tpu.memory_space<vmem>>
        %dma_start3A_596 = tpu.memref_squeeze %dma_start3A_595 : memref<1x128xi32, #tpu.memory_space<vmem>> -> memref<128xi32, #tpu.memory_space<vmem>>
        %dma_start3A_597 = arith.constant 0 : i32
        %dma_start3A_598 = tpu.memref_slice %arg13[%dma_start3A_597] : memref<10240xf32, #tpu.memory_space<vmem_shared>> -> memref<10240xf32, #tpu.memory_space<vmem_shared>>
        tpu.enqueue_indirect_dma source(%arg11 : memref<128xf32, #tpu.memory_space<vmem>>) target(%dma_start3A_598 : memref<10240xf32, #tpu.memory_space<vmem_shared>>) offsets(%dma_start3A_596 : memref<128xi32, #tpu.memory_space<vmem>>) semaphore(%run_scoped3A_593 : memref<!tpu.dma_semaphore, #tpu.memory_space<semaphore_mem>>) {add = true}
        %dma_wait3A_599 = arith.constant 0 : i32
        %dma_wait3A_600 = tpu.memref_slice %arg9[%add3A_449, %dma_wait3A_599] : memref<80x128xi32, #tpu.memory_space<vmem>> -> memref<1x128xi32, #tpu.memory_space<vmem>>
        %dma_wait3A_601 = tpu.memref_squeeze %dma_wait3A_600 : memref<1x128xi32, #tpu.memory_space<vmem>> -> memref<128xi32, #tpu.memory_space<vmem>>
        %dma_wait3A_602 = arith.constant 0 : i32
        %dma_wait3A_603 = tpu.memref_slice %arg13[%dma_wait3A_602] : memref<10240xf32, #tpu.memory_space<vmem_shared>> -> memref<10240xf32, #tpu.memory_space<vmem_shared>>
        tpu.wait_indirect_dma semaphore(%run_scoped3A_593 : memref<!tpu.dma_semaphore, #tpu.memory_space<semaphore_mem>>) src(%arg11 : memref<128xf32, #tpu.memory_space<vmem>>) dst(%dma_wait3A_603 : memref<10240xf32, #tpu.memory_space<vmem_shared>>)
        tpu.yield
      }) : () -> ()
      %lt3A_462 = arith.constant 9 : i32
      %lt3A_463 = arith.cmpi slt, %scan3A_425, %lt3A_462 : i32
      %convert_element_type3A_464 = arith.extui %lt3A_463 : i1 to i32
      %cond3A_465 = arith.constant 0 : i32
      %cond3A_466 = arith.cmpi ne, %convert_element_type3A_464, %cond3A_465 : i32
      scf.if %cond3A_466 {
        %add3A_593 = arith.constant 8 : i32
        %add3A_594 = arith.addi %add3A_449, %add3A_593 : i32
        %dma_start3A_595 = arith.constant 1 : i32
        %dma_start3A_596 = arith.constant 0 : i32
        %dma_start3A_597 = arith.constant 0 : i32
        %dma_start3A_598 = tpu.memref_slice %arg10[%dma_start3A_595, %dma_start3A_596, %dma_start3A_597] : memref<8x128x32xf32, #tpu.memory_space<vmem>> -> memref<1x128x32xf32, #tpu.memory_space<vmem>>
        %dma_start3A_599 = tpu.memref_squeeze %dma_start3A_598 : memref<1x128x32xf32, #tpu.memory_space<vmem>> -> memref<128x32xf32, #tpu.memory_space<vmem>>
        %dma_start3A_600 = arith.constant 0 : i32
        %dma_start3A_601 = tpu.memref_slice %arg8[%add3A_594, %dma_start3A_600] : memref<80x128xi32, #tpu.memory_space<vmem>> -> memref<1x128xi32, #tpu.memory_space<vmem>>
        %dma_start3A_602 = tpu.memref_squeeze %dma_start3A_601 : memref<1x128xi32, #tpu.memory_space<vmem>> -> memref<128xi32, #tpu.memory_space<vmem>>
        %dma_start3A_603 = arith.constant 0 : i32
        %dma_start3A_604 = arith.constant 0 : i32
        %dma_start3A_605 = tpu.memref_slice %arg14[%dma_start3A_603, %dma_start3A_604] : memref<10000x32xf32, #tpu.memory_space<vmem_shared>> -> memref<10000x32xf32, #tpu.memory_space<vmem_shared>>
        tpu.enqueue_indirect_dma source(%dma_start3A_605 : memref<10000x32xf32, #tpu.memory_space<vmem_shared>>) target(%dma_start3A_599 : memref<128x32xf32, #tpu.memory_space<vmem>>) offsets(%dma_start3A_602 : memref<128xi32, #tpu.memory_space<vmem>>) semaphore(%arg16 : memref<!tpu.dma_semaphore, #tpu.memory_space<semaphore_mem>>)
      } else {
      }
      %mul3A_467 = arith.constant 8 : i32
      %mul3A_468 = arith.muli %scan3A_425, %mul3A_467 : i32
      %add3A_469 = arith.constant 2 : i32
      %add3A_470 = arith.addi %mul3A_468, %add3A_469 : i32
      %dma_wait3A_471 = arith.constant 2 : i32
      %dma_wait3A_472 = arith.constant 0 : i32
      %dma_wait3A_473 = arith.constant 0 : i32
      %dma_wait3A_474 = tpu.memref_slice %arg10[%dma_wait3A_471, %dma_wait3A_472, %dma_wait3A_473] : memref<8x128x32xf32, #tpu.memory_space<vmem>> -> memref<1x128x32xf32, #tpu.memory_space<vmem>>
      %dma_wait3A_475 = tpu.memref_squeeze %dma_wait3A_474 : memref<1x128x32xf32, #tpu.memory_space<vmem>> -> memref<128x32xf32, #tpu.memory_space<vmem>>
      %dma_wait3A_476 = arith.constant 0 : i32
      %dma_wait3A_477 = tpu.memref_slice %arg8[%add3A_470, %dma_wait3A_476] : memref<80x128xi32, #tpu.memory_space<vmem>> -> memref<1x128xi32, #tpu.memory_space<vmem>>
      %dma_wait3A_478 = tpu.memref_squeeze %dma_wait3A_477 : memref<1x128xi32, #tpu.memory_space<vmem>> -> memref<128xi32, #tpu.memory_space<vmem>>
      %dma_wait3A_479 = arith.constant 0 : i32
      %dma_wait3A_480 = arith.constant 0 : i32
      %dma_wait3A_481 = tpu.memref_slice %arg14[%dma_wait3A_479, %dma_wait3A_480] : memref<10000x32xf32, #tpu.memory_space<vmem_shared>> -> memref<10000x32xf32, #tpu.memory_space<vmem_shared>>
      tpu.wait_indirect_dma semaphore(%arg17 : memref<!tpu.dma_semaphore, #tpu.memory_space<semaphore_mem>>) src(%dma_wait3A_481 : memref<10000x32xf32, #tpu.memory_space<vmem_shared>>) dst(%dma_wait3A_475 : memref<128x32xf32, #tpu.memory_space<vmem>>)
      %run_scoped3A_482 = arith.constant 2 : i32
      "tpu.region"() ({
        %run_scoped3A_593 = tpu.sem_alloc : memref<!tpu.dma_semaphore, #tpu.memory_space<semaphore_mem>>
        %dma_start3A_594 = arith.constant 0 : i32
        %dma_start3A_595 = arith.constant 0 : i32
        %dma_start3A_596 = tpu.memref_slice %arg10[%run_scoped3A_482, %dma_start3A_594, %dma_start3A_595] : memref<8x128x32xf32, #tpu.memory_space<vmem>> -> memref<1x128x32xf32, #tpu.memory_space<vmem>>
        %dma_start3A_597 = tpu.memref_squeeze %dma_start3A_596 : memref<1x128x32xf32, #tpu.memory_space<vmem>> -> memref<128x32xf32, #tpu.memory_space<vmem>>
        %dma_start3A_598 = arith.constant 0 : i32
        %dma_start3A_599 = tpu.memref_slice %arg9[%add3A_470, %dma_start3A_598] : memref<80x128xi32, #tpu.memory_space<vmem>> -> memref<1x128xi32, #tpu.memory_space<vmem>>
        %dma_start3A_600 = tpu.memref_squeeze %dma_start3A_599 : memref<1x128xi32, #tpu.memory_space<vmem>> -> memref<128xi32, #tpu.memory_space<vmem>>
        %dma_start3A_601 = arith.constant 0 : i32
        %dma_start3A_602 = arith.constant 0 : i32
        %dma_start3A_603 = tpu.memref_slice %arg12[%dma_start3A_601, %dma_start3A_602] : memref<10016x32xf32, #tpu.memory_space<vmem_shared>> -> memref<10016x32xf32, #tpu.memory_space<vmem_shared>>
        tpu.enqueue_indirect_dma source(%dma_start3A_597 : memref<128x32xf32, #tpu.memory_space<vmem>>) target(%dma_start3A_603 : memref<10016x32xf32, #tpu.memory_space<vmem_shared>>) offsets(%dma_start3A_600 : memref<128xi32, #tpu.memory_space<vmem>>) semaphore(%run_scoped3A_593 : memref<!tpu.dma_semaphore, #tpu.memory_space<semaphore_mem>>) {add = true}
        %dma_wait3A_604 = arith.constant 0 : i32
        %dma_wait3A_605 = arith.constant 0 : i32
        %dma_wait3A_606 = tpu.memref_slice %arg10[%run_scoped3A_482, %dma_wait3A_604, %dma_wait3A_605] : memref<8x128x32xf32, #tpu.memory_space<vmem>> -> memref<1x128x32xf32, #tpu.memory_space<vmem>>
        %dma_wait3A_607 = tpu.memref_squeeze %dma_wait3A_606 : memref<1x128x32xf32, #tpu.memory_space<vmem>> -> memref<128x32xf32, #tpu.memory_space<vmem>>
        %dma_wait3A_608 = arith.constant 0 : i32
        %dma_wait3A_609 = tpu.memref_slice %arg9[%add3A_470, %dma_wait3A_608] : memref<80x128xi32, #tpu.memory_space<vmem>> -> memref<1x128xi32, #tpu.memory_space<vmem>>
        %dma_wait3A_610 = tpu.memref_squeeze %dma_wait3A_609 : memref<1x128xi32, #tpu.memory_space<vmem>> -> memref<128xi32, #tpu.memory_space<vmem>>
        %dma_wait3A_611 = arith.constant 0 : i32
        %dma_wait3A_612 = arith.constant 0 : i32
        %dma_wait3A_613 = tpu.memref_slice %arg12[%dma_wait3A_611, %dma_wait3A_612] : memref<10016x32xf32, #tpu.memory_space<vmem_shared>> -> memref<10016x32xf32, #tpu.memory_space<vmem_shared>>
        tpu.wait_indirect_dma semaphore(%run_scoped3A_593 : memref<!tpu.dma_semaphore, #tpu.memory_space<semaphore_mem>>) src(%dma_wait3A_607 : memref<128x32xf32, #tpu.memory_space<vmem>>) dst(%dma_wait3A_613 : memref<10016x32xf32, #tpu.memory_space<vmem_shared>>)
        tpu.yield
      }) : () -> ()
      "tpu.region"() ({
        %run_scoped3A_593 = tpu.sem_alloc : memref<!tpu.dma_semaphore, #tpu.memory_space<semaphore_mem>>
        %dma_start3A_594 = arith.constant 0 : i32
        %dma_start3A_595 = tpu.memref_slice %arg9[%add3A_470, %dma_start3A_594] : memref<80x128xi32, #tpu.memory_space<vmem>> -> memref<1x128xi32, #tpu.memory_space<vmem>>
        %dma_start3A_596 = tpu.memref_squeeze %dma_start3A_595 : memref<1x128xi32, #tpu.memory_space<vmem>> -> memref<128xi32, #tpu.memory_space<vmem>>
        %dma_start3A_597 = arith.constant 0 : i32
        %dma_start3A_598 = tpu.memref_slice %arg13[%dma_start3A_597] : memref<10240xf32, #tpu.memory_space<vmem_shared>> -> memref<10240xf32, #tpu.memory_space<vmem_shared>>
        tpu.enqueue_indirect_dma source(%arg11 : memref<128xf32, #tpu.memory_space<vmem>>) target(%dma_start3A_598 : memref<10240xf32, #tpu.memory_space<vmem_shared>>) offsets(%dma_start3A_596 : memref<128xi32, #tpu.memory_space<vmem>>) semaphore(%run_scoped3A_593 : memref<!tpu.dma_semaphore, #tpu.memory_space<semaphore_mem>>) {add = true}
        %dma_wait3A_599 = arith.constant 0 : i32
        %dma_wait3A_600 = tpu.memref_slice %arg9[%add3A_470, %dma_wait3A_599] : memref<80x128xi32, #tpu.memory_space<vmem>> -> memref<1x128xi32, #tpu.memory_space<vmem>>
        %dma_wait3A_601 = tpu.memref_squeeze %dma_wait3A_600 : memref<1x128xi32, #tpu.memory_space<vmem>> -> memref<128xi32, #tpu.memory_space<vmem>>
        %dma_wait3A_602 = arith.constant 0 : i32
        %dma_wait3A_603 = tpu.memref_slice %arg13[%dma_wait3A_602] : memref<10240xf32, #tpu.memory_space<vmem_shared>> -> memref<10240xf32, #tpu.memory_space<vmem_shared>>
        tpu.wait_indirect_dma semaphore(%run_scoped3A_593 : memref<!tpu.dma_semaphore, #tpu.memory_space<semaphore_mem>>) src(%arg11 : memref<128xf32, #tpu.memory_space<vmem>>) dst(%dma_wait3A_603 : memref<10240xf32, #tpu.memory_space<vmem_shared>>)
        tpu.yield
      }) : () -> ()
      %lt3A_483 = arith.constant 9 : i32
      %lt3A_484 = arith.cmpi slt, %scan3A_425, %lt3A_483 : i32
      %convert_element_type3A_485 = arith.extui %lt3A_484 : i1 to i32
      %cond3A_486 = arith.constant 0 : i32
      %cond3A_487 = arith.cmpi ne, %convert_element_type3A_485, %cond3A_486 : i32
      scf.if %cond3A_487 {
        %add3A_593 = arith.constant 8 : i32
        %add3A_594 = arith.addi %add3A_470, %add3A_593 : i32
        %dma_start3A_595 = arith.constant 2 : i32
        %dma_start3A_596 = arith.constant 0 : i32
        %dma_start3A_597 = arith.constant 0 : i32
        %dma_start3A_598 = tpu.memref_slice %arg10[%dma_start3A_595, %dma_start3A_596, %dma_start3A_597] : memref<8x128x32xf32, #tpu.memory_space<vmem>> -> memref<1x128x32xf32, #tpu.memory_space<vmem>>
        %dma_start3A_599 = tpu.memref_squeeze %dma_start3A_598 : memref<1x128x32xf32, #tpu.memory_space<vmem>> -> memref<128x32xf32, #tpu.memory_space<vmem>>
        %dma_start3A_600 = arith.constant 0 : i32
        %dma_start3A_601 = tpu.memref_slice %arg8[%add3A_594, %dma_start3A_600] : memref<80x128xi32, #tpu.memory_space<vmem>> -> memref<1x128xi32, #tpu.memory_space<vmem>>
        %dma_start3A_602 = tpu.memref_squeeze %dma_start3A_601 : memref<1x128xi32, #tpu.memory_space<vmem>> -> memref<128xi32, #tpu.memory_space<vmem>>
        %dma_start3A_603 = arith.constant 0 : i32
        %dma_start3A_604 = arith.constant 0 : i32
        %dma_start3A_605 = tpu.memref_slice %arg14[%dma_start3A_603, %dma_start3A_604] : memref<10000x32xf32, #tpu.memory_space<vmem_shared>> -> memref<10000x32xf32, #tpu.memory_space<vmem_shared>>
        tpu.enqueue_indirect_dma source(%dma_start3A_605 : memref<10000x32xf32, #tpu.memory_space<vmem_shared>>) target(%dma_start3A_599 : memref<128x32xf32, #tpu.memory_space<vmem>>) offsets(%dma_start3A_602 : memref<128xi32, #tpu.memory_space<vmem>>) semaphore(%arg17 : memref<!tpu.dma_semaphore, #tpu.memory_space<semaphore_mem>>)
      } else {
      }
      %mul3A_488 = arith.constant 8 : i32
      %mul3A_489 = arith.muli %scan3A_425, %mul3A_488 : i32
      %add3A_490 = arith.constant 3 : i32
      %add3A_491 = arith.addi %mul3A_489, %add3A_490 : i32
      %dma_wait3A_492 = arith.constant 3 : i32
      %dma_wait3A_493 = arith.constant 0 : i32
      %dma_wait3A_494 = arith.constant 0 : i32
      %dma_wait3A_495 = tpu.memref_slice %arg10[%dma_wait3A_492, %dma_wait3A_493, %dma_wait3A_494] : memref<8x128x32xf32, #tpu.memory_space<vmem>> -> memref<1x128x32xf32, #tpu.memory_space<vmem>>
      %dma_wait3A_496 = tpu.memref_squeeze %dma_wait3A_495 : memref<1x128x32xf32, #tpu.memory_space<vmem>> -> memref<128x32xf32, #tpu.memory_space<vmem>>
      %dma_wait3A_497 = arith.constant 0 : i32
      %dma_wait3A_498 = tpu.memref_slice %arg8[%add3A_491, %dma_wait3A_497] : memref<80x128xi32, #tpu.memory_space<vmem>> -> memref<1x128xi32, #tpu.memory_space<vmem>>
      %dma_wait3A_499 = tpu.memref_squeeze %dma_wait3A_498 : memref<1x128xi32, #tpu.memory_space<vmem>> -> memref<128xi32, #tpu.memory_space<vmem>>
      %dma_wait3A_500 = arith.constant 0 : i32
      %dma_wait3A_501 = arith.constant 0 : i32
      %dma_wait3A_502 = tpu.memref_slice %arg14[%dma_wait3A_500, %dma_wait3A_501] : memref<10000x32xf32, #tpu.memory_space<vmem_shared>> -> memref<10000x32xf32, #tpu.memory_space<vmem_shared>>
      tpu.wait_indirect_dma semaphore(%arg18 : memref<!tpu.dma_semaphore, #tpu.memory_space<semaphore_mem>>) src(%dma_wait3A_502 : memref<10000x32xf32, #tpu.memory_space<vmem_shared>>) dst(%dma_wait3A_496 : memref<128x32xf32, #tpu.memory_space<vmem>>)
      %run_scoped3A_503 = arith.constant 3 : i32
      "tpu.region"() ({
        %run_scoped3A_593 = tpu.sem_alloc : memref<!tpu.dma_semaphore, #tpu.memory_space<semaphore_mem>>
        %dma_start3A_594 = arith.constant 0 : i32
        %dma_start3A_595 = arith.constant 0 : i32
        %dma_start3A_596 = tpu.memref_slice %arg10[%run_scoped3A_503, %dma_start3A_594, %dma_start3A_595] : memref<8x128x32xf32, #tpu.memory_space<vmem>> -> memref<1x128x32xf32, #tpu.memory_space<vmem>>
        %dma_start3A_597 = tpu.memref_squeeze %dma_start3A_596 : memref<1x128x32xf32, #tpu.memory_space<vmem>> -> memref<128x32xf32, #tpu.memory_space<vmem>>
        %dma_start3A_598 = arith.constant 0 : i32
        %dma_start3A_599 = tpu.memref_slice %arg9[%add3A_491, %dma_start3A_598] : memref<80x128xi32, #tpu.memory_space<vmem>> -> memref<1x128xi32, #tpu.memory_space<vmem>>
        %dma_start3A_600 = tpu.memref_squeeze %dma_start3A_599 : memref<1x128xi32, #tpu.memory_space<vmem>> -> memref<128xi32, #tpu.memory_space<vmem>>
        %dma_start3A_601 = arith.constant 0 : i32
        %dma_start3A_602 = arith.constant 0 : i32
        %dma_start3A_603 = tpu.memref_slice %arg12[%dma_start3A_601, %dma_start3A_602] : memref<10016x32xf32, #tpu.memory_space<vmem_shared>> -> memref<10016x32xf32, #tpu.memory_space<vmem_shared>>
        tpu.enqueue_indirect_dma source(%dma_start3A_597 : memref<128x32xf32, #tpu.memory_space<vmem>>) target(%dma_start3A_603 : memref<10016x32xf32, #tpu.memory_space<vmem_shared>>) offsets(%dma_start3A_600 : memref<128xi32, #tpu.memory_space<vmem>>) semaphore(%run_scoped3A_593 : memref<!tpu.dma_semaphore, #tpu.memory_space<semaphore_mem>>) {add = true}
        %dma_wait3A_604 = arith.constant 0 : i32
        %dma_wait3A_605 = arith.constant 0 : i32
        %dma_wait3A_606 = tpu.memref_slice %arg10[%run_scoped3A_503, %dma_wait3A_604, %dma_wait3A_605] : memref<8x128x32xf32, #tpu.memory_space<vmem>> -> memref<1x128x32xf32, #tpu.memory_space<vmem>>
        %dma_wait3A_607 = tpu.memref_squeeze %dma_wait3A_606 : memref<1x128x32xf32, #tpu.memory_space<vmem>> -> memref<128x32xf32, #tpu.memory_space<vmem>>
        %dma_wait3A_608 = arith.constant 0 : i32
        %dma_wait3A_609 = tpu.memref_slice %arg9[%add3A_491, %dma_wait3A_608] : memref<80x128xi32, #tpu.memory_space<vmem>> -> memref<1x128xi32, #tpu.memory_space<vmem>>
        %dma_wait3A_610 = tpu.memref_squeeze %dma_wait3A_609 : memref<1x128xi32, #tpu.memory_space<vmem>> -> memref<128xi32, #tpu.memory_space<vmem>>
        %dma_wait3A_611 = arith.constant 0 : i32
        %dma_wait3A_612 = arith.constant 0 : i32
        %dma_wait3A_613 = tpu.memref_slice %arg12[%dma_wait3A_611, %dma_wait3A_612] : memref<10016x32xf32, #tpu.memory_space<vmem_shared>> -> memref<10016x32xf32, #tpu.memory_space<vmem_shared>>
        tpu.wait_indirect_dma semaphore(%run_scoped3A_593 : memref<!tpu.dma_semaphore, #tpu.memory_space<semaphore_mem>>) src(%dma_wait3A_607 : memref<128x32xf32, #tpu.memory_space<vmem>>) dst(%dma_wait3A_613 : memref<10016x32xf32, #tpu.memory_space<vmem_shared>>)
        tpu.yield
      }) : () -> ()
      "tpu.region"() ({
        %run_scoped3A_593 = tpu.sem_alloc : memref<!tpu.dma_semaphore, #tpu.memory_space<semaphore_mem>>
        %dma_start3A_594 = arith.constant 0 : i32
        %dma_start3A_595 = tpu.memref_slice %arg9[%add3A_491, %dma_start3A_594] : memref<80x128xi32, #tpu.memory_space<vmem>> -> memref<1x128xi32, #tpu.memory_space<vmem>>
        %dma_start3A_596 = tpu.memref_squeeze %dma_start3A_595 : memref<1x128xi32, #tpu.memory_space<vmem>> -> memref<128xi32, #tpu.memory_space<vmem>>
        %dma_start3A_597 = arith.constant 0 : i32
        %dma_start3A_598 = tpu.memref_slice %arg13[%dma_start3A_597] : memref<10240xf32, #tpu.memory_space<vmem_shared>> -> memref<10240xf32, #tpu.memory_space<vmem_shared>>
        tpu.enqueue_indirect_dma source(%arg11 : memref<128xf32, #tpu.memory_space<vmem>>) target(%dma_start3A_598 : memref<10240xf32, #tpu.memory_space<vmem_shared>>) offsets(%dma_start3A_596 : memref<128xi32, #tpu.memory_space<vmem>>) semaphore(%run_scoped3A_593 : memref<!tpu.dma_semaphore, #tpu.memory_space<semaphore_mem>>) {add = true}
        %dma_wait3A_599 = arith.constant 0 : i32
        %dma_wait3A_600 = tpu.memref_slice %arg9[%add3A_491, %dma_wait3A_599] : memref<80x128xi32, #tpu.memory_space<vmem>> -> memref<1x128xi32, #tpu.memory_space<vmem>>
        %dma_wait3A_601 = tpu.memref_squeeze %dma_wait3A_600 : memref<1x128xi32, #tpu.memory_space<vmem>> -> memref<128xi32, #tpu.memory_space<vmem>>
        %dma_wait3A_602 = arith.constant 0 : i32
        %dma_wait3A_603 = tpu.memref_slice %arg13[%dma_wait3A_602] : memref<10240xf32, #tpu.memory_space<vmem_shared>> -> memref<10240xf32, #tpu.memory_space<vmem_shared>>
        tpu.wait_indirect_dma semaphore(%run_scoped3A_593 : memref<!tpu.dma_semaphore, #tpu.memory_space<semaphore_mem>>) src(%arg11 : memref<128xf32, #tpu.memory_space<vmem>>) dst(%dma_wait3A_603 : memref<10240xf32, #tpu.memory_space<vmem_shared>>)
        tpu.yield
      }) : () -> ()
      %lt3A_504 = arith.constant 9 : i32
      %lt3A_505 = arith.cmpi slt, %scan3A_425, %lt3A_504 : i32
      %convert_element_type3A_506 = arith.extui %lt3A_505 : i1 to i32
      %cond3A_507 = arith.constant 0 : i32
      %cond3A_508 = arith.cmpi ne, %convert_element_type3A_506, %cond3A_507 : i32
      scf.if %cond3A_508 {
        %add3A_593 = arith.constant 8 : i32
        %add3A_594 = arith.addi %add3A_491, %add3A_593 : i32
        %dma_start3A_595 = arith.constant 3 : i32
        %dma_start3A_596 = arith.constant 0 : i32
        %dma_start3A_597 = arith.constant 0 : i32
        %dma_start3A_598 = tpu.memref_slice %arg10[%dma_start3A_595, %dma_start3A_596, %dma_start3A_597] : memref<8x128x32xf32, #tpu.memory_space<vmem>> -> memref<1x128x32xf32, #tpu.memory_space<vmem>>
        %dma_start3A_599 = tpu.memref_squeeze %dma_start3A_598 : memref<1x128x32xf32, #tpu.memory_space<vmem>> -> memref<128x32xf32, #tpu.memory_space<vmem>>
        %dma_start3A_600 = arith.constant 0 : i32
        %dma_start3A_601 = tpu.memref_slice %arg8[%add3A_594, %dma_start3A_600] : memref<80x128xi32, #tpu.memory_space<vmem>> -> memref<1x128xi32, #tpu.memory_space<vmem>>
        %dma_start3A_602 = tpu.memref_squeeze %dma_start3A_601 : memref<1x128xi32, #tpu.memory_space<vmem>> -> memref<128xi32, #tpu.memory_space<vmem>>
        %dma_start3A_603 = arith.constant 0 : i32
        %dma_start3A_604 = arith.constant 0 : i32
        %dma_start3A_605 = tpu.memref_slice %arg14[%dma_start3A_603, %dma_start3A_604] : memref<10000x32xf32, #tpu.memory_space<vmem_shared>> -> memref<10000x32xf32, #tpu.memory_space<vmem_shared>>
        tpu.enqueue_indirect_dma source(%dma_start3A_605 : memref<10000x32xf32, #tpu.memory_space<vmem_shared>>) target(%dma_start3A_599 : memref<128x32xf32, #tpu.memory_space<vmem>>) offsets(%dma_start3A_602 : memref<128xi32, #tpu.memory_space<vmem>>) semaphore(%arg18 : memref<!tpu.dma_semaphore, #tpu.memory_space<semaphore_mem>>)
      } else {
      }
      %mul3A_509 = arith.constant 8 : i32
      %mul3A_510 = arith.muli %scan3A_425, %mul3A_509 : i32
      %add3A_511 = arith.constant 4 : i32
      %add3A_512 = arith.addi %mul3A_510, %add3A_511 : i32
      %dma_wait3A_513 = arith.constant 4 : i32
      %dma_wait3A_514 = arith.constant 0 : i32
      %dma_wait3A_515 = arith.constant 0 : i32
      %dma_wait3A_516 = tpu.memref_slice %arg10[%dma_wait3A_513, %dma_wait3A_514, %dma_wait3A_515] : memref<8x128x32xf32, #tpu.memory_space<vmem>> -> memref<1x128x32xf32, #tpu.memory_space<vmem>>
      %dma_wait3A_517 = tpu.memref_squeeze %dma_wait3A_516 : memref<1x128x32xf32, #tpu.memory_space<vmem>> -> memref<128x32xf32, #tpu.memory_space<vmem>>
      %dma_wait3A_518 = arith.constant 0 : i32
      %dma_wait3A_519 = tpu.memref_slice %arg8[%add3A_512, %dma_wait3A_518] : memref<80x128xi32, #tpu.memory_space<vmem>> -> memref<1x128xi32, #tpu.memory_space<vmem>>
      %dma_wait3A_520 = tpu.memref_squeeze %dma_wait3A_519 : memref<1x128xi32, #tpu.memory_space<vmem>> -> memref<128xi32, #tpu.memory_space<vmem>>
      %dma_wait3A_521 = arith.constant 0 : i32
      %dma_wait3A_522 = arith.constant 0 : i32
      %dma_wait3A_523 = tpu.memref_slice %arg14[%dma_wait3A_521, %dma_wait3A_522] : memref<10000x32xf32, #tpu.memory_space<vmem_shared>> -> memref<10000x32xf32, #tpu.memory_space<vmem_shared>>
      tpu.wait_indirect_dma semaphore(%arg19 : memref<!tpu.dma_semaphore, #tpu.memory_space<semaphore_mem>>) src(%dma_wait3A_523 : memref<10000x32xf32, #tpu.memory_space<vmem_shared>>) dst(%dma_wait3A_517 : memref<128x32xf32, #tpu.memory_space<vmem>>)
      %run_scoped3A_524 = arith.constant 4 : i32
      "tpu.region"() ({
        %run_scoped3A_593 = tpu.sem_alloc : memref<!tpu.dma_semaphore, #tpu.memory_space<semaphore_mem>>
        %dma_start3A_594 = arith.constant 0 : i32
        %dma_start3A_595 = arith.constant 0 : i32
        %dma_start3A_596 = tpu.memref_slice %arg10[%run_scoped3A_524, %dma_start3A_594, %dma_start3A_595] : memref<8x128x32xf32, #tpu.memory_space<vmem>> -> memref<1x128x32xf32, #tpu.memory_space<vmem>>
        %dma_start3A_597 = tpu.memref_squeeze %dma_start3A_596 : memref<1x128x32xf32, #tpu.memory_space<vmem>> -> memref<128x32xf32, #tpu.memory_space<vmem>>
        %dma_start3A_598 = arith.constant 0 : i32
        %dma_start3A_599 = tpu.memref_slice %arg9[%add3A_512, %dma_start3A_598] : memref<80x128xi32, #tpu.memory_space<vmem>> -> memref<1x128xi32, #tpu.memory_space<vmem>>
        %dma_start3A_600 = tpu.memref_squeeze %dma_start3A_599 : memref<1x128xi32, #tpu.memory_space<vmem>> -> memref<128xi32, #tpu.memory_space<vmem>>
        %dma_start3A_601 = arith.constant 0 : i32
        %dma_start3A_602 = arith.constant 0 : i32
        %dma_start3A_603 = tpu.memref_slice %arg12[%dma_start3A_601, %dma_start3A_602] : memref<10016x32xf32, #tpu.memory_space<vmem_shared>> -> memref<10016x32xf32, #tpu.memory_space<vmem_shared>>
        tpu.enqueue_indirect_dma source(%dma_start3A_597 : memref<128x32xf32, #tpu.memory_space<vmem>>) target(%dma_start3A_603 : memref<10016x32xf32, #tpu.memory_space<vmem_shared>>) offsets(%dma_start3A_600 : memref<128xi32, #tpu.memory_space<vmem>>) semaphore(%run_scoped3A_593 : memref<!tpu.dma_semaphore, #tpu.memory_space<semaphore_mem>>) {add = true}
        %dma_wait3A_604 = arith.constant 0 : i32
        %dma_wait3A_605 = arith.constant 0 : i32
        %dma_wait3A_606 = tpu.memref_slice %arg10[%run_scoped3A_524, %dma_wait3A_604, %dma_wait3A_605] : memref<8x128x32xf32, #tpu.memory_space<vmem>> -> memref<1x128x32xf32, #tpu.memory_space<vmem>>
        %dma_wait3A_607 = tpu.memref_squeeze %dma_wait3A_606 : memref<1x128x32xf32, #tpu.memory_space<vmem>> -> memref<128x32xf32, #tpu.memory_space<vmem>>
        %dma_wait3A_608 = arith.constant 0 : i32
        %dma_wait3A_609 = tpu.memref_slice %arg9[%add3A_512, %dma_wait3A_608] : memref<80x128xi32, #tpu.memory_space<vmem>> -> memref<1x128xi32, #tpu.memory_space<vmem>>
        %dma_wait3A_610 = tpu.memref_squeeze %dma_wait3A_609 : memref<1x128xi32, #tpu.memory_space<vmem>> -> memref<128xi32, #tpu.memory_space<vmem>>
        %dma_wait3A_611 = arith.constant 0 : i32
        %dma_wait3A_612 = arith.constant 0 : i32
        %dma_wait3A_613 = tpu.memref_slice %arg12[%dma_wait3A_611, %dma_wait3A_612] : memref<10016x32xf32, #tpu.memory_space<vmem_shared>> -> memref<10016x32xf32, #tpu.memory_space<vmem_shared>>
        tpu.wait_indirect_dma semaphore(%run_scoped3A_593 : memref<!tpu.dma_semaphore, #tpu.memory_space<semaphore_mem>>) src(%dma_wait3A_607 : memref<128x32xf32, #tpu.memory_space<vmem>>) dst(%dma_wait3A_613 : memref<10016x32xf32, #tpu.memory_space<vmem_shared>>)
        tpu.yield
      }) : () -> ()
      "tpu.region"() ({
        %run_scoped3A_593 = tpu.sem_alloc : memref<!tpu.dma_semaphore, #tpu.memory_space<semaphore_mem>>
        %dma_start3A_594 = arith.constant 0 : i32
        %dma_start3A_595 = tpu.memref_slice %arg9[%add3A_512, %dma_start3A_594] : memref<80x128xi32, #tpu.memory_space<vmem>> -> memref<1x128xi32, #tpu.memory_space<vmem>>
        %dma_start3A_596 = tpu.memref_squeeze %dma_start3A_595 : memref<1x128xi32, #tpu.memory_space<vmem>> -> memref<128xi32, #tpu.memory_space<vmem>>
        %dma_start3A_597 = arith.constant 0 : i32
        %dma_start3A_598 = tpu.memref_slice %arg13[%dma_start3A_597] : memref<10240xf32, #tpu.memory_space<vmem_shared>> -> memref<10240xf32, #tpu.memory_space<vmem_shared>>
        tpu.enqueue_indirect_dma source(%arg11 : memref<128xf32, #tpu.memory_space<vmem>>) target(%dma_start3A_598 : memref<10240xf32, #tpu.memory_space<vmem_shared>>) offsets(%dma_start3A_596 : memref<128xi32, #tpu.memory_space<vmem>>) semaphore(%run_scoped3A_593 : memref<!tpu.dma_semaphore, #tpu.memory_space<semaphore_mem>>) {add = true}
        %dma_wait3A_599 = arith.constant 0 : i32
        %dma_wait3A_600 = tpu.memref_slice %arg9[%add3A_512, %dma_wait3A_599] : memref<80x128xi32, #tpu.memory_space<vmem>> -> memref<1x128xi32, #tpu.memory_space<vmem>>
        %dma_wait3A_601 = tpu.memref_squeeze %dma_wait3A_600 : memref<1x128xi32, #tpu.memory_space<vmem>> -> memref<128xi32, #tpu.memory_space<vmem>>
        %dma_wait3A_602 = arith.constant 0 : i32
        %dma_wait3A_603 = tpu.memref_slice %arg13[%dma_wait3A_602] : memref<10240xf32, #tpu.memory_space<vmem_shared>> -> memref<10240xf32, #tpu.memory_space<vmem_shared>>
        tpu.wait_indirect_dma semaphore(%run_scoped3A_593 : memref<!tpu.dma_semaphore, #tpu.memory_space<semaphore_mem>>) src(%arg11 : memref<128xf32, #tpu.memory_space<vmem>>) dst(%dma_wait3A_603 : memref<10240xf32, #tpu.memory_space<vmem_shared>>)
        tpu.yield
      }) : () -> ()
      %lt3A_525 = arith.constant 9 : i32
      %lt3A_526 = arith.cmpi slt, %scan3A_425, %lt3A_525 : i32
      %convert_element_type3A_527 = arith.extui %lt3A_526 : i1 to i32
      %cond3A_528 = arith.constant 0 : i32
      %cond3A_529 = arith.cmpi ne, %convert_element_type3A_527, %cond3A_528 : i32
      scf.if %cond3A_529 {
        %add3A_593 = arith.constant 8 : i32
        %add3A_594 = arith.addi %add3A_512, %add3A_593 : i32
        %dma_start3A_595 = arith.constant 4 : i32
        %dma_start3A_596 = arith.constant 0 : i32
        %dma_start3A_597 = arith.constant 0 : i32
        %dma_start3A_598 = tpu.memref_slice %arg10[%dma_start3A_595, %dma_start3A_596, %dma_start3A_597] : memref<8x128x32xf32, #tpu.memory_space<vmem>> -> memref<1x128x32xf32, #tpu.memory_space<vmem>>
        %dma_start3A_599 = tpu.memref_squeeze %dma_start3A_598 : memref<1x128x32xf32, #tpu.memory_space<vmem>> -> memref<128x32xf32, #tpu.memory_space<vmem>>
        %dma_start3A_600 = arith.constant 0 : i32
        %dma_start3A_601 = tpu.memref_slice %arg8[%add3A_594, %dma_start3A_600] : memref<80x128xi32, #tpu.memory_space<vmem>> -> memref<1x128xi32, #tpu.memory_space<vmem>>
        %dma_start3A_602 = tpu.memref_squeeze %dma_start3A_601 : memref<1x128xi32, #tpu.memory_space<vmem>> -> memref<128xi32, #tpu.memory_space<vmem>>
        %dma_start3A_603 = arith.constant 0 : i32
        %dma_start3A_604 = arith.constant 0 : i32
        %dma_start3A_605 = tpu.memref_slice %arg14[%dma_start3A_603, %dma_start3A_604] : memref<10000x32xf32, #tpu.memory_space<vmem_shared>> -> memref<10000x32xf32, #tpu.memory_space<vmem_shared>>
        tpu.enqueue_indirect_dma source(%dma_start3A_605 : memref<10000x32xf32, #tpu.memory_space<vmem_shared>>) target(%dma_start3A_599 : memref<128x32xf32, #tpu.memory_space<vmem>>) offsets(%dma_start3A_602 : memref<128xi32, #tpu.memory_space<vmem>>) semaphore(%arg19 : memref<!tpu.dma_semaphore, #tpu.memory_space<semaphore_mem>>)
      } else {
      }
      %mul3A_530 = arith.constant 8 : i32
      %mul3A_531 = arith.muli %scan3A_425, %mul3A_530 : i32
      %add3A_532 = arith.constant 5 : i32
      %add3A_533 = arith.addi %mul3A_531, %add3A_532 : i32
      %dma_wait3A_534 = arith.constant 5 : i32
      %dma_wait3A_535 = arith.constant 0 : i32
      %dma_wait3A_536 = arith.constant 0 : i32
      %dma_wait3A_537 = tpu.memref_slice %arg10[%dma_wait3A_534, %dma_wait3A_535, %dma_wait3A_536] : memref<8x128x32xf32, #tpu.memory_space<vmem>> -> memref<1x128x32xf32, #tpu.memory_space<vmem>>
      %dma_wait3A_538 = tpu.memref_squeeze %dma_wait3A_537 : memref<1x128x32xf32, #tpu.memory_space<vmem>> -> memref<128x32xf32, #tpu.memory_space<vmem>>
      %dma_wait3A_539 = arith.constant 0 : i32
      %dma_wait3A_540 = tpu.memref_slice %arg8[%add3A_533, %dma_wait3A_539] : memref<80x128xi32, #tpu.memory_space<vmem>> -> memref<1x128xi32, #tpu.memory_space<vmem>>
      %dma_wait3A_541 = tpu.memref_squeeze %dma_wait3A_540 : memref<1x128xi32, #tpu.memory_space<vmem>> -> memref<128xi32, #tpu.memory_space<vmem>>
      %dma_wait3A_542 = arith.constant 0 : i32
      %dma_wait3A_543 = arith.constant 0 : i32
      %dma_wait3A_544 = tpu.memref_slice %arg14[%dma_wait3A_542, %dma_wait3A_543] : memref<10000x32xf32, #tpu.memory_space<vmem_shared>> -> memref<10000x32xf32, #tpu.memory_space<vmem_shared>>
      tpu.wait_indirect_dma semaphore(%arg20 : memref<!tpu.dma_semaphore, #tpu.memory_space<semaphore_mem>>) src(%dma_wait3A_544 : memref<10000x32xf32, #tpu.memory_space<vmem_shared>>) dst(%dma_wait3A_538 : memref<128x32xf32, #tpu.memory_space<vmem>>)
      %run_scoped3A_545 = arith.constant 5 : i32
      "tpu.region"() ({
        %run_scoped3A_593 = tpu.sem_alloc : memref<!tpu.dma_semaphore, #tpu.memory_space<semaphore_mem>>
        %dma_start3A_594 = arith.constant 0 : i32
        %dma_start3A_595 = arith.constant 0 : i32
        %dma_start3A_596 = tpu.memref_slice %arg10[%run_scoped3A_545, %dma_start3A_594, %dma_start3A_595] : memref<8x128x32xf32, #tpu.memory_space<vmem>> -> memref<1x128x32xf32, #tpu.memory_space<vmem>>
        %dma_start3A_597 = tpu.memref_squeeze %dma_start3A_596 : memref<1x128x32xf32, #tpu.memory_space<vmem>> -> memref<128x32xf32, #tpu.memory_space<vmem>>
        %dma_start3A_598 = arith.constant 0 : i32
        %dma_start3A_599 = tpu.memref_slice %arg9[%add3A_533, %dma_start3A_598] : memref<80x128xi32, #tpu.memory_space<vmem>> -> memref<1x128xi32, #tpu.memory_space<vmem>>
        %dma_start3A_600 = tpu.memref_squeeze %dma_start3A_599 : memref<1x128xi32, #tpu.memory_space<vmem>> -> memref<128xi32, #tpu.memory_space<vmem>>
        %dma_start3A_601 = arith.constant 0 : i32
        %dma_start3A_602 = arith.constant 0 : i32
        %dma_start3A_603 = tpu.memref_slice %arg12[%dma_start3A_601, %dma_start3A_602] : memref<10016x32xf32, #tpu.memory_space<vmem_shared>> -> memref<10016x32xf32, #tpu.memory_space<vmem_shared>>
        tpu.enqueue_indirect_dma source(%dma_start3A_597 : memref<128x32xf32, #tpu.memory_space<vmem>>) target(%dma_start3A_603 : memref<10016x32xf32, #tpu.memory_space<vmem_shared>>) offsets(%dma_start3A_600 : memref<128xi32, #tpu.memory_space<vmem>>) semaphore(%run_scoped3A_593 : memref<!tpu.dma_semaphore, #tpu.memory_space<semaphore_mem>>) {add = true}
        %dma_wait3A_604 = arith.constant 0 : i32
        %dma_wait3A_605 = arith.constant 0 : i32
        %dma_wait3A_606 = tpu.memref_slice %arg10[%run_scoped3A_545, %dma_wait3A_604, %dma_wait3A_605] : memref<8x128x32xf32, #tpu.memory_space<vmem>> -> memref<1x128x32xf32, #tpu.memory_space<vmem>>
        %dma_wait3A_607 = tpu.memref_squeeze %dma_wait3A_606 : memref<1x128x32xf32, #tpu.memory_space<vmem>> -> memref<128x32xf32, #tpu.memory_space<vmem>>
        %dma_wait3A_608 = arith.constant 0 : i32
        %dma_wait3A_609 = tpu.memref_slice %arg9[%add3A_533, %dma_wait3A_608] : memref<80x128xi32, #tpu.memory_space<vmem>> -> memref<1x128xi32, #tpu.memory_space<vmem>>
        %dma_wait3A_610 = tpu.memref_squeeze %dma_wait3A_609 : memref<1x128xi32, #tpu.memory_space<vmem>> -> memref<128xi32, #tpu.memory_space<vmem>>
        %dma_wait3A_611 = arith.constant 0 : i32
        %dma_wait3A_612 = arith.constant 0 : i32
        %dma_wait3A_613 = tpu.memref_slice %arg12[%dma_wait3A_611, %dma_wait3A_612] : memref<10016x32xf32, #tpu.memory_space<vmem_shared>> -> memref<10016x32xf32, #tpu.memory_space<vmem_shared>>
        tpu.wait_indirect_dma semaphore(%run_scoped3A_593 : memref<!tpu.dma_semaphore, #tpu.memory_space<semaphore_mem>>) src(%dma_wait3A_607 : memref<128x32xf32, #tpu.memory_space<vmem>>) dst(%dma_wait3A_613 : memref<10016x32xf32, #tpu.memory_space<vmem_shared>>)
        tpu.yield
      }) : () -> ()
      "tpu.region"() ({
        %run_scoped3A_593 = tpu.sem_alloc : memref<!tpu.dma_semaphore, #tpu.memory_space<semaphore_mem>>
        %dma_start3A_594 = arith.constant 0 : i32
        %dma_start3A_595 = tpu.memref_slice %arg9[%add3A_533, %dma_start3A_594] : memref<80x128xi32, #tpu.memory_space<vmem>> -> memref<1x128xi32, #tpu.memory_space<vmem>>
        %dma_start3A_596 = tpu.memref_squeeze %dma_start3A_595 : memref<1x128xi32, #tpu.memory_space<vmem>> -> memref<128xi32, #tpu.memory_space<vmem>>
        %dma_start3A_597 = arith.constant 0 : i32
        %dma_start3A_598 = tpu.memref_slice %arg13[%dma_start3A_597] : memref<10240xf32, #tpu.memory_space<vmem_shared>> -> memref<10240xf32, #tpu.memory_space<vmem_shared>>
        tpu.enqueue_indirect_dma source(%arg11 : memref<128xf32, #tpu.memory_space<vmem>>) target(%dma_start3A_598 : memref<10240xf32, #tpu.memory_space<vmem_shared>>) offsets(%dma_start3A_596 : memref<128xi32, #tpu.memory_space<vmem>>) semaphore(%run_scoped3A_593 : memref<!tpu.dma_semaphore, #tpu.memory_space<semaphore_mem>>) {add = true}
        %dma_wait3A_599 = arith.constant 0 : i32
        %dma_wait3A_600 = tpu.memref_slice %arg9[%add3A_533, %dma_wait3A_599] : memref<80x128xi32, #tpu.memory_space<vmem>> -> memref<1x128xi32, #tpu.memory_space<vmem>>
        %dma_wait3A_601 = tpu.memref_squeeze %dma_wait3A_600 : memref<1x128xi32, #tpu.memory_space<vmem>> -> memref<128xi32, #tpu.memory_space<vmem>>
        %dma_wait3A_602 = arith.constant 0 : i32
        %dma_wait3A_603 = tpu.memref_slice %arg13[%dma_wait3A_602] : memref<10240xf32, #tpu.memory_space<vmem_shared>> -> memref<10240xf32, #tpu.memory_space<vmem_shared>>
        tpu.wait_indirect_dma semaphore(%run_scoped3A_593 : memref<!tpu.dma_semaphore, #tpu.memory_space<semaphore_mem>>) src(%arg11 : memref<128xf32, #tpu.memory_space<vmem>>) dst(%dma_wait3A_603 : memref<10240xf32, #tpu.memory_space<vmem_shared>>)
        tpu.yield
      }) : () -> ()
      %lt3A_546 = arith.constant 9 : i32
      %lt3A_547 = arith.cmpi slt, %scan3A_425, %lt3A_546 : i32
      %convert_element_type3A_548 = arith.extui %lt3A_547 : i1 to i32
      %cond3A_549 = arith.constant 0 : i32
      %cond3A_550 = arith.cmpi ne, %convert_element_type3A_548, %cond3A_549 : i32
      scf.if %cond3A_550 {
        %add3A_593 = arith.constant 8 : i32
        %add3A_594 = arith.addi %add3A_533, %add3A_593 : i32
        %dma_start3A_595 = arith.constant 5 : i32
        %dma_start3A_596 = arith.constant 0 : i32
        %dma_start3A_597 = arith.constant 0 : i32
        %dma_start3A_598 = tpu.memref_slice %arg10[%dma_start3A_595, %dma_start3A_596, %dma_start3A_597] : memref<8x128x32xf32, #tpu.memory_space<vmem>> -> memref<1x128x32xf32, #tpu.memory_space<vmem>>
        %dma_start3A_599 = tpu.memref_squeeze %dma_start3A_598 : memref<1x128x32xf32, #tpu.memory_space<vmem>> -> memref<128x32xf32, #tpu.memory_space<vmem>>
        %dma_start3A_600 = arith.constant 0 : i32
        %dma_start3A_601 = tpu.memref_slice %arg8[%add3A_594, %dma_start3A_600] : memref<80x128xi32, #tpu.memory_space<vmem>> -> memref<1x128xi32, #tpu.memory_space<vmem>>
        %dma_start3A_602 = tpu.memref_squeeze %dma_start3A_601 : memref<1x128xi32, #tpu.memory_space<vmem>> -> memref<128xi32, #tpu.memory_space<vmem>>
        %dma_start3A_603 = arith.constant 0 : i32
        %dma_start3A_604 = arith.constant 0 : i32
        %dma_start3A_605 = tpu.memref_slice %arg14[%dma_start3A_603, %dma_start3A_604] : memref<10000x32xf32, #tpu.memory_space<vmem_shared>> -> memref<10000x32xf32, #tpu.memory_space<vmem_shared>>
        tpu.enqueue_indirect_dma source(%dma_start3A_605 : memref<10000x32xf32, #tpu.memory_space<vmem_shared>>) target(%dma_start3A_599 : memref<128x32xf32, #tpu.memory_space<vmem>>) offsets(%dma_start3A_602 : memref<128xi32, #tpu.memory_space<vmem>>) semaphore(%arg20 : memref<!tpu.dma_semaphore, #tpu.memory_space<semaphore_mem>>)
      } else {
      }
      %mul3A_551 = arith.constant 8 : i32
      %mul3A_552 = arith.muli %scan3A_425, %mul3A_551 : i32
      %add3A_553 = arith.constant 6 : i32
      %add3A_554 = arith.addi %mul3A_552, %add3A_553 : i32
      %dma_wait3A_555 = arith.constant 6 : i32
      %dma_wait3A_556 = arith.constant 0 : i32
      %dma_wait3A_557 = arith.constant 0 : i32
      %dma_wait3A_558 = tpu.memref_slice %arg10[%dma_wait3A_555, %dma_wait3A_556, %dma_wait3A_557] : memref<8x128x32xf32, #tpu.memory_space<vmem>> -> memref<1x128x32xf32, #tpu.memory_space<vmem>>
      %dma_wait3A_559 = tpu.memref_squeeze %dma_wait3A_558 : memref<1x128x32xf32, #tpu.memory_space<vmem>> -> memref<128x32xf32, #tpu.memory_space<vmem>>
      %dma_wait3A_560 = arith.constant 0 : i32
      %dma_wait3A_561 = tpu.memref_slice %arg8[%add3A_554, %dma_wait3A_560] : memref<80x128xi32, #tpu.memory_space<vmem>> -> memref<1x128xi32, #tpu.memory_space<vmem>>
      %dma_wait3A_562 = tpu.memref_squeeze %dma_wait3A_561 : memref<1x128xi32, #tpu.memory_space<vmem>> -> memref<128xi32, #tpu.memory_space<vmem>>
      %dma_wait3A_563 = arith.constant 0 : i32
      %dma_wait3A_564 = arith.constant 0 : i32
      %dma_wait3A_565 = tpu.memref_slice %arg14[%dma_wait3A_563, %dma_wait3A_564] : memref<10000x32xf32, #tpu.memory_space<vmem_shared>> -> memref<10000x32xf32, #tpu.memory_space<vmem_shared>>
      tpu.wait_indirect_dma semaphore(%arg21 : memref<!tpu.dma_semaphore, #tpu.memory_space<semaphore_mem>>) src(%dma_wait3A_565 : memref<10000x32xf32, #tpu.memory_space<vmem_shared>>) dst(%dma_wait3A_559 : memref<128x32xf32, #tpu.memory_space<vmem>>)
      %run_scoped3A_566 = arith.constant 6 : i32
      "tpu.region"() ({
        %run_scoped3A_593 = tpu.sem_alloc : memref<!tpu.dma_semaphore, #tpu.memory_space<semaphore_mem>>
        %dma_start3A_594 = arith.constant 0 : i32
        %dma_start3A_595 = arith.constant 0 : i32
        %dma_start3A_596 = tpu.memref_slice %arg10[%run_scoped3A_566, %dma_start3A_594, %dma_start3A_595] : memref<8x128x32xf32, #tpu.memory_space<vmem>> -> memref<1x128x32xf32, #tpu.memory_space<vmem>>
        %dma_start3A_597 = tpu.memref_squeeze %dma_start3A_596 : memref<1x128x32xf32, #tpu.memory_space<vmem>> -> memref<128x32xf32, #tpu.memory_space<vmem>>
        %dma_start3A_598 = arith.constant 0 : i32
        %dma_start3A_599 = tpu.memref_slice %arg9[%add3A_554, %dma_start3A_598] : memref<80x128xi32, #tpu.memory_space<vmem>> -> memref<1x128xi32, #tpu.memory_space<vmem>>
        %dma_start3A_600 = tpu.memref_squeeze %dma_start3A_599 : memref<1x128xi32, #tpu.memory_space<vmem>> -> memref<128xi32, #tpu.memory_space<vmem>>
        %dma_start3A_601 = arith.constant 0 : i32
        %dma_start3A_602 = arith.constant 0 : i32
        %dma_start3A_603 = tpu.memref_slice %arg12[%dma_start3A_601, %dma_start3A_602] : memref<10016x32xf32, #tpu.memory_space<vmem_shared>> -> memref<10016x32xf32, #tpu.memory_space<vmem_shared>>
        tpu.enqueue_indirect_dma source(%dma_start3A_597 : memref<128x32xf32, #tpu.memory_space<vmem>>) target(%dma_start3A_603 : memref<10016x32xf32, #tpu.memory_space<vmem_shared>>) offsets(%dma_start3A_600 : memref<128xi32, #tpu.memory_space<vmem>>) semaphore(%run_scoped3A_593 : memref<!tpu.dma_semaphore, #tpu.memory_space<semaphore_mem>>) {add = true}
        %dma_wait3A_604 = arith.constant 0 : i32
        %dma_wait3A_605 = arith.constant 0 : i32
        %dma_wait3A_606 = tpu.memref_slice %arg10[%run_scoped3A_566, %dma_wait3A_604, %dma_wait3A_605] : memref<8x128x32xf32, #tpu.memory_space<vmem>> -> memref<1x128x32xf32, #tpu.memory_space<vmem>>
        %dma_wait3A_607 = tpu.memref_squeeze %dma_wait3A_606 : memref<1x128x32xf32, #tpu.memory_space<vmem>> -> memref<128x32xf32, #tpu.memory_space<vmem>>
        %dma_wait3A_608 = arith.constant 0 : i32
        %dma_wait3A_609 = tpu.memref_slice %arg9[%add3A_554, %dma_wait3A_608] : memref<80x128xi32, #tpu.memory_space<vmem>> -> memref<1x128xi32, #tpu.memory_space<vmem>>
        %dma_wait3A_610 = tpu.memref_squeeze %dma_wait3A_609 : memref<1x128xi32, #tpu.memory_space<vmem>> -> memref<128xi32, #tpu.memory_space<vmem>>
        %dma_wait3A_611 = arith.constant 0 : i32
        %dma_wait3A_612 = arith.constant 0 : i32
        %dma_wait3A_613 = tpu.memref_slice %arg12[%dma_wait3A_611, %dma_wait3A_612] : memref<10016x32xf32, #tpu.memory_space<vmem_shared>> -> memref<10016x32xf32, #tpu.memory_space<vmem_shared>>
        tpu.wait_indirect_dma semaphore(%run_scoped3A_593 : memref<!tpu.dma_semaphore, #tpu.memory_space<semaphore_mem>>) src(%dma_wait3A_607 : memref<128x32xf32, #tpu.memory_space<vmem>>) dst(%dma_wait3A_613 : memref<10016x32xf32, #tpu.memory_space<vmem_shared>>)
        tpu.yield
      }) : () -> ()
      "tpu.region"() ({
        %run_scoped3A_593 = tpu.sem_alloc : memref<!tpu.dma_semaphore, #tpu.memory_space<semaphore_mem>>
        %dma_start3A_594 = arith.constant 0 : i32
        %dma_start3A_595 = tpu.memref_slice %arg9[%add3A_554, %dma_start3A_594] : memref<80x128xi32, #tpu.memory_space<vmem>> -> memref<1x128xi32, #tpu.memory_space<vmem>>
        %dma_start3A_596 = tpu.memref_squeeze %dma_start3A_595 : memref<1x128xi32, #tpu.memory_space<vmem>> -> memref<128xi32, #tpu.memory_space<vmem>>
        %dma_start3A_597 = arith.constant 0 : i32
        %dma_start3A_598 = tpu.memref_slice %arg13[%dma_start3A_597] : memref<10240xf32, #tpu.memory_space<vmem_shared>> -> memref<10240xf32, #tpu.memory_space<vmem_shared>>
        tpu.enqueue_indirect_dma source(%arg11 : memref<128xf32, #tpu.memory_space<vmem>>) target(%dma_start3A_598 : memref<10240xf32, #tpu.memory_space<vmem_shared>>) offsets(%dma_start3A_596 : memref<128xi32, #tpu.memory_space<vmem>>) semaphore(%run_scoped3A_593 : memref<!tpu.dma_semaphore, #tpu.memory_space<semaphore_mem>>) {add = true}
        %dma_wait3A_599 = arith.constant 0 : i32
        %dma_wait3A_600 = tpu.memref_slice %arg9[%add3A_554, %dma_wait3A_599] : memref<80x128xi32, #tpu.memory_space<vmem>> -> memref<1x128xi32, #tpu.memory_space<vmem>>
        %dma_wait3A_601 = tpu.memref_squeeze %dma_wait3A_600 : memref<1x128xi32, #tpu.memory_space<vmem>> -> memref<128xi32, #tpu.memory_space<vmem>>
        %dma_wait3A_602 = arith.constant 0 : i32
        %dma_wait3A_603 = tpu.memref_slice %arg13[%dma_wait3A_602] : memref<10240xf32, #tpu.memory_space<vmem_shared>> -> memref<10240xf32, #tpu.memory_space<vmem_shared>>
        tpu.wait_indirect_dma semaphore(%run_scoped3A_593 : memref<!tpu.dma_semaphore, #tpu.memory_space<semaphore_mem>>) src(%arg11 : memref<128xf32, #tpu.memory_space<vmem>>) dst(%dma_wait3A_603 : memref<10240xf32, #tpu.memory_space<vmem_shared>>)
        tpu.yield
      }) : () -> ()
      %lt3A_567 = arith.constant 9 : i32
      %lt3A_568 = arith.cmpi slt, %scan3A_425, %lt3A_567 : i32
      %convert_element_type3A_569 = arith.extui %lt3A_568 : i1 to i32
      %cond3A_570 = arith.constant 0 : i32
      %cond3A_571 = arith.cmpi ne, %convert_element_type3A_569, %cond3A_570 : i32
      scf.if %cond3A_571 {
        %add3A_593 = arith.constant 8 : i32
        %add3A_594 = arith.addi %add3A_554, %add3A_593 : i32
        %dma_start3A_595 = arith.constant 6 : i32
        %dma_start3A_596 = arith.constant 0 : i32
        %dma_start3A_597 = arith.constant 0 : i32
        %dma_start3A_598 = tpu.memref_slice %arg10[%dma_start3A_595, %dma_start3A_596, %dma_start3A_597] : memref<8x128x32xf32, #tpu.memory_space<vmem>> -> memref<1x128x32xf32, #tpu.memory_space<vmem>>
        %dma_start3A_599 = tpu.memref_squeeze %dma_start3A_598 : memref<1x128x32xf32, #tpu.memory_space<vmem>> -> memref<128x32xf32, #tpu.memory_space<vmem>>
        %dma_start3A_600 = arith.constant 0 : i32
        %dma_start3A_601 = tpu.memref_slice %arg8[%add3A_594, %dma_start3A_600] : memref<80x128xi32, #tpu.memory_space<vmem>> -> memref<1x128xi32, #tpu.memory_space<vmem>>
        %dma_start3A_602 = tpu.memref_squeeze %dma_start3A_601 : memref<1x128xi32, #tpu.memory_space<vmem>> -> memref<128xi32, #tpu.memory_space<vmem>>
        %dma_start3A_603 = arith.constant 0 : i32
        %dma_start3A_604 = arith.constant 0 : i32
        %dma_start3A_605 = tpu.memref_slice %arg14[%dma_start3A_603, %dma_start3A_604] : memref<10000x32xf32, #tpu.memory_space<vmem_shared>> -> memref<10000x32xf32, #tpu.memory_space<vmem_shared>>
        tpu.enqueue_indirect_dma source(%dma_start3A_605 : memref<10000x32xf32, #tpu.memory_space<vmem_shared>>) target(%dma_start3A_599 : memref<128x32xf32, #tpu.memory_space<vmem>>) offsets(%dma_start3A_602 : memref<128xi32, #tpu.memory_space<vmem>>) semaphore(%arg21 : memref<!tpu.dma_semaphore, #tpu.memory_space<semaphore_mem>>)
      } else {
      }
      %mul3A_572 = arith.constant 8 : i32
      %mul3A_573 = arith.muli %scan3A_425, %mul3A_572 : i32
      %add3A_574 = arith.constant 7 : i32
      %add3A_575 = arith.addi %mul3A_573, %add3A_574 : i32
      %dma_wait3A_576 = arith.constant 7 : i32
      %dma_wait3A_577 = arith.constant 0 : i32
      %dma_wait3A_578 = arith.constant 0 : i32
      %dma_wait3A_579 = tpu.memref_slice %arg10[%dma_wait3A_576, %dma_wait3A_577, %dma_wait3A_578] : memref<8x128x32xf32, #tpu.memory_space<vmem>> -> memref<1x128x32xf32, #tpu.memory_space<vmem>>
      %dma_wait3A_580 = tpu.memref_squeeze %dma_wait3A_579 : memref<1x128x32xf32, #tpu.memory_space<vmem>> -> memref<128x32xf32, #tpu.memory_space<vmem>>
      %dma_wait3A_581 = arith.constant 0 : i32
      %dma_wait3A_582 = tpu.memref_slice %arg8[%add3A_575, %dma_wait3A_581] : memref<80x128xi32, #tpu.memory_space<vmem>> -> memref<1x128xi32, #tpu.memory_space<vmem>>
      %dma_wait3A_583 = tpu.memref_squeeze %dma_wait3A_582 : memref<1x128xi32, #tpu.memory_space<vmem>> -> memref<128xi32, #tpu.memory_space<vmem>>
      %dma_wait3A_584 = arith.constant 0 : i32
      %dma_wait3A_585 = arith.constant 0 : i32
      %dma_wait3A_586 = tpu.memref_slice %arg14[%dma_wait3A_584, %dma_wait3A_585] : memref<10000x32xf32, #tpu.memory_space<vmem_shared>> -> memref<10000x32xf32, #tpu.memory_space<vmem_shared>>
      tpu.wait_indirect_dma semaphore(%arg22 : memref<!tpu.dma_semaphore, #tpu.memory_space<semaphore_mem>>) src(%dma_wait3A_586 : memref<10000x32xf32, #tpu.memory_space<vmem_shared>>) dst(%dma_wait3A_580 : memref<128x32xf32, #tpu.memory_space<vmem>>)
      %run_scoped3A_587 = arith.constant 7 : i32
      "tpu.region"() ({
        %run_scoped3A_593 = tpu.sem_alloc : memref<!tpu.dma_semaphore, #tpu.memory_space<semaphore_mem>>
        %dma_start3A_594 = arith.constant 0 : i32
        %dma_start3A_595 = arith.constant 0 : i32
        %dma_start3A_596 = tpu.memref_slice %arg10[%run_scoped3A_587, %dma_start3A_594, %dma_start3A_595] : memref<8x128x32xf32, #tpu.memory_space<vmem>> -> memref<1x128x32xf32, #tpu.memory_space<vmem>>
        %dma_start3A_597 = tpu.memref_squeeze %dma_start3A_596 : memref<1x128x32xf32, #tpu.memory_space<vmem>> -> memref<128x32xf32, #tpu.memory_space<vmem>>
        %dma_start3A_598 = arith.constant 0 : i32
        %dma_start3A_599 = tpu.memref_slice %arg9[%add3A_575, %dma_start3A_598] : memref<80x128xi32, #tpu.memory_space<vmem>> -> memref<1x128xi32, #tpu.memory_space<vmem>>
        %dma_start3A_600 = tpu.memref_squeeze %dma_start3A_599 : memref<1x128xi32, #tpu.memory_space<vmem>> -> memref<128xi32, #tpu.memory_space<vmem>>
        %dma_start3A_601 = arith.constant 0 : i32
        %dma_start3A_602 = arith.constant 0 : i32
        %dma_start3A_603 = tpu.memref_slice %arg12[%dma_start3A_601, %dma_start3A_602] : memref<10016x32xf32, #tpu.memory_space<vmem_shared>> -> memref<10016x32xf32, #tpu.memory_space<vmem_shared>>
        tpu.enqueue_indirect_dma source(%dma_start3A_597 : memref<128x32xf32, #tpu.memory_space<vmem>>) target(%dma_start3A_603 : memref<10016x32xf32, #tpu.memory_space<vmem_shared>>) offsets(%dma_start3A_600 : memref<128xi32, #tpu.memory_space<vmem>>) semaphore(%run_scoped3A_593 : memref<!tpu.dma_semaphore, #tpu.memory_space<semaphore_mem>>) {add = true}
        %dma_wait3A_604 = arith.constant 0 : i32
        %dma_wait3A_605 = arith.constant 0 : i32
        %dma_wait3A_606 = tpu.memref_slice %arg10[%run_scoped3A_587, %dma_wait3A_604, %dma_wait3A_605] : memref<8x128x32xf32, #tpu.memory_space<vmem>> -> memref<1x128x32xf32, #tpu.memory_space<vmem>>
        %dma_wait3A_607 = tpu.memref_squeeze %dma_wait3A_606 : memref<1x128x32xf32, #tpu.memory_space<vmem>> -> memref<128x32xf32, #tpu.memory_space<vmem>>
        %dma_wait3A_608 = arith.constant 0 : i32
        %dma_wait3A_609 = tpu.memref_slice %arg9[%add3A_575, %dma_wait3A_608] : memref<80x128xi32, #tpu.memory_space<vmem>> -> memref<1x128xi32, #tpu.memory_space<vmem>>
        %dma_wait3A_610 = tpu.memref_squeeze %dma_wait3A_609 : memref<1x128xi32, #tpu.memory_space<vmem>> -> memref<128xi32, #tpu.memory_space<vmem>>
        %dma_wait3A_611 = arith.constant 0 : i32
        %dma_wait3A_612 = arith.constant 0 : i32
        %dma_wait3A_613 = tpu.memref_slice %arg12[%dma_wait3A_611, %dma_wait3A_612] : memref<10016x32xf32, #tpu.memory_space<vmem_shared>> -> memref<10016x32xf32, #tpu.memory_space<vmem_shared>>
        tpu.wait_indirect_dma semaphore(%run_scoped3A_593 : memref<!tpu.dma_semaphore, #tpu.memory_space<semaphore_mem>>) src(%dma_wait3A_607 : memref<128x32xf32, #tpu.memory_space<vmem>>) dst(%dma_wait3A_613 : memref<10016x32xf32, #tpu.memory_space<vmem_shared>>)
        tpu.yield
      }) : () -> ()
      "tpu.region"() ({
        %run_scoped3A_593 = tpu.sem_alloc : memref<!tpu.dma_semaphore, #tpu.memory_space<semaphore_mem>>
        %dma_start3A_594 = arith.constant 0 : i32
        %dma_start3A_595 = tpu.memref_slice %arg9[%add3A_575, %dma_start3A_594] : memref<80x128xi32, #tpu.memory_space<vmem>> -> memref<1x128xi32, #tpu.memory_space<vmem>>
        %dma_start3A_596 = tpu.memref_squeeze %dma_start3A_595 : memref<1x128xi32, #tpu.memory_space<vmem>> -> memref<128xi32, #tpu.memory_space<vmem>>
        %dma_start3A_597 = arith.constant 0 : i32
        %dma_start3A_598 = tpu.memref_slice %arg13[%dma_start3A_597] : memref<10240xf32, #tpu.memory_space<vmem_shared>> -> memref<10240xf32, #tpu.memory_space<vmem_shared>>
        tpu.enqueue_indirect_dma source(%arg11 : memref<128xf32, #tpu.memory_space<vmem>>) target(%dma_start3A_598 : memref<10240xf32, #tpu.memory_space<vmem_shared>>) offsets(%dma_start3A_596 : memref<128xi32, #tpu.memory_space<vmem>>) semaphore(%run_scoped3A_593 : memref<!tpu.dma_semaphore, #tpu.memory_space<semaphore_mem>>) {add = true}
        %dma_wait3A_599 = arith.constant 0 : i32
        %dma_wait3A_600 = tpu.memref_slice %arg9[%add3A_575, %dma_wait3A_599] : memref<80x128xi32, #tpu.memory_space<vmem>> -> memref<1x128xi32, #tpu.memory_space<vmem>>
        %dma_wait3A_601 = tpu.memref_squeeze %dma_wait3A_600 : memref<1x128xi32, #tpu.memory_space<vmem>> -> memref<128xi32, #tpu.memory_space<vmem>>
        %dma_wait3A_602 = arith.constant 0 : i32
        %dma_wait3A_603 = tpu.memref_slice %arg13[%dma_wait3A_602] : memref<10240xf32, #tpu.memory_space<vmem_shared>> -> memref<10240xf32, #tpu.memory_space<vmem_shared>>
        tpu.wait_indirect_dma semaphore(%run_scoped3A_593 : memref<!tpu.dma_semaphore, #tpu.memory_space<semaphore_mem>>) src(%arg11 : memref<128xf32, #tpu.memory_space<vmem>>) dst(%dma_wait3A_603 : memref<10240xf32, #tpu.memory_space<vmem_shared>>)
        tpu.yield
      }) : () -> ()
      %lt3A_588 = arith.constant 9 : i32
      %lt3A_589 = arith.cmpi slt, %scan3A_425, %lt3A_588 : i32
      %convert_element_type3A_590 = arith.extui %lt3A_589 : i1 to i32
      %cond3A_591 = arith.constant 0 : i32
      %cond3A_592 = arith.cmpi ne, %convert_element_type3A_590, %cond3A_591 : i32
      scf.if %cond3A_592 {
        %add3A_593 = arith.constant 8 : i32
        %add3A_594 = arith.addi %add3A_575, %add3A_593 : i32
        %dma_start3A_595 = arith.constant 7 : i32
        %dma_start3A_596 = arith.constant 0 : i32
        %dma_start3A_597 = arith.constant 0 : i32
        %dma_start3A_598 = tpu.memref_slice %arg10[%dma_start3A_595, %dma_start3A_596, %dma_start3A_597] : memref<8x128x32xf32, #tpu.memory_space<vmem>> -> memref<1x128x32xf32, #tpu.memory_space<vmem>>
        %dma_start3A_599 = tpu.memref_squeeze %dma_start3A_598 : memref<1x128x32xf32, #tpu.memory_space<vmem>> -> memref<128x32xf32, #tpu.memory_space<vmem>>
        %dma_start3A_600 = arith.constant 0 : i32
        %dma_start3A_601 = tpu.memref_slice %arg8[%add3A_594, %dma_start3A_600] : memref<80x128xi32, #tpu.memory_space<vmem>> -> memref<1x128xi32, #tpu.memory_space<vmem>>
        %dma_start3A_602 = tpu.memref_squeeze %dma_start3A_601 : memref<1x128xi32, #tpu.memory_space<vmem>> -> memref<128xi32, #tpu.memory_space<vmem>>
        %dma_start3A_603 = arith.constant 0 : i32
        %dma_start3A_604 = arith.constant 0 : i32
        %dma_start3A_605 = tpu.memref_slice %arg14[%dma_start3A_603, %dma_start3A_604] : memref<10000x32xf32, #tpu.memory_space<vmem_shared>> -> memref<10000x32xf32, #tpu.memory_space<vmem_shared>>
        tpu.enqueue_indirect_dma source(%dma_start3A_605 : memref<10000x32xf32, #tpu.memory_space<vmem_shared>>) target(%dma_start3A_599 : memref<128x32xf32, #tpu.memory_space<vmem>>) offsets(%dma_start3A_602 : memref<128xi32, #tpu.memory_space<vmem>>) semaphore(%arg22 : memref<!tpu.dma_semaphore, #tpu.memory_space<semaphore_mem>>)
      } else {
      }
    }
    %scan3A_417 = arith.constant 10 : i32
    %barrier3A_418 = arith.constant 0 : index
    tpu.barrier barrier_id(%barrier3A_418)
    %mul3A_419 = arith.constant 625 : i32
    %mul3A_420 = arith.muli %arg1, %mul3A_419 : i32
    %multiple_of3A_421 = tpu.assume_multiple %mul3A_420, 625 : i32
    "tpu.region"() ({
      %run_scoped3A_425 = tpu.sem_alloc : memref<!tpu.dma_semaphore, #tpu.memory_space<semaphore_mem>>
      %dma_start3A_426 = arith.constant 0 : i32
      %dma_start3A_427 = arith.constant 0 : i32
      %dma_start3A_428 = tpu.memref_slice %arg6[%arg0, %dma_start3A_426, %dma_start3A_427] : memref<2x10000x32xf32, #tpu.memory_space<hbm>> -> memref<1x10000x32xf32, #tpu.memory_space<hbm>>
      %dma_start3A_429 = tpu.memref_squeeze %dma_start3A_428 : memref<1x10000x32xf32, #tpu.memory_space<hbm>> -> memref<10000x32xf32, #tpu.memory_space<hbm>>
      %dma_start3A_430 = arith.constant 0 : i32
      %dma_start3A_431 = tpu.memref_slice %dma_start3A_429[%multiple_of3A_421, %dma_start3A_430] : memref<10000x32xf32, #tpu.memory_space<hbm>> -> memref<625x32xf32, #tpu.memory_space<hbm>>
      %dma_start3A_432 = arith.constant 0 : i32
      %dma_start3A_433 = tpu.memref_slice %arg12[%multiple_of3A_421, %dma_start3A_432] : memref<10016x32xf32, #tpu.memory_space<vmem_shared>> -> memref<625x32xf32, #tpu.memory_space<vmem_shared>>
      tpu.enqueue_dma source(%dma_start3A_433 : memref<625x32xf32, #tpu.memory_space<vmem_shared>>) target(%dma_start3A_431 : memref<625x32xf32, #tpu.memory_space<hbm>>) target_semaphore(%run_scoped3A_425 : memref<!tpu.dma_semaphore, #tpu.memory_space<semaphore_mem>>)
      %dma_wait3A = arith.constant 0 : i32
      %dma_wait3A_434 = arith.constant 0 : i32
      %dma_wait3A_435 = tpu.memref_slice %arg6[%arg0, %dma_wait3A, %dma_wait3A_434] : memref<2x10000x32xf32, #tpu.memory_space<hbm>> -> memref<1x10000x32xf32, #tpu.memory_space<hbm>>
      %dma_wait3A_436 = tpu.memref_squeeze %dma_wait3A_435 : memref<1x10000x32xf32, #tpu.memory_space<hbm>> -> memref<10000x32xf32, #tpu.memory_space<hbm>>
      %dma_wait3A_437 = arith.constant 0 : i32
      %dma_wait3A_438 = tpu.memref_slice %dma_wait3A_436[%multiple_of3A_421, %dma_wait3A_437] : memref<10000x32xf32, #tpu.memory_space<hbm>> -> memref<625x32xf32, #tpu.memory_space<hbm>>
      %dma_wait3A_439 = arith.constant 0 : i32
      %dma_wait3A_440 = tpu.memref_slice %arg12[%multiple_of3A_421, %dma_wait3A_439] : memref<10016x32xf32, #tpu.memory_space<vmem_shared>> -> memref<625x32xf32, #tpu.memory_space<vmem_shared>>
      tpu.wait_dma2 semaphore(%run_scoped3A_425 : memref<!tpu.dma_semaphore, #tpu.memory_space<semaphore_mem>>) src(%dma_wait3A_440 : memref<625x32xf32, #tpu.memory_space<vmem_shared>>) dst(%dma_wait3A_438 : memref<625x32xf32, #tpu.memory_space<hbm>>)
      tpu.yield
    }) : () -> ()
    %mul3A_422 = arith.constant 640 : i32
    %mul3A_423 = arith.muli %arg1, %mul3A_422 : i32
    %multiple_of3A_424 = tpu.assume_multiple %mul3A_423, 640 : i32
    "tpu.region"() ({
      %run_scoped3A_425 = tpu.sem_alloc : memref<!tpu.dma_semaphore, #tpu.memory_space<semaphore_mem>>
      %dma_start3A_426 = arith.constant 0 : i32
      %dma_start3A_427 = tpu.memref_slice %arg7[%arg0, %dma_start3A_426] : memref<2x10240xf32, #tpu.memory_space<hbm>> -> memref<1x10240xf32, #tpu.memory_space<hbm>>
      %dma_start3A_428 = tpu.memref_squeeze %dma_start3A_427 : memref<1x10240xf32, #tpu.memory_space<hbm>> -> memref<10240xf32, #tpu.memory_space<hbm>>
      %dma_start3A_429 = tpu.memref_slice %dma_start3A_428[%multiple_of3A_424] : memref<10240xf32, #tpu.memory_space<hbm>> -> memref<640xf32, #tpu.memory_space<hbm>>
      %dma_start3A_430 = tpu.memref_slice %arg13[%multiple_of3A_424] : memref<10240xf32, #tpu.memory_space<vmem_shared>> -> memref<640xf32, #tpu.memory_space<vmem_shared>>
      tpu.enqueue_dma source(%dma_start3A_430 : memref<640xf32, #tpu.memory_space<vmem_shared>>) target(%dma_start3A_429 : memref<640xf32, #tpu.memory_space<hbm>>) target_semaphore(%run_scoped3A_425 : memref<!tpu.dma_semaphore, #tpu.memory_space<semaphore_mem>>)
      %dma_wait3A = arith.constant 0 : i32
      %dma_wait3A_431 = tpu.memref_slice %arg7[%arg0, %dma_wait3A] : memref<2x10240xf32, #tpu.memory_space<hbm>> -> memref<1x10240xf32, #tpu.memory_space<hbm>>
      %dma_wait3A_432 = tpu.memref_squeeze %dma_wait3A_431 : memref<1x10240xf32, #tpu.memory_space<hbm>> -> memref<10240xf32, #tpu.memory_space<hbm>>
      %dma_wait3A_433 = tpu.memref_slice %dma_wait3A_432[%multiple_of3A_424] : memref<10240xf32, #tpu.memory_space<hbm>> -> memref<640xf32, #tpu.memory_space<hbm>>
      %dma_wait3A_434 = tpu.memref_slice %arg13[%multiple_of3A_424] : memref<10240xf32, #tpu.memory_space<vmem_shared>> -> memref<640xf32, #tpu.memory_space<vmem_shared>>
      tpu.wait_dma2 semaphore(%run_scoped3A_425 : memref<!tpu.dma_semaphore, #tpu.memory_space<semaphore_mem>>) src(%dma_wait3A_434 : memref<640xf32, #tpu.memory_space<vmem_shared>>) dst(%dma_wait3A_433 : memref<640xf32, #tpu.memory_space<hbm>>)
      tpu.yield
    }) : () -> ()
    return
  }
}

#map = affine_map<(d0, d1) -> (0, 0)>
#map1 = affine_map<(d0, d1) -> (0, 0, 0)>
#map2 = affine_map<(d0, d1) -> (0)>
module attributes {stable_mosaic.version = 14 : i64} {
  func.func @body(%arg0: i32, %arg1: i32, %arg2: memref<10000x32xf32, #tpu.memory_space<hbm>>, %arg3: memref<2x2500x128xi32, #tpu.memory_space<hbm>>, %arg4: memref<10016x32xf32, #tpu.memory_space<hbm>>, %arg5: memref<10240xf32, #tpu.memory_space<hbm>>, %arg6: memref<2x10000x32xf32, #tpu.memory_space<hbm>>, %arg7: memref<80x128xi32, #tpu.memory_space<vmem>>, %arg8: memref<80x128xi32, #tpu.memory_space<vmem>>, %arg9: memref<16x128x32xf32, #tpu.memory_space<vmem>>, %arg10: memref<128xf32, #tpu.memory_space<vmem>>, %arg11: memref<10016x32xf32, #tpu.memory_space<vmem_shared>>, %arg12: memref<10240xf32, #tpu.memory_space<vmem_shared>>, %arg13: memref<10000x32xf32, #tpu.memory_space<vmem_shared>>, %arg14: memref<!tpu.dma_semaphore, #tpu.memory_space<semaphore_mem>>, %arg15: memref<!tpu.dma_semaphore, #tpu.memory_space<semaphore_mem>>, %arg16: memref<!tpu.dma_semaphore, #tpu.memory_space<semaphore_mem>>, %arg17: memref<!tpu.dma_semaphore, #tpu.memory_space<semaphore_mem>>, %arg18: memref<!tpu.dma_semaphore, #tpu.memory_space<semaphore_mem>>, %arg19: memref<!tpu.dma_semaphore, #tpu.memory_space<semaphore_mem>>, %arg20: memref<!tpu.dma_semaphore, #tpu.memory_space<semaphore_mem>>, %arg21: memref<!tpu.dma_semaphore, #tpu.memory_space<semaphore_mem>>, %arg22: memref<!tpu.dma_semaphore, #tpu.memory_space<semaphore_mem>>, %arg23: memref<!tpu.dma_semaphore, #tpu.memory_space<semaphore_mem>>, %arg24: memref<!tpu.dma_semaphore, #tpu.memory_space<semaphore_mem>>, %arg25: memref<!tpu.dma_semaphore, #tpu.memory_space<semaphore_mem>>, %arg26: memref<!tpu.dma_semaphore, #tpu.memory_space<semaphore_mem>>, %arg27: memref<!tpu.dma_semaphore, #tpu.memory_space<semaphore_mem>>, %arg28: memref<!tpu.dma_semaphore, #tpu.memory_space<semaphore_mem>>, %arg29: memref<!tpu.dma_semaphore, #tpu.memory_space<semaphore_mem>>) attributes {dimension_semantics = [#tpu.dimension_semantics<core_parallel>, #tpu.dimension_semantics<subcore_parallel>], iteration_bounds = array<i64: 2, 16>, scalar_prefetch = 0 : i64, scratch_operands = 23 : i64, tpu.core_type = #tpu.core_type<sc_vector_subcore>, window_params = [{transform_indices = #map}, {transform_indices = #map1}, {transform_indices = #map}, {transform_indices = #map2}, {transform_indices = #map1}]} {
    %mul3A = arith.constant 16 : i32
    %mul3A_0 = arith.muli %arg0, %mul3A : i32
    %add3A = arith.addi %mul3A_0, %arg1 : i32
    %mul3A_1 = arith.constant 78 : i32
    %mul3A_2 = arith.muli %add3A, %mul3A_1 : i32
    %min3A = arith.constant 4 : i32
    %min3A_3 = arith.minsi %add3A, %min3A : i32
    %add3A_4 = arith.addi %mul3A_2, %min3A_3 : i32
    %broadcast_in_dim3A = arith.constant 0 : i32
    %broadcast_in_dim3A_5 = vector.broadcast %broadcast_in_dim3A : i32 to vector<16xi32>
    %swap3A = arith.constant 78 : i32
    %swap3A_6 = arith.index_cast %swap3A : i32 to index
    %swap3A_7 = arith.constant 0 : index
    %swap3A_8 = tpu.vector_load %arg7[%swap3A_6, %swap3A_7] {strides = array<i32>} : memref<80x128xi32, #tpu.memory_space<vmem>>, vector<1x16xi32>,
    %swap3A_9 = vector.shape_cast %swap3A_8 : vector<1x16xi32> to vector<16xi32>
    %swap3A_10 = vector.shape_cast %broadcast_in_dim3A_5 : vector<16xi32> to vector<1x16xi32>
    tpu.vector_store %arg7[%swap3A_6, %swap3A_7], %swap3A_10 {strides = array<i32>} : memref<80x128xi32, #tpu.memory_space<vmem>>, vector<1x16xi32>,
    %broadcast_in_dim3A_11 = arith.constant 10000 : i32
    %broadcast_in_dim3A_12 = vector.broadcast %broadcast_in_dim3A_11 : i32 to vector<16xi32>
    %swap3A_13 = arith.constant 78 : i32
    %swap3A_14 = arith.index_cast %swap3A_13 : i32 to index
    %swap3A_15 = arith.constant 0 : index
    %swap3A_16 = tpu.vector_load %arg8[%swap3A_14, %swap3A_15] {strides = array<i32>} : memref<80x128xi32, #tpu.memory_space<vmem>>, vector<1x16xi32>,
    %swap3A_17 = vector.shape_cast %swap3A_16 : vector<1x16xi32> to vector<16xi32>
    %swap3A_18 = vector.shape_cast %broadcast_in_dim3A_12 : vector<16xi32> to vector<1x16xi32>
    tpu.vector_store %arg8[%swap3A_14, %swap3A_15], %swap3A_18 {strides = array<i32>} : memref<80x128xi32, #tpu.memory_space<vmem>>, vector<1x16xi32>,
    %broadcast_in_dim3A_19 = arith.constant 0 : i32
    %broadcast_in_dim3A_20 = vector.broadcast %broadcast_in_dim3A_19 : i32 to vector<16xi32>
    %swap3A_21 = arith.constant 78 : i32
    %swap3A_22 = arith.index_cast %swap3A_21 : i32 to index
    %swap3A_23 = arith.constant 16 : index
    %swap3A_24 = tpu.vector_load %arg7[%swap3A_22, %swap3A_23] {strides = array<i32>} : memref<80x128xi32, #tpu.memory_space<vmem>>, vector<1x16xi32>,
    %swap3A_25 = vector.shape_cast %swap3A_24 : vector<1x16xi32> to vector<16xi32>
    %swap3A_26 = vector.shape_cast %broadcast_in_dim3A_20 : vector<16xi32> to vector<1x16xi32>
    tpu.vector_store %arg7[%swap3A_22, %swap3A_23], %swap3A_26 {strides = array<i32>} : memref<80x128xi32, #tpu.memory_space<vmem>>, vector<1x16xi32>,
    %broadcast_in_dim3A_27 = arith.constant 10000 : i32
    %broadcast_in_dim3A_28 = vector.broadcast %broadcast_in_dim3A_27 : i32 to vector<16xi32>
    %swap3A_29 = arith.constant 78 : i32
    %swap3A_30 = arith.index_cast %swap3A_29 : i32 to index
    %swap3A_31 = arith.constant 16 : index
    %swap3A_32 = tpu.vector_load %arg8[%swap3A_30, %swap3A_31] {strides = array<i32>} : memref<80x128xi32, #tpu.memory_space<vmem>>, vector<1x16xi32>,
    %swap3A_33 = vector.shape_cast %swap3A_32 : vector<1x16xi32> to vector<16xi32>
    %swap3A_34 = vector.shape_cast %broadcast_in_dim3A_28 : vector<16xi32> to vector<1x16xi32>
    tpu.vector_store %arg8[%swap3A_30, %swap3A_31], %swap3A_34 {strides = array<i32>} : memref<80x128xi32, #tpu.memory_space<vmem>>, vector<1x16xi32>,
    %broadcast_in_dim3A_35 = arith.constant 0 : i32
    %broadcast_in_dim3A_36 = vector.broadcast %broadcast_in_dim3A_35 : i32 to vector<16xi32>
    %swap3A_37 = arith.constant 78 : i32
    %swap3A_38 = arith.index_cast %swap3A_37 : i32 to index
    %swap3A_39 = arith.constant 32 : index
    %swap3A_40 = tpu.vector_load %arg7[%swap3A_38, %swap3A_39] {strides = array<i32>} : memref<80x128xi32, #tpu.memory_space<vmem>>, vector<1x16xi32>,
    %swap3A_41 = vector.shape_cast %swap3A_40 : vector<1x16xi32> to vector<16xi32>
    %swap3A_42 = vector.shape_cast %broadcast_in_dim3A_36 : vector<16xi32> to vector<1x16xi32>
    tpu.vector_store %arg7[%swap3A_38, %swap3A_39], %swap3A_42 {strides = array<i32>} : memref<80x128xi32, #tpu.memory_space<vmem>>, vector<1x16xi32>,
    %broadcast_in_dim3A_43 = arith.constant 10000 : i32
    %broadcast_in_dim3A_44 = vector.broadcast %broadcast_in_dim3A_43 : i32 to vector<16xi32>
    %swap3A_45 = arith.constant 78 : i32
    %swap3A_46 = arith.index_cast %swap3A_45 : i32 to index
    %swap3A_47 = arith.constant 32 : index
    %swap3A_48 = tpu.vector_load %arg8[%swap3A_46, %swap3A_47] {strides = array<i32>} : memref<80x128xi32, #tpu.memory_space<vmem>>, vector<1x16xi32>,
    %swap3A_49 = vector.shape_cast %swap3A_48 : vector<1x16xi32> to vector<16xi32>
    %swap3A_50 = vector.shape_cast %broadcast_in_dim3A_44 : vector<16xi32> to vector<1x16xi32>
    tpu.vector_store %arg8[%swap3A_46, %swap3A_47], %swap3A_50 {strides = array<i32>} : memref<80x128xi32, #tpu.memory_space<vmem>>, vector<1x16xi32>,
    %broadcast_in_dim3A_51 = arith.constant 0 : i32
    %broadcast_in_dim3A_52 = vector.broadcast %broadcast_in_dim3A_51 : i32 to vector<16xi32>
    %swap3A_53 = arith.constant 78 : i32
    %swap3A_54 = arith.index_cast %swap3A_53 : i32 to index
    %swap3A_55 = arith.constant 48 : index
    %swap3A_56 = tpu.vector_load %arg7[%swap3A_54, %swap3A_55] {strides = array<i32>} : memref<80x128xi32, #tpu.memory_space<vmem>>, vector<1x16xi32>,
    %swap3A_57 = vector.shape_cast %swap3A_56 : vector<1x16xi32> to vector<16xi32>
    %swap3A_58 = vector.shape_cast %broadcast_in_dim3A_52 : vector<16xi32> to vector<1x16xi32>
    tpu.vector_store %arg7[%swap3A_54, %swap3A_55], %swap3A_58 {strides = array<i32>} : memref<80x128xi32, #tpu.memory_space<vmem>>, vector<1x16xi32>,
    %broadcast_in_dim3A_59 = arith.constant 10000 : i32
    %broadcast_in_dim3A_60 = vector.broadcast %broadcast_in_dim3A_59 : i32 to vector<16xi32>
    %swap3A_61 = arith.constant 78 : i32
    %swap3A_62 = arith.index_cast %swap3A_61 : i32 to index
    %swap3A_63 = arith.constant 48 : index
    %swap3A_64 = tpu.vector_load %arg8[%swap3A_62, %swap3A_63] {strides = array<i32>} : memref<80x128xi32, #tpu.memory_space<vmem>>, vector<1x16xi32>,
    %swap3A_65 = vector.shape_cast %swap3A_64 : vector<1x16xi32> to vector<16xi32>
    %swap3A_66 = vector.shape_cast %broadcast_in_dim3A_60 : vector<16xi32> to vector<1x16xi32>
    tpu.vector_store %arg8[%swap3A_62, %swap3A_63], %swap3A_66 {strides = array<i32>} : memref<80x128xi32, #tpu.memory_space<vmem>>, vector<1x16xi32>,
    %broadcast_in_dim3A_67 = arith.constant 0 : i32
    %broadcast_in_dim3A_68 = vector.broadcast %broadcast_in_dim3A_67 : i32 to vector<16xi32>
    %swap3A_69 = arith.constant 78 : i32
    %swap3A_70 = arith.index_cast %swap3A_69 : i32 to index
    %swap3A_71 = arith.constant 64 : index
    %swap3A_72 = tpu.vector_load %arg7[%swap3A_70, %swap3A_71] {strides = array<i32>} : memref<80x128xi32, #tpu.memory_space<vmem>>, vector<1x16xi32>,
    %swap3A_73 = vector.shape_cast %swap3A_72 : vector<1x16xi32> to vector<16xi32>
    %swap3A_74 = vector.shape_cast %broadcast_in_dim3A_68 : vector<16xi32> to vector<1x16xi32>
    tpu.vector_store %arg7[%swap3A_70, %swap3A_71], %swap3A_74 {strides = array<i32>} : memref<80x128xi32, #tpu.memory_space<vmem>>, vector<1x16xi32>,
    %broadcast_in_dim3A_75 = arith.constant 10000 : i32
    %broadcast_in_dim3A_76 = vector.broadcast %broadcast_in_dim3A_75 : i32 to vector<16xi32>
    %swap3A_77 = arith.constant 78 : i32
    %swap3A_78 = arith.index_cast %swap3A_77 : i32 to index
    %swap3A_79 = arith.constant 64 : index
    %swap3A_80 = tpu.vector_load %arg8[%swap3A_78, %swap3A_79] {strides = array<i32>} : memref<80x128xi32, #tpu.memory_space<vmem>>, vector<1x16xi32>,
    %swap3A_81 = vector.shape_cast %swap3A_80 : vector<1x16xi32> to vector<16xi32>
    %swap3A_82 = vector.shape_cast %broadcast_in_dim3A_76 : vector<16xi32> to vector<1x16xi32>
    tpu.vector_store %arg8[%swap3A_78, %swap3A_79], %swap3A_82 {strides = array<i32>} : memref<80x128xi32, #tpu.memory_space<vmem>>, vector<1x16xi32>,
    %broadcast_in_dim3A_83 = arith.constant 0 : i32
    %broadcast_in_dim3A_84 = vector.broadcast %broadcast_in_dim3A_83 : i32 to vector<16xi32>
    %swap3A_85 = arith.constant 78 : i32
    %swap3A_86 = arith.index_cast %swap3A_85 : i32 to index
    %swap3A_87 = arith.constant 80 : index
    %swap3A_88 = tpu.vector_load %arg7[%swap3A_86, %swap3A_87] {strides = array<i32>} : memref<80x128xi32, #tpu.memory_space<vmem>>, vector<1x16xi32>,
    %swap3A_89 = vector.shape_cast %swap3A_88 : vector<1x16xi32> to vector<16xi32>
    %swap3A_90 = vector.shape_cast %broadcast_in_dim3A_84 : vector<16xi32> to vector<1x16xi32>
    tpu.vector_store %arg7[%swap3A_86, %swap3A_87], %swap3A_90 {strides = array<i32>} : memref<80x128xi32, #tpu.memory_space<vmem>>, vector<1x16xi32>,
    %broadcast_in_dim3A_91 = arith.constant 10000 : i32
    %broadcast_in_dim3A_92 = vector.broadcast %broadcast_in_dim3A_91 : i32 to vector<16xi32>
    %swap3A_93 = arith.constant 78 : i32
    %swap3A_94 = arith.index_cast %swap3A_93 : i32 to index
    %swap3A_95 = arith.constant 80 : index
    %swap3A_96 = tpu.vector_load %arg8[%swap3A_94, %swap3A_95] {strides = array<i32>} : memref<80x128xi32, #tpu.memory_space<vmem>>, vector<1x16xi32>,
    %swap3A_97 = vector.shape_cast %swap3A_96 : vector<1x16xi32> to vector<16xi32>
    %swap3A_98 = vector.shape_cast %broadcast_in_dim3A_92 : vector<16xi32> to vector<1x16xi32>
    tpu.vector_store %arg8[%swap3A_94, %swap3A_95], %swap3A_98 {strides = array<i32>} : memref<80x128xi32, #tpu.memory_space<vmem>>, vector<1x16xi32>,
    %broadcast_in_dim3A_99 = arith.constant 0 : i32
    %broadcast_in_dim3A_100 = vector.broadcast %broadcast_in_dim3A_99 : i32 to vector<16xi32>
    %swap3A_101 = arith.constant 78 : i32
    %swap3A_102 = arith.index_cast %swap3A_101 : i32 to index
    %swap3A_103 = arith.constant 96 : index
    %swap3A_104 = tpu.vector_load %arg7[%swap3A_102, %swap3A_103] {strides = array<i32>} : memref<80x128xi32, #tpu.memory_space<vmem>>, vector<1x16xi32>,
    %swap3A_105 = vector.shape_cast %swap3A_104 : vector<1x16xi32> to vector<16xi32>
    %swap3A_106 = vector.shape_cast %broadcast_in_dim3A_100 : vector<16xi32> to vector<1x16xi32>
    tpu.vector_store %arg7[%swap3A_102, %swap3A_103], %swap3A_106 {strides = array<i32>} : memref<80x128xi32, #tpu.memory_space<vmem>>, vector<1x16xi32>,
    %broadcast_in_dim3A_107 = arith.constant 10000 : i32
    %broadcast_in_dim3A_108 = vector.broadcast %broadcast_in_dim3A_107 : i32 to vector<16xi32>
    %swap3A_109 = arith.constant 78 : i32
    %swap3A_110 = arith.index_cast %swap3A_109 : i32 to index
    %swap3A_111 = arith.constant 96 : index
    %swap3A_112 = tpu.vector_load %arg8[%swap3A_110, %swap3A_111] {strides = array<i32>} : memref<80x128xi32, #tpu.memory_space<vmem>>, vector<1x16xi32>,
    %swap3A_113 = vector.shape_cast %swap3A_112 : vector<1x16xi32> to vector<16xi32>
    %swap3A_114 = vector.shape_cast %broadcast_in_dim3A_108 : vector<16xi32> to vector<1x16xi32>
    tpu.vector_store %arg8[%swap3A_110, %swap3A_111], %swap3A_114 {strides = array<i32>} : memref<80x128xi32, #tpu.memory_space<vmem>>, vector<1x16xi32>,
    %broadcast_in_dim3A_115 = arith.constant 0 : i32
    %broadcast_in_dim3A_116 = vector.broadcast %broadcast_in_dim3A_115 : i32 to vector<16xi32>
    %swap3A_117 = arith.constant 78 : i32
    %swap3A_118 = arith.index_cast %swap3A_117 : i32 to index
    %swap3A_119 = arith.constant 112 : index
    %swap3A_120 = tpu.vector_load %arg7[%swap3A_118, %swap3A_119] {strides = array<i32>} : memref<80x128xi32, #tpu.memory_space<vmem>>, vector<1x16xi32>,
    %swap3A_121 = vector.shape_cast %swap3A_120 : vector<1x16xi32> to vector<16xi32>
    %swap3A_122 = vector.shape_cast %broadcast_in_dim3A_116 : vector<16xi32> to vector<1x16xi32>
    tpu.vector_store %arg7[%swap3A_118, %swap3A_119], %swap3A_122 {strides = array<i32>} : memref<80x128xi32, #tpu.memory_space<vmem>>, vector<1x16xi32>,
    %broadcast_in_dim3A_123 = arith.constant 10000 : i32
    %broadcast_in_dim3A_124 = vector.broadcast %broadcast_in_dim3A_123 : i32 to vector<16xi32>
    %swap3A_125 = arith.constant 78 : i32
    %swap3A_126 = arith.index_cast %swap3A_125 : i32 to index
    %swap3A_127 = arith.constant 112 : index
    %swap3A_128 = tpu.vector_load %arg8[%swap3A_126, %swap3A_127] {strides = array<i32>} : memref<80x128xi32, #tpu.memory_space<vmem>>, vector<1x16xi32>,
    %swap3A_129 = vector.shape_cast %swap3A_128 : vector<1x16xi32> to vector<16xi32>
    %swap3A_130 = vector.shape_cast %broadcast_in_dim3A_124 : vector<16xi32> to vector<1x16xi32>
    tpu.vector_store %arg8[%swap3A_126, %swap3A_127], %swap3A_130 {strides = array<i32>} : memref<80x128xi32, #tpu.memory_space<vmem>>, vector<1x16xi32>,
    %broadcast_in_dim3A_131 = arith.constant 0 : i32
    %broadcast_in_dim3A_132 = vector.broadcast %broadcast_in_dim3A_131 : i32 to vector<16xi32>
    %swap3A_133 = arith.constant 79 : i32
    %swap3A_134 = arith.index_cast %swap3A_133 : i32 to index
    %swap3A_135 = arith.constant 0 : index
    %swap3A_136 = tpu.vector_load %arg7[%swap3A_134, %swap3A_135] {strides = array<i32>} : memref<80x128xi32, #tpu.memory_space<vmem>>, vector<1x16xi32>,
    %swap3A_137 = vector.shape_cast %swap3A_136 : vector<1x16xi32> to vector<16xi32>
    %swap3A_138 = vector.shape_cast %broadcast_in_dim3A_132 : vector<16xi32> to vector<1x16xi32>
    tpu.vector_store %arg7[%swap3A_134, %swap3A_135], %swap3A_138 {strides = array<i32>} : memref<80x128xi32, #tpu.memory_space<vmem>>, vector<1x16xi32>,
    %broadcast_in_dim3A_139 = arith.constant 10000 : i32
    %broadcast_in_dim3A_140 = vector.broadcast %broadcast_in_dim3A_139 : i32 to vector<16xi32>
    %swap3A_141 = arith.constant 79 : i32
    %swap3A_142 = arith.index_cast %swap3A_141 : i32 to index
    %swap3A_143 = arith.constant 0 : index
    %swap3A_144 = tpu.vector_load %arg8[%swap3A_142, %swap3A_143] {strides = array<i32>} : memref<80x128xi32, #tpu.memory_space<vmem>>, vector<1x16xi32>,
    %swap3A_145 = vector.shape_cast %swap3A_144 : vector<1x16xi32> to vector<16xi32>
    %swap3A_146 = vector.shape_cast %broadcast_in_dim3A_140 : vector<16xi32> to vector<1x16xi32>
    tpu.vector_store %arg8[%swap3A_142, %swap3A_143], %swap3A_146 {strides = array<i32>} : memref<80x128xi32, #tpu.memory_space<vmem>>, vector<1x16xi32>,
    %broadcast_in_dim3A_147 = arith.constant 0 : i32
    %broadcast_in_dim3A_148 = vector.broadcast %broadcast_in_dim3A_147 : i32 to vector<16xi32>
    %swap3A_149 = arith.constant 79 : i32
    %swap3A_150 = arith.index_cast %swap3A_149 : i32 to index
    %swap3A_151 = arith.constant 16 : index
    %swap3A_152 = tpu.vector_load %arg7[%swap3A_150, %swap3A_151] {strides = array<i32>} : memref<80x128xi32, #tpu.memory_space<vmem>>, vector<1x16xi32>,
    %swap3A_153 = vector.shape_cast %swap3A_152 : vector<1x16xi32> to vector<16xi32>
    %swap3A_154 = vector.shape_cast %broadcast_in_dim3A_148 : vector<16xi32> to vector<1x16xi32>
    tpu.vector_store %arg7[%swap3A_150, %swap3A_151], %swap3A_154 {strides = array<i32>} : memref<80x128xi32, #tpu.memory_space<vmem>>, vector<1x16xi32>,
    %broadcast_in_dim3A_155 = arith.constant 10000 : i32
    %broadcast_in_dim3A_156 = vector.broadcast %broadcast_in_dim3A_155 : i32 to vector<16xi32>
    %swap3A_157 = arith.constant 79 : i32
    %swap3A_158 = arith.index_cast %swap3A_157 : i32 to index
    %swap3A_159 = arith.constant 16 : index
    %swap3A_160 = tpu.vector_load %arg8[%swap3A_158, %swap3A_159] {strides = array<i32>} : memref<80x128xi32, #tpu.memory_space<vmem>>, vector<1x16xi32>,
    %swap3A_161 = vector.shape_cast %swap3A_160 : vector<1x16xi32> to vector<16xi32>
    %swap3A_162 = vector.shape_cast %broadcast_in_dim3A_156 : vector<16xi32> to vector<1x16xi32>
    tpu.vector_store %arg8[%swap3A_158, %swap3A_159], %swap3A_162 {strides = array<i32>} : memref<80x128xi32, #tpu.memory_space<vmem>>, vector<1x16xi32>,
    %broadcast_in_dim3A_163 = arith.constant 0 : i32
    %broadcast_in_dim3A_164 = vector.broadcast %broadcast_in_dim3A_163 : i32 to vector<16xi32>
    %swap3A_165 = arith.constant 79 : i32
    %swap3A_166 = arith.index_cast %swap3A_165 : i32 to index
    %swap3A_167 = arith.constant 32 : index
    %swap3A_168 = tpu.vector_load %arg7[%swap3A_166, %swap3A_167] {strides = array<i32>} : memref<80x128xi32, #tpu.memory_space<vmem>>, vector<1x16xi32>,
    %swap3A_169 = vector.shape_cast %swap3A_168 : vector<1x16xi32> to vector<16xi32>
    %swap3A_170 = vector.shape_cast %broadcast_in_dim3A_164 : vector<16xi32> to vector<1x16xi32>
    tpu.vector_store %arg7[%swap3A_166, %swap3A_167], %swap3A_170 {strides = array<i32>} : memref<80x128xi32, #tpu.memory_space<vmem>>, vector<1x16xi32>,
    %broadcast_in_dim3A_171 = arith.constant 10000 : i32
    %broadcast_in_dim3A_172 = vector.broadcast %broadcast_in_dim3A_171 : i32 to vector<16xi32>
    %swap3A_173 = arith.constant 79 : i32
    %swap3A_174 = arith.index_cast %swap3A_173 : i32 to index
    %swap3A_175 = arith.constant 32 : index
    %swap3A_176 = tpu.vector_load %arg8[%swap3A_174, %swap3A_175] {strides = array<i32>} : memref<80x128xi32, #tpu.memory_space<vmem>>, vector<1x16xi32>,
    %swap3A_177 = vector.shape_cast %swap3A_176 : vector<1x16xi32> to vector<16xi32>
    %swap3A_178 = vector.shape_cast %broadcast_in_dim3A_172 : vector<16xi32> to vector<1x16xi32>
    tpu.vector_store %arg8[%swap3A_174, %swap3A_175], %swap3A_178 {strides = array<i32>} : memref<80x128xi32, #tpu.memory_space<vmem>>, vector<1x16xi32>,
    %broadcast_in_dim3A_179 = arith.constant 0 : i32
    %broadcast_in_dim3A_180 = vector.broadcast %broadcast_in_dim3A_179 : i32 to vector<16xi32>
    %swap3A_181 = arith.constant 79 : i32
    %swap3A_182 = arith.index_cast %swap3A_181 : i32 to index
    %swap3A_183 = arith.constant 48 : index
    %swap3A_184 = tpu.vector_load %arg7[%swap3A_182, %swap3A_183] {strides = array<i32>} : memref<80x128xi32, #tpu.memory_space<vmem>>, vector<1x16xi32>,
    %swap3A_185 = vector.shape_cast %swap3A_184 : vector<1x16xi32> to vector<16xi32>
    %swap3A_186 = vector.shape_cast %broadcast_in_dim3A_180 : vector<16xi32> to vector<1x16xi32>
    tpu.vector_store %arg7[%swap3A_182, %swap3A_183], %swap3A_186 {strides = array<i32>} : memref<80x128xi32, #tpu.memory_space<vmem>>, vector<1x16xi32>,
    %broadcast_in_dim3A_187 = arith.constant 10000 : i32
    %broadcast_in_dim3A_188 = vector.broadcast %broadcast_in_dim3A_187 : i32 to vector<16xi32>
    %swap3A_189 = arith.constant 79 : i32
    %swap3A_190 = arith.index_cast %swap3A_189 : i32 to index
    %swap3A_191 = arith.constant 48 : index
    %swap3A_192 = tpu.vector_load %arg8[%swap3A_190, %swap3A_191] {strides = array<i32>} : memref<80x128xi32, #tpu.memory_space<vmem>>, vector<1x16xi32>,
    %swap3A_193 = vector.shape_cast %swap3A_192 : vector<1x16xi32> to vector<16xi32>
    %swap3A_194 = vector.shape_cast %broadcast_in_dim3A_188 : vector<16xi32> to vector<1x16xi32>
    tpu.vector_store %arg8[%swap3A_190, %swap3A_191], %swap3A_194 {strides = array<i32>} : memref<80x128xi32, #tpu.memory_space<vmem>>, vector<1x16xi32>,
    %broadcast_in_dim3A_195 = arith.constant 0 : i32
    %broadcast_in_dim3A_196 = vector.broadcast %broadcast_in_dim3A_195 : i32 to vector<16xi32>
    %swap3A_197 = arith.constant 79 : i32
    %swap3A_198 = arith.index_cast %swap3A_197 : i32 to index
    %swap3A_199 = arith.constant 64 : index
    %swap3A_200 = tpu.vector_load %arg7[%swap3A_198, %swap3A_199] {strides = array<i32>} : memref<80x128xi32, #tpu.memory_space<vmem>>, vector<1x16xi32>,
    %swap3A_201 = vector.shape_cast %swap3A_200 : vector<1x16xi32> to vector<16xi32>
    %swap3A_202 = vector.shape_cast %broadcast_in_dim3A_196 : vector<16xi32> to vector<1x16xi32>
    tpu.vector_store %arg7[%swap3A_198, %swap3A_199], %swap3A_202 {strides = array<i32>} : memref<80x128xi32, #tpu.memory_space<vmem>>, vector<1x16xi32>,
    %broadcast_in_dim3A_203 = arith.constant 10000 : i32
    %broadcast_in_dim3A_204 = vector.broadcast %broadcast_in_dim3A_203 : i32 to vector<16xi32>
    %swap3A_205 = arith.constant 79 : i32
    %swap3A_206 = arith.index_cast %swap3A_205 : i32 to index
    %swap3A_207 = arith.constant 64 : index
    %swap3A_208 = tpu.vector_load %arg8[%swap3A_206, %swap3A_207] {strides = array<i32>} : memref<80x128xi32, #tpu.memory_space<vmem>>, vector<1x16xi32>,
    %swap3A_209 = vector.shape_cast %swap3A_208 : vector<1x16xi32> to vector<16xi32>
    %swap3A_210 = vector.shape_cast %broadcast_in_dim3A_204 : vector<16xi32> to vector<1x16xi32>
    tpu.vector_store %arg8[%swap3A_206, %swap3A_207], %swap3A_210 {strides = array<i32>} : memref<80x128xi32, #tpu.memory_space<vmem>>, vector<1x16xi32>,
    %broadcast_in_dim3A_211 = arith.constant 0 : i32
    %broadcast_in_dim3A_212 = vector.broadcast %broadcast_in_dim3A_211 : i32 to vector<16xi32>
    %swap3A_213 = arith.constant 79 : i32
    %swap3A_214 = arith.index_cast %swap3A_213 : i32 to index
    %swap3A_215 = arith.constant 80 : index
    %swap3A_216 = tpu.vector_load %arg7[%swap3A_214, %swap3A_215] {strides = array<i32>} : memref<80x128xi32, #tpu.memory_space<vmem>>, vector<1x16xi32>,
    %swap3A_217 = vector.shape_cast %swap3A_216 : vector<1x16xi32> to vector<16xi32>
    %swap3A_218 = vector.shape_cast %broadcast_in_dim3A_212 : vector<16xi32> to vector<1x16xi32>
    tpu.vector_store %arg7[%swap3A_214, %swap3A_215], %swap3A_218 {strides = array<i32>} : memref<80x128xi32, #tpu.memory_space<vmem>>, vector<1x16xi32>,
    %broadcast_in_dim3A_219 = arith.constant 10000 : i32
    %broadcast_in_dim3A_220 = vector.broadcast %broadcast_in_dim3A_219 : i32 to vector<16xi32>
    %swap3A_221 = arith.constant 79 : i32
    %swap3A_222 = arith.index_cast %swap3A_221 : i32 to index
    %swap3A_223 = arith.constant 80 : index
    %swap3A_224 = tpu.vector_load %arg8[%swap3A_222, %swap3A_223] {strides = array<i32>} : memref<80x128xi32, #tpu.memory_space<vmem>>, vector<1x16xi32>,
    %swap3A_225 = vector.shape_cast %swap3A_224 : vector<1x16xi32> to vector<16xi32>
    %swap3A_226 = vector.shape_cast %broadcast_in_dim3A_220 : vector<16xi32> to vector<1x16xi32>
    tpu.vector_store %arg8[%swap3A_222, %swap3A_223], %swap3A_226 {strides = array<i32>} : memref<80x128xi32, #tpu.memory_space<vmem>>, vector<1x16xi32>,
    %broadcast_in_dim3A_227 = arith.constant 0 : i32
    %broadcast_in_dim3A_228 = vector.broadcast %broadcast_in_dim3A_227 : i32 to vector<16xi32>
    %swap3A_229 = arith.constant 79 : i32
    %swap3A_230 = arith.index_cast %swap3A_229 : i32 to index
    %swap3A_231 = arith.constant 96 : index
    %swap3A_232 = tpu.vector_load %arg7[%swap3A_230, %swap3A_231] {strides = array<i32>} : memref<80x128xi32, #tpu.memory_space<vmem>>, vector<1x16xi32>,
    %swap3A_233 = vector.shape_cast %swap3A_232 : vector<1x16xi32> to vector<16xi32>
    %swap3A_234 = vector.shape_cast %broadcast_in_dim3A_228 : vector<16xi32> to vector<1x16xi32>
    tpu.vector_store %arg7[%swap3A_230, %swap3A_231], %swap3A_234 {strides = array<i32>} : memref<80x128xi32, #tpu.memory_space<vmem>>, vector<1x16xi32>,
    %broadcast_in_dim3A_235 = arith.constant 10000 : i32
    %broadcast_in_dim3A_236 = vector.broadcast %broadcast_in_dim3A_235 : i32 to vector<16xi32>
    %swap3A_237 = arith.constant 79 : i32
    %swap3A_238 = arith.index_cast %swap3A_237 : i32 to index
    %swap3A_239 = arith.constant 96 : index
    %swap3A_240 = tpu.vector_load %arg8[%swap3A_238, %swap3A_239] {strides = array<i32>} : memref<80x128xi32, #tpu.memory_space<vmem>>, vector<1x16xi32>,
    %swap3A_241 = vector.shape_cast %swap3A_240 : vector<1x16xi32> to vector<16xi32>
    %swap3A_242 = vector.shape_cast %broadcast_in_dim3A_236 : vector<16xi32> to vector<1x16xi32>
    tpu.vector_store %arg8[%swap3A_238, %swap3A_239], %swap3A_242 {strides = array<i32>} : memref<80x128xi32, #tpu.memory_space<vmem>>, vector<1x16xi32>,
    %broadcast_in_dim3A_243 = arith.constant 0 : i32
    %broadcast_in_dim3A_244 = vector.broadcast %broadcast_in_dim3A_243 : i32 to vector<16xi32>
    %swap3A_245 = arith.constant 79 : i32
    %swap3A_246 = arith.index_cast %swap3A_245 : i32 to index
    %swap3A_247 = arith.constant 112 : index
    %swap3A_248 = tpu.vector_load %arg7[%swap3A_246, %swap3A_247] {strides = array<i32>} : memref<80x128xi32, #tpu.memory_space<vmem>>, vector<1x16xi32>,
    %swap3A_249 = vector.shape_cast %swap3A_248 : vector<1x16xi32> to vector<16xi32>
    %swap3A_250 = vector.shape_cast %broadcast_in_dim3A_244 : vector<16xi32> to vector<1x16xi32>
    tpu.vector_store %arg7[%swap3A_246, %swap3A_247], %swap3A_250 {strides = array<i32>} : memref<80x128xi32, #tpu.memory_space<vmem>>, vector<1x16xi32>,
    %broadcast_in_dim3A_251 = arith.constant 10000 : i32
    %broadcast_in_dim3A_252 = vector.broadcast %broadcast_in_dim3A_251 : i32 to vector<16xi32>
    %swap3A_253 = arith.constant 79 : i32
    %swap3A_254 = arith.index_cast %swap3A_253 : i32 to index
    %swap3A_255 = arith.constant 112 : index
    %swap3A_256 = tpu.vector_load %arg8[%swap3A_254, %swap3A_255] {strides = array<i32>} : memref<80x128xi32, #tpu.memory_space<vmem>>, vector<1x16xi32>,
    %swap3A_257 = vector.shape_cast %swap3A_256 : vector<1x16xi32> to vector<16xi32>
    %swap3A_258 = vector.shape_cast %broadcast_in_dim3A_252 : vector<16xi32> to vector<1x16xi32>
    tpu.vector_store %arg8[%swap3A_254, %swap3A_255], %swap3A_258 {strides = array<i32>} : memref<80x128xi32, #tpu.memory_space<vmem>>, vector<1x16xi32>,
    %run_scoped3A = arith.constant 0 : i32
    "tpu.region"() ({
      %run_scoped3A_467 = tpu.sem_alloc : memref<!tpu.dma_semaphore, #tpu.memory_space<semaphore_mem>>
      %dma_start3A_468 = arith.constant 0 : i32
      %dma_start3A_469 = arith.constant 0 : i32
      %dma_start3A_470 = tpu.memref_slice %arg7[%dma_start3A_468, %dma_start3A_469] : memref<80x128xi32, #tpu.memory_space<vmem>> -> memref<78x128xi32, #tpu.memory_space<vmem>>
      %dma_start3A_471 = arith.constant 0 : i32
      %dma_start3A_472 = arith.constant 0 : i32
      %dma_start3A_473 = tpu.memref_slice %arg3[%run_scoped3A, %dma_start3A_471, %dma_start3A_472] : memref<2x2500x128xi32, #tpu.memory_space<hbm>> -> memref<1x2500x128xi32, #tpu.memory_space<hbm>>
      %dma_start3A_474 = tpu.memref_squeeze %dma_start3A_473 : memref<1x2500x128xi32, #tpu.memory_space<hbm>> -> memref<2500x128xi32, #tpu.memory_space<hbm>>
      %dma_start3A_475 = arith.constant 0 : i32
      %dma_start3A_476 = tpu.memref_slice %dma_start3A_474[%add3A_4, %dma_start3A_475] : memref<2500x128xi32, #tpu.memory_space<hbm>> -> memref<78x128xi32, #tpu.memory_space<hbm>>
      %dma_start3A_477 = arith.constant 0 : i32
      %dma_start3A_478 = arith.constant 0 : i32
      %dma_start3A_479 = tpu.memref_slice %arg7[%dma_start3A_477, %dma_start3A_478] : memref<80x128xi32, #tpu.memory_space<vmem>> -> memref<78x128xi32, #tpu.memory_space<vmem>>
      %dma_start3A_480 = arith.constant 0 : i32
      %dma_start3A_481 = arith.constant 0 : i32
      %dma_start3A_482 = tpu.memref_slice %arg3[%run_scoped3A, %dma_start3A_480, %dma_start3A_481] : memref<2x2500x128xi32, #tpu.memory_space<hbm>> -> memref<1x2500x128xi32, #tpu.memory_space<hbm>>
      %dma_start3A_483 = tpu.memref_squeeze %dma_start3A_482 : memref<1x2500x128xi32, #tpu.memory_space<hbm>> -> memref<2500x128xi32, #tpu.memory_space<hbm>>
      %dma_start3A_484 = arith.constant 0 : i32
      %dma_start3A_485 = tpu.memref_slice %dma_start3A_483[%add3A_4, %dma_start3A_484] : memref<2500x128xi32, #tpu.memory_space<hbm>> -> memref<78x128xi32, #tpu.memory_space<hbm>>
      tpu.enqueue_dma source(%dma_start3A_485 : memref<78x128xi32, #tpu.memory_space<hbm>>) target(%dma_start3A_479 : memref<78x128xi32, #tpu.memory_space<vmem>>) target_semaphore(%run_scoped3A_467 : memref<!tpu.dma_semaphore, #tpu.memory_space<semaphore_mem>>)
      %dma_wait3A = arith.constant 0 : i32
      %dma_wait3A_486 = arith.constant 0 : i32
      %dma_wait3A_487 = tpu.memref_slice %arg7[%dma_wait3A, %dma_wait3A_486] : memref<80x128xi32, #tpu.memory_space<vmem>> -> memref<78x128xi32, #tpu.memory_space<vmem>>
      %dma_wait3A_488 = arith.constant 0 : i32
      %dma_wait3A_489 = arith.constant 0 : i32
      %dma_wait3A_490 = tpu.memref_slice %arg3[%run_scoped3A, %dma_wait3A_488, %dma_wait3A_489] : memref<2x2500x128xi32, #tpu.memory_space<hbm>> -> memref<1x2500x128xi32, #tpu.memory_space<hbm>>
      %dma_wait3A_491 = tpu.memref_squeeze %dma_wait3A_490 : memref<1x2500x128xi32, #tpu.memory_space<hbm>> -> memref<2500x128xi32, #tpu.memory_space<hbm>>
      %dma_wait3A_492 = arith.constant 0 : i32
      %dma_wait3A_493 = tpu.memref_slice %dma_wait3A_491[%add3A_4, %dma_wait3A_492] : memref<2500x128xi32, #tpu.memory_space<hbm>> -> memref<78x128xi32, #tpu.memory_space<hbm>>
      %dma_wait3A_494 = arith.constant 0 : i32
      %dma_wait3A_495 = arith.constant 0 : i32
      %dma_wait3A_496 = tpu.memref_slice %arg7[%dma_wait3A_494, %dma_wait3A_495] : memref<80x128xi32, #tpu.memory_space<vmem>> -> memref<78x128xi32, #tpu.memory_space<vmem>>
      %dma_wait3A_497 = arith.constant 0 : i32
      %dma_wait3A_498 = arith.constant 0 : i32
      %dma_wait3A_499 = tpu.memref_slice %arg3[%run_scoped3A, %dma_wait3A_497, %dma_wait3A_498] : memref<2x2500x128xi32, #tpu.memory_space<hbm>> -> memref<1x2500x128xi32, #tpu.memory_space<hbm>>
      %dma_wait3A_500 = tpu.memref_squeeze %dma_wait3A_499 : memref<1x2500x128xi32, #tpu.memory_space<hbm>> -> memref<2500x128xi32, #tpu.memory_space<hbm>>
      %dma_wait3A_501 = arith.constant 0 : i32
      %dma_wait3A_502 = tpu.memref_slice %dma_wait3A_500[%add3A_4, %dma_wait3A_501] : memref<2500x128xi32, #tpu.memory_space<hbm>> -> memref<78x128xi32, #tpu.memory_space<hbm>>
      tpu.wait_dma2 semaphore(%run_scoped3A_467 : memref<!tpu.dma_semaphore, #tpu.memory_space<semaphore_mem>>) src(%dma_wait3A_502 : memref<78x128xi32, #tpu.memory_space<hbm>>) dst(%dma_wait3A_496 : memref<78x128xi32, #tpu.memory_space<vmem>>)
      tpu.yield
    }) : () -> ()
    %run_scoped3A_259 = arith.constant 1 : i32
    "tpu.region"() ({
      %run_scoped3A_467 = tpu.sem_alloc : memref<!tpu.dma_semaphore, #tpu.memory_space<semaphore_mem>>
      %dma_start3A_468 = arith.constant 0 : i32
      %dma_start3A_469 = arith.constant 0 : i32
      %dma_start3A_470 = tpu.memref_slice %arg8[%dma_start3A_468, %dma_start3A_469] : memref<80x128xi32, #tpu.memory_space<vmem>> -> memref<78x128xi32, #tpu.memory_space<vmem>>
      %dma_start3A_471 = arith.constant 0 : i32
      %dma_start3A_472 = arith.constant 0 : i32
      %dma_start3A_473 = tpu.memref_slice %arg3[%run_scoped3A_259, %dma_start3A_471, %dma_start3A_472] : memref<2x2500x128xi32, #tpu.memory_space<hbm>> -> memref<1x2500x128xi32, #tpu.memory_space<hbm>>
      %dma_start3A_474 = tpu.memref_squeeze %dma_start3A_473 : memref<1x2500x128xi32, #tpu.memory_space<hbm>> -> memref<2500x128xi32, #tpu.memory_space<hbm>>
      %dma_start3A_475 = arith.constant 0 : i32
      %dma_start3A_476 = tpu.memref_slice %dma_start3A_474[%add3A_4, %dma_start3A_475] : memref<2500x128xi32, #tpu.memory_space<hbm>> -> memref<78x128xi32, #tpu.memory_space<hbm>>
      %dma_start3A_477 = arith.constant 0 : i32
      %dma_start3A_478 = arith.constant 0 : i32
      %dma_start3A_479 = tpu.memref_slice %arg8[%dma_start3A_477, %dma_start3A_478] : memref<80x128xi32, #tpu.memory_space<vmem>> -> memref<78x128xi32, #tpu.memory_space<vmem>>
      %dma_start3A_480 = arith.constant 0 : i32
      %dma_start3A_481 = arith.constant 0 : i32
      %dma_start3A_482 = tpu.memref_slice %arg3[%run_scoped3A_259, %dma_start3A_480, %dma_start3A_481] : memref<2x2500x128xi32, #tpu.memory_space<hbm>> -> memref<1x2500x128xi32, #tpu.memory_space<hbm>>
      %dma_start3A_483 = tpu.memref_squeeze %dma_start3A_482 : memref<1x2500x128xi32, #tpu.memory_space<hbm>> -> memref<2500x128xi32, #tpu.memory_space<hbm>>
      %dma_start3A_484 = arith.constant 0 : i32
      %dma_start3A_485 = tpu.memref_slice %dma_start3A_483[%add3A_4, %dma_start3A_484] : memref<2500x128xi32, #tpu.memory_space<hbm>> -> memref<78x128xi32, #tpu.memory_space<hbm>>
      tpu.enqueue_dma source(%dma_start3A_485 : memref<78x128xi32, #tpu.memory_space<hbm>>) target(%dma_start3A_479 : memref<78x128xi32, #tpu.memory_space<vmem>>) target_semaphore(%run_scoped3A_467 : memref<!tpu.dma_semaphore, #tpu.memory_space<semaphore_mem>>)
      %dma_wait3A = arith.constant 0 : i32
      %dma_wait3A_486 = arith.constant 0 : i32
      %dma_wait3A_487 = tpu.memref_slice %arg8[%dma_wait3A, %dma_wait3A_486] : memref<80x128xi32, #tpu.memory_space<vmem>> -> memref<78x128xi32, #tpu.memory_space<vmem>>
      %dma_wait3A_488 = arith.constant 0 : i32
      %dma_wait3A_489 = arith.constant 0 : i32
      %dma_wait3A_490 = tpu.memref_slice %arg3[%run_scoped3A_259, %dma_wait3A_488, %dma_wait3A_489] : memref<2x2500x128xi32, #tpu.memory_space<hbm>> -> memref<1x2500x128xi32, #tpu.memory_space<hbm>>
      %dma_wait3A_491 = tpu.memref_squeeze %dma_wait3A_490 : memref<1x2500x128xi32, #tpu.memory_space<hbm>> -> memref<2500x128xi32, #tpu.memory_space<hbm>>
      %dma_wait3A_492 = arith.constant 0 : i32
      %dma_wait3A_493 = tpu.memref_slice %dma_wait3A_491[%add3A_4, %dma_wait3A_492] : memref<2500x128xi32, #tpu.memory_space<hbm>> -> memref<78x128xi32, #tpu.memory_space<hbm>>
      %dma_wait3A_494 = arith.constant 0 : i32
      %dma_wait3A_495 = arith.constant 0 : i32
      %dma_wait3A_496 = tpu.memref_slice %arg8[%dma_wait3A_494, %dma_wait3A_495] : memref<80x128xi32, #tpu.memory_space<vmem>> -> memref<78x128xi32, #tpu.memory_space<vmem>>
      %dma_wait3A_497 = arith.constant 0 : i32
      %dma_wait3A_498 = arith.constant 0 : i32
      %dma_wait3A_499 = tpu.memref_slice %arg3[%run_scoped3A_259, %dma_wait3A_497, %dma_wait3A_498] : memref<2x2500x128xi32, #tpu.memory_space<hbm>> -> memref<1x2500x128xi32, #tpu.memory_space<hbm>>
      %dma_wait3A_500 = tpu.memref_squeeze %dma_wait3A_499 : memref<1x2500x128xi32, #tpu.memory_space<hbm>> -> memref<2500x128xi32, #tpu.memory_space<hbm>>
      %dma_wait3A_501 = arith.constant 0 : i32
      %dma_wait3A_502 = tpu.memref_slice %dma_wait3A_500[%add3A_4, %dma_wait3A_501] : memref<2500x128xi32, #tpu.memory_space<hbm>> -> memref<78x128xi32, #tpu.memory_space<hbm>>
      tpu.wait_dma2 semaphore(%run_scoped3A_467 : memref<!tpu.dma_semaphore, #tpu.memory_space<semaphore_mem>>) src(%dma_wait3A_502 : memref<78x128xi32, #tpu.memory_space<hbm>>) dst(%dma_wait3A_496 : memref<78x128xi32, #tpu.memory_space<vmem>>)
      tpu.yield
    }) : () -> ()
    %lt3A = arith.constant 4 : i32
    %lt3A_260 = arith.cmpi slt, %add3A, %lt3A : i32
    %convert_element_type3A = arith.extui %lt3A_260 : i1 to i32
    %cond3A = arith.constant 0 : i32
    %cond3A_261 = arith.cmpi ne, %convert_element_type3A, %cond3A : i32
    scf.if %cond3A_261 {
      %add3A_467 = arith.constant 78 : i32
      %add3A_468 = arith.addi %add3A_4, %add3A_467 : i32
      %run_scoped3A_469 = arith.constant 0 : i32
      "tpu.region"() ({
        %run_scoped3A_473 = tpu.sem_alloc : memref<!tpu.dma_semaphore, #tpu.memory_space<semaphore_mem>>
        %dma_start3A_474 = arith.constant 78 : i32
        %dma_start3A_475 = arith.constant 0 : i32
        %dma_start3A_476 = tpu.memref_slice %arg7[%dma_start3A_474, %dma_start3A_475] : memref<80x128xi32, #tpu.memory_space<vmem>> -> memref<1x128xi32, #tpu.memory_space<vmem>>
        %dma_start3A_477 = arith.constant 0 : i32
        %dma_start3A_478 = arith.constant 0 : i32
        %dma_start3A_479 = tpu.memref_slice %arg3[%run_scoped3A_469, %dma_start3A_477, %dma_start3A_478] : memref<2x2500x128xi32, #tpu.memory_space<hbm>> -> memref<1x2500x128xi32, #tpu.memory_space<hbm>>
        %dma_start3A_480 = tpu.memref_squeeze %dma_start3A_479 : memref<1x2500x128xi32, #tpu.memory_space<hbm>> -> memref<2500x128xi32, #tpu.memory_space<hbm>>
        %dma_start3A_481 = arith.constant 0 : i32
        %dma_start3A_482 = tpu.memref_slice %dma_start3A_480[%add3A_468, %dma_start3A_481] : memref<2500x128xi32, #tpu.memory_space<hbm>> -> memref<1x128xi32, #tpu.memory_space<hbm>>
        %dma_start3A_483 = arith.constant 78 : i32
        %dma_start3A_484 = arith.constant 0 : i32
        %dma_start3A_485 = tpu.memref_slice %arg7[%dma_start3A_483, %dma_start3A_484] : memref<80x128xi32, #tpu.memory_space<vmem>> -> memref<1x128xi32, #tpu.memory_space<vmem>>
        %dma_start3A_486 = arith.constant 0 : i32
        %dma_start3A_487 = arith.constant 0 : i32
        %dma_start3A_488 = tpu.memref_slice %arg3[%run_scoped3A_469, %dma_start3A_486, %dma_start3A_487] : memref<2x2500x128xi32, #tpu.memory_space<hbm>> -> memref<1x2500x128xi32, #tpu.memory_space<hbm>>
        %dma_start3A_489 = tpu.memref_squeeze %dma_start3A_488 : memref<1x2500x128xi32, #tpu.memory_space<hbm>> -> memref<2500x128xi32, #tpu.memory_space<hbm>>
        %dma_start3A_490 = arith.constant 0 : i32
        %dma_start3A_491 = tpu.memref_slice %dma_start3A_489[%add3A_468, %dma_start3A_490] : memref<2500x128xi32, #tpu.memory_space<hbm>> -> memref<1x128xi32, #tpu.memory_space<hbm>>
        tpu.enqueue_dma source(%dma_start3A_491 : memref<1x128xi32, #tpu.memory_space<hbm>>) target(%dma_start3A_485 : memref<1x128xi32, #tpu.memory_space<vmem>>) target_semaphore(%run_scoped3A_473 : memref<!tpu.dma_semaphore, #tpu.memory_space<semaphore_mem>>)
        %dma_wait3A = arith.constant 78 : i32
        %dma_wait3A_492 = arith.constant 0 : i32
        %dma_wait3A_493 = tpu.memref_slice %arg7[%dma_wait3A, %dma_wait3A_492] : memref<80x128xi32, #tpu.memory_space<vmem>> -> memref<1x128xi32, #tpu.memory_space<vmem>>
        %dma_wait3A_494 = arith.constant 0 : i32
        %dma_wait3A_495 = arith.constant 0 : i32
        %dma_wait3A_496 = tpu.memref_slice %arg3[%run_scoped3A_469, %dma_wait3A_494, %dma_wait3A_495] : memref<2x2500x128xi32, #tpu.memory_space<hbm>> -> memref<1x2500x128xi32, #tpu.memory_space<hbm>>
        %dma_wait3A_497 = tpu.memref_squeeze %dma_wait3A_496 : memref<1x2500x128xi32, #tpu.memory_space<hbm>> -> memref<2500x128xi32, #tpu.memory_space<hbm>>
        %dma_wait3A_498 = arith.constant 0 : i32
        %dma_wait3A_499 = tpu.memref_slice %dma_wait3A_497[%add3A_468, %dma_wait3A_498] : memref<2500x128xi32, #tpu.memory_space<hbm>> -> memref<1x128xi32, #tpu.memory_space<hbm>>
        %dma_wait3A_500 = arith.constant 78 : i32
        %dma_wait3A_501 = arith.constant 0 : i32
        %dma_wait3A_502 = tpu.memref_slice %arg7[%dma_wait3A_500, %dma_wait3A_501] : memref<80x128xi32, #tpu.memory_space<vmem>> -> memref<1x128xi32, #tpu.memory_space<vmem>>
        %dma_wait3A_503 = arith.constant 0 : i32
        %dma_wait3A_504 = arith.constant 0 : i32
        %dma_wait3A_505 = tpu.memref_slice %arg3[%run_scoped3A_469, %dma_wait3A_503, %dma_wait3A_504] : memref<2x2500x128xi32, #tpu.memory_space<hbm>> -> memref<1x2500x128xi32, #tpu.memory_space<hbm>>
        %dma_wait3A_506 = tpu.memref_squeeze %dma_wait3A_505 : memref<1x2500x128xi32, #tpu.memory_space<hbm>> -> memref<2500x128xi32, #tpu.memory_space<hbm>>
        %dma_wait3A_507 = arith.constant 0 : i32
        %dma_wait3A_508 = tpu.memref_slice %dma_wait3A_506[%add3A_468, %dma_wait3A_507] : memref<2500x128xi32, #tpu.memory_space<hbm>> -> memref<1x128xi32, #tpu.memory_space<hbm>>
        tpu.wait_dma2 semaphore(%run_scoped3A_473 : memref<!tpu.dma_semaphore, #tpu.memory_space<semaphore_mem>>) src(%dma_wait3A_508 : memref<1x128xi32, #tpu.memory_space<hbm>>) dst(%dma_wait3A_502 : memref<1x128xi32, #tpu.memory_space<vmem>>)
        tpu.yield
      }) : () -> ()
      %add3A_470 = arith.constant 78 : i32
      %add3A_471 = arith.addi %add3A_4, %add3A_470 : i32
      %run_scoped3A_472 = arith.constant 1 : i32
      "tpu.region"() ({
        %run_scoped3A_473 = tpu.sem_alloc : memref<!tpu.dma_semaphore, #tpu.memory_space<semaphore_mem>>
        %dma_start3A_474 = arith.constant 78 : i32
        %dma_start3A_475 = arith.constant 0 : i32
        %dma_start3A_476 = tpu.memref_slice %arg8[%dma_start3A_474, %dma_start3A_475] : memref<80x128xi32, #tpu.memory_space<vmem>> -> memref<1x128xi32, #tpu.memory_space<vmem>>
        %dma_start3A_477 = arith.constant 0 : i32
        %dma_start3A_478 = arith.constant 0 : i32
        %dma_start3A_479 = tpu.memref_slice %arg3[%run_scoped3A_472, %dma_start3A_477, %dma_start3A_478] : memref<2x2500x128xi32, #tpu.memory_space<hbm>> -> memref<1x2500x128xi32, #tpu.memory_space<hbm>>
        %dma_start3A_480 = tpu.memref_squeeze %dma_start3A_479 : memref<1x2500x128xi32, #tpu.memory_space<hbm>> -> memref<2500x128xi32, #tpu.memory_space<hbm>>
        %dma_start3A_481 = arith.constant 0 : i32
        %dma_start3A_482 = tpu.memref_slice %dma_start3A_480[%add3A_471, %dma_start3A_481] : memref<2500x128xi32, #tpu.memory_space<hbm>> -> memref<1x128xi32, #tpu.memory_space<hbm>>
        %dma_start3A_483 = arith.constant 78 : i32
        %dma_start3A_484 = arith.constant 0 : i32
        %dma_start3A_485 = tpu.memref_slice %arg8[%dma_start3A_483, %dma_start3A_484] : memref<80x128xi32, #tpu.memory_space<vmem>> -> memref<1x128xi32, #tpu.memory_space<vmem>>
        %dma_start3A_486 = arith.constant 0 : i32
        %dma_start3A_487 = arith.constant 0 : i32
        %dma_start3A_488 = tpu.memref_slice %arg3[%run_scoped3A_472, %dma_start3A_486, %dma_start3A_487] : memref<2x2500x128xi32, #tpu.memory_space<hbm>> -> memref<1x2500x128xi32, #tpu.memory_space<hbm>>
        %dma_start3A_489 = tpu.memref_squeeze %dma_start3A_488 : memref<1x2500x128xi32, #tpu.memory_space<hbm>> -> memref<2500x128xi32, #tpu.memory_space<hbm>>
        %dma_start3A_490 = arith.constant 0 : i32
        %dma_start3A_491 = tpu.memref_slice %dma_start3A_489[%add3A_471, %dma_start3A_490] : memref<2500x128xi32, #tpu.memory_space<hbm>> -> memref<1x128xi32, #tpu.memory_space<hbm>>
        tpu.enqueue_dma source(%dma_start3A_491 : memref<1x128xi32, #tpu.memory_space<hbm>>) target(%dma_start3A_485 : memref<1x128xi32, #tpu.memory_space<vmem>>) target_semaphore(%run_scoped3A_473 : memref<!tpu.dma_semaphore, #tpu.memory_space<semaphore_mem>>)
        %dma_wait3A = arith.constant 78 : i32
        %dma_wait3A_492 = arith.constant 0 : i32
        %dma_wait3A_493 = tpu.memref_slice %arg8[%dma_wait3A, %dma_wait3A_492] : memref<80x128xi32, #tpu.memory_space<vmem>> -> memref<1x128xi32, #tpu.memory_space<vmem>>
        %dma_wait3A_494 = arith.constant 0 : i32
        %dma_wait3A_495 = arith.constant 0 : i32
        %dma_wait3A_496 = tpu.memref_slice %arg3[%run_scoped3A_472, %dma_wait3A_494, %dma_wait3A_495] : memref<2x2500x128xi32, #tpu.memory_space<hbm>> -> memref<1x2500x128xi32, #tpu.memory_space<hbm>>
        %dma_wait3A_497 = tpu.memref_squeeze %dma_wait3A_496 : memref<1x2500x128xi32, #tpu.memory_space<hbm>> -> memref<2500x128xi32, #tpu.memory_space<hbm>>
        %dma_wait3A_498 = arith.constant 0 : i32
        %dma_wait3A_499 = tpu.memref_slice %dma_wait3A_497[%add3A_471, %dma_wait3A_498] : memref<2500x128xi32, #tpu.memory_space<hbm>> -> memref<1x128xi32, #tpu.memory_space<hbm>>
        %dma_wait3A_500 = arith.constant 78 : i32
        %dma_wait3A_501 = arith.constant 0 : i32
        %dma_wait3A_502 = tpu.memref_slice %arg8[%dma_wait3A_500, %dma_wait3A_501] : memref<80x128xi32, #tpu.memory_space<vmem>> -> memref<1x128xi32, #tpu.memory_space<vmem>>
        %dma_wait3A_503 = arith.constant 0 : i32
        %dma_wait3A_504 = arith.constant 0 : i32
        %dma_wait3A_505 = tpu.memref_slice %arg3[%run_scoped3A_472, %dma_wait3A_503, %dma_wait3A_504] : memref<2x2500x128xi32, #tpu.memory_space<hbm>> -> memref<1x2500x128xi32, #tpu.memory_space<hbm>>
        %dma_wait3A_506 = tpu.memref_squeeze %dma_wait3A_505 : memref<1x2500x128xi32, #tpu.memory_space<hbm>> -> memref<2500x128xi32, #tpu.memory_space<hbm>>
        %dma_wait3A_507 = arith.constant 0 : i32
        %dma_wait3A_508 = tpu.memref_slice %dma_wait3A_506[%add3A_471, %dma_wait3A_507] : memref<2500x128xi32, #tpu.memory_space<hbm>> -> memref<1x128xi32, #tpu.memory_space<hbm>>
        tpu.wait_dma2 semaphore(%run_scoped3A_473 : memref<!tpu.dma_semaphore, #tpu.memory_space<semaphore_mem>>) src(%dma_wait3A_508 : memref<1x128xi32, #tpu.memory_space<hbm>>) dst(%dma_wait3A_502 : memref<1x128xi32, #tpu.memory_space<vmem>>)
        tpu.yield
      }) : () -> ()
    } else {
    }
    %mul3A_262 = arith.constant 626 : i32
    %mul3A_263 = arith.muli %arg1, %mul3A_262 : i32
    %multiple_of3A = tpu.assume_multiple %mul3A_263, 626 : i32
    "tpu.region"() ({
      %run_scoped3A_467 = tpu.sem_alloc : memref<!tpu.dma_semaphore, #tpu.memory_space<semaphore_mem>>
      %dma_start3A_468 = arith.constant 0 : i32
      %dma_start3A_469 = tpu.memref_slice %arg11[%multiple_of3A, %dma_start3A_468] : memref<10016x32xf32, #tpu.memory_space<vmem_shared>> -> memref<626x32xf32, #tpu.memory_space<vmem_shared>>
      %dma_start3A_470 = arith.constant 0 : i32
      %dma_start3A_471 = tpu.memref_slice %arg4[%multiple_of3A, %dma_start3A_470] : memref<10016x32xf32, #tpu.memory_space<hbm>> -> memref<626x32xf32, #tpu.memory_space<hbm>>
      tpu.enqueue_dma source(%dma_start3A_471 : memref<626x32xf32, #tpu.memory_space<hbm>>) target(%dma_start3A_469 : memref<626x32xf32, #tpu.memory_space<vmem_shared>>) target_semaphore(%run_scoped3A_467 : memref<!tpu.dma_semaphore, #tpu.memory_space<semaphore_mem>>)
      %dma_wait3A = arith.constant 0 : i32
      %dma_wait3A_472 = tpu.memref_slice %arg11[%multiple_of3A, %dma_wait3A] : memref<10016x32xf32, #tpu.memory_space<vmem_shared>> -> memref<626x32xf32, #tpu.memory_space<vmem_shared>>
      %dma_wait3A_473 = arith.constant 0 : i32
      %dma_wait3A_474 = tpu.memref_slice %arg4[%multiple_of3A, %dma_wait3A_473] : memref<10016x32xf32, #tpu.memory_space<hbm>> -> memref<626x32xf32, #tpu.memory_space<hbm>>
      tpu.wait_dma2 semaphore(%run_scoped3A_467 : memref<!tpu.dma_semaphore, #tpu.memory_space<semaphore_mem>>) src(%dma_wait3A_474 : memref<626x32xf32, #tpu.memory_space<hbm>>) dst(%dma_wait3A_472 : memref<626x32xf32, #tpu.memory_space<vmem_shared>>)
      tpu.yield
    }) : () -> ()
    %mul3A_264 = arith.constant 625 : i32
    %mul3A_265 = arith.muli %arg1, %mul3A_264 : i32
    %multiple_of3A_266 = tpu.assume_multiple %mul3A_265, 625 : i32
    "tpu.region"() ({
      %run_scoped3A_467 = tpu.sem_alloc : memref<!tpu.dma_semaphore, #tpu.memory_space<semaphore_mem>>
      %dma_start3A_468 = arith.constant 0 : i32
      %dma_start3A_469 = tpu.memref_slice %arg13[%multiple_of3A_266, %dma_start3A_468] : memref<10000x32xf32, #tpu.memory_space<vmem_shared>> -> memref<625x32xf32, #tpu.memory_space<vmem_shared>>
      %dma_start3A_470 = arith.constant 0 : i32
      %dma_start3A_471 = tpu.memref_slice %arg2[%multiple_of3A_266, %dma_start3A_470] : memref<10000x32xf32, #tpu.memory_space<hbm>> -> memref<625x32xf32, #tpu.memory_space<hbm>>
      tpu.enqueue_dma source(%dma_start3A_471 : memref<625x32xf32, #tpu.memory_space<hbm>>) target(%dma_start3A_469 : memref<625x32xf32, #tpu.memory_space<vmem_shared>>) target_semaphore(%run_scoped3A_467 : memref<!tpu.dma_semaphore, #tpu.memory_space<semaphore_mem>>)
      %dma_wait3A = arith.constant 0 : i32
      %dma_wait3A_472 = tpu.memref_slice %arg13[%multiple_of3A_266, %dma_wait3A] : memref<10000x32xf32, #tpu.memory_space<vmem_shared>> -> memref<625x32xf32, #tpu.memory_space<vmem_shared>>
      %dma_wait3A_473 = arith.constant 0 : i32
      %dma_wait3A_474 = tpu.memref_slice %arg2[%multiple_of3A_266, %dma_wait3A_473] : memref<10000x32xf32, #tpu.memory_space<hbm>> -> memref<625x32xf32, #tpu.memory_space<hbm>>
      tpu.wait_dma2 semaphore(%run_scoped3A_467 : memref<!tpu.dma_semaphore, #tpu.memory_space<semaphore_mem>>) src(%dma_wait3A_474 : memref<625x32xf32, #tpu.memory_space<hbm>>) dst(%dma_wait3A_472 : memref<625x32xf32, #tpu.memory_space<vmem_shared>>)
      tpu.yield
    }) : () -> ()
    %barrier3A = arith.constant 0 : index
    tpu.barrier barrier_id(%barrier3A)
    %dma_start3A = arith.constant 0 : i32
    %dma_start3A_267 = arith.constant 0 : i32
    %dma_start3A_268 = arith.constant 0 : i32
    %dma_start3A_269 = arith.constant 0 : i32
    %dma_start3A_270 = tpu.memref_slice %arg9[%dma_start3A_267, %dma_start3A_268, %dma_start3A_269] : memref<16x128x32xf32, #tpu.memory_space<vmem>> -> memref<1x128x32xf32, #tpu.memory_space<vmem>>
    %dma_start3A_271 = tpu.memref_squeeze %dma_start3A_270 : memref<1x128x32xf32, #tpu.memory_space<vmem>> -> memref<128x32xf32, #tpu.memory_space<vmem>>
    %dma_start3A_272 = arith.constant 0 : i32
    %dma_start3A_273 = tpu.memref_slice %arg7[%dma_start3A, %dma_start3A_272] : memref<80x128xi32, #tpu.memory_space<vmem>> -> memref<1x128xi32, #tpu.memory_space<vmem>>
    %dma_start3A_274 = tpu.memref_squeeze %dma_start3A_273 : memref<1x128xi32, #tpu.memory_space<vmem>> -> memref<128xi32, #tpu.memory_space<vmem>>
    %dma_start3A_275 = arith.constant 0 : i32
    %dma_start3A_276 = arith.constant 0 : i32
    %dma_start3A_277 = tpu.memref_slice %arg13[%dma_start3A_275, %dma_start3A_276] : memref<10000x32xf32, #tpu.memory_space<vmem_shared>> -> memref<10000x32xf32, #tpu.memory_space<vmem_shared>>
    tpu.enqueue_indirect_dma source(%dma_start3A_277 : memref<10000x32xf32, #tpu.memory_space<vmem_shared>>) target(%dma_start3A_271 : memref<128x32xf32, #tpu.memory_space<vmem>>) offsets(%dma_start3A_274 : memref<128xi32, #tpu.memory_space<vmem>>) semaphore(%arg14 : memref<!tpu.dma_semaphore, #tpu.memory_space<semaphore_mem>>)
    %dma_start3A_278 = arith.constant 1 : i32
    %dma_start3A_279 = arith.constant 1 : i32
    %dma_start3A_280 = arith.constant 0 : i32
    %dma_start3A_281 = arith.constant 0 : i32
    %dma_start3A_282 = tpu.memref_slice %arg9[%dma_start3A_279, %dma_start3A_280, %dma_start3A_281] : memref<16x128x32xf32, #tpu.memory_space<vmem>> -> memref<1x128x32xf32, #tpu.memory_space<vmem>>
    %dma_start3A_283 = tpu.memref_squeeze %dma_start3A_282 : memref<1x128x32xf32, #tpu.memory_space<vmem>> -> memref<128x32xf32, #tpu.memory_space<vmem>>
    %dma_start3A_284 = arith.constant 0 : i32
    %dma_start3A_285 = tpu.memref_slice %arg7[%dma_start3A_278, %dma_start3A_284] : memref<80x128xi32, #tpu.memory_space<vmem>> -> memref<1x128xi32, #tpu.memory_space<vmem>>
    %dma_start3A_286 = tpu.memref_squeeze %dma_start3A_285 : memref<1x128xi32, #tpu.memory_space<vmem>> -> memref<128xi32, #tpu.memory_space<vmem>>
    %dma_start3A_287 = arith.constant 0 : i32
    %dma_start3A_288 = arith.constant 0 : i32
    %dma_start3A_289 = tpu.memref_slice %arg13[%dma_start3A_287, %dma_start3A_288] : memref<10000x32xf32, #tpu.memory_space<vmem_shared>> -> memref<10000x32xf32, #tpu.memory_space<vmem_shared>>
    tpu.enqueue_indirect_dma source(%dma_start3A_289 : memref<10000x32xf32, #tpu.memory_space<vmem_shared>>) target(%dma_start3A_283 : memref<128x32xf32, #tpu.memory_space<vmem>>) offsets(%dma_start3A_286 : memref<128xi32, #tpu.memory_space<vmem>>) semaphore(%arg15 : memref<!tpu.dma_semaphore, #tpu.memory_space<semaphore_mem>>)
    %dma_start3A_290 = arith.constant 2 : i32
    %dma_start3A_291 = arith.constant 2 : i32
    %dma_start3A_292 = arith.constant 0 : i32
    %dma_start3A_293 = arith.constant 0 : i32
    %dma_start3A_294 = tpu.memref_slice %arg9[%dma_start3A_291, %dma_start3A_292, %dma_start3A_293] : memref<16x128x32xf32, #tpu.memory_space<vmem>> -> memref<1x128x32xf32, #tpu.memory_space<vmem>>
    %dma_start3A_295 = tpu.memref_squeeze %dma_start3A_294 : memref<1x128x32xf32, #tpu.memory_space<vmem>> -> memref<128x32xf32, #tpu.memory_space<vmem>>
    %dma_start3A_296 = arith.constant 0 : i32
    %dma_start3A_297 = tpu.memref_slice %arg7[%dma_start3A_290, %dma_start3A_296] : memref<80x128xi32, #tpu.memory_space<vmem>> -> memref<1x128xi32, #tpu.memory_space<vmem>>
    %dma_start3A_298 = tpu.memref_squeeze %dma_start3A_297 : memref<1x128xi32, #tpu.memory_space<vmem>> -> memref<128xi32, #tpu.memory_space<vmem>>
    %dma_start3A_299 = arith.constant 0 : i32
    %dma_start3A_300 = arith.constant 0 : i32
    %dma_start3A_301 = tpu.memref_slice %arg13[%dma_start3A_299, %dma_start3A_300] : memref<10000x32xf32, #tpu.memory_space<vmem_shared>> -> memref<10000x32xf32, #tpu.memory_space<vmem_shared>>
    tpu.enqueue_indirect_dma source(%dma_start3A_301 : memref<10000x32xf32, #tpu.memory_space<vmem_shared>>) target(%dma_start3A_295 : memref<128x32xf32, #tpu.memory_space<vmem>>) offsets(%dma_start3A_298 : memref<128xi32, #tpu.memory_space<vmem>>) semaphore(%arg16 : memref<!tpu.dma_semaphore, #tpu.memory_space<semaphore_mem>>)
    %dma_start3A_302 = arith.constant 3 : i32
    %dma_start3A_303 = arith.constant 3 : i32
    %dma_start3A_304 = arith.constant 0 : i32
    %dma_start3A_305 = arith.constant 0 : i32
    %dma_start3A_306 = tpu.memref_slice %arg9[%dma_start3A_303, %dma_start3A_304, %dma_start3A_305] : memref<16x128x32xf32, #tpu.memory_space<vmem>> -> memref<1x128x32xf32, #tpu.memory_space<vmem>>
    %dma_start3A_307 = tpu.memref_squeeze %dma_start3A_306 : memref<1x128x32xf32, #tpu.memory_space<vmem>> -> memref<128x32xf32, #tpu.memory_space<vmem>>
    %dma_start3A_308 = arith.constant 0 : i32
    %dma_start3A_309 = tpu.memref_slice %arg7[%dma_start3A_302, %dma_start3A_308] : memref<80x128xi32, #tpu.memory_space<vmem>> -> memref<1x128xi32, #tpu.memory_space<vmem>>
    %dma_start3A_310 = tpu.memref_squeeze %dma_start3A_309 : memref<1x128xi32, #tpu.memory_space<vmem>> -> memref<128xi32, #tpu.memory_space<vmem>>
    %dma_start3A_311 = arith.constant 0 : i32
    %dma_start3A_312 = arith.constant 0 : i32
    %dma_start3A_313 = tpu.memref_slice %arg13[%dma_start3A_311, %dma_start3A_312] : memref<10000x32xf32, #tpu.memory_space<vmem_shared>> -> memref<10000x32xf32, #tpu.memory_space<vmem_shared>>
    tpu.enqueue_indirect_dma source(%dma_start3A_313 : memref<10000x32xf32, #tpu.memory_space<vmem_shared>>) target(%dma_start3A_307 : memref<128x32xf32, #tpu.memory_space<vmem>>) offsets(%dma_start3A_310 : memref<128xi32, #tpu.memory_space<vmem>>) semaphore(%arg17 : memref<!tpu.dma_semaphore, #tpu.memory_space<semaphore_mem>>)
    %dma_start3A_314 = arith.constant 4 : i32
    %dma_start3A_315 = arith.constant 4 : i32
    %dma_start3A_316 = arith.constant 0 : i32
    %dma_start3A_317 = arith.constant 0 : i32
    %dma_start3A_318 = tpu.memref_slice %arg9[%dma_start3A_315, %dma_start3A_316, %dma_start3A_317] : memref<16x128x32xf32, #tpu.memory_space<vmem>> -> memref<1x128x32xf32, #tpu.memory_space<vmem>>
    %dma_start3A_319 = tpu.memref_squeeze %dma_start3A_318 : memref<1x128x32xf32, #tpu.memory_space<vmem>> -> memref<128x32xf32, #tpu.memory_space<vmem>>
    %dma_start3A_320 = arith.constant 0 : i32
    %dma_start3A_321 = tpu.memref_slice %arg7[%dma_start3A_314, %dma_start3A_320] : memref<80x128xi32, #tpu.memory_space<vmem>> -> memref<1x128xi32, #tpu.memory_space<vmem>>
    %dma_start3A_322 = tpu.memref_squeeze %dma_start3A_321 : memref<1x128xi32, #tpu.memory_space<vmem>> -> memref<128xi32, #tpu.memory_space<vmem>>
    %dma_start3A_323 = arith.constant 0 : i32
    %dma_start3A_324 = arith.constant 0 : i32
    %dma_start3A_325 = tpu.memref_slice %arg13[%dma_start3A_323, %dma_start3A_324] : memref<10000x32xf32, #tpu.memory_space<vmem_shared>> -> memref<10000x32xf32, #tpu.memory_space<vmem_shared>>
    tpu.enqueue_indirect_dma source(%dma_start3A_325 : memref<10000x32xf32, #tpu.memory_space<vmem_shared>>) target(%dma_start3A_319 : memref<128x32xf32, #tpu.memory_space<vmem>>) offsets(%dma_start3A_322 : memref<128xi32, #tpu.memory_space<vmem>>) semaphore(%arg18 : memref<!tpu.dma_semaphore, #tpu.memory_space<semaphore_mem>>)
    %dma_start3A_326 = arith.constant 5 : i32
    %dma_start3A_327 = arith.constant 5 : i32
    %dma_start3A_328 = arith.constant 0 : i32
    %dma_start3A_329 = arith.constant 0 : i32
    %dma_start3A_330 = tpu.memref_slice %arg9[%dma_start3A_327, %dma_start3A_328, %dma_start3A_329] : memref<16x128x32xf32, #tpu.memory_space<vmem>> -> memref<1x128x32xf32, #tpu.memory_space<vmem>>
    %dma_start3A_331 = tpu.memref_squeeze %dma_start3A_330 : memref<1x128x32xf32, #tpu.memory_space<vmem>> -> memref<128x32xf32, #tpu.memory_space<vmem>>
    %dma_start3A_332 = arith.constant 0 : i32
    %dma_start3A_333 = tpu.memref_slice %arg7[%dma_start3A_326, %dma_start3A_332] : memref<80x128xi32, #tpu.memory_space<vmem>> -> memref<1x128xi32, #tpu.memory_space<vmem>>
    %dma_start3A_334 = tpu.memref_squeeze %dma_start3A_333 : memref<1x128xi32, #tpu.memory_space<vmem>> -> memref<128xi32, #tpu.memory_space<vmem>>
    %dma_start3A_335 = arith.constant 0 : i32
    %dma_start3A_336 = arith.constant 0 : i32
    %dma_start3A_337 = tpu.memref_slice %arg13[%dma_start3A_335, %dma_start3A_336] : memref<10000x32xf32, #tpu.memory_space<vmem_shared>> -> memref<10000x32xf32, #tpu.memory_space<vmem_shared>>
    tpu.enqueue_indirect_dma source(%dma_start3A_337 : memref<10000x32xf32, #tpu.memory_space<vmem_shared>>) target(%dma_start3A_331 : memref<128x32xf32, #tpu.memory_space<vmem>>) offsets(%dma_start3A_334 : memref<128xi32, #tpu.memory_space<vmem>>) semaphore(%arg19 : memref<!tpu.dma_semaphore, #tpu.memory_space<semaphore_mem>>)
    %dma_start3A_338 = arith.constant 6 : i32
    %dma_start3A_339 = arith.constant 6 : i32
    %dma_start3A_340 = arith.constant 0 : i32
    %dma_start3A_341 = arith.constant 0 : i32
    %dma_start3A_342 = tpu.memref_slice %arg9[%dma_start3A_339, %dma_start3A_340, %dma_start3A_341] : memref<16x128x32xf32, #tpu.memory_space<vmem>> -> memref<1x128x32xf32, #tpu.memory_space<vmem>>
    %dma_start3A_343 = tpu.memref_squeeze %dma_start3A_342 : memref<1x128x32xf32, #tpu.memory_space<vmem>> -> memref<128x32xf32, #tpu.memory_space<vmem>>
    %dma_start3A_344 = arith.constant 0 : i32
    %dma_start3A_345 = tpu.memref_slice %arg7[%dma_start3A_338, %dma_start3A_344] : memref<80x128xi32, #tpu.memory_space<vmem>> -> memref<1x128xi32, #tpu.memory_space<vmem>>
    %dma_start3A_346 = tpu.memref_squeeze %dma_start3A_345 : memref<1x128xi32, #tpu.memory_space<vmem>> -> memref<128xi32, #tpu.memory_space<vmem>>
    %dma_start3A_347 = arith.constant 0 : i32
    %dma_start3A_348 = arith.constant 0 : i32
    %dma_start3A_349 = tpu.memref_slice %arg13[%dma_start3A_347, %dma_start3A_348] : memref<10000x32xf32, #tpu.memory_space<vmem_shared>> -> memref<10000x32xf32, #tpu.memory_space<vmem_shared>>
    tpu.enqueue_indirect_dma source(%dma_start3A_349 : memref<10000x32xf32, #tpu.memory_space<vmem_shared>>) target(%dma_start3A_343 : memref<128x32xf32, #tpu.memory_space<vmem>>) offsets(%dma_start3A_346 : memref<128xi32, #tpu.memory_space<vmem>>) semaphore(%arg20 : memref<!tpu.dma_semaphore, #tpu.memory_space<semaphore_mem>>)
    %dma_start3A_350 = arith.constant 7 : i32
    %dma_start3A_351 = arith.constant 7 : i32
    %dma_start3A_352 = arith.constant 0 : i32
    %dma_start3A_353 = arith.constant 0 : i32
    %dma_start3A_354 = tpu.memref_slice %arg9[%dma_start3A_351, %dma_start3A_352, %dma_start3A_353] : memref<16x128x32xf32, #tpu.memory_space<vmem>> -> memref<1x128x32xf32, #tpu.memory_space<vmem>>
    %dma_start3A_355 = tpu.memref_squeeze %dma_start3A_354 : memref<1x128x32xf32, #tpu.memory_space<vmem>> -> memref<128x32xf32, #tpu.memory_space<vmem>>
    %dma_start3A_356 = arith.constant 0 : i32
    %dma_start3A_357 = tpu.memref_slice %arg7[%dma_start3A_350, %dma_start3A_356] : memref<80x128xi32, #tpu.memory_space<vmem>> -> memref<1x128xi32, #tpu.memory_space<vmem>>
    %dma_start3A_358 = tpu.memref_squeeze %dma_start3A_357 : memref<1x128xi32, #tpu.memory_space<vmem>> -> memref<128xi32, #tpu.memory_space<vmem>>
    %dma_start3A_359 = arith.constant 0 : i32
    %dma_start3A_360 = arith.constant 0 : i32
    %dma_start3A_361 = tpu.memref_slice %arg13[%dma_start3A_359, %dma_start3A_360] : memref<10000x32xf32, #tpu.memory_space<vmem_shared>> -> memref<10000x32xf32, #tpu.memory_space<vmem_shared>>
    tpu.enqueue_indirect_dma source(%dma_start3A_361 : memref<10000x32xf32, #tpu.memory_space<vmem_shared>>) target(%dma_start3A_355 : memref<128x32xf32, #tpu.memory_space<vmem>>) offsets(%dma_start3A_358 : memref<128xi32, #tpu.memory_space<vmem>>) semaphore(%arg21 : memref<!tpu.dma_semaphore, #tpu.memory_space<semaphore_mem>>)
    %dma_start3A_362 = arith.constant 8 : i32
    %dma_start3A_363 = arith.constant 8 : i32
    %dma_start3A_364 = arith.constant 0 : i32
    %dma_start3A_365 = arith.constant 0 : i32
    %dma_start3A_366 = tpu.memref_slice %arg9[%dma_start3A_363, %dma_start3A_364, %dma_start3A_365] : memref<16x128x32xf32, #tpu.memory_space<vmem>> -> memref<1x128x32xf32, #tpu.memory_space<vmem>>
    %dma_start3A_367 = tpu.memref_squeeze %dma_start3A_366 : memref<1x128x32xf32, #tpu.memory_space<vmem>> -> memref<128x32xf32, #tpu.memory_space<vmem>>
    %dma_start3A_368 = arith.constant 0 : i32
    %dma_start3A_369 = tpu.memref_slice %arg7[%dma_start3A_362, %dma_start3A_368] : memref<80x128xi32, #tpu.memory_space<vmem>> -> memref<1x128xi32, #tpu.memory_space<vmem>>
    %dma_start3A_370 = tpu.memref_squeeze %dma_start3A_369 : memref<1x128xi32, #tpu.memory_space<vmem>> -> memref<128xi32, #tpu.memory_space<vmem>>
    %dma_start3A_371 = arith.constant 0 : i32
    %dma_start3A_372 = arith.constant 0 : i32
    %dma_start3A_373 = tpu.memref_slice %arg13[%dma_start3A_371, %dma_start3A_372] : memref<10000x32xf32, #tpu.memory_space<vmem_shared>> -> memref<10000x32xf32, #tpu.memory_space<vmem_shared>>
    tpu.enqueue_indirect_dma source(%dma_start3A_373 : memref<10000x32xf32, #tpu.memory_space<vmem_shared>>) target(%dma_start3A_367 : memref<128x32xf32, #tpu.memory_space<vmem>>) offsets(%dma_start3A_370 : memref<128xi32, #tpu.memory_space<vmem>>) semaphore(%arg22 : memref<!tpu.dma_semaphore, #tpu.memory_space<semaphore_mem>>)
    %dma_start3A_374 = arith.constant 9 : i32
    %dma_start3A_375 = arith.constant 9 : i32
    %dma_start3A_376 = arith.constant 0 : i32
    %dma_start3A_377 = arith.constant 0 : i32
    %dma_start3A_378 = tpu.memref_slice %arg9[%dma_start3A_375, %dma_start3A_376, %dma_start3A_377] : memref<16x128x32xf32, #tpu.memory_space<vmem>> -> memref<1x128x32xf32, #tpu.memory_space<vmem>>
    %dma_start3A_379 = tpu.memref_squeeze %dma_start3A_378 : memref<1x128x32xf32, #tpu.memory_space<vmem>> -> memref<128x32xf32, #tpu.memory_space<vmem>>
    %dma_start3A_380 = arith.constant 0 : i32
    %dma_start3A_381 = tpu.memref_slice %arg7[%dma_start3A_374, %dma_start3A_380] : memref<80x128xi32, #tpu.memory_space<vmem>> -> memref<1x128xi32, #tpu.memory_space<vmem>>
    %dma_start3A_382 = tpu.memref_squeeze %dma_start3A_381 : memref<1x128xi32, #tpu.memory_space<vmem>> -> memref<128xi32, #tpu.memory_space<vmem>>
    %dma_start3A_383 = arith.constant 0 : i32
    %dma_start3A_384 = arith.constant 0 : i32
    %dma_start3A_385 = tpu.memref_slice %arg13[%dma_start3A_383, %dma_start3A_384] : memref<10000x32xf32, #tpu.memory_space<vmem_shared>> -> memref<10000x32xf32, #tpu.memory_space<vmem_shared>>
    tpu.enqueue_indirect_dma source(%dma_start3A_385 : memref<10000x32xf32, #tpu.memory_space<vmem_shared>>) target(%dma_start3A_379 : memref<128x32xf32, #tpu.memory_space<vmem>>) offsets(%dma_start3A_382 : memref<128xi32, #tpu.memory_space<vmem>>) semaphore(%arg23 : memref<!tpu.dma_semaphore, #tpu.memory_space<semaphore_mem>>)
    %dma_start3A_386 = arith.constant 10 : i32
    %dma_start3A_387 = arith.constant 10 : i32
    %dma_start3A_388 = arith.constant 0 : i32
    %dma_start3A_389 = arith.constant 0 : i32
    %dma_start3A_390 = tpu.memref_slice %arg9[%dma_start3A_387, %dma_start3A_388, %dma_start3A_389] : memref<16x128x32xf32, #tpu.memory_space<vmem>> -> memref<1x128x32xf32, #tpu.memory_space<vmem>>
    %dma_start3A_391 = tpu.memref_squeeze %dma_start3A_390 : memref<1x128x32xf32, #tpu.memory_space<vmem>> -> memref<128x32xf32, #tpu.memory_space<vmem>>
    %dma_start3A_392 = arith.constant 0 : i32
    %dma_start3A_393 = tpu.memref_slice %arg7[%dma_start3A_386, %dma_start3A_392] : memref<80x128xi32, #tpu.memory_space<vmem>> -> memref<1x128xi32, #tpu.memory_space<vmem>>
    %dma_start3A_394 = tpu.memref_squeeze %dma_start3A_393 : memref<1x128xi32, #tpu.memory_space<vmem>> -> memref<128xi32, #tpu.memory_space<vmem>>
    %dma_start3A_395 = arith.constant 0 : i32
    %dma_start3A_396 = arith.constant 0 : i32
    %dma_start3A_397 = tpu.memref_slice %arg13[%dma_start3A_395, %dma_start3A_396] : memref<10000x32xf32, #tpu.memory_space<vmem_shared>> -> memref<10000x32xf32, #tpu.memory_space<vmem_shared>>
    tpu.enqueue_indirect_dma source(%dma_start3A_397 : memref<10000x32xf32, #tpu.memory_space<vmem_shared>>) target(%dma_start3A_391 : memref<128x32xf32, #tpu.memory_space<vmem>>) offsets(%dma_start3A_394 : memref<128xi32, #tpu.memory_space<vmem>>) semaphore(%arg24 : memref<!tpu.dma_semaphore, #tpu.memory_space<semaphore_mem>>)
    %dma_start3A_398 = arith.constant 11 : i32
    %dma_start3A_399 = arith.constant 11 : i32
    %dma_start3A_400 = arith.constant 0 : i32
    %dma_start3A_401 = arith.constant 0 : i32
    %dma_start3A_402 = tpu.memref_slice %arg9[%dma_start3A_399, %dma_start3A_400, %dma_start3A_401] : memref<16x128x32xf32, #tpu.memory_space<vmem>> -> memref<1x128x32xf32, #tpu.memory_space<vmem>>
    %dma_start3A_403 = tpu.memref_squeeze %dma_start3A_402 : memref<1x128x32xf32, #tpu.memory_space<vmem>> -> memref<128x32xf32, #tpu.memory_space<vmem>>
    %dma_start3A_404 = arith.constant 0 : i32
    %dma_start3A_405 = tpu.memref_slice %arg7[%dma_start3A_398, %dma_start3A_404] : memref<80x128xi32, #tpu.memory_space<vmem>> -> memref<1x128xi32, #tpu.memory_space<vmem>>
    %dma_start3A_406 = tpu.memref_squeeze %dma_start3A_405 : memref<1x128xi32, #tpu.memory_space<vmem>> -> memref<128xi32, #tpu.memory_space<vmem>>
    %dma_start3A_407 = arith.constant 0 : i32
    %dma_start3A_408 = arith.constant 0 : i32
    %dma_start3A_409 = tpu.memref_slice %arg13[%dma_start3A_407, %dma_start3A_408] : memref<10000x32xf32, #tpu.memory_space<vmem_shared>> -> memref<10000x32xf32, #tpu.memory_space<vmem_shared>>
    tpu.enqueue_indirect_dma source(%dma_start3A_409 : memref<10000x32xf32, #tpu.memory_space<vmem_shared>>) target(%dma_start3A_403 : memref<128x32xf32, #tpu.memory_space<vmem>>) offsets(%dma_start3A_406 : memref<128xi32, #tpu.memory_space<vmem>>) semaphore(%arg25 : memref<!tpu.dma_semaphore, #tpu.memory_space<semaphore_mem>>)
    %dma_start3A_410 = arith.constant 12 : i32
    %dma_start3A_411 = arith.constant 12 : i32
    %dma_start3A_412 = arith.constant 0 : i32
    %dma_start3A_413 = arith.constant 0 : i32
    %dma_start3A_414 = tpu.memref_slice %arg9[%dma_start3A_411, %dma_start3A_412, %dma_start3A_413] : memref<16x128x32xf32, #tpu.memory_space<vmem>> -> memref<1x128x32xf32, #tpu.memory_space<vmem>>
    %dma_start3A_415 = tpu.memref_squeeze %dma_start3A_414 : memref<1x128x32xf32, #tpu.memory_space<vmem>> -> memref<128x32xf32, #tpu.memory_space<vmem>>
    %dma_start3A_416 = arith.constant 0 : i32
    %dma_start3A_417 = tpu.memref_slice %arg7[%dma_start3A_410, %dma_start3A_416] : memref<80x128xi32, #tpu.memory_space<vmem>> -> memref<1x128xi32, #tpu.memory_space<vmem>>
    %dma_start3A_418 = tpu.memref_squeeze %dma_start3A_417 : memref<1x128xi32, #tpu.memory_space<vmem>> -> memref<128xi32, #tpu.memory_space<vmem>>
    %dma_start3A_419 = arith.constant 0 : i32
    %dma_start3A_420 = arith.constant 0 : i32
    %dma_start3A_421 = tpu.memref_slice %arg13[%dma_start3A_419, %dma_start3A_420] : memref<10000x32xf32, #tpu.memory_space<vmem_shared>> -> memref<10000x32xf32, #tpu.memory_space<vmem_shared>>
    tpu.enqueue_indirect_dma source(%dma_start3A_421 : memref<10000x32xf32, #tpu.memory_space<vmem_shared>>) target(%dma_start3A_415 : memref<128x32xf32, #tpu.memory_space<vmem>>) offsets(%dma_start3A_418 : memref<128xi32, #tpu.memory_space<vmem>>) semaphore(%arg26 : memref<!tpu.dma_semaphore, #tpu.memory_space<semaphore_mem>>)
    %dma_start3A_422 = arith.constant 13 : i32
    %dma_start3A_423 = arith.constant 13 : i32
    %dma_start3A_424 = arith.constant 0 : i32
    %dma_start3A_425 = arith.constant 0 : i32
    %dma_start3A_426 = tpu.memref_slice %arg9[%dma_start3A_423, %dma_start3A_424, %dma_start3A_425] : memref<16x128x32xf32, #tpu.memory_space<vmem>> -> memref<1x128x32xf32, #tpu.memory_space<vmem>>
    %dma_start3A_427 = tpu.memref_squeeze %dma_start3A_426 : memref<1x128x32xf32, #tpu.memory_space<vmem>> -> memref<128x32xf32, #tpu.memory_space<vmem>>
    %dma_start3A_428 = arith.constant 0 : i32
    %dma_start3A_429 = tpu.memref_slice %arg7[%dma_start3A_422, %dma_start3A_428] : memref<80x128xi32, #tpu.memory_space<vmem>> -> memref<1x128xi32, #tpu.memory_space<vmem>>
    %dma_start3A_430 = tpu.memref_squeeze %dma_start3A_429 : memref<1x128xi32, #tpu.memory_space<vmem>> -> memref<128xi32, #tpu.memory_space<vmem>>
    %dma_start3A_431 = arith.constant 0 : i32
    %dma_start3A_432 = arith.constant 0 : i32
    %dma_start3A_433 = tpu.memref_slice %arg13[%dma_start3A_431, %dma_start3A_432] : memref<10000x32xf32, #tpu.memory_space<vmem_shared>> -> memref<10000x32xf32, #tpu.memory_space<vmem_shared>>
    tpu.enqueue_indirect_dma source(%dma_start3A_433 : memref<10000x32xf32, #tpu.memory_space<vmem_shared>>) target(%dma_start3A_427 : memref<128x32xf32, #tpu.memory_space<vmem>>) offsets(%dma_start3A_430 : memref<128xi32, #tpu.memory_space<vmem>>) semaphore(%arg27 : memref<!tpu.dma_semaphore, #tpu.memory_space<semaphore_mem>>)
    %dma_start3A_434 = arith.constant 14 : i32
    %dma_start3A_435 = arith.constant 14 : i32
    %dma_start3A_436 = arith.constant 0 : i32
    %dma_start3A_437 = arith.constant 0 : i32
    %dma_start3A_438 = tpu.memref_slice %arg9[%dma_start3A_435, %dma_start3A_436, %dma_start3A_437] : memref<16x128x32xf32, #tpu.memory_space<vmem>> -> memref<1x128x32xf32, #tpu.memory_space<vmem>>
    %dma_start3A_439 = tpu.memref_squeeze %dma_start3A_438 : memref<1x128x32xf32, #tpu.memory_space<vmem>> -> memref<128x32xf32, #tpu.memory_space<vmem>>
    %dma_start3A_440 = arith.constant 0 : i32
    %dma_start3A_441 = tpu.memref_slice %arg7[%dma_start3A_434, %dma_start3A_440] : memref<80x128xi32, #tpu.memory_space<vmem>> -> memref<1x128xi32, #tpu.memory_space<vmem>>
    %dma_start3A_442 = tpu.memref_squeeze %dma_start3A_441 : memref<1x128xi32, #tpu.memory_space<vmem>> -> memref<128xi32, #tpu.memory_space<vmem>>
    %dma_start3A_443 = arith.constant 0 : i32
    %dma_start3A_444 = arith.constant 0 : i32
    %dma_start3A_445 = tpu.memref_slice %arg13[%dma_start3A_443, %dma_start3A_444] : memref<10000x32xf32, #tpu.memory_space<vmem_shared>> -> memref<10000x32xf32, #tpu.memory_space<vmem_shared>>
    tpu.enqueue_indirect_dma source(%dma_start3A_445 : memref<10000x32xf32, #tpu.memory_space<vmem_shared>>) target(%dma_start3A_439 : memref<128x32xf32, #tpu.memory_space<vmem>>) offsets(%dma_start3A_442 : memref<128xi32, #tpu.memory_space<vmem>>) semaphore(%arg28 : memref<!tpu.dma_semaphore, #tpu.memory_space<semaphore_mem>>)
    %dma_start3A_446 = arith.constant 15 : i32
    %dma_start3A_447 = arith.constant 15 : i32
    %dma_start3A_448 = arith.constant 0 : i32
    %dma_start3A_449 = arith.constant 0 : i32
    %dma_start3A_450 = tpu.memref_slice %arg9[%dma_start3A_447, %dma_start3A_448, %dma_start3A_449] : memref<16x128x32xf32, #tpu.memory_space<vmem>> -> memref<1x128x32xf32, #tpu.memory_space<vmem>>
    %dma_start3A_451 = tpu.memref_squeeze %dma_start3A_450 : memref<1x128x32xf32, #tpu.memory_space<vmem>> -> memref<128x32xf32, #tpu.memory_space<vmem>>
    %dma_start3A_452 = arith.constant 0 : i32
    %dma_start3A_453 = tpu.memref_slice %arg7[%dma_start3A_446, %dma_start3A_452] : memref<80x128xi32, #tpu.memory_space<vmem>> -> memref<1x128xi32, #tpu.memory_space<vmem>>
    %dma_start3A_454 = tpu.memref_squeeze %dma_start3A_453 : memref<1x128xi32, #tpu.memory_space<vmem>> -> memref<128xi32, #tpu.memory_space<vmem>>
    %dma_start3A_455 = arith.constant 0 : i32
    %dma_start3A_456 = arith.constant 0 : i32
    %dma_start3A_457 = tpu.memref_slice %arg13[%dma_start3A_455, %dma_start3A_456] : memref<10000x32xf32, #tpu.memory_space<vmem_shared>> -> memref<10000x32xf32, #tpu.memory_space<vmem_shared>>
    tpu.enqueue_indirect_dma source(%dma_start3A_457 : memref<10000x32xf32, #tpu.memory_space<vmem_shared>>) target(%dma_start3A_451 : memref<128x32xf32, #tpu.memory_space<vmem>>) offsets(%dma_start3A_454 : memref<128xi32, #tpu.memory_space<vmem>>) semaphore(%arg29 : memref<!tpu.dma_semaphore, #tpu.memory_space<semaphore_mem>>)
    %scan3A = arith.constant 0 : i32
    %scan3A_458 = arith.constant 0 : i32
    %scan3A_459 = arith.constant 5 : i32
    %scan3A_460 = arith.addi %scan3A_458, %scan3A_459 : i32
    %scan3A_461 = arith.constant 1 : i32
    scf.for %scan3A_467 = %scan3A_458 to %scan3A_460 step %scan3A_461  : i32 {
      %mul3A_468 = arith.constant 16 : i32
      %mul3A_469 = arith.muli %scan3A_467, %mul3A_468 : i32
      %add3A_470 = arith.constant 0 : i32
      %add3A_471 = arith.addi %mul3A_469, %add3A_470 : i32
      %dma_wait3A = arith.constant 0 : i32
      %dma_wait3A_472 = arith.constant 0 : i32
      %dma_wait3A_473 = arith.constant 0 : i32
      %dma_wait3A_474 = tpu.memref_slice %arg9[%dma_wait3A, %dma_wait3A_472, %dma_wait3A_473] : memref<16x128x32xf32, #tpu.memory_space<vmem>> -> memref<1x128x32xf32, #tpu.memory_space<vmem>>
      %dma_wait3A_475 = tpu.memref_squeeze %dma_wait3A_474 : memref<1x128x32xf32, #tpu.memory_space<vmem>> -> memref<128x32xf32, #tpu.memory_space<vmem>>
      %dma_wait3A_476 = arith.constant 0 : i32
      %dma_wait3A_477 = tpu.memref_slice %arg7[%add3A_471, %dma_wait3A_476] : memref<80x128xi32, #tpu.memory_space<vmem>> -> memref<1x128xi32, #tpu.memory_space<vmem>>
      %dma_wait3A_478 = tpu.memref_squeeze %dma_wait3A_477 : memref<1x128xi32, #tpu.memory_space<vmem>> -> memref<128xi32, #tpu.memory_space<vmem>>
      %dma_wait3A_479 = arith.constant 0 : i32
      %dma_wait3A_480 = arith.constant 0 : i32
      %dma_wait3A_481 = tpu.memref_slice %arg13[%dma_wait3A_479, %dma_wait3A_480] : memref<10000x32xf32, #tpu.memory_space<vmem_shared>> -> memref<10000x32xf32, #tpu.memory_space<vmem_shared>>
      tpu.wait_indirect_dma semaphore(%arg14 : memref<!tpu.dma_semaphore, #tpu.memory_space<semaphore_mem>>) src(%dma_wait3A_481 : memref<10000x32xf32, #tpu.memory_space<vmem_shared>>) dst(%dma_wait3A_475 : memref<128x32xf32, #tpu.memory_space<vmem>>)
      %run_scoped3A_482 = arith.constant 0 : i32
      "tpu.region"() ({
        %run_scoped3A_803 = tpu.sem_alloc : memref<!tpu.dma_semaphore, #tpu.memory_space<semaphore_mem>>
        %dma_start3A_804 = arith.constant 0 : i32
        %dma_start3A_805 = arith.constant 0 : i32
        %dma_start3A_806 = tpu.memref_slice %arg9[%run_scoped3A_482, %dma_start3A_804, %dma_start3A_805] : memref<16x128x32xf32, #tpu.memory_space<vmem>> -> memref<1x128x32xf32, #tpu.memory_space<vmem>>
        %dma_start3A_807 = tpu.memref_squeeze %dma_start3A_806 : memref<1x128x32xf32, #tpu.memory_space<vmem>> -> memref<128x32xf32, #tpu.memory_space<vmem>>
        %dma_start3A_808 = arith.constant 0 : i32
        %dma_start3A_809 = tpu.memref_slice %arg8[%add3A_471, %dma_start3A_808] : memref<80x128xi32, #tpu.memory_space<vmem>> -> memref<1x128xi32, #tpu.memory_space<vmem>>
        %dma_start3A_810 = tpu.memref_squeeze %dma_start3A_809 : memref<1x128xi32, #tpu.memory_space<vmem>> -> memref<128xi32, #tpu.memory_space<vmem>>
        %dma_start3A_811 = arith.constant 0 : i32
        %dma_start3A_812 = arith.constant 0 : i32
        %dma_start3A_813 = tpu.memref_slice %arg11[%dma_start3A_811, %dma_start3A_812] : memref<10016x32xf32, #tpu.memory_space<vmem_shared>> -> memref<10016x32xf32, #tpu.memory_space<vmem_shared>>
        tpu.enqueue_indirect_dma source(%dma_start3A_807 : memref<128x32xf32, #tpu.memory_space<vmem>>) target(%dma_start3A_813 : memref<10016x32xf32, #tpu.memory_space<vmem_shared>>) offsets(%dma_start3A_810 : memref<128xi32, #tpu.memory_space<vmem>>) semaphore(%run_scoped3A_803 : memref<!tpu.dma_semaphore, #tpu.memory_space<semaphore_mem>>) {add = true}
        %dma_wait3A_814 = arith.constant 0 : i32
        %dma_wait3A_815 = arith.constant 0 : i32
        %dma_wait3A_816 = tpu.memref_slice %arg9[%run_scoped3A_482, %dma_wait3A_814, %dma_wait3A_815] : memref<16x128x32xf32, #tpu.memory_space<vmem>> -> memref<1x128x32xf32, #tpu.memory_space<vmem>>
        %dma_wait3A_817 = tpu.memref_squeeze %dma_wait3A_816 : memref<1x128x32xf32, #tpu.memory_space<vmem>> -> memref<128x32xf32, #tpu.memory_space<vmem>>
        %dma_wait3A_818 = arith.constant 0 : i32
        %dma_wait3A_819 = tpu.memref_slice %arg8[%add3A_471, %dma_wait3A_818] : memref<80x128xi32, #tpu.memory_space<vmem>> -> memref<1x128xi32, #tpu.memory_space<vmem>>
        %dma_wait3A_820 = tpu.memref_squeeze %dma_wait3A_819 : memref<1x128xi32, #tpu.memory_space<vmem>> -> memref<128xi32, #tpu.memory_space<vmem>>
        %dma_wait3A_821 = arith.constant 0 : i32
        %dma_wait3A_822 = arith.constant 0 : i32
        %dma_wait3A_823 = tpu.memref_slice %arg11[%dma_wait3A_821, %dma_wait3A_822] : memref<10016x32xf32, #tpu.memory_space<vmem_shared>> -> memref<10016x32xf32, #tpu.memory_space<vmem_shared>>
        tpu.wait_indirect_dma semaphore(%run_scoped3A_803 : memref<!tpu.dma_semaphore, #tpu.memory_space<semaphore_mem>>) src(%dma_wait3A_817 : memref<128x32xf32, #tpu.memory_space<vmem>>) dst(%dma_wait3A_823 : memref<10016x32xf32, #tpu.memory_space<vmem_shared>>)
        tpu.yield
      }) : () -> ()
      %lt3A_483 = arith.constant 4 : i32
      %lt3A_484 = arith.cmpi slt, %scan3A_467, %lt3A_483 : i32
      %convert_element_type3A_485 = arith.extui %lt3A_484 : i1 to i32
      %cond3A_486 = arith.constant 0 : i32
      %cond3A_487 = arith.cmpi ne, %convert_element_type3A_485, %cond3A_486 : i32
      scf.if %cond3A_487 {
        %add3A_803 = arith.constant 16 : i32
        %add3A_804 = arith.addi %add3A_471, %add3A_803 : i32
        %dma_start3A_805 = arith.constant 0 : i32
        %dma_start3A_806 = arith.constant 0 : i32
        %dma_start3A_807 = arith.constant 0 : i32
        %dma_start3A_808 = tpu.memref_slice %arg9[%dma_start3A_805, %dma_start3A_806, %dma_start3A_807] : memref<16x128x32xf32, #tpu.memory_space<vmem>> -> memref<1x128x32xf32, #tpu.memory_space<vmem>>
        %dma_start3A_809 = tpu.memref_squeeze %dma_start3A_808 : memref<1x128x32xf32, #tpu.memory_space<vmem>> -> memref<128x32xf32, #tpu.memory_space<vmem>>
        %dma_start3A_810 = arith.constant 0 : i32
        %dma_start3A_811 = tpu.memref_slice %arg7[%add3A_804, %dma_start3A_810] : memref<80x128xi32, #tpu.memory_space<vmem>> -> memref<1x128xi32, #tpu.memory_space<vmem>>
        %dma_start3A_812 = tpu.memref_squeeze %dma_start3A_811 : memref<1x128xi32, #tpu.memory_space<vmem>> -> memref<128xi32, #tpu.memory_space<vmem>>
        %dma_start3A_813 = arith.constant 0 : i32
        %dma_start3A_814 = arith.constant 0 : i32
        %dma_start3A_815 = tpu.memref_slice %arg13[%dma_start3A_813, %dma_start3A_814] : memref<10000x32xf32, #tpu.memory_space<vmem_shared>> -> memref<10000x32xf32, #tpu.memory_space<vmem_shared>>
        tpu.enqueue_indirect_dma source(%dma_start3A_815 : memref<10000x32xf32, #tpu.memory_space<vmem_shared>>) target(%dma_start3A_809 : memref<128x32xf32, #tpu.memory_space<vmem>>) offsets(%dma_start3A_812 : memref<128xi32, #tpu.memory_space<vmem>>) semaphore(%arg14 : memref<!tpu.dma_semaphore, #tpu.memory_space<semaphore_mem>>)
      } else {
      }
      %mul3A_488 = arith.constant 16 : i32
      %mul3A_489 = arith.muli %scan3A_467, %mul3A_488 : i32
      %add3A_490 = arith.constant 1 : i32
      %add3A_491 = arith.addi %mul3A_489, %add3A_490 : i32
      %dma_wait3A_492 = arith.constant 1 : i32
      %dma_wait3A_493 = arith.constant 0 : i32
      %dma_wait3A_494 = arith.constant 0 : i32
      %dma_wait3A_495 = tpu.memref_slice %arg9[%dma_wait3A_492, %dma_wait3A_493, %dma_wait3A_494] : memref<16x128x32xf32, #tpu.memory_space<vmem>> -> memref<1x128x32xf32, #tpu.memory_space<vmem>>
      %dma_wait3A_496 = tpu.memref_squeeze %dma_wait3A_495 : memref<1x128x32xf32, #tpu.memory_space<vmem>> -> memref<128x32xf32, #tpu.memory_space<vmem>>
      %dma_wait3A_497 = arith.constant 0 : i32
      %dma_wait3A_498 = tpu.memref_slice %arg7[%add3A_491, %dma_wait3A_497] : memref<80x128xi32, #tpu.memory_space<vmem>> -> memref<1x128xi32, #tpu.memory_space<vmem>>
      %dma_wait3A_499 = tpu.memref_squeeze %dma_wait3A_498 : memref<1x128xi32, #tpu.memory_space<vmem>> -> memref<128xi32, #tpu.memory_space<vmem>>
      %dma_wait3A_500 = arith.constant 0 : i32
      %dma_wait3A_501 = arith.constant 0 : i32
      %dma_wait3A_502 = tpu.memref_slice %arg13[%dma_wait3A_500, %dma_wait3A_501] : memref<10000x32xf32, #tpu.memory_space<vmem_shared>> -> memref<10000x32xf32, #tpu.memory_space<vmem_shared>>
      tpu.wait_indirect_dma semaphore(%arg15 : memref<!tpu.dma_semaphore, #tpu.memory_space<semaphore_mem>>) src(%dma_wait3A_502 : memref<10000x32xf32, #tpu.memory_space<vmem_shared>>) dst(%dma_wait3A_496 : memref<128x32xf32, #tpu.memory_space<vmem>>)
      %run_scoped3A_503 = arith.constant 1 : i32
      "tpu.region"() ({
        %run_scoped3A_803 = tpu.sem_alloc : memref<!tpu.dma_semaphore, #tpu.memory_space<semaphore_mem>>
        %dma_start3A_804 = arith.constant 0 : i32
        %dma_start3A_805 = arith.constant 0 : i32
        %dma_start3A_806 = tpu.memref_slice %arg9[%run_scoped3A_503, %dma_start3A_804, %dma_start3A_805] : memref<16x128x32xf32, #tpu.memory_space<vmem>> -> memref<1x128x32xf32, #tpu.memory_space<vmem>>
        %dma_start3A_807 = tpu.memref_squeeze %dma_start3A_806 : memref<1x128x32xf32, #tpu.memory_space<vmem>> -> memref<128x32xf32, #tpu.memory_space<vmem>>
        %dma_start3A_808 = arith.constant 0 : i32
        %dma_start3A_809 = tpu.memref_slice %arg8[%add3A_491, %dma_start3A_808] : memref<80x128xi32, #tpu.memory_space<vmem>> -> memref<1x128xi32, #tpu.memory_space<vmem>>
        %dma_start3A_810 = tpu.memref_squeeze %dma_start3A_809 : memref<1x128xi32, #tpu.memory_space<vmem>> -> memref<128xi32, #tpu.memory_space<vmem>>
        %dma_start3A_811 = arith.constant 0 : i32
        %dma_start3A_812 = arith.constant 0 : i32
        %dma_start3A_813 = tpu.memref_slice %arg11[%dma_start3A_811, %dma_start3A_812] : memref<10016x32xf32, #tpu.memory_space<vmem_shared>> -> memref<10016x32xf32, #tpu.memory_space<vmem_shared>>
        tpu.enqueue_indirect_dma source(%dma_start3A_807 : memref<128x32xf32, #tpu.memory_space<vmem>>) target(%dma_start3A_813 : memref<10016x32xf32, #tpu.memory_space<vmem_shared>>) offsets(%dma_start3A_810 : memref<128xi32, #tpu.memory_space<vmem>>) semaphore(%run_scoped3A_803 : memref<!tpu.dma_semaphore, #tpu.memory_space<semaphore_mem>>) {add = true}
        %dma_wait3A_814 = arith.constant 0 : i32
        %dma_wait3A_815 = arith.constant 0 : i32
        %dma_wait3A_816 = tpu.memref_slice %arg9[%run_scoped3A_503, %dma_wait3A_814, %dma_wait3A_815] : memref<16x128x32xf32, #tpu.memory_space<vmem>> -> memref<1x128x32xf32, #tpu.memory_space<vmem>>
        %dma_wait3A_817 = tpu.memref_squeeze %dma_wait3A_816 : memref<1x128x32xf32, #tpu.memory_space<vmem>> -> memref<128x32xf32, #tpu.memory_space<vmem>>
        %dma_wait3A_818 = arith.constant 0 : i32
        %dma_wait3A_819 = tpu.memref_slice %arg8[%add3A_491, %dma_wait3A_818] : memref<80x128xi32, #tpu.memory_space<vmem>> -> memref<1x128xi32, #tpu.memory_space<vmem>>
        %dma_wait3A_820 = tpu.memref_squeeze %dma_wait3A_819 : memref<1x128xi32, #tpu.memory_space<vmem>> -> memref<128xi32, #tpu.memory_space<vmem>>
        %dma_wait3A_821 = arith.constant 0 : i32
        %dma_wait3A_822 = arith.constant 0 : i32
        %dma_wait3A_823 = tpu.memref_slice %arg11[%dma_wait3A_821, %dma_wait3A_822] : memref<10016x32xf32, #tpu.memory_space<vmem_shared>> -> memref<10016x32xf32, #tpu.memory_space<vmem_shared>>
        tpu.wait_indirect_dma semaphore(%run_scoped3A_803 : memref<!tpu.dma_semaphore, #tpu.memory_space<semaphore_mem>>) src(%dma_wait3A_817 : memref<128x32xf32, #tpu.memory_space<vmem>>) dst(%dma_wait3A_823 : memref<10016x32xf32, #tpu.memory_space<vmem_shared>>)
        tpu.yield
      }) : () -> ()
      %lt3A_504 = arith.constant 4 : i32
      %lt3A_505 = arith.cmpi slt, %scan3A_467, %lt3A_504 : i32
      %convert_element_type3A_506 = arith.extui %lt3A_505 : i1 to i32
      %cond3A_507 = arith.constant 0 : i32
      %cond3A_508 = arith.cmpi ne, %convert_element_type3A_506, %cond3A_507 : i32
      scf.if %cond3A_508 {
        %add3A_803 = arith.constant 16 : i32
        %add3A_804 = arith.addi %add3A_491, %add3A_803 : i32
        %dma_start3A_805 = arith.constant 1 : i32
        %dma_start3A_806 = arith.constant 0 : i32
        %dma_start3A_807 = arith.constant 0 : i32
        %dma_start3A_808 = tpu.memref_slice %arg9[%dma_start3A_805, %dma_start3A_806, %dma_start3A_807] : memref<16x128x32xf32, #tpu.memory_space<vmem>> -> memref<1x128x32xf32, #tpu.memory_space<vmem>>
        %dma_start3A_809 = tpu.memref_squeeze %dma_start3A_808 : memref<1x128x32xf32, #tpu.memory_space<vmem>> -> memref<128x32xf32, #tpu.memory_space<vmem>>
        %dma_start3A_810 = arith.constant 0 : i32
        %dma_start3A_811 = tpu.memref_slice %arg7[%add3A_804, %dma_start3A_810] : memref<80x128xi32, #tpu.memory_space<vmem>> -> memref<1x128xi32, #tpu.memory_space<vmem>>
        %dma_start3A_812 = tpu.memref_squeeze %dma_start3A_811 : memref<1x128xi32, #tpu.memory_space<vmem>> -> memref<128xi32, #tpu.memory_space<vmem>>
        %dma_start3A_813 = arith.constant 0 : i32
        %dma_start3A_814 = arith.constant 0 : i32
        %dma_start3A_815 = tpu.memref_slice %arg13[%dma_start3A_813, %dma_start3A_814] : memref<10000x32xf32, #tpu.memory_space<vmem_shared>> -> memref<10000x32xf32, #tpu.memory_space<vmem_shared>>
        tpu.enqueue_indirect_dma source(%dma_start3A_815 : memref<10000x32xf32, #tpu.memory_space<vmem_shared>>) target(%dma_start3A_809 : memref<128x32xf32, #tpu.memory_space<vmem>>) offsets(%dma_start3A_812 : memref<128xi32, #tpu.memory_space<vmem>>) semaphore(%arg15 : memref<!tpu.dma_semaphore, #tpu.memory_space<semaphore_mem>>)
      } else {
      }
      %mul3A_509 = arith.constant 16 : i32
      %mul3A_510 = arith.muli %scan3A_467, %mul3A_509 : i32
      %add3A_511 = arith.constant 2 : i32
      %add3A_512 = arith.addi %mul3A_510, %add3A_511 : i32
      %dma_wait3A_513 = arith.constant 2 : i32
      %dma_wait3A_514 = arith.constant 0 : i32
      %dma_wait3A_515 = arith.constant 0 : i32
      %dma_wait3A_516 = tpu.memref_slice %arg9[%dma_wait3A_513, %dma_wait3A_514, %dma_wait3A_515] : memref<16x128x32xf32, #tpu.memory_space<vmem>> -> memref<1x128x32xf32, #tpu.memory_space<vmem>>
      %dma_wait3A_517 = tpu.memref_squeeze %dma_wait3A_516 : memref<1x128x32xf32, #tpu.memory_space<vmem>> -> memref<128x32xf32, #tpu.memory_space<vmem>>
      %dma_wait3A_518 = arith.constant 0 : i32
      %dma_wait3A_519 = tpu.memref_slice %arg7[%add3A_512, %dma_wait3A_518] : memref<80x128xi32, #tpu.memory_space<vmem>> -> memref<1x128xi32, #tpu.memory_space<vmem>>
      %dma_wait3A_520 = tpu.memref_squeeze %dma_wait3A_519 : memref<1x128xi32, #tpu.memory_space<vmem>> -> memref<128xi32, #tpu.memory_space<vmem>>
      %dma_wait3A_521 = arith.constant 0 : i32
      %dma_wait3A_522 = arith.constant 0 : i32
      %dma_wait3A_523 = tpu.memref_slice %arg13[%dma_wait3A_521, %dma_wait3A_522] : memref<10000x32xf32, #tpu.memory_space<vmem_shared>> -> memref<10000x32xf32, #tpu.memory_space<vmem_shared>>
      tpu.wait_indirect_dma semaphore(%arg16 : memref<!tpu.dma_semaphore, #tpu.memory_space<semaphore_mem>>) src(%dma_wait3A_523 : memref<10000x32xf32, #tpu.memory_space<vmem_shared>>) dst(%dma_wait3A_517 : memref<128x32xf32, #tpu.memory_space<vmem>>)
      %run_scoped3A_524 = arith.constant 2 : i32
      "tpu.region"() ({
        %run_scoped3A_803 = tpu.sem_alloc : memref<!tpu.dma_semaphore, #tpu.memory_space<semaphore_mem>>
        %dma_start3A_804 = arith.constant 0 : i32
        %dma_start3A_805 = arith.constant 0 : i32
        %dma_start3A_806 = tpu.memref_slice %arg9[%run_scoped3A_524, %dma_start3A_804, %dma_start3A_805] : memref<16x128x32xf32, #tpu.memory_space<vmem>> -> memref<1x128x32xf32, #tpu.memory_space<vmem>>
        %dma_start3A_807 = tpu.memref_squeeze %dma_start3A_806 : memref<1x128x32xf32, #tpu.memory_space<vmem>> -> memref<128x32xf32, #tpu.memory_space<vmem>>
        %dma_start3A_808 = arith.constant 0 : i32
        %dma_start3A_809 = tpu.memref_slice %arg8[%add3A_512, %dma_start3A_808] : memref<80x128xi32, #tpu.memory_space<vmem>> -> memref<1x128xi32, #tpu.memory_space<vmem>>
        %dma_start3A_810 = tpu.memref_squeeze %dma_start3A_809 : memref<1x128xi32, #tpu.memory_space<vmem>> -> memref<128xi32, #tpu.memory_space<vmem>>
        %dma_start3A_811 = arith.constant 0 : i32
        %dma_start3A_812 = arith.constant 0 : i32
        %dma_start3A_813 = tpu.memref_slice %arg11[%dma_start3A_811, %dma_start3A_812] : memref<10016x32xf32, #tpu.memory_space<vmem_shared>> -> memref<10016x32xf32, #tpu.memory_space<vmem_shared>>
        tpu.enqueue_indirect_dma source(%dma_start3A_807 : memref<128x32xf32, #tpu.memory_space<vmem>>) target(%dma_start3A_813 : memref<10016x32xf32, #tpu.memory_space<vmem_shared>>) offsets(%dma_start3A_810 : memref<128xi32, #tpu.memory_space<vmem>>) semaphore(%run_scoped3A_803 : memref<!tpu.dma_semaphore, #tpu.memory_space<semaphore_mem>>) {add = true}
        %dma_wait3A_814 = arith.constant 0 : i32
        %dma_wait3A_815 = arith.constant 0 : i32
        %dma_wait3A_816 = tpu.memref_slice %arg9[%run_scoped3A_524, %dma_wait3A_814, %dma_wait3A_815] : memref<16x128x32xf32, #tpu.memory_space<vmem>> -> memref<1x128x32xf32, #tpu.memory_space<vmem>>
        %dma_wait3A_817 = tpu.memref_squeeze %dma_wait3A_816 : memref<1x128x32xf32, #tpu.memory_space<vmem>> -> memref<128x32xf32, #tpu.memory_space<vmem>>
        %dma_wait3A_818 = arith.constant 0 : i32
        %dma_wait3A_819 = tpu.memref_slice %arg8[%add3A_512, %dma_wait3A_818] : memref<80x128xi32, #tpu.memory_space<vmem>> -> memref<1x128xi32, #tpu.memory_space<vmem>>
        %dma_wait3A_820 = tpu.memref_squeeze %dma_wait3A_819 : memref<1x128xi32, #tpu.memory_space<vmem>> -> memref<128xi32, #tpu.memory_space<vmem>>
        %dma_wait3A_821 = arith.constant 0 : i32
        %dma_wait3A_822 = arith.constant 0 : i32
        %dma_wait3A_823 = tpu.memref_slice %arg11[%dma_wait3A_821, %dma_wait3A_822] : memref<10016x32xf32, #tpu.memory_space<vmem_shared>> -> memref<10016x32xf32, #tpu.memory_space<vmem_shared>>
        tpu.wait_indirect_dma semaphore(%run_scoped3A_803 : memref<!tpu.dma_semaphore, #tpu.memory_space<semaphore_mem>>) src(%dma_wait3A_817 : memref<128x32xf32, #tpu.memory_space<vmem>>) dst(%dma_wait3A_823 : memref<10016x32xf32, #tpu.memory_space<vmem_shared>>)
        tpu.yield
      }) : () -> ()
      %lt3A_525 = arith.constant 4 : i32
      %lt3A_526 = arith.cmpi slt, %scan3A_467, %lt3A_525 : i32
      %convert_element_type3A_527 = arith.extui %lt3A_526 : i1 to i32
      %cond3A_528 = arith.constant 0 : i32
      %cond3A_529 = arith.cmpi ne, %convert_element_type3A_527, %cond3A_528 : i32
      scf.if %cond3A_529 {
        %add3A_803 = arith.constant 16 : i32
        %add3A_804 = arith.addi %add3A_512, %add3A_803 : i32
        %dma_start3A_805 = arith.constant 2 : i32
        %dma_start3A_806 = arith.constant 0 : i32
        %dma_start3A_807 = arith.constant 0 : i32
        %dma_start3A_808 = tpu.memref_slice %arg9[%dma_start3A_805, %dma_start3A_806, %dma_start3A_807] : memref<16x128x32xf32, #tpu.memory_space<vmem>> -> memref<1x128x32xf32, #tpu.memory_space<vmem>>
        %dma_start3A_809 = tpu.memref_squeeze %dma_start3A_808 : memref<1x128x32xf32, #tpu.memory_space<vmem>> -> memref<128x32xf32, #tpu.memory_space<vmem>>
        %dma_start3A_810 = arith.constant 0 : i32
        %dma_start3A_811 = tpu.memref_slice %arg7[%add3A_804, %dma_start3A_810] : memref<80x128xi32, #tpu.memory_space<vmem>> -> memref<1x128xi32, #tpu.memory_space<vmem>>
        %dma_start3A_812 = tpu.memref_squeeze %dma_start3A_811 : memref<1x128xi32, #tpu.memory_space<vmem>> -> memref<128xi32, #tpu.memory_space<vmem>>
        %dma_start3A_813 = arith.constant 0 : i32
        %dma_start3A_814 = arith.constant 0 : i32
        %dma_start3A_815 = tpu.memref_slice %arg13[%dma_start3A_813, %dma_start3A_814] : memref<10000x32xf32, #tpu.memory_space<vmem_shared>> -> memref<10000x32xf32, #tpu.memory_space<vmem_shared>>
        tpu.enqueue_indirect_dma source(%dma_start3A_815 : memref<10000x32xf32, #tpu.memory_space<vmem_shared>>) target(%dma_start3A_809 : memref<128x32xf32, #tpu.memory_space<vmem>>) offsets(%dma_start3A_812 : memref<128xi32, #tpu.memory_space<vmem>>) semaphore(%arg16 : memref<!tpu.dma_semaphore, #tpu.memory_space<semaphore_mem>>)
      } else {
      }
      %mul3A_530 = arith.constant 16 : i32
      %mul3A_531 = arith.muli %scan3A_467, %mul3A_530 : i32
      %add3A_532 = arith.constant 3 : i32
      %add3A_533 = arith.addi %mul3A_531, %add3A_532 : i32
      %dma_wait3A_534 = arith.constant 3 : i32
      %dma_wait3A_535 = arith.constant 0 : i32
      %dma_wait3A_536 = arith.constant 0 : i32
      %dma_wait3A_537 = tpu.memref_slice %arg9[%dma_wait3A_534, %dma_wait3A_535, %dma_wait3A_536] : memref<16x128x32xf32, #tpu.memory_space<vmem>> -> memref<1x128x32xf32, #tpu.memory_space<vmem>>
      %dma_wait3A_538 = tpu.memref_squeeze %dma_wait3A_537 : memref<1x128x32xf32, #tpu.memory_space<vmem>> -> memref<128x32xf32, #tpu.memory_space<vmem>>
      %dma_wait3A_539 = arith.constant 0 : i32
      %dma_wait3A_540 = tpu.memref_slice %arg7[%add3A_533, %dma_wait3A_539] : memref<80x128xi32, #tpu.memory_space<vmem>> -> memref<1x128xi32, #tpu.memory_space<vmem>>
      %dma_wait3A_541 = tpu.memref_squeeze %dma_wait3A_540 : memref<1x128xi32, #tpu.memory_space<vmem>> -> memref<128xi32, #tpu.memory_space<vmem>>
      %dma_wait3A_542 = arith.constant 0 : i32
      %dma_wait3A_543 = arith.constant 0 : i32
      %dma_wait3A_544 = tpu.memref_slice %arg13[%dma_wait3A_542, %dma_wait3A_543] : memref<10000x32xf32, #tpu.memory_space<vmem_shared>> -> memref<10000x32xf32, #tpu.memory_space<vmem_shared>>
      tpu.wait_indirect_dma semaphore(%arg17 : memref<!tpu.dma_semaphore, #tpu.memory_space<semaphore_mem>>) src(%dma_wait3A_544 : memref<10000x32xf32, #tpu.memory_space<vmem_shared>>) dst(%dma_wait3A_538 : memref<128x32xf32, #tpu.memory_space<vmem>>)
      %run_scoped3A_545 = arith.constant 3 : i32
      "tpu.region"() ({
        %run_scoped3A_803 = tpu.sem_alloc : memref<!tpu.dma_semaphore, #tpu.memory_space<semaphore_mem>>
        %dma_start3A_804 = arith.constant 0 : i32
        %dma_start3A_805 = arith.constant 0 : i32
        %dma_start3A_806 = tpu.memref_slice %arg9[%run_scoped3A_545, %dma_start3A_804, %dma_start3A_805] : memref<16x128x32xf32, #tpu.memory_space<vmem>> -> memref<1x128x32xf32, #tpu.memory_space<vmem>>
        %dma_start3A_807 = tpu.memref_squeeze %dma_start3A_806 : memref<1x128x32xf32, #tpu.memory_space<vmem>> -> memref<128x32xf32, #tpu.memory_space<vmem>>
        %dma_start3A_808 = arith.constant 0 : i32
        %dma_start3A_809 = tpu.memref_slice %arg8[%add3A_533, %dma_start3A_808] : memref<80x128xi32, #tpu.memory_space<vmem>> -> memref<1x128xi32, #tpu.memory_space<vmem>>
        %dma_start3A_810 = tpu.memref_squeeze %dma_start3A_809 : memref<1x128xi32, #tpu.memory_space<vmem>> -> memref<128xi32, #tpu.memory_space<vmem>>
        %dma_start3A_811 = arith.constant 0 : i32
        %dma_start3A_812 = arith.constant 0 : i32
        %dma_start3A_813 = tpu.memref_slice %arg11[%dma_start3A_811, %dma_start3A_812] : memref<10016x32xf32, #tpu.memory_space<vmem_shared>> -> memref<10016x32xf32, #tpu.memory_space<vmem_shared>>
        tpu.enqueue_indirect_dma source(%dma_start3A_807 : memref<128x32xf32, #tpu.memory_space<vmem>>) target(%dma_start3A_813 : memref<10016x32xf32, #tpu.memory_space<vmem_shared>>) offsets(%dma_start3A_810 : memref<128xi32, #tpu.memory_space<vmem>>) semaphore(%run_scoped3A_803 : memref<!tpu.dma_semaphore, #tpu.memory_space<semaphore_mem>>) {add = true}
        %dma_wait3A_814 = arith.constant 0 : i32
        %dma_wait3A_815 = arith.constant 0 : i32
        %dma_wait3A_816 = tpu.memref_slice %arg9[%run_scoped3A_545, %dma_wait3A_814, %dma_wait3A_815] : memref<16x128x32xf32, #tpu.memory_space<vmem>> -> memref<1x128x32xf32, #tpu.memory_space<vmem>>
        %dma_wait3A_817 = tpu.memref_squeeze %dma_wait3A_816 : memref<1x128x32xf32, #tpu.memory_space<vmem>> -> memref<128x32xf32, #tpu.memory_space<vmem>>
        %dma_wait3A_818 = arith.constant 0 : i32
        %dma_wait3A_819 = tpu.memref_slice %arg8[%add3A_533, %dma_wait3A_818] : memref<80x128xi32, #tpu.memory_space<vmem>> -> memref<1x128xi32, #tpu.memory_space<vmem>>
        %dma_wait3A_820 = tpu.memref_squeeze %dma_wait3A_819 : memref<1x128xi32, #tpu.memory_space<vmem>> -> memref<128xi32, #tpu.memory_space<vmem>>
        %dma_wait3A_821 = arith.constant 0 : i32
        %dma_wait3A_822 = arith.constant 0 : i32
        %dma_wait3A_823 = tpu.memref_slice %arg11[%dma_wait3A_821, %dma_wait3A_822] : memref<10016x32xf32, #tpu.memory_space<vmem_shared>> -> memref<10016x32xf32, #tpu.memory_space<vmem_shared>>
        tpu.wait_indirect_dma semaphore(%run_scoped3A_803 : memref<!tpu.dma_semaphore, #tpu.memory_space<semaphore_mem>>) src(%dma_wait3A_817 : memref<128x32xf32, #tpu.memory_space<vmem>>) dst(%dma_wait3A_823 : memref<10016x32xf32, #tpu.memory_space<vmem_shared>>)
        tpu.yield
      }) : () -> ()
      %lt3A_546 = arith.constant 4 : i32
      %lt3A_547 = arith.cmpi slt, %scan3A_467, %lt3A_546 : i32
      %convert_element_type3A_548 = arith.extui %lt3A_547 : i1 to i32
      %cond3A_549 = arith.constant 0 : i32
      %cond3A_550 = arith.cmpi ne, %convert_element_type3A_548, %cond3A_549 : i32
      scf.if %cond3A_550 {
        %add3A_803 = arith.constant 16 : i32
        %add3A_804 = arith.addi %add3A_533, %add3A_803 : i32
        %dma_start3A_805 = arith.constant 3 : i32
        %dma_start3A_806 = arith.constant 0 : i32
        %dma_start3A_807 = arith.constant 0 : i32
        %dma_start3A_808 = tpu.memref_slice %arg9[%dma_start3A_805, %dma_start3A_806, %dma_start3A_807] : memref<16x128x32xf32, #tpu.memory_space<vmem>> -> memref<1x128x32xf32, #tpu.memory_space<vmem>>
        %dma_start3A_809 = tpu.memref_squeeze %dma_start3A_808 : memref<1x128x32xf32, #tpu.memory_space<vmem>> -> memref<128x32xf32, #tpu.memory_space<vmem>>
        %dma_start3A_810 = arith.constant 0 : i32
        %dma_start3A_811 = tpu.memref_slice %arg7[%add3A_804, %dma_start3A_810] : memref<80x128xi32, #tpu.memory_space<vmem>> -> memref<1x128xi32, #tpu.memory_space<vmem>>
        %dma_start3A_812 = tpu.memref_squeeze %dma_start3A_811 : memref<1x128xi32, #tpu.memory_space<vmem>> -> memref<128xi32, #tpu.memory_space<vmem>>
        %dma_start3A_813 = arith.constant 0 : i32
        %dma_start3A_814 = arith.constant 0 : i32
        %dma_start3A_815 = tpu.memref_slice %arg13[%dma_start3A_813, %dma_start3A_814] : memref<10000x32xf32, #tpu.memory_space<vmem_shared>> -> memref<10000x32xf32, #tpu.memory_space<vmem_shared>>
        tpu.enqueue_indirect_dma source(%dma_start3A_815 : memref<10000x32xf32, #tpu.memory_space<vmem_shared>>) target(%dma_start3A_809 : memref<128x32xf32, #tpu.memory_space<vmem>>) offsets(%dma_start3A_812 : memref<128xi32, #tpu.memory_space<vmem>>) semaphore(%arg17 : memref<!tpu.dma_semaphore, #tpu.memory_space<semaphore_mem>>)
      } else {
      }
      %mul3A_551 = arith.constant 16 : i32
      %mul3A_552 = arith.muli %scan3A_467, %mul3A_551 : i32
      %add3A_553 = arith.constant 4 : i32
      %add3A_554 = arith.addi %mul3A_552, %add3A_553 : i32
      %dma_wait3A_555 = arith.constant 4 : i32
      %dma_wait3A_556 = arith.constant 0 : i32
      %dma_wait3A_557 = arith.constant 0 : i32
      %dma_wait3A_558 = tpu.memref_slice %arg9[%dma_wait3A_555, %dma_wait3A_556, %dma_wait3A_557] : memref<16x128x32xf32, #tpu.memory_space<vmem>> -> memref<1x128x32xf32, #tpu.memory_space<vmem>>
      %dma_wait3A_559 = tpu.memref_squeeze %dma_wait3A_558 : memref<1x128x32xf32, #tpu.memory_space<vmem>> -> memref<128x32xf32, #tpu.memory_space<vmem>>
      %dma_wait3A_560 = arith.constant 0 : i32
      %dma_wait3A_561 = tpu.memref_slice %arg7[%add3A_554, %dma_wait3A_560] : memref<80x128xi32, #tpu.memory_space<vmem>> -> memref<1x128xi32, #tpu.memory_space<vmem>>
      %dma_wait3A_562 = tpu.memref_squeeze %dma_wait3A_561 : memref<1x128xi32, #tpu.memory_space<vmem>> -> memref<128xi32, #tpu.memory_space<vmem>>
      %dma_wait3A_563 = arith.constant 0 : i32
      %dma_wait3A_564 = arith.constant 0 : i32
      %dma_wait3A_565 = tpu.memref_slice %arg13[%dma_wait3A_563, %dma_wait3A_564] : memref<10000x32xf32, #tpu.memory_space<vmem_shared>> -> memref<10000x32xf32, #tpu.memory_space<vmem_shared>>
      tpu.wait_indirect_dma semaphore(%arg18 : memref<!tpu.dma_semaphore, #tpu.memory_space<semaphore_mem>>) src(%dma_wait3A_565 : memref<10000x32xf32, #tpu.memory_space<vmem_shared>>) dst(%dma_wait3A_559 : memref<128x32xf32, #tpu.memory_space<vmem>>)
      %run_scoped3A_566 = arith.constant 4 : i32
      "tpu.region"() ({
        %run_scoped3A_803 = tpu.sem_alloc : memref<!tpu.dma_semaphore, #tpu.memory_space<semaphore_mem>>
        %dma_start3A_804 = arith.constant 0 : i32
        %dma_start3A_805 = arith.constant 0 : i32
        %dma_start3A_806 = tpu.memref_slice %arg9[%run_scoped3A_566, %dma_start3A_804, %dma_start3A_805] : memref<16x128x32xf32, #tpu.memory_space<vmem>> -> memref<1x128x32xf32, #tpu.memory_space<vmem>>
        %dma_start3A_807 = tpu.memref_squeeze %dma_start3A_806 : memref<1x128x32xf32, #tpu.memory_space<vmem>> -> memref<128x32xf32, #tpu.memory_space<vmem>>
        %dma_start3A_808 = arith.constant 0 : i32
        %dma_start3A_809 = tpu.memref_slice %arg8[%add3A_554, %dma_start3A_808] : memref<80x128xi32, #tpu.memory_space<vmem>> -> memref<1x128xi32, #tpu.memory_space<vmem>>
        %dma_start3A_810 = tpu.memref_squeeze %dma_start3A_809 : memref<1x128xi32, #tpu.memory_space<vmem>> -> memref<128xi32, #tpu.memory_space<vmem>>
        %dma_start3A_811 = arith.constant 0 : i32
        %dma_start3A_812 = arith.constant 0 : i32
        %dma_start3A_813 = tpu.memref_slice %arg11[%dma_start3A_811, %dma_start3A_812] : memref<10016x32xf32, #tpu.memory_space<vmem_shared>> -> memref<10016x32xf32, #tpu.memory_space<vmem_shared>>
        tpu.enqueue_indirect_dma source(%dma_start3A_807 : memref<128x32xf32, #tpu.memory_space<vmem>>) target(%dma_start3A_813 : memref<10016x32xf32, #tpu.memory_space<vmem_shared>>) offsets(%dma_start3A_810 : memref<128xi32, #tpu.memory_space<vmem>>) semaphore(%run_scoped3A_803 : memref<!tpu.dma_semaphore, #tpu.memory_space<semaphore_mem>>) {add = true}
        %dma_wait3A_814 = arith.constant 0 : i32
        %dma_wait3A_815 = arith.constant 0 : i32
        %dma_wait3A_816 = tpu.memref_slice %arg9[%run_scoped3A_566, %dma_wait3A_814, %dma_wait3A_815] : memref<16x128x32xf32, #tpu.memory_space<vmem>> -> memref<1x128x32xf32, #tpu.memory_space<vmem>>
        %dma_wait3A_817 = tpu.memref_squeeze %dma_wait3A_816 : memref<1x128x32xf32, #tpu.memory_space<vmem>> -> memref<128x32xf32, #tpu.memory_space<vmem>>
        %dma_wait3A_818 = arith.constant 0 : i32
        %dma_wait3A_819 = tpu.memref_slice %arg8[%add3A_554, %dma_wait3A_818] : memref<80x128xi32, #tpu.memory_space<vmem>> -> memref<1x128xi32, #tpu.memory_space<vmem>>
        %dma_wait3A_820 = tpu.memref_squeeze %dma_wait3A_819 : memref<1x128xi32, #tpu.memory_space<vmem>> -> memref<128xi32, #tpu.memory_space<vmem>>
        %dma_wait3A_821 = arith.constant 0 : i32
        %dma_wait3A_822 = arith.constant 0 : i32
        %dma_wait3A_823 = tpu.memref_slice %arg11[%dma_wait3A_821, %dma_wait3A_822] : memref<10016x32xf32, #tpu.memory_space<vmem_shared>> -> memref<10016x32xf32, #tpu.memory_space<vmem_shared>>
        tpu.wait_indirect_dma semaphore(%run_scoped3A_803 : memref<!tpu.dma_semaphore, #tpu.memory_space<semaphore_mem>>) src(%dma_wait3A_817 : memref<128x32xf32, #tpu.memory_space<vmem>>) dst(%dma_wait3A_823 : memref<10016x32xf32, #tpu.memory_space<vmem_shared>>)
        tpu.yield
      }) : () -> ()
      %lt3A_567 = arith.constant 4 : i32
      %lt3A_568 = arith.cmpi slt, %scan3A_467, %lt3A_567 : i32
      %convert_element_type3A_569 = arith.extui %lt3A_568 : i1 to i32
      %cond3A_570 = arith.constant 0 : i32
      %cond3A_571 = arith.cmpi ne, %convert_element_type3A_569, %cond3A_570 : i32
      scf.if %cond3A_571 {
        %add3A_803 = arith.constant 16 : i32
        %add3A_804 = arith.addi %add3A_554, %add3A_803 : i32
        %dma_start3A_805 = arith.constant 4 : i32
        %dma_start3A_806 = arith.constant 0 : i32
        %dma_start3A_807 = arith.constant 0 : i32
        %dma_start3A_808 = tpu.memref_slice %arg9[%dma_start3A_805, %dma_start3A_806, %dma_start3A_807] : memref<16x128x32xf32, #tpu.memory_space<vmem>> -> memref<1x128x32xf32, #tpu.memory_space<vmem>>
        %dma_start3A_809 = tpu.memref_squeeze %dma_start3A_808 : memref<1x128x32xf32, #tpu.memory_space<vmem>> -> memref<128x32xf32, #tpu.memory_space<vmem>>
        %dma_start3A_810 = arith.constant 0 : i32
        %dma_start3A_811 = tpu.memref_slice %arg7[%add3A_804, %dma_start3A_810] : memref<80x128xi32, #tpu.memory_space<vmem>> -> memref<1x128xi32, #tpu.memory_space<vmem>>
        %dma_start3A_812 = tpu.memref_squeeze %dma_start3A_811 : memref<1x128xi32, #tpu.memory_space<vmem>> -> memref<128xi32, #tpu.memory_space<vmem>>
        %dma_start3A_813 = arith.constant 0 : i32
        %dma_start3A_814 = arith.constant 0 : i32
        %dma_start3A_815 = tpu.memref_slice %arg13[%dma_start3A_813, %dma_start3A_814] : memref<10000x32xf32, #tpu.memory_space<vmem_shared>> -> memref<10000x32xf32, #tpu.memory_space<vmem_shared>>
        tpu.enqueue_indirect_dma source(%dma_start3A_815 : memref<10000x32xf32, #tpu.memory_space<vmem_shared>>) target(%dma_start3A_809 : memref<128x32xf32, #tpu.memory_space<vmem>>) offsets(%dma_start3A_812 : memref<128xi32, #tpu.memory_space<vmem>>) semaphore(%arg18 : memref<!tpu.dma_semaphore, #tpu.memory_space<semaphore_mem>>)
      } else {
      }
      %mul3A_572 = arith.constant 16 : i32
      %mul3A_573 = arith.muli %scan3A_467, %mul3A_572 : i32
      %add3A_574 = arith.constant 5 : i32
      %add3A_575 = arith.addi %mul3A_573, %add3A_574 : i32
      %dma_wait3A_576 = arith.constant 5 : i32
      %dma_wait3A_577 = arith.constant 0 : i32
      %dma_wait3A_578 = arith.constant 0 : i32
      %dma_wait3A_579 = tpu.memref_slice %arg9[%dma_wait3A_576, %dma_wait3A_577, %dma_wait3A_578] : memref<16x128x32xf32, #tpu.memory_space<vmem>> -> memref<1x128x32xf32, #tpu.memory_space<vmem>>
      %dma_wait3A_580 = tpu.memref_squeeze %dma_wait3A_579 : memref<1x128x32xf32, #tpu.memory_space<vmem>> -> memref<128x32xf32, #tpu.memory_space<vmem>>
      %dma_wait3A_581 = arith.constant 0 : i32
      %dma_wait3A_582 = tpu.memref_slice %arg7[%add3A_575, %dma_wait3A_581] : memref<80x128xi32, #tpu.memory_space<vmem>> -> memref<1x128xi32, #tpu.memory_space<vmem>>
      %dma_wait3A_583 = tpu.memref_squeeze %dma_wait3A_582 : memref<1x128xi32, #tpu.memory_space<vmem>> -> memref<128xi32, #tpu.memory_space<vmem>>
      %dma_wait3A_584 = arith.constant 0 : i32
      %dma_wait3A_585 = arith.constant 0 : i32
      %dma_wait3A_586 = tpu.memref_slice %arg13[%dma_wait3A_584, %dma_wait3A_585] : memref<10000x32xf32, #tpu.memory_space<vmem_shared>> -> memref<10000x32xf32, #tpu.memory_space<vmem_shared>>
      tpu.wait_indirect_dma semaphore(%arg19 : memref<!tpu.dma_semaphore, #tpu.memory_space<semaphore_mem>>) src(%dma_wait3A_586 : memref<10000x32xf32, #tpu.memory_space<vmem_shared>>) dst(%dma_wait3A_580 : memref<128x32xf32, #tpu.memory_space<vmem>>)
      %run_scoped3A_587 = arith.constant 5 : i32
      "tpu.region"() ({
        %run_scoped3A_803 = tpu.sem_alloc : memref<!tpu.dma_semaphore, #tpu.memory_space<semaphore_mem>>
        %dma_start3A_804 = arith.constant 0 : i32
        %dma_start3A_805 = arith.constant 0 : i32
        %dma_start3A_806 = tpu.memref_slice %arg9[%run_scoped3A_587, %dma_start3A_804, %dma_start3A_805] : memref<16x128x32xf32, #tpu.memory_space<vmem>> -> memref<1x128x32xf32, #tpu.memory_space<vmem>>
        %dma_start3A_807 = tpu.memref_squeeze %dma_start3A_806 : memref<1x128x32xf32, #tpu.memory_space<vmem>> -> memref<128x32xf32, #tpu.memory_space<vmem>>
        %dma_start3A_808 = arith.constant 0 : i32
        %dma_start3A_809 = tpu.memref_slice %arg8[%add3A_575, %dma_start3A_808] : memref<80x128xi32, #tpu.memory_space<vmem>> -> memref<1x128xi32, #tpu.memory_space<vmem>>
        %dma_start3A_810 = tpu.memref_squeeze %dma_start3A_809 : memref<1x128xi32, #tpu.memory_space<vmem>> -> memref<128xi32, #tpu.memory_space<vmem>>
        %dma_start3A_811 = arith.constant 0 : i32
        %dma_start3A_812 = arith.constant 0 : i32
        %dma_start3A_813 = tpu.memref_slice %arg11[%dma_start3A_811, %dma_start3A_812] : memref<10016x32xf32, #tpu.memory_space<vmem_shared>> -> memref<10016x32xf32, #tpu.memory_space<vmem_shared>>
        tpu.enqueue_indirect_dma source(%dma_start3A_807 : memref<128x32xf32, #tpu.memory_space<vmem>>) target(%dma_start3A_813 : memref<10016x32xf32, #tpu.memory_space<vmem_shared>>) offsets(%dma_start3A_810 : memref<128xi32, #tpu.memory_space<vmem>>) semaphore(%run_scoped3A_803 : memref<!tpu.dma_semaphore, #tpu.memory_space<semaphore_mem>>) {add = true}
        %dma_wait3A_814 = arith.constant 0 : i32
        %dma_wait3A_815 = arith.constant 0 : i32
        %dma_wait3A_816 = tpu.memref_slice %arg9[%run_scoped3A_587, %dma_wait3A_814, %dma_wait3A_815] : memref<16x128x32xf32, #tpu.memory_space<vmem>> -> memref<1x128x32xf32, #tpu.memory_space<vmem>>
        %dma_wait3A_817 = tpu.memref_squeeze %dma_wait3A_816 : memref<1x128x32xf32, #tpu.memory_space<vmem>> -> memref<128x32xf32, #tpu.memory_space<vmem>>
        %dma_wait3A_818 = arith.constant 0 : i32
        %dma_wait3A_819 = tpu.memref_slice %arg8[%add3A_575, %dma_wait3A_818] : memref<80x128xi32, #tpu.memory_space<vmem>> -> memref<1x128xi32, #tpu.memory_space<vmem>>
        %dma_wait3A_820 = tpu.memref_squeeze %dma_wait3A_819 : memref<1x128xi32, #tpu.memory_space<vmem>> -> memref<128xi32, #tpu.memory_space<vmem>>
        %dma_wait3A_821 = arith.constant 0 : i32
        %dma_wait3A_822 = arith.constant 0 : i32
        %dma_wait3A_823 = tpu.memref_slice %arg11[%dma_wait3A_821, %dma_wait3A_822] : memref<10016x32xf32, #tpu.memory_space<vmem_shared>> -> memref<10016x32xf32, #tpu.memory_space<vmem_shared>>
        tpu.wait_indirect_dma semaphore(%run_scoped3A_803 : memref<!tpu.dma_semaphore, #tpu.memory_space<semaphore_mem>>) src(%dma_wait3A_817 : memref<128x32xf32, #tpu.memory_space<vmem>>) dst(%dma_wait3A_823 : memref<10016x32xf32, #tpu.memory_space<vmem_shared>>)
        tpu.yield
      }) : () -> ()
      %lt3A_588 = arith.constant 4 : i32
      %lt3A_589 = arith.cmpi slt, %scan3A_467, %lt3A_588 : i32
      %convert_element_type3A_590 = arith.extui %lt3A_589 : i1 to i32
      %cond3A_591 = arith.constant 0 : i32
      %cond3A_592 = arith.cmpi ne, %convert_element_type3A_590, %cond3A_591 : i32
      scf.if %cond3A_592 {
        %add3A_803 = arith.constant 16 : i32
        %add3A_804 = arith.addi %add3A_575, %add3A_803 : i32
        %dma_start3A_805 = arith.constant 5 : i32
        %dma_start3A_806 = arith.constant 0 : i32
        %dma_start3A_807 = arith.constant 0 : i32
        %dma_start3A_808 = tpu.memref_slice %arg9[%dma_start3A_805, %dma_start3A_806, %dma_start3A_807] : memref<16x128x32xf32, #tpu.memory_space<vmem>> -> memref<1x128x32xf32, #tpu.memory_space<vmem>>
        %dma_start3A_809 = tpu.memref_squeeze %dma_start3A_808 : memref<1x128x32xf32, #tpu.memory_space<vmem>> -> memref<128x32xf32, #tpu.memory_space<vmem>>
        %dma_start3A_810 = arith.constant 0 : i32
        %dma_start3A_811 = tpu.memref_slice %arg7[%add3A_804, %dma_start3A_810] : memref<80x128xi32, #tpu.memory_space<vmem>> -> memref<1x128xi32, #tpu.memory_space<vmem>>
        %dma_start3A_812 = tpu.memref_squeeze %dma_start3A_811 : memref<1x128xi32, #tpu.memory_space<vmem>> -> memref<128xi32, #tpu.memory_space<vmem>>
        %dma_start3A_813 = arith.constant 0 : i32
        %dma_start3A_814 = arith.constant 0 : i32
        %dma_start3A_815 = tpu.memref_slice %arg13[%dma_start3A_813, %dma_start3A_814] : memref<10000x32xf32, #tpu.memory_space<vmem_shared>> -> memref<10000x32xf32, #tpu.memory_space<vmem_shared>>
        tpu.enqueue_indirect_dma source(%dma_start3A_815 : memref<10000x32xf32, #tpu.memory_space<vmem_shared>>) target(%dma_start3A_809 : memref<128x32xf32, #tpu.memory_space<vmem>>) offsets(%dma_start3A_812 : memref<128xi32, #tpu.memory_space<vmem>>) semaphore(%arg19 : memref<!tpu.dma_semaphore, #tpu.memory_space<semaphore_mem>>)
      } else {
      }
      %mul3A_593 = arith.constant 16 : i32
      %mul3A_594 = arith.muli %scan3A_467, %mul3A_593 : i32
      %add3A_595 = arith.constant 6 : i32
      %add3A_596 = arith.addi %mul3A_594, %add3A_595 : i32
      %dma_wait3A_597 = arith.constant 6 : i32
      %dma_wait3A_598 = arith.constant 0 : i32
      %dma_wait3A_599 = arith.constant 0 : i32
      %dma_wait3A_600 = tpu.memref_slice %arg9[%dma_wait3A_597, %dma_wait3A_598, %dma_wait3A_599] : memref<16x128x32xf32, #tpu.memory_space<vmem>> -> memref<1x128x32xf32, #tpu.memory_space<vmem>>
      %dma_wait3A_601 = tpu.memref_squeeze %dma_wait3A_600 : memref<1x128x32xf32, #tpu.memory_space<vmem>> -> memref<128x32xf32, #tpu.memory_space<vmem>>
      %dma_wait3A_602 = arith.constant 0 : i32
      %dma_wait3A_603 = tpu.memref_slice %arg7[%add3A_596, %dma_wait3A_602] : memref<80x128xi32, #tpu.memory_space<vmem>> -> memref<1x128xi32, #tpu.memory_space<vmem>>
      %dma_wait3A_604 = tpu.memref_squeeze %dma_wait3A_603 : memref<1x128xi32, #tpu.memory_space<vmem>> -> memref<128xi32, #tpu.memory_space<vmem>>
      %dma_wait3A_605 = arith.constant 0 : i32
      %dma_wait3A_606 = arith.constant 0 : i32
      %dma_wait3A_607 = tpu.memref_slice %arg13[%dma_wait3A_605, %dma_wait3A_606] : memref<10000x32xf32, #tpu.memory_space<vmem_shared>> -> memref<10000x32xf32, #tpu.memory_space<vmem_shared>>
      tpu.wait_indirect_dma semaphore(%arg20 : memref<!tpu.dma_semaphore, #tpu.memory_space<semaphore_mem>>) src(%dma_wait3A_607 : memref<10000x32xf32, #tpu.memory_space<vmem_shared>>) dst(%dma_wait3A_601 : memref<128x32xf32, #tpu.memory_space<vmem>>)
      %run_scoped3A_608 = arith.constant 6 : i32
      "tpu.region"() ({
        %run_scoped3A_803 = tpu.sem_alloc : memref<!tpu.dma_semaphore, #tpu.memory_space<semaphore_mem>>
        %dma_start3A_804 = arith.constant 0 : i32
        %dma_start3A_805 = arith.constant 0 : i32
        %dma_start3A_806 = tpu.memref_slice %arg9[%run_scoped3A_608, %dma_start3A_804, %dma_start3A_805] : memref<16x128x32xf32, #tpu.memory_space<vmem>> -> memref<1x128x32xf32, #tpu.memory_space<vmem>>
        %dma_start3A_807 = tpu.memref_squeeze %dma_start3A_806 : memref<1x128x32xf32, #tpu.memory_space<vmem>> -> memref<128x32xf32, #tpu.memory_space<vmem>>
        %dma_start3A_808 = arith.constant 0 : i32
        %dma_start3A_809 = tpu.memref_slice %arg8[%add3A_596, %dma_start3A_808] : memref<80x128xi32, #tpu.memory_space<vmem>> -> memref<1x128xi32, #tpu.memory_space<vmem>>
        %dma_start3A_810 = tpu.memref_squeeze %dma_start3A_809 : memref<1x128xi32, #tpu.memory_space<vmem>> -> memref<128xi32, #tpu.memory_space<vmem>>
        %dma_start3A_811 = arith.constant 0 : i32
        %dma_start3A_812 = arith.constant 0 : i32
        %dma_start3A_813 = tpu.memref_slice %arg11[%dma_start3A_811, %dma_start3A_812] : memref<10016x32xf32, #tpu.memory_space<vmem_shared>> -> memref<10016x32xf32, #tpu.memory_space<vmem_shared>>
        tpu.enqueue_indirect_dma source(%dma_start3A_807 : memref<128x32xf32, #tpu.memory_space<vmem>>) target(%dma_start3A_813 : memref<10016x32xf32, #tpu.memory_space<vmem_shared>>) offsets(%dma_start3A_810 : memref<128xi32, #tpu.memory_space<vmem>>) semaphore(%run_scoped3A_803 : memref<!tpu.dma_semaphore, #tpu.memory_space<semaphore_mem>>) {add = true}
        %dma_wait3A_814 = arith.constant 0 : i32
        %dma_wait3A_815 = arith.constant 0 : i32
        %dma_wait3A_816 = tpu.memref_slice %arg9[%run_scoped3A_608, %dma_wait3A_814, %dma_wait3A_815] : memref<16x128x32xf32, #tpu.memory_space<vmem>> -> memref<1x128x32xf32, #tpu.memory_space<vmem>>
        %dma_wait3A_817 = tpu.memref_squeeze %dma_wait3A_816 : memref<1x128x32xf32, #tpu.memory_space<vmem>> -> memref<128x32xf32, #tpu.memory_space<vmem>>
        %dma_wait3A_818 = arith.constant 0 : i32
        %dma_wait3A_819 = tpu.memref_slice %arg8[%add3A_596, %dma_wait3A_818] : memref<80x128xi32, #tpu.memory_space<vmem>> -> memref<1x128xi32, #tpu.memory_space<vmem>>
        %dma_wait3A_820 = tpu.memref_squeeze %dma_wait3A_819 : memref<1x128xi32, #tpu.memory_space<vmem>> -> memref<128xi32, #tpu.memory_space<vmem>>
        %dma_wait3A_821 = arith.constant 0 : i32
        %dma_wait3A_822 = arith.constant 0 : i32
        %dma_wait3A_823 = tpu.memref_slice %arg11[%dma_wait3A_821, %dma_wait3A_822] : memref<10016x32xf32, #tpu.memory_space<vmem_shared>> -> memref<10016x32xf32, #tpu.memory_space<vmem_shared>>
        tpu.wait_indirect_dma semaphore(%run_scoped3A_803 : memref<!tpu.dma_semaphore, #tpu.memory_space<semaphore_mem>>) src(%dma_wait3A_817 : memref<128x32xf32, #tpu.memory_space<vmem>>) dst(%dma_wait3A_823 : memref<10016x32xf32, #tpu.memory_space<vmem_shared>>)
        tpu.yield
      }) : () -> ()
      %lt3A_609 = arith.constant 4 : i32
      %lt3A_610 = arith.cmpi slt, %scan3A_467, %lt3A_609 : i32
      %convert_element_type3A_611 = arith.extui %lt3A_610 : i1 to i32
      %cond3A_612 = arith.constant 0 : i32
      %cond3A_613 = arith.cmpi ne, %convert_element_type3A_611, %cond3A_612 : i32
      scf.if %cond3A_613 {
        %add3A_803 = arith.constant 16 : i32
        %add3A_804 = arith.addi %add3A_596, %add3A_803 : i32
        %dma_start3A_805 = arith.constant 6 : i32
        %dma_start3A_806 = arith.constant 0 : i32
        %dma_start3A_807 = arith.constant 0 : i32
        %dma_start3A_808 = tpu.memref_slice %arg9[%dma_start3A_805, %dma_start3A_806, %dma_start3A_807] : memref<16x128x32xf32, #tpu.memory_space<vmem>> -> memref<1x128x32xf32, #tpu.memory_space<vmem>>
        %dma_start3A_809 = tpu.memref_squeeze %dma_start3A_808 : memref<1x128x32xf32, #tpu.memory_space<vmem>> -> memref<128x32xf32, #tpu.memory_space<vmem>>
        %dma_start3A_810 = arith.constant 0 : i32
        %dma_start3A_811 = tpu.memref_slice %arg7[%add3A_804, %dma_start3A_810] : memref<80x128xi32, #tpu.memory_space<vmem>> -> memref<1x128xi32, #tpu.memory_space<vmem>>
        %dma_start3A_812 = tpu.memref_squeeze %dma_start3A_811 : memref<1x128xi32, #tpu.memory_space<vmem>> -> memref<128xi32, #tpu.memory_space<vmem>>
        %dma_start3A_813 = arith.constant 0 : i32
        %dma_start3A_814 = arith.constant 0 : i32
        %dma_start3A_815 = tpu.memref_slice %arg13[%dma_start3A_813, %dma_start3A_814] : memref<10000x32xf32, #tpu.memory_space<vmem_shared>> -> memref<10000x32xf32, #tpu.memory_space<vmem_shared>>
        tpu.enqueue_indirect_dma source(%dma_start3A_815 : memref<10000x32xf32, #tpu.memory_space<vmem_shared>>) target(%dma_start3A_809 : memref<128x32xf32, #tpu.memory_space<vmem>>) offsets(%dma_start3A_812 : memref<128xi32, #tpu.memory_space<vmem>>) semaphore(%arg20 : memref<!tpu.dma_semaphore, #tpu.memory_space<semaphore_mem>>)
      } else {
      }
      %mul3A_614 = arith.constant 16 : i32
      %mul3A_615 = arith.muli %scan3A_467, %mul3A_614 : i32
      %add3A_616 = arith.constant 7 : i32
      %add3A_617 = arith.addi %mul3A_615, %add3A_616 : i32
      %dma_wait3A_618 = arith.constant 7 : i32
      %dma_wait3A_619 = arith.constant 0 : i32
      %dma_wait3A_620 = arith.constant 0 : i32
      %dma_wait3A_621 = tpu.memref_slice %arg9[%dma_wait3A_618, %dma_wait3A_619, %dma_wait3A_620] : memref<16x128x32xf32, #tpu.memory_space<vmem>> -> memref<1x128x32xf32, #tpu.memory_space<vmem>>
      %dma_wait3A_622 = tpu.memref_squeeze %dma_wait3A_621 : memref<1x128x32xf32, #tpu.memory_space<vmem>> -> memref<128x32xf32, #tpu.memory_space<vmem>>
      %dma_wait3A_623 = arith.constant 0 : i32
      %dma_wait3A_624 = tpu.memref_slice %arg7[%add3A_617, %dma_wait3A_623] : memref<80x128xi32, #tpu.memory_space<vmem>> -> memref<1x128xi32, #tpu.memory_space<vmem>>
      %dma_wait3A_625 = tpu.memref_squeeze %dma_wait3A_624 : memref<1x128xi32, #tpu.memory_space<vmem>> -> memref<128xi32, #tpu.memory_space<vmem>>
      %dma_wait3A_626 = arith.constant 0 : i32
      %dma_wait3A_627 = arith.constant 0 : i32
      %dma_wait3A_628 = tpu.memref_slice %arg13[%dma_wait3A_626, %dma_wait3A_627] : memref<10000x32xf32, #tpu.memory_space<vmem_shared>> -> memref<10000x32xf32, #tpu.memory_space<vmem_shared>>
      tpu.wait_indirect_dma semaphore(%arg21 : memref<!tpu.dma_semaphore, #tpu.memory_space<semaphore_mem>>) src(%dma_wait3A_628 : memref<10000x32xf32, #tpu.memory_space<vmem_shared>>) dst(%dma_wait3A_622 : memref<128x32xf32, #tpu.memory_space<vmem>>)
      %run_scoped3A_629 = arith.constant 7 : i32
      "tpu.region"() ({
        %run_scoped3A_803 = tpu.sem_alloc : memref<!tpu.dma_semaphore, #tpu.memory_space<semaphore_mem>>
        %dma_start3A_804 = arith.constant 0 : i32
        %dma_start3A_805 = arith.constant 0 : i32
        %dma_start3A_806 = tpu.memref_slice %arg9[%run_scoped3A_629, %dma_start3A_804, %dma_start3A_805] : memref<16x128x32xf32, #tpu.memory_space<vmem>> -> memref<1x128x32xf32, #tpu.memory_space<vmem>>
        %dma_start3A_807 = tpu.memref_squeeze %dma_start3A_806 : memref<1x128x32xf32, #tpu.memory_space<vmem>> -> memref<128x32xf32, #tpu.memory_space<vmem>>
        %dma_start3A_808 = arith.constant 0 : i32
        %dma_start3A_809 = tpu.memref_slice %arg8[%add3A_617, %dma_start3A_808] : memref<80x128xi32, #tpu.memory_space<vmem>> -> memref<1x128xi32, #tpu.memory_space<vmem>>
        %dma_start3A_810 = tpu.memref_squeeze %dma_start3A_809 : memref<1x128xi32, #tpu.memory_space<vmem>> -> memref<128xi32, #tpu.memory_space<vmem>>
        %dma_start3A_811 = arith.constant 0 : i32
        %dma_start3A_812 = arith.constant 0 : i32
        %dma_start3A_813 = tpu.memref_slice %arg11[%dma_start3A_811, %dma_start3A_812] : memref<10016x32xf32, #tpu.memory_space<vmem_shared>> -> memref<10016x32xf32, #tpu.memory_space<vmem_shared>>
        tpu.enqueue_indirect_dma source(%dma_start3A_807 : memref<128x32xf32, #tpu.memory_space<vmem>>) target(%dma_start3A_813 : memref<10016x32xf32, #tpu.memory_space<vmem_shared>>) offsets(%dma_start3A_810 : memref<128xi32, #tpu.memory_space<vmem>>) semaphore(%run_scoped3A_803 : memref<!tpu.dma_semaphore, #tpu.memory_space<semaphore_mem>>) {add = true}
        %dma_wait3A_814 = arith.constant 0 : i32
        %dma_wait3A_815 = arith.constant 0 : i32
        %dma_wait3A_816 = tpu.memref_slice %arg9[%run_scoped3A_629, %dma_wait3A_814, %dma_wait3A_815] : memref<16x128x32xf32, #tpu.memory_space<vmem>> -> memref<1x128x32xf32, #tpu.memory_space<vmem>>
        %dma_wait3A_817 = tpu.memref_squeeze %dma_wait3A_816 : memref<1x128x32xf32, #tpu.memory_space<vmem>> -> memref<128x32xf32, #tpu.memory_space<vmem>>
        %dma_wait3A_818 = arith.constant 0 : i32
        %dma_wait3A_819 = tpu.memref_slice %arg8[%add3A_617, %dma_wait3A_818] : memref<80x128xi32, #tpu.memory_space<vmem>> -> memref<1x128xi32, #tpu.memory_space<vmem>>
        %dma_wait3A_820 = tpu.memref_squeeze %dma_wait3A_819 : memref<1x128xi32, #tpu.memory_space<vmem>> -> memref<128xi32, #tpu.memory_space<vmem>>
        %dma_wait3A_821 = arith.constant 0 : i32
        %dma_wait3A_822 = arith.constant 0 : i32
        %dma_wait3A_823 = tpu.memref_slice %arg11[%dma_wait3A_821, %dma_wait3A_822] : memref<10016x32xf32, #tpu.memory_space<vmem_shared>> -> memref<10016x32xf32, #tpu.memory_space<vmem_shared>>
        tpu.wait_indirect_dma semaphore(%run_scoped3A_803 : memref<!tpu.dma_semaphore, #tpu.memory_space<semaphore_mem>>) src(%dma_wait3A_817 : memref<128x32xf32, #tpu.memory_space<vmem>>) dst(%dma_wait3A_823 : memref<10016x32xf32, #tpu.memory_space<vmem_shared>>)
        tpu.yield
      }) : () -> ()
      %lt3A_630 = arith.constant 4 : i32
      %lt3A_631 = arith.cmpi slt, %scan3A_467, %lt3A_630 : i32
      %convert_element_type3A_632 = arith.extui %lt3A_631 : i1 to i32
      %cond3A_633 = arith.constant 0 : i32
      %cond3A_634 = arith.cmpi ne, %convert_element_type3A_632, %cond3A_633 : i32
      scf.if %cond3A_634 {
        %add3A_803 = arith.constant 16 : i32
        %add3A_804 = arith.addi %add3A_617, %add3A_803 : i32
        %dma_start3A_805 = arith.constant 7 : i32
        %dma_start3A_806 = arith.constant 0 : i32
        %dma_start3A_807 = arith.constant 0 : i32
        %dma_start3A_808 = tpu.memref_slice %arg9[%dma_start3A_805, %dma_start3A_806, %dma_start3A_807] : memref<16x128x32xf32, #tpu.memory_space<vmem>> -> memref<1x128x32xf32, #tpu.memory_space<vmem>>
        %dma_start3A_809 = tpu.memref_squeeze %dma_start3A_808 : memref<1x128x32xf32, #tpu.memory_space<vmem>> -> memref<128x32xf32, #tpu.memory_space<vmem>>
        %dma_start3A_810 = arith.constant 0 : i32
        %dma_start3A_811 = tpu.memref_slice %arg7[%add3A_804, %dma_start3A_810] : memref<80x128xi32, #tpu.memory_space<vmem>> -> memref<1x128xi32, #tpu.memory_space<vmem>>
        %dma_start3A_812 = tpu.memref_squeeze %dma_start3A_811 : memref<1x128xi32, #tpu.memory_space<vmem>> -> memref<128xi32, #tpu.memory_space<vmem>>
        %dma_start3A_813 = arith.constant 0 : i32
        %dma_start3A_814 = arith.constant 0 : i32
        %dma_start3A_815 = tpu.memref_slice %arg13[%dma_start3A_813, %dma_start3A_814] : memref<10000x32xf32, #tpu.memory_space<vmem_shared>> -> memref<10000x32xf32, #tpu.memory_space<vmem_shared>>
        tpu.enqueue_indirect_dma source(%dma_start3A_815 : memref<10000x32xf32, #tpu.memory_space<vmem_shared>>) target(%dma_start3A_809 : memref<128x32xf32, #tpu.memory_space<vmem>>) offsets(%dma_start3A_812 : memref<128xi32, #tpu.memory_space<vmem>>) semaphore(%arg21 : memref<!tpu.dma_semaphore, #tpu.memory_space<semaphore_mem>>)
      } else {
      }
      %mul3A_635 = arith.constant 16 : i32
      %mul3A_636 = arith.muli %scan3A_467, %mul3A_635 : i32
      %add3A_637 = arith.constant 8 : i32
      %add3A_638 = arith.addi %mul3A_636, %add3A_637 : i32
      %dma_wait3A_639 = arith.constant 8 : i32
      %dma_wait3A_640 = arith.constant 0 : i32
      %dma_wait3A_641 = arith.constant 0 : i32
      %dma_wait3A_642 = tpu.memref_slice %arg9[%dma_wait3A_639, %dma_wait3A_640, %dma_wait3A_641] : memref<16x128x32xf32, #tpu.memory_space<vmem>> -> memref<1x128x32xf32, #tpu.memory_space<vmem>>
      %dma_wait3A_643 = tpu.memref_squeeze %dma_wait3A_642 : memref<1x128x32xf32, #tpu.memory_space<vmem>> -> memref<128x32xf32, #tpu.memory_space<vmem>>
      %dma_wait3A_644 = arith.constant 0 : i32
      %dma_wait3A_645 = tpu.memref_slice %arg7[%add3A_638, %dma_wait3A_644] : memref<80x128xi32, #tpu.memory_space<vmem>> -> memref<1x128xi32, #tpu.memory_space<vmem>>
      %dma_wait3A_646 = tpu.memref_squeeze %dma_wait3A_645 : memref<1x128xi32, #tpu.memory_space<vmem>> -> memref<128xi32, #tpu.memory_space<vmem>>
      %dma_wait3A_647 = arith.constant 0 : i32
      %dma_wait3A_648 = arith.constant 0 : i32
      %dma_wait3A_649 = tpu.memref_slice %arg13[%dma_wait3A_647, %dma_wait3A_648] : memref<10000x32xf32, #tpu.memory_space<vmem_shared>> -> memref<10000x32xf32, #tpu.memory_space<vmem_shared>>
      tpu.wait_indirect_dma semaphore(%arg22 : memref<!tpu.dma_semaphore, #tpu.memory_space<semaphore_mem>>) src(%dma_wait3A_649 : memref<10000x32xf32, #tpu.memory_space<vmem_shared>>) dst(%dma_wait3A_643 : memref<128x32xf32, #tpu.memory_space<vmem>>)
      %run_scoped3A_650 = arith.constant 8 : i32
      "tpu.region"() ({
        %run_scoped3A_803 = tpu.sem_alloc : memref<!tpu.dma_semaphore, #tpu.memory_space<semaphore_mem>>
        %dma_start3A_804 = arith.constant 0 : i32
        %dma_start3A_805 = arith.constant 0 : i32
        %dma_start3A_806 = tpu.memref_slice %arg9[%run_scoped3A_650, %dma_start3A_804, %dma_start3A_805] : memref<16x128x32xf32, #tpu.memory_space<vmem>> -> memref<1x128x32xf32, #tpu.memory_space<vmem>>
        %dma_start3A_807 = tpu.memref_squeeze %dma_start3A_806 : memref<1x128x32xf32, #tpu.memory_space<vmem>> -> memref<128x32xf32, #tpu.memory_space<vmem>>
        %dma_start3A_808 = arith.constant 0 : i32
        %dma_start3A_809 = tpu.memref_slice %arg8[%add3A_638, %dma_start3A_808] : memref<80x128xi32, #tpu.memory_space<vmem>> -> memref<1x128xi32, #tpu.memory_space<vmem>>
        %dma_start3A_810 = tpu.memref_squeeze %dma_start3A_809 : memref<1x128xi32, #tpu.memory_space<vmem>> -> memref<128xi32, #tpu.memory_space<vmem>>
        %dma_start3A_811 = arith.constant 0 : i32
        %dma_start3A_812 = arith.constant 0 : i32
        %dma_start3A_813 = tpu.memref_slice %arg11[%dma_start3A_811, %dma_start3A_812] : memref<10016x32xf32, #tpu.memory_space<vmem_shared>> -> memref<10016x32xf32, #tpu.memory_space<vmem_shared>>
        tpu.enqueue_indirect_dma source(%dma_start3A_807 : memref<128x32xf32, #tpu.memory_space<vmem>>) target(%dma_start3A_813 : memref<10016x32xf32, #tpu.memory_space<vmem_shared>>) offsets(%dma_start3A_810 : memref<128xi32, #tpu.memory_space<vmem>>) semaphore(%run_scoped3A_803 : memref<!tpu.dma_semaphore, #tpu.memory_space<semaphore_mem>>) {add = true}
        %dma_wait3A_814 = arith.constant 0 : i32
        %dma_wait3A_815 = arith.constant 0 : i32
        %dma_wait3A_816 = tpu.memref_slice %arg9[%run_scoped3A_650, %dma_wait3A_814, %dma_wait3A_815] : memref<16x128x32xf32, #tpu.memory_space<vmem>> -> memref<1x128x32xf32, #tpu.memory_space<vmem>>
        %dma_wait3A_817 = tpu.memref_squeeze %dma_wait3A_816 : memref<1x128x32xf32, #tpu.memory_space<vmem>> -> memref<128x32xf32, #tpu.memory_space<vmem>>
        %dma_wait3A_818 = arith.constant 0 : i32
        %dma_wait3A_819 = tpu.memref_slice %arg8[%add3A_638, %dma_wait3A_818] : memref<80x128xi32, #tpu.memory_space<vmem>> -> memref<1x128xi32, #tpu.memory_space<vmem>>
        %dma_wait3A_820 = tpu.memref_squeeze %dma_wait3A_819 : memref<1x128xi32, #tpu.memory_space<vmem>> -> memref<128xi32, #tpu.memory_space<vmem>>
        %dma_wait3A_821 = arith.constant 0 : i32
        %dma_wait3A_822 = arith.constant 0 : i32
        %dma_wait3A_823 = tpu.memref_slice %arg11[%dma_wait3A_821, %dma_wait3A_822] : memref<10016x32xf32, #tpu.memory_space<vmem_shared>> -> memref<10016x32xf32, #tpu.memory_space<vmem_shared>>
        tpu.wait_indirect_dma semaphore(%run_scoped3A_803 : memref<!tpu.dma_semaphore, #tpu.memory_space<semaphore_mem>>) src(%dma_wait3A_817 : memref<128x32xf32, #tpu.memory_space<vmem>>) dst(%dma_wait3A_823 : memref<10016x32xf32, #tpu.memory_space<vmem_shared>>)
        tpu.yield
      }) : () -> ()
      %lt3A_651 = arith.constant 4 : i32
      %lt3A_652 = arith.cmpi slt, %scan3A_467, %lt3A_651 : i32
      %convert_element_type3A_653 = arith.extui %lt3A_652 : i1 to i32
      %cond3A_654 = arith.constant 0 : i32
      %cond3A_655 = arith.cmpi ne, %convert_element_type3A_653, %cond3A_654 : i32
      scf.if %cond3A_655 {
        %add3A_803 = arith.constant 16 : i32
        %add3A_804 = arith.addi %add3A_638, %add3A_803 : i32
        %dma_start3A_805 = arith.constant 8 : i32
        %dma_start3A_806 = arith.constant 0 : i32
        %dma_start3A_807 = arith.constant 0 : i32
        %dma_start3A_808 = tpu.memref_slice %arg9[%dma_start3A_805, %dma_start3A_806, %dma_start3A_807] : memref<16x128x32xf32, #tpu.memory_space<vmem>> -> memref<1x128x32xf32, #tpu.memory_space<vmem>>
        %dma_start3A_809 = tpu.memref_squeeze %dma_start3A_808 : memref<1x128x32xf32, #tpu.memory_space<vmem>> -> memref<128x32xf32, #tpu.memory_space<vmem>>
        %dma_start3A_810 = arith.constant 0 : i32
        %dma_start3A_811 = tpu.memref_slice %arg7[%add3A_804, %dma_start3A_810] : memref<80x128xi32, #tpu.memory_space<vmem>> -> memref<1x128xi32, #tpu.memory_space<vmem>>
        %dma_start3A_812 = tpu.memref_squeeze %dma_start3A_811 : memref<1x128xi32, #tpu.memory_space<vmem>> -> memref<128xi32, #tpu.memory_space<vmem>>
        %dma_start3A_813 = arith.constant 0 : i32
        %dma_start3A_814 = arith.constant 0 : i32
        %dma_start3A_815 = tpu.memref_slice %arg13[%dma_start3A_813, %dma_start3A_814] : memref<10000x32xf32, #tpu.memory_space<vmem_shared>> -> memref<10000x32xf32, #tpu.memory_space<vmem_shared>>
        tpu.enqueue_indirect_dma source(%dma_start3A_815 : memref<10000x32xf32, #tpu.memory_space<vmem_shared>>) target(%dma_start3A_809 : memref<128x32xf32, #tpu.memory_space<vmem>>) offsets(%dma_start3A_812 : memref<128xi32, #tpu.memory_space<vmem>>) semaphore(%arg22 : memref<!tpu.dma_semaphore, #tpu.memory_space<semaphore_mem>>)
      } else {
      }
      %mul3A_656 = arith.constant 16 : i32
      %mul3A_657 = arith.muli %scan3A_467, %mul3A_656 : i32
      %add3A_658 = arith.constant 9 : i32
      %add3A_659 = arith.addi %mul3A_657, %add3A_658 : i32
      %dma_wait3A_660 = arith.constant 9 : i32
      %dma_wait3A_661 = arith.constant 0 : i32
      %dma_wait3A_662 = arith.constant 0 : i32
      %dma_wait3A_663 = tpu.memref_slice %arg9[%dma_wait3A_660, %dma_wait3A_661, %dma_wait3A_662] : memref<16x128x32xf32, #tpu.memory_space<vmem>> -> memref<1x128x32xf32, #tpu.memory_space<vmem>>
      %dma_wait3A_664 = tpu.memref_squeeze %dma_wait3A_663 : memref<1x128x32xf32, #tpu.memory_space<vmem>> -> memref<128x32xf32, #tpu.memory_space<vmem>>
      %dma_wait3A_665 = arith.constant 0 : i32
      %dma_wait3A_666 = tpu.memref_slice %arg7[%add3A_659, %dma_wait3A_665] : memref<80x128xi32, #tpu.memory_space<vmem>> -> memref<1x128xi32, #tpu.memory_space<vmem>>
      %dma_wait3A_667 = tpu.memref_squeeze %dma_wait3A_666 : memref<1x128xi32, #tpu.memory_space<vmem>> -> memref<128xi32, #tpu.memory_space<vmem>>
      %dma_wait3A_668 = arith.constant 0 : i32
      %dma_wait3A_669 = arith.constant 0 : i32
      %dma_wait3A_670 = tpu.memref_slice %arg13[%dma_wait3A_668, %dma_wait3A_669] : memref<10000x32xf32, #tpu.memory_space<vmem_shared>> -> memref<10000x32xf32, #tpu.memory_space<vmem_shared>>
      tpu.wait_indirect_dma semaphore(%arg23 : memref<!tpu.dma_semaphore, #tpu.memory_space<semaphore_mem>>) src(%dma_wait3A_670 : memref<10000x32xf32, #tpu.memory_space<vmem_shared>>) dst(%dma_wait3A_664 : memref<128x32xf32, #tpu.memory_space<vmem>>)
      %run_scoped3A_671 = arith.constant 9 : i32
      "tpu.region"() ({
        %run_scoped3A_803 = tpu.sem_alloc : memref<!tpu.dma_semaphore, #tpu.memory_space<semaphore_mem>>
        %dma_start3A_804 = arith.constant 0 : i32
        %dma_start3A_805 = arith.constant 0 : i32
        %dma_start3A_806 = tpu.memref_slice %arg9[%run_scoped3A_671, %dma_start3A_804, %dma_start3A_805] : memref<16x128x32xf32, #tpu.memory_space<vmem>> -> memref<1x128x32xf32, #tpu.memory_space<vmem>>
        %dma_start3A_807 = tpu.memref_squeeze %dma_start3A_806 : memref<1x128x32xf32, #tpu.memory_space<vmem>> -> memref<128x32xf32, #tpu.memory_space<vmem>>
        %dma_start3A_808 = arith.constant 0 : i32
        %dma_start3A_809 = tpu.memref_slice %arg8[%add3A_659, %dma_start3A_808] : memref<80x128xi32, #tpu.memory_space<vmem>> -> memref<1x128xi32, #tpu.memory_space<vmem>>
        %dma_start3A_810 = tpu.memref_squeeze %dma_start3A_809 : memref<1x128xi32, #tpu.memory_space<vmem>> -> memref<128xi32, #tpu.memory_space<vmem>>
        %dma_start3A_811 = arith.constant 0 : i32
        %dma_start3A_812 = arith.constant 0 : i32
        %dma_start3A_813 = tpu.memref_slice %arg11[%dma_start3A_811, %dma_start3A_812] : memref<10016x32xf32, #tpu.memory_space<vmem_shared>> -> memref<10016x32xf32, #tpu.memory_space<vmem_shared>>
        tpu.enqueue_indirect_dma source(%dma_start3A_807 : memref<128x32xf32, #tpu.memory_space<vmem>>) target(%dma_start3A_813 : memref<10016x32xf32, #tpu.memory_space<vmem_shared>>) offsets(%dma_start3A_810 : memref<128xi32, #tpu.memory_space<vmem>>) semaphore(%run_scoped3A_803 : memref<!tpu.dma_semaphore, #tpu.memory_space<semaphore_mem>>) {add = true}
        %dma_wait3A_814 = arith.constant 0 : i32
        %dma_wait3A_815 = arith.constant 0 : i32
        %dma_wait3A_816 = tpu.memref_slice %arg9[%run_scoped3A_671, %dma_wait3A_814, %dma_wait3A_815] : memref<16x128x32xf32, #tpu.memory_space<vmem>> -> memref<1x128x32xf32, #tpu.memory_space<vmem>>
        %dma_wait3A_817 = tpu.memref_squeeze %dma_wait3A_816 : memref<1x128x32xf32, #tpu.memory_space<vmem>> -> memref<128x32xf32, #tpu.memory_space<vmem>>
        %dma_wait3A_818 = arith.constant 0 : i32
        %dma_wait3A_819 = tpu.memref_slice %arg8[%add3A_659, %dma_wait3A_818] : memref<80x128xi32, #tpu.memory_space<vmem>> -> memref<1x128xi32, #tpu.memory_space<vmem>>
        %dma_wait3A_820 = tpu.memref_squeeze %dma_wait3A_819 : memref<1x128xi32, #tpu.memory_space<vmem>> -> memref<128xi32, #tpu.memory_space<vmem>>
        %dma_wait3A_821 = arith.constant 0 : i32
        %dma_wait3A_822 = arith.constant 0 : i32
        %dma_wait3A_823 = tpu.memref_slice %arg11[%dma_wait3A_821, %dma_wait3A_822] : memref<10016x32xf32, #tpu.memory_space<vmem_shared>> -> memref<10016x32xf32, #tpu.memory_space<vmem_shared>>
        tpu.wait_indirect_dma semaphore(%run_scoped3A_803 : memref<!tpu.dma_semaphore, #tpu.memory_space<semaphore_mem>>) src(%dma_wait3A_817 : memref<128x32xf32, #tpu.memory_space<vmem>>) dst(%dma_wait3A_823 : memref<10016x32xf32, #tpu.memory_space<vmem_shared>>)
        tpu.yield
      }) : () -> ()
      %lt3A_672 = arith.constant 4 : i32
      %lt3A_673 = arith.cmpi slt, %scan3A_467, %lt3A_672 : i32
      %convert_element_type3A_674 = arith.extui %lt3A_673 : i1 to i32
      %cond3A_675 = arith.constant 0 : i32
      %cond3A_676 = arith.cmpi ne, %convert_element_type3A_674, %cond3A_675 : i32
      scf.if %cond3A_676 {
        %add3A_803 = arith.constant 16 : i32
        %add3A_804 = arith.addi %add3A_659, %add3A_803 : i32
        %dma_start3A_805 = arith.constant 9 : i32
        %dma_start3A_806 = arith.constant 0 : i32
        %dma_start3A_807 = arith.constant 0 : i32
        %dma_start3A_808 = tpu.memref_slice %arg9[%dma_start3A_805, %dma_start3A_806, %dma_start3A_807] : memref<16x128x32xf32, #tpu.memory_space<vmem>> -> memref<1x128x32xf32, #tpu.memory_space<vmem>>
        %dma_start3A_809 = tpu.memref_squeeze %dma_start3A_808 : memref<1x128x32xf32, #tpu.memory_space<vmem>> -> memref<128x32xf32, #tpu.memory_space<vmem>>
        %dma_start3A_810 = arith.constant 0 : i32
        %dma_start3A_811 = tpu.memref_slice %arg7[%add3A_804, %dma_start3A_810] : memref<80x128xi32, #tpu.memory_space<vmem>> -> memref<1x128xi32, #tpu.memory_space<vmem>>
        %dma_start3A_812 = tpu.memref_squeeze %dma_start3A_811 : memref<1x128xi32, #tpu.memory_space<vmem>> -> memref<128xi32, #tpu.memory_space<vmem>>
        %dma_start3A_813 = arith.constant 0 : i32
        %dma_start3A_814 = arith.constant 0 : i32
        %dma_start3A_815 = tpu.memref_slice %arg13[%dma_start3A_813, %dma_start3A_814] : memref<10000x32xf32, #tpu.memory_space<vmem_shared>> -> memref<10000x32xf32, #tpu.memory_space<vmem_shared>>
        tpu.enqueue_indirect_dma source(%dma_start3A_815 : memref<10000x32xf32, #tpu.memory_space<vmem_shared>>) target(%dma_start3A_809 : memref<128x32xf32, #tpu.memory_space<vmem>>) offsets(%dma_start3A_812 : memref<128xi32, #tpu.memory_space<vmem>>) semaphore(%arg23 : memref<!tpu.dma_semaphore, #tpu.memory_space<semaphore_mem>>)
      } else {
      }
      %mul3A_677 = arith.constant 16 : i32
      %mul3A_678 = arith.muli %scan3A_467, %mul3A_677 : i32
      %add3A_679 = arith.constant 10 : i32
      %add3A_680 = arith.addi %mul3A_678, %add3A_679 : i32
      %dma_wait3A_681 = arith.constant 10 : i32
      %dma_wait3A_682 = arith.constant 0 : i32
      %dma_wait3A_683 = arith.constant 0 : i32
      %dma_wait3A_684 = tpu.memref_slice %arg9[%dma_wait3A_681, %dma_wait3A_682, %dma_wait3A_683] : memref<16x128x32xf32, #tpu.memory_space<vmem>> -> memref<1x128x32xf32, #tpu.memory_space<vmem>>
      %dma_wait3A_685 = tpu.memref_squeeze %dma_wait3A_684 : memref<1x128x32xf32, #tpu.memory_space<vmem>> -> memref<128x32xf32, #tpu.memory_space<vmem>>
      %dma_wait3A_686 = arith.constant 0 : i32
      %dma_wait3A_687 = tpu.memref_slice %arg7[%add3A_680, %dma_wait3A_686] : memref<80x128xi32, #tpu.memory_space<vmem>> -> memref<1x128xi32, #tpu.memory_space<vmem>>
      %dma_wait3A_688 = tpu.memref_squeeze %dma_wait3A_687 : memref<1x128xi32, #tpu.memory_space<vmem>> -> memref<128xi32, #tpu.memory_space<vmem>>
      %dma_wait3A_689 = arith.constant 0 : i32
      %dma_wait3A_690 = arith.constant 0 : i32
      %dma_wait3A_691 = tpu.memref_slice %arg13[%dma_wait3A_689, %dma_wait3A_690] : memref<10000x32xf32, #tpu.memory_space<vmem_shared>> -> memref<10000x32xf32, #tpu.memory_space<vmem_shared>>
      tpu.wait_indirect_dma semaphore(%arg24 : memref<!tpu.dma_semaphore, #tpu.memory_space<semaphore_mem>>) src(%dma_wait3A_691 : memref<10000x32xf32, #tpu.memory_space<vmem_shared>>) dst(%dma_wait3A_685 : memref<128x32xf32, #tpu.memory_space<vmem>>)
      %run_scoped3A_692 = arith.constant 10 : i32
      "tpu.region"() ({
        %run_scoped3A_803 = tpu.sem_alloc : memref<!tpu.dma_semaphore, #tpu.memory_space<semaphore_mem>>
        %dma_start3A_804 = arith.constant 0 : i32
        %dma_start3A_805 = arith.constant 0 : i32
        %dma_start3A_806 = tpu.memref_slice %arg9[%run_scoped3A_692, %dma_start3A_804, %dma_start3A_805] : memref<16x128x32xf32, #tpu.memory_space<vmem>> -> memref<1x128x32xf32, #tpu.memory_space<vmem>>
        %dma_start3A_807 = tpu.memref_squeeze %dma_start3A_806 : memref<1x128x32xf32, #tpu.memory_space<vmem>> -> memref<128x32xf32, #tpu.memory_space<vmem>>
        %dma_start3A_808 = arith.constant 0 : i32
        %dma_start3A_809 = tpu.memref_slice %arg8[%add3A_680, %dma_start3A_808] : memref<80x128xi32, #tpu.memory_space<vmem>> -> memref<1x128xi32, #tpu.memory_space<vmem>>
        %dma_start3A_810 = tpu.memref_squeeze %dma_start3A_809 : memref<1x128xi32, #tpu.memory_space<vmem>> -> memref<128xi32, #tpu.memory_space<vmem>>
        %dma_start3A_811 = arith.constant 0 : i32
        %dma_start3A_812 = arith.constant 0 : i32
        %dma_start3A_813 = tpu.memref_slice %arg11[%dma_start3A_811, %dma_start3A_812] : memref<10016x32xf32, #tpu.memory_space<vmem_shared>> -> memref<10016x32xf32, #tpu.memory_space<vmem_shared>>
        tpu.enqueue_indirect_dma source(%dma_start3A_807 : memref<128x32xf32, #tpu.memory_space<vmem>>) target(%dma_start3A_813 : memref<10016x32xf32, #tpu.memory_space<vmem_shared>>) offsets(%dma_start3A_810 : memref<128xi32, #tpu.memory_space<vmem>>) semaphore(%run_scoped3A_803 : memref<!tpu.dma_semaphore, #tpu.memory_space<semaphore_mem>>) {add = true}
        %dma_wait3A_814 = arith.constant 0 : i32
        %dma_wait3A_815 = arith.constant 0 : i32
        %dma_wait3A_816 = tpu.memref_slice %arg9[%run_scoped3A_692, %dma_wait3A_814, %dma_wait3A_815] : memref<16x128x32xf32, #tpu.memory_space<vmem>> -> memref<1x128x32xf32, #tpu.memory_space<vmem>>
        %dma_wait3A_817 = tpu.memref_squeeze %dma_wait3A_816 : memref<1x128x32xf32, #tpu.memory_space<vmem>> -> memref<128x32xf32, #tpu.memory_space<vmem>>
        %dma_wait3A_818 = arith.constant 0 : i32
        %dma_wait3A_819 = tpu.memref_slice %arg8[%add3A_680, %dma_wait3A_818] : memref<80x128xi32, #tpu.memory_space<vmem>> -> memref<1x128xi32, #tpu.memory_space<vmem>>
        %dma_wait3A_820 = tpu.memref_squeeze %dma_wait3A_819 : memref<1x128xi32, #tpu.memory_space<vmem>> -> memref<128xi32, #tpu.memory_space<vmem>>
        %dma_wait3A_821 = arith.constant 0 : i32
        %dma_wait3A_822 = arith.constant 0 : i32
        %dma_wait3A_823 = tpu.memref_slice %arg11[%dma_wait3A_821, %dma_wait3A_822] : memref<10016x32xf32, #tpu.memory_space<vmem_shared>> -> memref<10016x32xf32, #tpu.memory_space<vmem_shared>>
        tpu.wait_indirect_dma semaphore(%run_scoped3A_803 : memref<!tpu.dma_semaphore, #tpu.memory_space<semaphore_mem>>) src(%dma_wait3A_817 : memref<128x32xf32, #tpu.memory_space<vmem>>) dst(%dma_wait3A_823 : memref<10016x32xf32, #tpu.memory_space<vmem_shared>>)
        tpu.yield
      }) : () -> ()
      %lt3A_693 = arith.constant 4 : i32
      %lt3A_694 = arith.cmpi slt, %scan3A_467, %lt3A_693 : i32
      %convert_element_type3A_695 = arith.extui %lt3A_694 : i1 to i32
      %cond3A_696 = arith.constant 0 : i32
      %cond3A_697 = arith.cmpi ne, %convert_element_type3A_695, %cond3A_696 : i32
      scf.if %cond3A_697 {
        %add3A_803 = arith.constant 16 : i32
        %add3A_804 = arith.addi %add3A_680, %add3A_803 : i32
        %dma_start3A_805 = arith.constant 10 : i32
        %dma_start3A_806 = arith.constant 0 : i32
        %dma_start3A_807 = arith.constant 0 : i32
        %dma_start3A_808 = tpu.memref_slice %arg9[%dma_start3A_805, %dma_start3A_806, %dma_start3A_807] : memref<16x128x32xf32, #tpu.memory_space<vmem>> -> memref<1x128x32xf32, #tpu.memory_space<vmem>>
        %dma_start3A_809 = tpu.memref_squeeze %dma_start3A_808 : memref<1x128x32xf32, #tpu.memory_space<vmem>> -> memref<128x32xf32, #tpu.memory_space<vmem>>
        %dma_start3A_810 = arith.constant 0 : i32
        %dma_start3A_811 = tpu.memref_slice %arg7[%add3A_804, %dma_start3A_810] : memref<80x128xi32, #tpu.memory_space<vmem>> -> memref<1x128xi32, #tpu.memory_space<vmem>>
        %dma_start3A_812 = tpu.memref_squeeze %dma_start3A_811 : memref<1x128xi32, #tpu.memory_space<vmem>> -> memref<128xi32, #tpu.memory_space<vmem>>
        %dma_start3A_813 = arith.constant 0 : i32
        %dma_start3A_814 = arith.constant 0 : i32
        %dma_start3A_815 = tpu.memref_slice %arg13[%dma_start3A_813, %dma_start3A_814] : memref<10000x32xf32, #tpu.memory_space<vmem_shared>> -> memref<10000x32xf32, #tpu.memory_space<vmem_shared>>
        tpu.enqueue_indirect_dma source(%dma_start3A_815 : memref<10000x32xf32, #tpu.memory_space<vmem_shared>>) target(%dma_start3A_809 : memref<128x32xf32, #tpu.memory_space<vmem>>) offsets(%dma_start3A_812 : memref<128xi32, #tpu.memory_space<vmem>>) semaphore(%arg24 : memref<!tpu.dma_semaphore, #tpu.memory_space<semaphore_mem>>)
      } else {
      }
      %mul3A_698 = arith.constant 16 : i32
      %mul3A_699 = arith.muli %scan3A_467, %mul3A_698 : i32
      %add3A_700 = arith.constant 11 : i32
      %add3A_701 = arith.addi %mul3A_699, %add3A_700 : i32
      %dma_wait3A_702 = arith.constant 11 : i32
      %dma_wait3A_703 = arith.constant 0 : i32
      %dma_wait3A_704 = arith.constant 0 : i32
      %dma_wait3A_705 = tpu.memref_slice %arg9[%dma_wait3A_702, %dma_wait3A_703, %dma_wait3A_704] : memref<16x128x32xf32, #tpu.memory_space<vmem>> -> memref<1x128x32xf32, #tpu.memory_space<vmem>>
      %dma_wait3A_706 = tpu.memref_squeeze %dma_wait3A_705 : memref<1x128x32xf32, #tpu.memory_space<vmem>> -> memref<128x32xf32, #tpu.memory_space<vmem>>
      %dma_wait3A_707 = arith.constant 0 : i32
      %dma_wait3A_708 = tpu.memref_slice %arg7[%add3A_701, %dma_wait3A_707] : memref<80x128xi32, #tpu.memory_space<vmem>> -> memref<1x128xi32, #tpu.memory_space<vmem>>
      %dma_wait3A_709 = tpu.memref_squeeze %dma_wait3A_708 : memref<1x128xi32, #tpu.memory_space<vmem>> -> memref<128xi32, #tpu.memory_space<vmem>>
      %dma_wait3A_710 = arith.constant 0 : i32
      %dma_wait3A_711 = arith.constant 0 : i32
      %dma_wait3A_712 = tpu.memref_slice %arg13[%dma_wait3A_710, %dma_wait3A_711] : memref<10000x32xf32, #tpu.memory_space<vmem_shared>> -> memref<10000x32xf32, #tpu.memory_space<vmem_shared>>
      tpu.wait_indirect_dma semaphore(%arg25 : memref<!tpu.dma_semaphore, #tpu.memory_space<semaphore_mem>>) src(%dma_wait3A_712 : memref<10000x32xf32, #tpu.memory_space<vmem_shared>>) dst(%dma_wait3A_706 : memref<128x32xf32, #tpu.memory_space<vmem>>)
      %run_scoped3A_713 = arith.constant 11 : i32
      "tpu.region"() ({
        %run_scoped3A_803 = tpu.sem_alloc : memref<!tpu.dma_semaphore, #tpu.memory_space<semaphore_mem>>
        %dma_start3A_804 = arith.constant 0 : i32
        %dma_start3A_805 = arith.constant 0 : i32
        %dma_start3A_806 = tpu.memref_slice %arg9[%run_scoped3A_713, %dma_start3A_804, %dma_start3A_805] : memref<16x128x32xf32, #tpu.memory_space<vmem>> -> memref<1x128x32xf32, #tpu.memory_space<vmem>>
        %dma_start3A_807 = tpu.memref_squeeze %dma_start3A_806 : memref<1x128x32xf32, #tpu.memory_space<vmem>> -> memref<128x32xf32, #tpu.memory_space<vmem>>
        %dma_start3A_808 = arith.constant 0 : i32
        %dma_start3A_809 = tpu.memref_slice %arg8[%add3A_701, %dma_start3A_808] : memref<80x128xi32, #tpu.memory_space<vmem>> -> memref<1x128xi32, #tpu.memory_space<vmem>>
        %dma_start3A_810 = tpu.memref_squeeze %dma_start3A_809 : memref<1x128xi32, #tpu.memory_space<vmem>> -> memref<128xi32, #tpu.memory_space<vmem>>
        %dma_start3A_811 = arith.constant 0 : i32
        %dma_start3A_812 = arith.constant 0 : i32
        %dma_start3A_813 = tpu.memref_slice %arg11[%dma_start3A_811, %dma_start3A_812] : memref<10016x32xf32, #tpu.memory_space<vmem_shared>> -> memref<10016x32xf32, #tpu.memory_space<vmem_shared>>
        tpu.enqueue_indirect_dma source(%dma_start3A_807 : memref<128x32xf32, #tpu.memory_space<vmem>>) target(%dma_start3A_813 : memref<10016x32xf32, #tpu.memory_space<vmem_shared>>) offsets(%dma_start3A_810 : memref<128xi32, #tpu.memory_space<vmem>>) semaphore(%run_scoped3A_803 : memref<!tpu.dma_semaphore, #tpu.memory_space<semaphore_mem>>) {add = true}
        %dma_wait3A_814 = arith.constant 0 : i32
        %dma_wait3A_815 = arith.constant 0 : i32
        %dma_wait3A_816 = tpu.memref_slice %arg9[%run_scoped3A_713, %dma_wait3A_814, %dma_wait3A_815] : memref<16x128x32xf32, #tpu.memory_space<vmem>> -> memref<1x128x32xf32, #tpu.memory_space<vmem>>
        %dma_wait3A_817 = tpu.memref_squeeze %dma_wait3A_816 : memref<1x128x32xf32, #tpu.memory_space<vmem>> -> memref<128x32xf32, #tpu.memory_space<vmem>>
        %dma_wait3A_818 = arith.constant 0 : i32
        %dma_wait3A_819 = tpu.memref_slice %arg8[%add3A_701, %dma_wait3A_818] : memref<80x128xi32, #tpu.memory_space<vmem>> -> memref<1x128xi32, #tpu.memory_space<vmem>>
        %dma_wait3A_820 = tpu.memref_squeeze %dma_wait3A_819 : memref<1x128xi32, #tpu.memory_space<vmem>> -> memref<128xi32, #tpu.memory_space<vmem>>
        %dma_wait3A_821 = arith.constant 0 : i32
        %dma_wait3A_822 = arith.constant 0 : i32
        %dma_wait3A_823 = tpu.memref_slice %arg11[%dma_wait3A_821, %dma_wait3A_822] : memref<10016x32xf32, #tpu.memory_space<vmem_shared>> -> memref<10016x32xf32, #tpu.memory_space<vmem_shared>>
        tpu.wait_indirect_dma semaphore(%run_scoped3A_803 : memref<!tpu.dma_semaphore, #tpu.memory_space<semaphore_mem>>) src(%dma_wait3A_817 : memref<128x32xf32, #tpu.memory_space<vmem>>) dst(%dma_wait3A_823 : memref<10016x32xf32, #tpu.memory_space<vmem_shared>>)
        tpu.yield
      }) : () -> ()
      %lt3A_714 = arith.constant 4 : i32
      %lt3A_715 = arith.cmpi slt, %scan3A_467, %lt3A_714 : i32
      %convert_element_type3A_716 = arith.extui %lt3A_715 : i1 to i32
      %cond3A_717 = arith.constant 0 : i32
      %cond3A_718 = arith.cmpi ne, %convert_element_type3A_716, %cond3A_717 : i32
      scf.if %cond3A_718 {
        %add3A_803 = arith.constant 16 : i32
        %add3A_804 = arith.addi %add3A_701, %add3A_803 : i32
        %dma_start3A_805 = arith.constant 11 : i32
        %dma_start3A_806 = arith.constant 0 : i32
        %dma_start3A_807 = arith.constant 0 : i32
        %dma_start3A_808 = tpu.memref_slice %arg9[%dma_start3A_805, %dma_start3A_806, %dma_start3A_807] : memref<16x128x32xf32, #tpu.memory_space<vmem>> -> memref<1x128x32xf32, #tpu.memory_space<vmem>>
        %dma_start3A_809 = tpu.memref_squeeze %dma_start3A_808 : memref<1x128x32xf32, #tpu.memory_space<vmem>> -> memref<128x32xf32, #tpu.memory_space<vmem>>
        %dma_start3A_810 = arith.constant 0 : i32
        %dma_start3A_811 = tpu.memref_slice %arg7[%add3A_804, %dma_start3A_810] : memref<80x128xi32, #tpu.memory_space<vmem>> -> memref<1x128xi32, #tpu.memory_space<vmem>>
        %dma_start3A_812 = tpu.memref_squeeze %dma_start3A_811 : memref<1x128xi32, #tpu.memory_space<vmem>> -> memref<128xi32, #tpu.memory_space<vmem>>
        %dma_start3A_813 = arith.constant 0 : i32
        %dma_start3A_814 = arith.constant 0 : i32
        %dma_start3A_815 = tpu.memref_slice %arg13[%dma_start3A_813, %dma_start3A_814] : memref<10000x32xf32, #tpu.memory_space<vmem_shared>> -> memref<10000x32xf32, #tpu.memory_space<vmem_shared>>
        tpu.enqueue_indirect_dma source(%dma_start3A_815 : memref<10000x32xf32, #tpu.memory_space<vmem_shared>>) target(%dma_start3A_809 : memref<128x32xf32, #tpu.memory_space<vmem>>) offsets(%dma_start3A_812 : memref<128xi32, #tpu.memory_space<vmem>>) semaphore(%arg25 : memref<!tpu.dma_semaphore, #tpu.memory_space<semaphore_mem>>)
      } else {
      }
      %mul3A_719 = arith.constant 16 : i32
      %mul3A_720 = arith.muli %scan3A_467, %mul3A_719 : i32
      %add3A_721 = arith.constant 12 : i32
      %add3A_722 = arith.addi %mul3A_720, %add3A_721 : i32
      %dma_wait3A_723 = arith.constant 12 : i32
      %dma_wait3A_724 = arith.constant 0 : i32
      %dma_wait3A_725 = arith.constant 0 : i32
      %dma_wait3A_726 = tpu.memref_slice %arg9[%dma_wait3A_723, %dma_wait3A_724, %dma_wait3A_725] : memref<16x128x32xf32, #tpu.memory_space<vmem>> -> memref<1x128x32xf32, #tpu.memory_space<vmem>>
      %dma_wait3A_727 = tpu.memref_squeeze %dma_wait3A_726 : memref<1x128x32xf32, #tpu.memory_space<vmem>> -> memref<128x32xf32, #tpu.memory_space<vmem>>
      %dma_wait3A_728 = arith.constant 0 : i32
      %dma_wait3A_729 = tpu.memref_slice %arg7[%add3A_722, %dma_wait3A_728] : memref<80x128xi32, #tpu.memory_space<vmem>> -> memref<1x128xi32, #tpu.memory_space<vmem>>
      %dma_wait3A_730 = tpu.memref_squeeze %dma_wait3A_729 : memref<1x128xi32, #tpu.memory_space<vmem>> -> memref<128xi32, #tpu.memory_space<vmem>>
      %dma_wait3A_731 = arith.constant 0 : i32
      %dma_wait3A_732 = arith.constant 0 : i32
      %dma_wait3A_733 = tpu.memref_slice %arg13[%dma_wait3A_731, %dma_wait3A_732] : memref<10000x32xf32, #tpu.memory_space<vmem_shared>> -> memref<10000x32xf32, #tpu.memory_space<vmem_shared>>
      tpu.wait_indirect_dma semaphore(%arg26 : memref<!tpu.dma_semaphore, #tpu.memory_space<semaphore_mem>>) src(%dma_wait3A_733 : memref<10000x32xf32, #tpu.memory_space<vmem_shared>>) dst(%dma_wait3A_727 : memref<128x32xf32, #tpu.memory_space<vmem>>)
      %run_scoped3A_734 = arith.constant 12 : i32
      "tpu.region"() ({
        %run_scoped3A_803 = tpu.sem_alloc : memref<!tpu.dma_semaphore, #tpu.memory_space<semaphore_mem>>
        %dma_start3A_804 = arith.constant 0 : i32
        %dma_start3A_805 = arith.constant 0 : i32
        %dma_start3A_806 = tpu.memref_slice %arg9[%run_scoped3A_734, %dma_start3A_804, %dma_start3A_805] : memref<16x128x32xf32, #tpu.memory_space<vmem>> -> memref<1x128x32xf32, #tpu.memory_space<vmem>>
        %dma_start3A_807 = tpu.memref_squeeze %dma_start3A_806 : memref<1x128x32xf32, #tpu.memory_space<vmem>> -> memref<128x32xf32, #tpu.memory_space<vmem>>
        %dma_start3A_808 = arith.constant 0 : i32
        %dma_start3A_809 = tpu.memref_slice %arg8[%add3A_722, %dma_start3A_808] : memref<80x128xi32, #tpu.memory_space<vmem>> -> memref<1x128xi32, #tpu.memory_space<vmem>>
        %dma_start3A_810 = tpu.memref_squeeze %dma_start3A_809 : memref<1x128xi32, #tpu.memory_space<vmem>> -> memref<128xi32, #tpu.memory_space<vmem>>
        %dma_start3A_811 = arith.constant 0 : i32
        %dma_start3A_812 = arith.constant 0 : i32
        %dma_start3A_813 = tpu.memref_slice %arg11[%dma_start3A_811, %dma_start3A_812] : memref<10016x32xf32, #tpu.memory_space<vmem_shared>> -> memref<10016x32xf32, #tpu.memory_space<vmem_shared>>
        tpu.enqueue_indirect_dma source(%dma_start3A_807 : memref<128x32xf32, #tpu.memory_space<vmem>>) target(%dma_start3A_813 : memref<10016x32xf32, #tpu.memory_space<vmem_shared>>) offsets(%dma_start3A_810 : memref<128xi32, #tpu.memory_space<vmem>>) semaphore(%run_scoped3A_803 : memref<!tpu.dma_semaphore, #tpu.memory_space<semaphore_mem>>) {add = true}
        %dma_wait3A_814 = arith.constant 0 : i32
        %dma_wait3A_815 = arith.constant 0 : i32
        %dma_wait3A_816 = tpu.memref_slice %arg9[%run_scoped3A_734, %dma_wait3A_814, %dma_wait3A_815] : memref<16x128x32xf32, #tpu.memory_space<vmem>> -> memref<1x128x32xf32, #tpu.memory_space<vmem>>
        %dma_wait3A_817 = tpu.memref_squeeze %dma_wait3A_816 : memref<1x128x32xf32, #tpu.memory_space<vmem>> -> memref<128x32xf32, #tpu.memory_space<vmem>>
        %dma_wait3A_818 = arith.constant 0 : i32
        %dma_wait3A_819 = tpu.memref_slice %arg8[%add3A_722, %dma_wait3A_818] : memref<80x128xi32, #tpu.memory_space<vmem>> -> memref<1x128xi32, #tpu.memory_space<vmem>>
        %dma_wait3A_820 = tpu.memref_squeeze %dma_wait3A_819 : memref<1x128xi32, #tpu.memory_space<vmem>> -> memref<128xi32, #tpu.memory_space<vmem>>
        %dma_wait3A_821 = arith.constant 0 : i32
        %dma_wait3A_822 = arith.constant 0 : i32
        %dma_wait3A_823 = tpu.memref_slice %arg11[%dma_wait3A_821, %dma_wait3A_822] : memref<10016x32xf32, #tpu.memory_space<vmem_shared>> -> memref<10016x32xf32, #tpu.memory_space<vmem_shared>>
        tpu.wait_indirect_dma semaphore(%run_scoped3A_803 : memref<!tpu.dma_semaphore, #tpu.memory_space<semaphore_mem>>) src(%dma_wait3A_817 : memref<128x32xf32, #tpu.memory_space<vmem>>) dst(%dma_wait3A_823 : memref<10016x32xf32, #tpu.memory_space<vmem_shared>>)
        tpu.yield
      }) : () -> ()
      %lt3A_735 = arith.constant 4 : i32
      %lt3A_736 = arith.cmpi slt, %scan3A_467, %lt3A_735 : i32
      %convert_element_type3A_737 = arith.extui %lt3A_736 : i1 to i32
      %cond3A_738 = arith.constant 0 : i32
      %cond3A_739 = arith.cmpi ne, %convert_element_type3A_737, %cond3A_738 : i32
      scf.if %cond3A_739 {
        %add3A_803 = arith.constant 16 : i32
        %add3A_804 = arith.addi %add3A_722, %add3A_803 : i32
        %dma_start3A_805 = arith.constant 12 : i32
        %dma_start3A_806 = arith.constant 0 : i32
        %dma_start3A_807 = arith.constant 0 : i32
        %dma_start3A_808 = tpu.memref_slice %arg9[%dma_start3A_805, %dma_start3A_806, %dma_start3A_807] : memref<16x128x32xf32, #tpu.memory_space<vmem>> -> memref<1x128x32xf32, #tpu.memory_space<vmem>>
        %dma_start3A_809 = tpu.memref_squeeze %dma_start3A_808 : memref<1x128x32xf32, #tpu.memory_space<vmem>> -> memref<128x32xf32, #tpu.memory_space<vmem>>
        %dma_start3A_810 = arith.constant 0 : i32
        %dma_start3A_811 = tpu.memref_slice %arg7[%add3A_804, %dma_start3A_810] : memref<80x128xi32, #tpu.memory_space<vmem>> -> memref<1x128xi32, #tpu.memory_space<vmem>>
        %dma_start3A_812 = tpu.memref_squeeze %dma_start3A_811 : memref<1x128xi32, #tpu.memory_space<vmem>> -> memref<128xi32, #tpu.memory_space<vmem>>
        %dma_start3A_813 = arith.constant 0 : i32
        %dma_start3A_814 = arith.constant 0 : i32
        %dma_start3A_815 = tpu.memref_slice %arg13[%dma_start3A_813, %dma_start3A_814] : memref<10000x32xf32, #tpu.memory_space<vmem_shared>> -> memref<10000x32xf32, #tpu.memory_space<vmem_shared>>
        tpu.enqueue_indirect_dma source(%dma_start3A_815 : memref<10000x32xf32, #tpu.memory_space<vmem_shared>>) target(%dma_start3A_809 : memref<128x32xf32, #tpu.memory_space<vmem>>) offsets(%dma_start3A_812 : memref<128xi32, #tpu.memory_space<vmem>>) semaphore(%arg26 : memref<!tpu.dma_semaphore, #tpu.memory_space<semaphore_mem>>)
      } else {
      }
      %mul3A_740 = arith.constant 16 : i32
      %mul3A_741 = arith.muli %scan3A_467, %mul3A_740 : i32
      %add3A_742 = arith.constant 13 : i32
      %add3A_743 = arith.addi %mul3A_741, %add3A_742 : i32
      %dma_wait3A_744 = arith.constant 13 : i32
      %dma_wait3A_745 = arith.constant 0 : i32
      %dma_wait3A_746 = arith.constant 0 : i32
      %dma_wait3A_747 = tpu.memref_slice %arg9[%dma_wait3A_744, %dma_wait3A_745, %dma_wait3A_746] : memref<16x128x32xf32, #tpu.memory_space<vmem>> -> memref<1x128x32xf32, #tpu.memory_space<vmem>>
      %dma_wait3A_748 = tpu.memref_squeeze %dma_wait3A_747 : memref<1x128x32xf32, #tpu.memory_space<vmem>> -> memref<128x32xf32, #tpu.memory_space<vmem>>
      %dma_wait3A_749 = arith.constant 0 : i32
      %dma_wait3A_750 = tpu.memref_slice %arg7[%add3A_743, %dma_wait3A_749] : memref<80x128xi32, #tpu.memory_space<vmem>> -> memref<1x128xi32, #tpu.memory_space<vmem>>
      %dma_wait3A_751 = tpu.memref_squeeze %dma_wait3A_750 : memref<1x128xi32, #tpu.memory_space<vmem>> -> memref<128xi32, #tpu.memory_space<vmem>>
      %dma_wait3A_752 = arith.constant 0 : i32
      %dma_wait3A_753 = arith.constant 0 : i32
      %dma_wait3A_754 = tpu.memref_slice %arg13[%dma_wait3A_752, %dma_wait3A_753] : memref<10000x32xf32, #tpu.memory_space<vmem_shared>> -> memref<10000x32xf32, #tpu.memory_space<vmem_shared>>
      tpu.wait_indirect_dma semaphore(%arg27 : memref<!tpu.dma_semaphore, #tpu.memory_space<semaphore_mem>>) src(%dma_wait3A_754 : memref<10000x32xf32, #tpu.memory_space<vmem_shared>>) dst(%dma_wait3A_748 : memref<128x32xf32, #tpu.memory_space<vmem>>)
      %run_scoped3A_755 = arith.constant 13 : i32
      "tpu.region"() ({
        %run_scoped3A_803 = tpu.sem_alloc : memref<!tpu.dma_semaphore, #tpu.memory_space<semaphore_mem>>
        %dma_start3A_804 = arith.constant 0 : i32
        %dma_start3A_805 = arith.constant 0 : i32
        %dma_start3A_806 = tpu.memref_slice %arg9[%run_scoped3A_755, %dma_start3A_804, %dma_start3A_805] : memref<16x128x32xf32, #tpu.memory_space<vmem>> -> memref<1x128x32xf32, #tpu.memory_space<vmem>>
        %dma_start3A_807 = tpu.memref_squeeze %dma_start3A_806 : memref<1x128x32xf32, #tpu.memory_space<vmem>> -> memref<128x32xf32, #tpu.memory_space<vmem>>
        %dma_start3A_808 = arith.constant 0 : i32
        %dma_start3A_809 = tpu.memref_slice %arg8[%add3A_743, %dma_start3A_808] : memref<80x128xi32, #tpu.memory_space<vmem>> -> memref<1x128xi32, #tpu.memory_space<vmem>>
        %dma_start3A_810 = tpu.memref_squeeze %dma_start3A_809 : memref<1x128xi32, #tpu.memory_space<vmem>> -> memref<128xi32, #tpu.memory_space<vmem>>
        %dma_start3A_811 = arith.constant 0 : i32
        %dma_start3A_812 = arith.constant 0 : i32
        %dma_start3A_813 = tpu.memref_slice %arg11[%dma_start3A_811, %dma_start3A_812] : memref<10016x32xf32, #tpu.memory_space<vmem_shared>> -> memref<10016x32xf32, #tpu.memory_space<vmem_shared>>
        tpu.enqueue_indirect_dma source(%dma_start3A_807 : memref<128x32xf32, #tpu.memory_space<vmem>>) target(%dma_start3A_813 : memref<10016x32xf32, #tpu.memory_space<vmem_shared>>) offsets(%dma_start3A_810 : memref<128xi32, #tpu.memory_space<vmem>>) semaphore(%run_scoped3A_803 : memref<!tpu.dma_semaphore, #tpu.memory_space<semaphore_mem>>) {add = true}
        %dma_wait3A_814 = arith.constant 0 : i32
        %dma_wait3A_815 = arith.constant 0 : i32
        %dma_wait3A_816 = tpu.memref_slice %arg9[%run_scoped3A_755, %dma_wait3A_814, %dma_wait3A_815] : memref<16x128x32xf32, #tpu.memory_space<vmem>> -> memref<1x128x32xf32, #tpu.memory_space<vmem>>
        %dma_wait3A_817 = tpu.memref_squeeze %dma_wait3A_816 : memref<1x128x32xf32, #tpu.memory_space<vmem>> -> memref<128x32xf32, #tpu.memory_space<vmem>>
        %dma_wait3A_818 = arith.constant 0 : i32
        %dma_wait3A_819 = tpu.memref_slice %arg8[%add3A_743, %dma_wait3A_818] : memref<80x128xi32, #tpu.memory_space<vmem>> -> memref<1x128xi32, #tpu.memory_space<vmem>>
        %dma_wait3A_820 = tpu.memref_squeeze %dma_wait3A_819 : memref<1x128xi32, #tpu.memory_space<vmem>> -> memref<128xi32, #tpu.memory_space<vmem>>
        %dma_wait3A_821 = arith.constant 0 : i32
        %dma_wait3A_822 = arith.constant 0 : i32
        %dma_wait3A_823 = tpu.memref_slice %arg11[%dma_wait3A_821, %dma_wait3A_822] : memref<10016x32xf32, #tpu.memory_space<vmem_shared>> -> memref<10016x32xf32, #tpu.memory_space<vmem_shared>>
        tpu.wait_indirect_dma semaphore(%run_scoped3A_803 : memref<!tpu.dma_semaphore, #tpu.memory_space<semaphore_mem>>) src(%dma_wait3A_817 : memref<128x32xf32, #tpu.memory_space<vmem>>) dst(%dma_wait3A_823 : memref<10016x32xf32, #tpu.memory_space<vmem_shared>>)
        tpu.yield
      }) : () -> ()
      %lt3A_756 = arith.constant 4 : i32
      %lt3A_757 = arith.cmpi slt, %scan3A_467, %lt3A_756 : i32
      %convert_element_type3A_758 = arith.extui %lt3A_757 : i1 to i32
      %cond3A_759 = arith.constant 0 : i32
      %cond3A_760 = arith.cmpi ne, %convert_element_type3A_758, %cond3A_759 : i32
      scf.if %cond3A_760 {
        %add3A_803 = arith.constant 16 : i32
        %add3A_804 = arith.addi %add3A_743, %add3A_803 : i32
        %dma_start3A_805 = arith.constant 13 : i32
        %dma_start3A_806 = arith.constant 0 : i32
        %dma_start3A_807 = arith.constant 0 : i32
        %dma_start3A_808 = tpu.memref_slice %arg9[%dma_start3A_805, %dma_start3A_806, %dma_start3A_807] : memref<16x128x32xf32, #tpu.memory_space<vmem>> -> memref<1x128x32xf32, #tpu.memory_space<vmem>>
        %dma_start3A_809 = tpu.memref_squeeze %dma_start3A_808 : memref<1x128x32xf32, #tpu.memory_space<vmem>> -> memref<128x32xf32, #tpu.memory_space<vmem>>
        %dma_start3A_810 = arith.constant 0 : i32
        %dma_start3A_811 = tpu.memref_slice %arg7[%add3A_804, %dma_start3A_810] : memref<80x128xi32, #tpu.memory_space<vmem>> -> memref<1x128xi32, #tpu.memory_space<vmem>>
        %dma_start3A_812 = tpu.memref_squeeze %dma_start3A_811 : memref<1x128xi32, #tpu.memory_space<vmem>> -> memref<128xi32, #tpu.memory_space<vmem>>
        %dma_start3A_813 = arith.constant 0 : i32
        %dma_start3A_814 = arith.constant 0 : i32
        %dma_start3A_815 = tpu.memref_slice %arg13[%dma_start3A_813, %dma_start3A_814] : memref<10000x32xf32, #tpu.memory_space<vmem_shared>> -> memref<10000x32xf32, #tpu.memory_space<vmem_shared>>
        tpu.enqueue_indirect_dma source(%dma_start3A_815 : memref<10000x32xf32, #tpu.memory_space<vmem_shared>>) target(%dma_start3A_809 : memref<128x32xf32, #tpu.memory_space<vmem>>) offsets(%dma_start3A_812 : memref<128xi32, #tpu.memory_space<vmem>>) semaphore(%arg27 : memref<!tpu.dma_semaphore, #tpu.memory_space<semaphore_mem>>)
      } else {
      }
      %mul3A_761 = arith.constant 16 : i32
      %mul3A_762 = arith.muli %scan3A_467, %mul3A_761 : i32
      %add3A_763 = arith.constant 14 : i32
      %add3A_764 = arith.addi %mul3A_762, %add3A_763 : i32
      %dma_wait3A_765 = arith.constant 14 : i32
      %dma_wait3A_766 = arith.constant 0 : i32
      %dma_wait3A_767 = arith.constant 0 : i32
      %dma_wait3A_768 = tpu.memref_slice %arg9[%dma_wait3A_765, %dma_wait3A_766, %dma_wait3A_767] : memref<16x128x32xf32, #tpu.memory_space<vmem>> -> memref<1x128x32xf32, #tpu.memory_space<vmem>>
      %dma_wait3A_769 = tpu.memref_squeeze %dma_wait3A_768 : memref<1x128x32xf32, #tpu.memory_space<vmem>> -> memref<128x32xf32, #tpu.memory_space<vmem>>
      %dma_wait3A_770 = arith.constant 0 : i32
      %dma_wait3A_771 = tpu.memref_slice %arg7[%add3A_764, %dma_wait3A_770] : memref<80x128xi32, #tpu.memory_space<vmem>> -> memref<1x128xi32, #tpu.memory_space<vmem>>
      %dma_wait3A_772 = tpu.memref_squeeze %dma_wait3A_771 : memref<1x128xi32, #tpu.memory_space<vmem>> -> memref<128xi32, #tpu.memory_space<vmem>>
      %dma_wait3A_773 = arith.constant 0 : i32
      %dma_wait3A_774 = arith.constant 0 : i32
      %dma_wait3A_775 = tpu.memref_slice %arg13[%dma_wait3A_773, %dma_wait3A_774] : memref<10000x32xf32, #tpu.memory_space<vmem_shared>> -> memref<10000x32xf32, #tpu.memory_space<vmem_shared>>
      tpu.wait_indirect_dma semaphore(%arg28 : memref<!tpu.dma_semaphore, #tpu.memory_space<semaphore_mem>>) src(%dma_wait3A_775 : memref<10000x32xf32, #tpu.memory_space<vmem_shared>>) dst(%dma_wait3A_769 : memref<128x32xf32, #tpu.memory_space<vmem>>)
      %run_scoped3A_776 = arith.constant 14 : i32
      "tpu.region"() ({
        %run_scoped3A_803 = tpu.sem_alloc : memref<!tpu.dma_semaphore, #tpu.memory_space<semaphore_mem>>
        %dma_start3A_804 = arith.constant 0 : i32
        %dma_start3A_805 = arith.constant 0 : i32
        %dma_start3A_806 = tpu.memref_slice %arg9[%run_scoped3A_776, %dma_start3A_804, %dma_start3A_805] : memref<16x128x32xf32, #tpu.memory_space<vmem>> -> memref<1x128x32xf32, #tpu.memory_space<vmem>>
        %dma_start3A_807 = tpu.memref_squeeze %dma_start3A_806 : memref<1x128x32xf32, #tpu.memory_space<vmem>> -> memref<128x32xf32, #tpu.memory_space<vmem>>
        %dma_start3A_808 = arith.constant 0 : i32
        %dma_start3A_809 = tpu.memref_slice %arg8[%add3A_764, %dma_start3A_808] : memref<80x128xi32, #tpu.memory_space<vmem>> -> memref<1x128xi32, #tpu.memory_space<vmem>>
        %dma_start3A_810 = tpu.memref_squeeze %dma_start3A_809 : memref<1x128xi32, #tpu.memory_space<vmem>> -> memref<128xi32, #tpu.memory_space<vmem>>
        %dma_start3A_811 = arith.constant 0 : i32
        %dma_start3A_812 = arith.constant 0 : i32
        %dma_start3A_813 = tpu.memref_slice %arg11[%dma_start3A_811, %dma_start3A_812] : memref<10016x32xf32, #tpu.memory_space<vmem_shared>> -> memref<10016x32xf32, #tpu.memory_space<vmem_shared>>
        tpu.enqueue_indirect_dma source(%dma_start3A_807 : memref<128x32xf32, #tpu.memory_space<vmem>>) target(%dma_start3A_813 : memref<10016x32xf32, #tpu.memory_space<vmem_shared>>) offsets(%dma_start3A_810 : memref<128xi32, #tpu.memory_space<vmem>>) semaphore(%run_scoped3A_803 : memref<!tpu.dma_semaphore, #tpu.memory_space<semaphore_mem>>) {add = true}
        %dma_wait3A_814 = arith.constant 0 : i32
        %dma_wait3A_815 = arith.constant 0 : i32
        %dma_wait3A_816 = tpu.memref_slice %arg9[%run_scoped3A_776, %dma_wait3A_814, %dma_wait3A_815] : memref<16x128x32xf32, #tpu.memory_space<vmem>> -> memref<1x128x32xf32, #tpu.memory_space<vmem>>
        %dma_wait3A_817 = tpu.memref_squeeze %dma_wait3A_816 : memref<1x128x32xf32, #tpu.memory_space<vmem>> -> memref<128x32xf32, #tpu.memory_space<vmem>>
        %dma_wait3A_818 = arith.constant 0 : i32
        %dma_wait3A_819 = tpu.memref_slice %arg8[%add3A_764, %dma_wait3A_818] : memref<80x128xi32, #tpu.memory_space<vmem>> -> memref<1x128xi32, #tpu.memory_space<vmem>>
        %dma_wait3A_820 = tpu.memref_squeeze %dma_wait3A_819 : memref<1x128xi32, #tpu.memory_space<vmem>> -> memref<128xi32, #tpu.memory_space<vmem>>
        %dma_wait3A_821 = arith.constant 0 : i32
        %dma_wait3A_822 = arith.constant 0 : i32
        %dma_wait3A_823 = tpu.memref_slice %arg11[%dma_wait3A_821, %dma_wait3A_822] : memref<10016x32xf32, #tpu.memory_space<vmem_shared>> -> memref<10016x32xf32, #tpu.memory_space<vmem_shared>>
        tpu.wait_indirect_dma semaphore(%run_scoped3A_803 : memref<!tpu.dma_semaphore, #tpu.memory_space<semaphore_mem>>) src(%dma_wait3A_817 : memref<128x32xf32, #tpu.memory_space<vmem>>) dst(%dma_wait3A_823 : memref<10016x32xf32, #tpu.memory_space<vmem_shared>>)
        tpu.yield
      }) : () -> ()
      %lt3A_777 = arith.constant 4 : i32
      %lt3A_778 = arith.cmpi slt, %scan3A_467, %lt3A_777 : i32
      %convert_element_type3A_779 = arith.extui %lt3A_778 : i1 to i32
      %cond3A_780 = arith.constant 0 : i32
      %cond3A_781 = arith.cmpi ne, %convert_element_type3A_779, %cond3A_780 : i32
      scf.if %cond3A_781 {
        %add3A_803 = arith.constant 16 : i32
        %add3A_804 = arith.addi %add3A_764, %add3A_803 : i32
        %dma_start3A_805 = arith.constant 14 : i32
        %dma_start3A_806 = arith.constant 0 : i32
        %dma_start3A_807 = arith.constant 0 : i32
        %dma_start3A_808 = tpu.memref_slice %arg9[%dma_start3A_805, %dma_start3A_806, %dma_start3A_807] : memref<16x128x32xf32, #tpu.memory_space<vmem>> -> memref<1x128x32xf32, #tpu.memory_space<vmem>>
        %dma_start3A_809 = tpu.memref_squeeze %dma_start3A_808 : memref<1x128x32xf32, #tpu.memory_space<vmem>> -> memref<128x32xf32, #tpu.memory_space<vmem>>
        %dma_start3A_810 = arith.constant 0 : i32
        %dma_start3A_811 = tpu.memref_slice %arg7[%add3A_804, %dma_start3A_810] : memref<80x128xi32, #tpu.memory_space<vmem>> -> memref<1x128xi32, #tpu.memory_space<vmem>>
        %dma_start3A_812 = tpu.memref_squeeze %dma_start3A_811 : memref<1x128xi32, #tpu.memory_space<vmem>> -> memref<128xi32, #tpu.memory_space<vmem>>
        %dma_start3A_813 = arith.constant 0 : i32
        %dma_start3A_814 = arith.constant 0 : i32
        %dma_start3A_815 = tpu.memref_slice %arg13[%dma_start3A_813, %dma_start3A_814] : memref<10000x32xf32, #tpu.memory_space<vmem_shared>> -> memref<10000x32xf32, #tpu.memory_space<vmem_shared>>
        tpu.enqueue_indirect_dma source(%dma_start3A_815 : memref<10000x32xf32, #tpu.memory_space<vmem_shared>>) target(%dma_start3A_809 : memref<128x32xf32, #tpu.memory_space<vmem>>) offsets(%dma_start3A_812 : memref<128xi32, #tpu.memory_space<vmem>>) semaphore(%arg28 : memref<!tpu.dma_semaphore, #tpu.memory_space<semaphore_mem>>)
      } else {
      }
      %mul3A_782 = arith.constant 16 : i32
      %mul3A_783 = arith.muli %scan3A_467, %mul3A_782 : i32
      %add3A_784 = arith.constant 15 : i32
      %add3A_785 = arith.addi %mul3A_783, %add3A_784 : i32
      %dma_wait3A_786 = arith.constant 15 : i32
      %dma_wait3A_787 = arith.constant 0 : i32
      %dma_wait3A_788 = arith.constant 0 : i32
      %dma_wait3A_789 = tpu.memref_slice %arg9[%dma_wait3A_786, %dma_wait3A_787, %dma_wait3A_788] : memref<16x128x32xf32, #tpu.memory_space<vmem>> -> memref<1x128x32xf32, #tpu.memory_space<vmem>>
      %dma_wait3A_790 = tpu.memref_squeeze %dma_wait3A_789 : memref<1x128x32xf32, #tpu.memory_space<vmem>> -> memref<128x32xf32, #tpu.memory_space<vmem>>
      %dma_wait3A_791 = arith.constant 0 : i32
      %dma_wait3A_792 = tpu.memref_slice %arg7[%add3A_785, %dma_wait3A_791] : memref<80x128xi32, #tpu.memory_space<vmem>> -> memref<1x128xi32, #tpu.memory_space<vmem>>
      %dma_wait3A_793 = tpu.memref_squeeze %dma_wait3A_792 : memref<1x128xi32, #tpu.memory_space<vmem>> -> memref<128xi32, #tpu.memory_space<vmem>>
      %dma_wait3A_794 = arith.constant 0 : i32
      %dma_wait3A_795 = arith.constant 0 : i32
      %dma_wait3A_796 = tpu.memref_slice %arg13[%dma_wait3A_794, %dma_wait3A_795] : memref<10000x32xf32, #tpu.memory_space<vmem_shared>> -> memref<10000x32xf32, #tpu.memory_space<vmem_shared>>
      tpu.wait_indirect_dma semaphore(%arg29 : memref<!tpu.dma_semaphore, #tpu.memory_space<semaphore_mem>>) src(%dma_wait3A_796 : memref<10000x32xf32, #tpu.memory_space<vmem_shared>>) dst(%dma_wait3A_790 : memref<128x32xf32, #tpu.memory_space<vmem>>)
      %run_scoped3A_797 = arith.constant 15 : i32
      "tpu.region"() ({
        %run_scoped3A_803 = tpu.sem_alloc : memref<!tpu.dma_semaphore, #tpu.memory_space<semaphore_mem>>
        %dma_start3A_804 = arith.constant 0 : i32
        %dma_start3A_805 = arith.constant 0 : i32
        %dma_start3A_806 = tpu.memref_slice %arg9[%run_scoped3A_797, %dma_start3A_804, %dma_start3A_805] : memref<16x128x32xf32, #tpu.memory_space<vmem>> -> memref<1x128x32xf32, #tpu.memory_space<vmem>>
        %dma_start3A_807 = tpu.memref_squeeze %dma_start3A_806 : memref<1x128x32xf32, #tpu.memory_space<vmem>> -> memref<128x32xf32, #tpu.memory_space<vmem>>
        %dma_start3A_808 = arith.constant 0 : i32
        %dma_start3A_809 = tpu.memref_slice %arg8[%add3A_785, %dma_start3A_808] : memref<80x128xi32, #tpu.memory_space<vmem>> -> memref<1x128xi32, #tpu.memory_space<vmem>>
        %dma_start3A_810 = tpu.memref_squeeze %dma_start3A_809 : memref<1x128xi32, #tpu.memory_space<vmem>> -> memref<128xi32, #tpu.memory_space<vmem>>
        %dma_start3A_811 = arith.constant 0 : i32
        %dma_start3A_812 = arith.constant 0 : i32
        %dma_start3A_813 = tpu.memref_slice %arg11[%dma_start3A_811, %dma_start3A_812] : memref<10016x32xf32, #tpu.memory_space<vmem_shared>> -> memref<10016x32xf32, #tpu.memory_space<vmem_shared>>
        tpu.enqueue_indirect_dma source(%dma_start3A_807 : memref<128x32xf32, #tpu.memory_space<vmem>>) target(%dma_start3A_813 : memref<10016x32xf32, #tpu.memory_space<vmem_shared>>) offsets(%dma_start3A_810 : memref<128xi32, #tpu.memory_space<vmem>>) semaphore(%run_scoped3A_803 : memref<!tpu.dma_semaphore, #tpu.memory_space<semaphore_mem>>) {add = true}
        %dma_wait3A_814 = arith.constant 0 : i32
        %dma_wait3A_815 = arith.constant 0 : i32
        %dma_wait3A_816 = tpu.memref_slice %arg9[%run_scoped3A_797, %dma_wait3A_814, %dma_wait3A_815] : memref<16x128x32xf32, #tpu.memory_space<vmem>> -> memref<1x128x32xf32, #tpu.memory_space<vmem>>
        %dma_wait3A_817 = tpu.memref_squeeze %dma_wait3A_816 : memref<1x128x32xf32, #tpu.memory_space<vmem>> -> memref<128x32xf32, #tpu.memory_space<vmem>>
        %dma_wait3A_818 = arith.constant 0 : i32
        %dma_wait3A_819 = tpu.memref_slice %arg8[%add3A_785, %dma_wait3A_818] : memref<80x128xi32, #tpu.memory_space<vmem>> -> memref<1x128xi32, #tpu.memory_space<vmem>>
        %dma_wait3A_820 = tpu.memref_squeeze %dma_wait3A_819 : memref<1x128xi32, #tpu.memory_space<vmem>> -> memref<128xi32, #tpu.memory_space<vmem>>
        %dma_wait3A_821 = arith.constant 0 : i32
        %dma_wait3A_822 = arith.constant 0 : i32
        %dma_wait3A_823 = tpu.memref_slice %arg11[%dma_wait3A_821, %dma_wait3A_822] : memref<10016x32xf32, #tpu.memory_space<vmem_shared>> -> memref<10016x32xf32, #tpu.memory_space<vmem_shared>>
        tpu.wait_indirect_dma semaphore(%run_scoped3A_803 : memref<!tpu.dma_semaphore, #tpu.memory_space<semaphore_mem>>) src(%dma_wait3A_817 : memref<128x32xf32, #tpu.memory_space<vmem>>) dst(%dma_wait3A_823 : memref<10016x32xf32, #tpu.memory_space<vmem_shared>>)
        tpu.yield
      }) : () -> ()
      %lt3A_798 = arith.constant 4 : i32
      %lt3A_799 = arith.cmpi slt, %scan3A_467, %lt3A_798 : i32
      %convert_element_type3A_800 = arith.extui %lt3A_799 : i1 to i32
      %cond3A_801 = arith.constant 0 : i32
      %cond3A_802 = arith.cmpi ne, %convert_element_type3A_800, %cond3A_801 : i32
      scf.if %cond3A_802 {
        %add3A_803 = arith.constant 16 : i32
        %add3A_804 = arith.addi %add3A_785, %add3A_803 : i32
        %dma_start3A_805 = arith.constant 15 : i32
        %dma_start3A_806 = arith.constant 0 : i32
        %dma_start3A_807 = arith.constant 0 : i32
        %dma_start3A_808 = tpu.memref_slice %arg9[%dma_start3A_805, %dma_start3A_806, %dma_start3A_807] : memref<16x128x32xf32, #tpu.memory_space<vmem>> -> memref<1x128x32xf32, #tpu.memory_space<vmem>>
        %dma_start3A_809 = tpu.memref_squeeze %dma_start3A_808 : memref<1x128x32xf32, #tpu.memory_space<vmem>> -> memref<128x32xf32, #tpu.memory_space<vmem>>
        %dma_start3A_810 = arith.constant 0 : i32
        %dma_start3A_811 = tpu.memref_slice %arg7[%add3A_804, %dma_start3A_810] : memref<80x128xi32, #tpu.memory_space<vmem>> -> memref<1x128xi32, #tpu.memory_space<vmem>>
        %dma_start3A_812 = tpu.memref_squeeze %dma_start3A_811 : memref<1x128xi32, #tpu.memory_space<vmem>> -> memref<128xi32, #tpu.memory_space<vmem>>
        %dma_start3A_813 = arith.constant 0 : i32
        %dma_start3A_814 = arith.constant 0 : i32
        %dma_start3A_815 = tpu.memref_slice %arg13[%dma_start3A_813, %dma_start3A_814] : memref<10000x32xf32, #tpu.memory_space<vmem_shared>> -> memref<10000x32xf32, #tpu.memory_space<vmem_shared>>
        tpu.enqueue_indirect_dma source(%dma_start3A_815 : memref<10000x32xf32, #tpu.memory_space<vmem_shared>>) target(%dma_start3A_809 : memref<128x32xf32, #tpu.memory_space<vmem>>) offsets(%dma_start3A_812 : memref<128xi32, #tpu.memory_space<vmem>>) semaphore(%arg29 : memref<!tpu.dma_semaphore, #tpu.memory_space<semaphore_mem>>)
      } else {
      }
    }
    %scan3A_462 = arith.constant 5 : i32
    %barrier3A_463 = arith.constant 0 : index
    tpu.barrier barrier_id(%barrier3A_463)
    %mul3A_464 = arith.constant 625 : i32
    %mul3A_465 = arith.muli %arg1, %mul3A_464 : i32
    %multiple_of3A_466 = tpu.assume_multiple %mul3A_465, 625 : i32
    "tpu.region"() ({
      %run_scoped3A_467 = tpu.sem_alloc : memref<!tpu.dma_semaphore, #tpu.memory_space<semaphore_mem>>
      %dma_start3A_468 = arith.constant 0 : i32
      %dma_start3A_469 = arith.constant 0 : i32
      %dma_start3A_470 = tpu.memref_slice %arg6[%arg0, %dma_start3A_468, %dma_start3A_469] : memref<2x10000x32xf32, #tpu.memory_space<hbm>> -> memref<1x10000x32xf32, #tpu.memory_space<hbm>>
      %dma_start3A_471 = tpu.memref_squeeze %dma_start3A_470 : memref<1x10000x32xf32, #tpu.memory_space<hbm>> -> memref<10000x32xf32, #tpu.memory_space<hbm>>
      %dma_start3A_472 = arith.constant 0 : i32
      %dma_start3A_473 = tpu.memref_slice %dma_start3A_471[%multiple_of3A_466, %dma_start3A_472] : memref<10000x32xf32, #tpu.memory_space<hbm>> -> memref<625x32xf32, #tpu.memory_space<hbm>>
      %dma_start3A_474 = arith.constant 0 : i32
      %dma_start3A_475 = tpu.memref_slice %arg11[%multiple_of3A_466, %dma_start3A_474] : memref<10016x32xf32, #tpu.memory_space<vmem_shared>> -> memref<625x32xf32, #tpu.memory_space<vmem_shared>>
      tpu.enqueue_dma source(%dma_start3A_475 : memref<625x32xf32, #tpu.memory_space<vmem_shared>>) target(%dma_start3A_473 : memref<625x32xf32, #tpu.memory_space<hbm>>) target_semaphore(%run_scoped3A_467 : memref<!tpu.dma_semaphore, #tpu.memory_space<semaphore_mem>>)
      %dma_wait3A = arith.constant 0 : i32
      %dma_wait3A_476 = arith.constant 0 : i32
      %dma_wait3A_477 = tpu.memref_slice %arg6[%arg0, %dma_wait3A, %dma_wait3A_476] : memref<2x10000x32xf32, #tpu.memory_space<hbm>> -> memref<1x10000x32xf32, #tpu.memory_space<hbm>>
      %dma_wait3A_478 = tpu.memref_squeeze %dma_wait3A_477 : memref<1x10000x32xf32, #tpu.memory_space<hbm>> -> memref<10000x32xf32, #tpu.memory_space<hbm>>
      %dma_wait3A_479 = arith.constant 0 : i32
      %dma_wait3A_480 = tpu.memref_slice %dma_wait3A_478[%multiple_of3A_466, %dma_wait3A_479] : memref<10000x32xf32, #tpu.memory_space<hbm>> -> memref<625x32xf32, #tpu.memory_space<hbm>>
      %dma_wait3A_481 = arith.constant 0 : i32
      %dma_wait3A_482 = tpu.memref_slice %arg11[%multiple_of3A_466, %dma_wait3A_481] : memref<10016x32xf32, #tpu.memory_space<vmem_shared>> -> memref<625x32xf32, #tpu.memory_space<vmem_shared>>
      tpu.wait_dma2 semaphore(%run_scoped3A_467 : memref<!tpu.dma_semaphore, #tpu.memory_space<semaphore_mem>>) src(%dma_wait3A_482 : memref<625x32xf32, #tpu.memory_space<vmem_shared>>) dst(%dma_wait3A_480 : memref<625x32xf32, #tpu.memory_space<hbm>>)
      tpu.yield
    }) : () -> ()
    return
  }
}

module attributes {stable_mosaic.version = 14 : i64} {
  func.func @_mm1_body(%arg0: i32, %arg1: memref<2000x128xf32, #tpu.memory_space<vmem>>, %arg2: memref<128x32xf32, #tpu.memory_space<vmem>>, %arg3: memref<128x32xf32, #tpu.memory_space<vmem>>, %arg4: memref<8x32xf32, #tpu.memory_space<vmem>>, %arg5: memref<2000x32xf32, #tpu.memory_space<vmem>>, %arg6: memref<2000x32xf32, #tpu.memory_space<vmem>>) attributes {dimension_semantics = [#tpu.dimension_semantics<arbitrary>], iteration_bounds = array<i64: 5>, scalar_prefetch = 0 : i64, scratch_operands = 0 : i64, tpu.core_type = #tpu.core_type<tc>, window_params = [{transform_indices = @transform_0, window_bounds = array<i64: 2000, 128>}, {pipeline_mode = #tpu.pipeline_mode<synchronous>, transform_indices = @transform_1, window_bounds = array<i64: 128, 32>}, {pipeline_mode = #tpu.pipeline_mode<synchronous>, transform_indices = @transform_2, window_bounds = array<i64: 128, 32>}, {pipeline_mode = #tpu.pipeline_mode<synchronous>, transform_indices = @transform_3, window_bounds = array<i64: 8, 32>}, {transform_indices = @transform_4, window_bounds = array<i64: 2000, 32>}, {transform_indices = @transform_5, window_bounds = array<i64: 2000, 32>}]} {
    %get3A = arith.constant 0 : index
    %get3A_0 = arith.constant 0 : index
    %get3A_1 = vector.load %arg1[%get3A, %get3A_0] : memref<2000x128xf32, #tpu.memory_space<vmem>>, vector<2000x128xf32>
    %get3A_2 = arith.constant 0 : index
    %get3A_3 = arith.constant 0 : index
    %get3A_4 = vector.load %arg2[%get3A_2, %get3A_3] : memref<128x32xf32, #tpu.memory_space<vmem>>, vector<128x32xf32>
    %dot_general3A = arith.constant dense<0.000000e+00> : vector<2000x32xf32>
    %dot_general3A_5 = tpu.matmul %get3A_1, %get3A_4, %dot_general3A {dimension_numbers = #tpu.dot_dimension_numbers<[1], [0], [0], [1], [0, 0, 1, 1], [], []>, transpose_lhs_hint = false} : vector<2000x128xf32>, vector<128x32xf32>, vector<2000x32xf32> -> vector<2000x32xf32>
    %swap3A = arith.constant 0 : index
    %swap3A_6 = arith.constant 0 : index
    %swap3A_7 = vector.load %arg5[%swap3A, %swap3A_6] : memref<2000x32xf32, #tpu.memory_space<vmem>>, vector<2000x32xf32>
    tpu.vector_store %arg5[%swap3A, %swap3A_6], %dot_general3A_5 {strides = array<i32>} : memref<2000x32xf32, #tpu.memory_space<vmem>>, vector<2000x32xf32>,
    %get3A_8 = arith.constant 0 : index
    %get3A_9 = arith.constant 0 : index
    %get3A_10 = vector.load %arg3[%get3A_8, %get3A_9] : memref<128x32xf32, #tpu.memory_space<vmem>>, vector<128x32xf32>
    %dot_general3A_11 = arith.constant dense<0.000000e+00> : vector<2000x32xf32>
    %dot_general3A_12 = tpu.matmul %get3A_1, %get3A_10, %dot_general3A_11 {dimension_numbers = #tpu.dot_dimension_numbers<[1], [0], [0], [1], [0, 0, 1, 1], [], []>, transpose_lhs_hint = false} : vector<2000x128xf32>, vector<128x32xf32>, vector<2000x32xf32> -> vector<2000x32xf32>
    %get3A_13 = arith.constant 0 : index
    %get3A_14 = arith.constant 0 : index
    %get3A_15 = vector.load %arg4[%get3A_13, %get3A_14] : memref<8x32xf32, #tpu.memory_space<vmem>>, vector<1x32xf32>
    %add3A = vector.broadcast %get3A_15 : vector<1x32xf32> to vector<2000x32xf32>
    %add3A_16 = arith.addf %dot_general3A_12, %add3A : vector<2000x32xf32>
    %swap3A_17 = arith.constant 0 : index
    %swap3A_18 = arith.constant 0 : index
    %swap3A_19 = vector.load %arg6[%swap3A_17, %swap3A_18] : memref<2000x32xf32, #tpu.memory_space<vmem>>, vector<2000x32xf32>
    tpu.vector_store %arg6[%swap3A_17, %swap3A_18], %add3A_16 {strides = array<i32>} : memref<2000x32xf32, #tpu.memory_space<vmem>>, vector<2000x32xf32>,
    return
  }
  func.func @transform_0(%arg0: i32) -> (i32, i32) {
    %c0_i32 = arith.constant 0 : i32
    %c0_i32_0 = arith.constant 0 : i32
    return %arg0, %c0_i32 : i32, i32
  }
  func.func @transform_1(%arg0: i32) -> (i32, i32) {
    %c0_i32 = arith.constant 0 : i32
    %c0_i32_0 = arith.constant 0 : i32
    %c0_i32_1 = arith.constant 0 : i32
    return %c0_i32, %c0_i32_0 : i32, i32
  }
  func.func @transform_2(%arg0: i32) -> (i32, i32) {
    %c0_i32 = arith.constant 0 : i32
    %c0_i32_0 = arith.constant 0 : i32
    %c0_i32_1 = arith.constant 0 : i32
    return %c0_i32, %c0_i32_0 : i32, i32
  }
  func.func @transform_3(%arg0: i32) -> (i32, i32) {
    %c0_i32 = arith.constant 0 : i32
    %c0_i32_0 = arith.constant 0 : i32
    %c0_i32_1 = arith.constant 0 : i32
    return %c0_i32, %c0_i32_0 : i32, i32
  }
  func.func @transform_4(%arg0: i32) -> (i32, i32) {
    %c0_i32 = arith.constant 0 : i32
    %c0_i32_0 = arith.constant 0 : i32
    return %arg0, %c0_i32 : i32, i32
  }
  func.func @transform_5(%arg0: i32) -> (i32, i32) {
    %c0_i32 = arith.constant 0 : i32
    %c0_i32_0 = arith.constant 0 : i32
    return %arg0, %c0_i32 : i32, i32
  }
}

module attributes {stable_mosaic.version = 14 : i64} {
  func.func @_mm2_body(%arg0: i32, %arg1: memref<2x2000x32xf32, #tpu.memory_space<vmem>>, %arg2: memref<2x2000x1xf32, #tpu.memory_space<vmem>>, %arg3: memref<2000x32xf32, #tpu.memory_space<vmem>>, %arg4: memref<8x32xf32, #tpu.memory_space<vmem>>, %arg5: memref<32x32xf32, #tpu.memory_space<vmem>>, %arg6: memref<32x32xf32, #tpu.memory_space<vmem>>, %arg7: memref<8x32xf32, #tpu.memory_space<vmem>>, %arg8: memref<2000x32xf32, #tpu.memory_space<vmem>>, %arg9: memref<2000x32xf32, #tpu.memory_space<vmem>>) attributes {dimension_semantics = [#tpu.dimension_semantics<arbitrary>], iteration_bounds = array<i64: 5>, scalar_prefetch = 0 : i64, scratch_operands = 0 : i64, tpu.core_type = #tpu.core_type<tc>, window_params = [{transform_indices = @transform_0, window_bounds = array<i64: 2, 2000, 32>}, {transform_indices = @transform_1, window_bounds = array<i64: 2, 2000, 1>}, {transform_indices = @transform_2, window_bounds = array<i64: 2000, 32>}, {pipeline_mode = #tpu.pipeline_mode<synchronous>, transform_indices = @transform_3, window_bounds = array<i64: 8, 32>}, {pipeline_mode = #tpu.pipeline_mode<synchronous>, transform_indices = @transform_4, window_bounds = array<i64: 32, 32>}, {pipeline_mode = #tpu.pipeline_mode<synchronous>, transform_indices = @transform_5, window_bounds = array<i64: 32, 32>}, {pipeline_mode = #tpu.pipeline_mode<synchronous>, transform_indices = @transform_6, window_bounds = array<i64: 8, 32>}, {transform_indices = @transform_7, window_bounds = array<i64: 2000, 32>}, {transform_indices = @transform_8, window_bounds = array<i64: 2000, 32>}]} {
    %get3A = arith.constant 0 : index
    %get3A_0 = arith.constant 0 : index
    %get3A_1 = arith.constant 0 : index
    %get3A_2 = vector.load %arg1[%get3A, %get3A_0, %get3A_1] : memref<2x2000x32xf32, #tpu.memory_space<vmem>>, vector<1x2000x32xf32>
    %get3A_3 = vector.shape_cast %get3A_2 : vector<1x2000x32xf32> to vector<2000x32xf32>
    %get3A_4 = arith.constant 1 : index
    %get3A_5 = arith.constant 0 : index
    %get3A_6 = arith.constant 0 : index
    %get3A_7 = vector.load %arg1[%get3A_4, %get3A_5, %get3A_6] : memref<2x2000x32xf32, #tpu.memory_space<vmem>>, vector<1x2000x32xf32>
    %get3A_8 = vector.shape_cast %get3A_7 : vector<1x2000x32xf32> to vector<2000x32xf32>
    %add3A = arith.addf %get3A_3, %get3A_8 : vector<2000x32xf32>
    %get3A_9 = arith.constant 0 : index
    %get3A_10 = arith.constant 0 : index
    %get3A_11 = arith.constant 0 : index
    %get3A_12 = vector.load %arg2[%get3A_9, %get3A_10, %get3A_11] : memref<2x2000x1xf32, #tpu.memory_space<vmem>>, vector<1x2000x1xf32>
    %get3A_13 = vector.shape_cast %get3A_12 : vector<1x2000x1xf32> to vector<2000x1xf32>
    %get3A_14 = arith.constant 1 : index
    %get3A_15 = arith.constant 0 : index
    %get3A_16 = arith.constant 0 : index
    %get3A_17 = vector.load %arg2[%get3A_14, %get3A_15, %get3A_16] : memref<2x2000x1xf32, #tpu.memory_space<vmem>>, vector<1x2000x1xf32>
    %get3A_18 = vector.shape_cast %get3A_17 : vector<1x2000x1xf32> to vector<2000x1xf32>
    %add3A_19 = arith.addf %get3A_13, %get3A_18 : vector<2000x1xf32>
    %max3A = arith.constant 1.000000e+00 : f32
    %max3A_20 = vector.broadcast %max3A : f32 to vector<2000x1xf32>
    %max3A_21 = arith.maximumf %add3A_19, %max3A_20 : vector<2000x1xf32>
    %div3A = vector.broadcast %max3A_21 : vector<2000x1xf32> to vector<2000x32xf32>
    %div3A_22 = arith.divf %add3A, %div3A : vector<2000x32xf32>
    %get3A_23 = arith.constant 0 : index
    %get3A_24 = arith.constant 0 : index
    %get3A_25 = vector.load %arg4[%get3A_23, %get3A_24] : memref<8x32xf32, #tpu.memory_space<vmem>>, vector<1x32xf32>
    %add3A_26 = vector.broadcast %get3A_25 : vector<1x32xf32> to vector<2000x32xf32>
    %add3A_27 = arith.addf %div3A_22, %add3A_26 : vector<2000x32xf32>
    %get3A_28 = arith.constant 0 : index
    %get3A_29 = arith.constant 0 : index
    %get3A_30 = vector.load %arg3[%get3A_28, %get3A_29] : memref<2000x32xf32, #tpu.memory_space<vmem>>, vector<2000x32xf32>
    %add3A_31 = arith.addf %add3A_27, %get3A_30 : vector<2000x32xf32>
    %max3A_32 = arith.constant 0.000000e+00 : f32
    %max3A_33 = vector.broadcast %max3A_32 : f32 to vector<2000x32xf32>
    %max3A_34 = arith.maximumf %add3A_31, %max3A_33 : vector<2000x32xf32>
    %get3A_35 = arith.constant 0 : index
    %get3A_36 = arith.constant 0 : index
    %get3A_37 = vector.load %arg5[%get3A_35, %get3A_36] : memref<32x32xf32, #tpu.memory_space<vmem>>, vector<32x32xf32>
    %dot_general3A = arith.constant dense<0.000000e+00> : vector<2000x32xf32>
    %dot_general3A_38 = tpu.matmul %max3A_34, %get3A_37, %dot_general3A {dimension_numbers = #tpu.dot_dimension_numbers<[1], [0], [0], [1], [0, 0, 1, 1], [], []>, transpose_lhs_hint = false} : vector<2000x32xf32>, vector<32x32xf32>, vector<2000x32xf32> -> vector<2000x32xf32>
    %swap3A = arith.constant 0 : index
    %swap3A_39 = arith.constant 0 : index
    %swap3A_40 = vector.load %arg8[%swap3A, %swap3A_39] : memref<2000x32xf32, #tpu.memory_space<vmem>>, vector<2000x32xf32>
    tpu.vector_store %arg8[%swap3A, %swap3A_39], %dot_general3A_38 {strides = array<i32>} : memref<2000x32xf32, #tpu.memory_space<vmem>>, vector<2000x32xf32>,
    %get3A_41 = arith.constant 0 : index
    %get3A_42 = arith.constant 0 : index
    %get3A_43 = vector.load %arg6[%get3A_41, %get3A_42] : memref<32x32xf32, #tpu.memory_space<vmem>>, vector<32x32xf32>
    %dot_general3A_44 = arith.constant dense<0.000000e+00> : vector<2000x32xf32>
    %dot_general3A_45 = tpu.matmul %max3A_34, %get3A_43, %dot_general3A_44 {dimension_numbers = #tpu.dot_dimension_numbers<[1], [0], [0], [1], [0, 0, 1, 1], [], []>, transpose_lhs_hint = false} : vector<2000x32xf32>, vector<32x32xf32>, vector<2000x32xf32> -> vector<2000x32xf32>
    %get3A_46 = arith.constant 0 : index
    %get3A_47 = arith.constant 0 : index
    %get3A_48 = vector.load %arg7[%get3A_46, %get3A_47] : memref<8x32xf32, #tpu.memory_space<vmem>>, vector<1x32xf32>
    %add3A_49 = vector.broadcast %get3A_48 : vector<1x32xf32> to vector<2000x32xf32>
    %add3A_50 = arith.addf %dot_general3A_45, %add3A_49 : vector<2000x32xf32>
    %swap3A_51 = arith.constant 0 : index
    %swap3A_52 = arith.constant 0 : index
    %swap3A_53 = vector.load %arg9[%swap3A_51, %swap3A_52] : memref<2000x32xf32, #tpu.memory_space<vmem>>, vector<2000x32xf32>
    tpu.vector_store %arg9[%swap3A_51, %swap3A_52], %add3A_50 {strides = array<i32>} : memref<2000x32xf32, #tpu.memory_space<vmem>>, vector<2000x32xf32>,
    return
  }
  func.func @transform_0(%arg0: i32) -> (i32, i32, i32) {
    %c0_i32 = arith.constant 0 : i32
    %c0_i32_0 = arith.constant 0 : i32
    %c0_i32_1 = arith.constant 0 : i32
    return %c0_i32, %arg0, %c0_i32_0 : i32, i32, i32
  }
  func.func @transform_1(%arg0: i32) -> (i32, i32, i32) {
    %c0_i32 = arith.constant 0 : i32
    %c0_i32_0 = arith.constant 0 : i32
    %c0_i32_1 = arith.constant 0 : i32
    return %c0_i32, %arg0, %c0_i32_0 : i32, i32, i32
  }
  func.func @transform_2(%arg0: i32) -> (i32, i32) {
    %c0_i32 = arith.constant 0 : i32
    %c0_i32_0 = arith.constant 0 : i32
    return %arg0, %c0_i32 : i32, i32
  }
  func.func @transform_3(%arg0: i32) -> (i32, i32) {
    %c0_i32 = arith.constant 0 : i32
    %c0_i32_0 = arith.constant 0 : i32
    %c0_i32_1 = arith.constant 0 : i32
    return %c0_i32, %c0_i32_0 : i32, i32
  }
  func.func @transform_4(%arg0: i32) -> (i32, i32) {
    %c0_i32 = arith.constant 0 : i32
    %c0_i32_0 = arith.constant 0 : i32
    %c0_i32_1 = arith.constant 0 : i32
    return %c0_i32, %c0_i32_0 : i32, i32
  }
  func.func @transform_5(%arg0: i32) -> (i32, i32) {
    %c0_i32 = arith.constant 0 : i32
    %c0_i32_0 = arith.constant 0 : i32
    %c0_i32_1 = arith.constant 0 : i32
    return %c0_i32, %c0_i32_0 : i32, i32
  }
  func.func @transform_6(%arg0: i32) -> (i32, i32) {
    %c0_i32 = arith.constant 0 : i32
    %c0_i32_0 = arith.constant 0 : i32
    %c0_i32_1 = arith.constant 0 : i32
    return %c0_i32, %c0_i32_0 : i32, i32
  }
  func.func @transform_7(%arg0: i32) -> (i32, i32) {
    %c0_i32 = arith.constant 0 : i32
    %c0_i32_0 = arith.constant 0 : i32
    return %arg0, %c0_i32 : i32, i32
  }
  func.func @transform_8(%arg0: i32) -> (i32, i32) {
    %c0_i32 = arith.constant 0 : i32
    %c0_i32_0 = arith.constant 0 : i32
    return %arg0, %c0_i32 : i32, i32
  }
}

module attributes {stable_mosaic.version = 14 : i64} {
  func.func @_mm3_body(%arg0: i32, %arg1: memref<2x2000x32xf32, #tpu.memory_space<vmem>>, %arg2: memref<2x2000x1xf32, #tpu.memory_space<vmem>>, %arg3: memref<2000x32xf32, #tpu.memory_space<vmem>>, %arg4: memref<8x32xf32, #tpu.memory_space<vmem>>, %arg5: memref<32x128xf32, #tpu.memory_space<vmem>>, %arg6: memref<8x128xf32, #tpu.memory_space<vmem>>, %arg7: memref<2000x32xf32, #tpu.memory_space<vmem>>, %arg8: memref<2000x128xf32, #tpu.memory_space<vmem>>) attributes {dimension_semantics = [#tpu.dimension_semantics<arbitrary>], iteration_bounds = array<i64: 5>, scalar_prefetch = 0 : i64, scratch_operands = 0 : i64, tpu.core_type = #tpu.core_type<tc>, window_params = [{transform_indices = @transform_0, window_bounds = array<i64: 2, 2000, 32>}, {transform_indices = @transform_1, window_bounds = array<i64: 2, 2000, 1>}, {transform_indices = @transform_2, window_bounds = array<i64: 2000, 32>}, {pipeline_mode = #tpu.pipeline_mode<synchronous>, transform_indices = @transform_3, window_bounds = array<i64: 8, 32>}, {pipeline_mode = #tpu.pipeline_mode<synchronous>, transform_indices = @transform_4, window_bounds = array<i64: 32, 128>}, {pipeline_mode = #tpu.pipeline_mode<synchronous>, transform_indices = @transform_5, window_bounds = array<i64: 8, 128>}, {transform_indices = @transform_6, window_bounds = array<i64: 2000, 32>}, {transform_indices = @transform_7, window_bounds = array<i64: 2000, 128>}]} {
    %get3A = arith.constant 0 : index
    %get3A_0 = arith.constant 0 : index
    %get3A_1 = arith.constant 0 : index
    %get3A_2 = vector.load %arg1[%get3A, %get3A_0, %get3A_1] : memref<2x2000x32xf32, #tpu.memory_space<vmem>>, vector<1x2000x32xf32>
    %get3A_3 = vector.shape_cast %get3A_2 : vector<1x2000x32xf32> to vector<2000x32xf32>
    %get3A_4 = arith.constant 1 : index
    %get3A_5 = arith.constant 0 : index
    %get3A_6 = arith.constant 0 : index
    %get3A_7 = vector.load %arg1[%get3A_4, %get3A_5, %get3A_6] : memref<2x2000x32xf32, #tpu.memory_space<vmem>>, vector<1x2000x32xf32>
    %get3A_8 = vector.shape_cast %get3A_7 : vector<1x2000x32xf32> to vector<2000x32xf32>
    %add3A = arith.addf %get3A_3, %get3A_8 : vector<2000x32xf32>
    %get3A_9 = arith.constant 0 : index
    %get3A_10 = arith.constant 0 : index
    %get3A_11 = arith.constant 0 : index
    %get3A_12 = vector.load %arg2[%get3A_9, %get3A_10, %get3A_11] : memref<2x2000x1xf32, #tpu.memory_space<vmem>>, vector<1x2000x1xf32>
    %get3A_13 = vector.shape_cast %get3A_12 : vector<1x2000x1xf32> to vector<2000x1xf32>
    %get3A_14 = arith.constant 1 : index
    %get3A_15 = arith.constant 0 : index
    %get3A_16 = arith.constant 0 : index
    %get3A_17 = vector.load %arg2[%get3A_14, %get3A_15, %get3A_16] : memref<2x2000x1xf32, #tpu.memory_space<vmem>>, vector<1x2000x1xf32>
    %get3A_18 = vector.shape_cast %get3A_17 : vector<1x2000x1xf32> to vector<2000x1xf32>
    %add3A_19 = arith.addf %get3A_13, %get3A_18 : vector<2000x1xf32>
    %max3A = arith.constant 1.000000e+00 : f32
    %max3A_20 = vector.broadcast %max3A : f32 to vector<2000x1xf32>
    %max3A_21 = arith.maximumf %add3A_19, %max3A_20 : vector<2000x1xf32>
    %div3A = vector.broadcast %max3A_21 : vector<2000x1xf32> to vector<2000x32xf32>
    %div3A_22 = arith.divf %add3A, %div3A : vector<2000x32xf32>
    %get3A_23 = arith.constant 0 : index
    %get3A_24 = arith.constant 0 : index
    %get3A_25 = vector.load %arg4[%get3A_23, %get3A_24] : memref<8x32xf32, #tpu.memory_space<vmem>>, vector<1x32xf32>
    %add3A_26 = vector.broadcast %get3A_25 : vector<1x32xf32> to vector<2000x32xf32>
    %add3A_27 = arith.addf %div3A_22, %add3A_26 : vector<2000x32xf32>
    %get3A_28 = arith.constant 0 : index
    %get3A_29 = arith.constant 0 : index
    %get3A_30 = vector.load %arg3[%get3A_28, %get3A_29] : memref<2000x32xf32, #tpu.memory_space<vmem>>, vector<2000x32xf32>
    %add3A_31 = arith.addf %add3A_27, %get3A_30 : vector<2000x32xf32>
    %max3A_32 = arith.constant 0.000000e+00 : f32
    %max3A_33 = vector.broadcast %max3A_32 : f32 to vector<2000x32xf32>
    %max3A_34 = arith.maximumf %add3A_31, %max3A_33 : vector<2000x32xf32>
    %swap3A = arith.constant 0 : index
    %swap3A_35 = arith.constant 0 : index
    %swap3A_36 = vector.load %arg7[%swap3A, %swap3A_35] : memref<2000x32xf32, #tpu.memory_space<vmem>>, vector<2000x32xf32>
    tpu.vector_store %arg7[%swap3A, %swap3A_35], %max3A_34 {strides = array<i32>} : memref<2000x32xf32, #tpu.memory_space<vmem>>, vector<2000x32xf32>,
    %get3A_37 = arith.constant 0 : index
    %get3A_38 = arith.constant 0 : index
    %get3A_39 = vector.load %arg5[%get3A_37, %get3A_38] : memref<32x128xf32, #tpu.memory_space<vmem>>, vector<32x128xf32>
    %dot_general3A = arith.constant dense<0.000000e+00> : vector<2000x128xf32>
    %dot_general3A_40 = tpu.matmul %max3A_34, %get3A_39, %dot_general3A {dimension_numbers = #tpu.dot_dimension_numbers<[1], [0], [0], [1], [0, 0, 1, 1], [], []>, transpose_lhs_hint = false} : vector<2000x32xf32>, vector<32x128xf32>, vector<2000x128xf32> -> vector<2000x128xf32>
    %get3A_41 = arith.constant 0 : index
    %get3A_42 = arith.constant 0 : index
    %get3A_43 = vector.load %arg6[%get3A_41, %get3A_42] : memref<8x128xf32, #tpu.memory_space<vmem>>, vector<1x128xf32>
    %add3A_44 = vector.broadcast %get3A_43 : vector<1x128xf32> to vector<2000x128xf32>
    %add3A_45 = arith.addf %dot_general3A_40, %add3A_44 : vector<2000x128xf32>
    %swap3A_46 = arith.constant 0 : index
    %swap3A_47 = arith.constant 0 : index
    %swap3A_48 = vector.load %arg8[%swap3A_46, %swap3A_47] : memref<2000x128xf32, #tpu.memory_space<vmem>>, vector<2000x128xf32>
    tpu.vector_store %arg8[%swap3A_46, %swap3A_47], %add3A_45 {strides = array<i32>} : memref<2000x128xf32, #tpu.memory_space<vmem>>, vector<2000x128xf32>,
    return
  }
  func.func @transform_0(%arg0: i32) -> (i32, i32, i32) {
    %c0_i32 = arith.constant 0 : i32
    %c0_i32_0 = arith.constant 0 : i32
    %c0_i32_1 = arith.constant 0 : i32
    return %c0_i32, %arg0, %c0_i32_0 : i32, i32, i32
  }
  func.func @transform_1(%arg0: i32) -> (i32, i32, i32) {
    %c0_i32 = arith.constant 0 : i32
    %c0_i32_0 = arith.constant 0 : i32
    %c0_i32_1 = arith.constant 0 : i32
    return %c0_i32, %arg0, %c0_i32_0 : i32, i32, i32
  }
  func.func @transform_2(%arg0: i32) -> (i32, i32) {
    %c0_i32 = arith.constant 0 : i32
    %c0_i32_0 = arith.constant 0 : i32
    return %arg0, %c0_i32 : i32, i32
  }
  func.func @transform_3(%arg0: i32) -> (i32, i32) {
    %c0_i32 = arith.constant 0 : i32
    %c0_i32_0 = arith.constant 0 : i32
    %c0_i32_1 = arith.constant 0 : i32
    return %c0_i32, %c0_i32_0 : i32, i32
  }
  func.func @transform_4(%arg0: i32) -> (i32, i32) {
    %c0_i32 = arith.constant 0 : i32
    %c0_i32_0 = arith.constant 0 : i32
    %c0_i32_1 = arith.constant 0 : i32
    return %c0_i32, %c0_i32_0 : i32, i32
  }
  func.func @transform_5(%arg0: i32) -> (i32, i32) {
    %c0_i32 = arith.constant 0 : i32
    %c0_i32_0 = arith.constant 0 : i32
    %c0_i32_1 = arith.constant 0 : i32
    return %c0_i32, %c0_i32_0 : i32, i32
  }
  func.func @transform_6(%arg0: i32) -> (i32, i32) {
    %c0_i32 = arith.constant 0 : i32
    %c0_i32_0 = arith.constant 0 : i32
    return %arg0, %c0_i32 : i32, i32
  }
  func.func @transform_7(%arg0: i32) -> (i32, i32) {
    %c0_i32 = arith.constant 0 : i32
    %c0_i32_0 = arith.constant 0 : i32
    return %arg0, %c0_i32 : i32, i32
  }
}

</mosaic_0001>

<sc_bundles>
// kernel: kernel.10.cloned.1.call-start
scs
__scs_entry_jumppad:
0x0: {  	(pc) =	sbr.rel $0x88, $3  }
0x1: {  	(tag) =	ssettag $0x0;
	lr =	simm.s32 $0x1  }
0x2: {  	[smem:$0x3F95] =	sst lr;
	_ =	strace $0xD0000000  }
0x3: {  	_ = 	snop  }
0x4: {  	_ = 	snop  }
0x5: {  	_ = 	snop  }
0x6: {  	_ = 	snop  }
0x7: {  	_ = 	snop  }
__scs_overlays_trampoline_lowered:
0x8: {  	[smem:$0x3FA4] =	sst s0  }
0x9: {  	[smem:$0x3FA5] =	sst s1  }
0xa: {  	[smem:$0x3FA6] =	sst s2  }
0xb: {  	[smem:$0x3FA7] =	sst s3  }
0xc: {  	[smem:$0x3FA8] =	sst s4  }
0xd: {  	[smem:$0x3FA9] =	sst s5  }
0xe: {  	[smem:$0x3FAA] =	sst s6  }
0xf: {  	[smem:$0x3FAB] =	sst s7  }
0x10: {  	[smem:$0x3FAC] =	sst s8  }
0x11: {  	[smem:$0x3FAD] =	sst s9;
	s0 =	simm.s32 @!p0 $0x0  }
0x12: {  	s1 =	sld [smem:$0x3F93];
	s0 =	simm.s32 @p0 $0x1  }
0x13: {  	[smem:$0x3FAE] =	sst s0;
	s0 =	simm.s32 @!p1 $0x0  }
0x14: {  	s2 =	sld [smem:$0x3F92];
	s0 =	simm.s32 @p1 $0x1  }
0x15: {  	[smem:$0x3FAF] =	sst s0;
	s0 =	simm.s32 @!p2 $0x0  }
0x16: {  	s3 =	sld [smem:$0x3FDB];
	s0 =	simm.s32 @p2 $0x1  }
0x17: {  	s4 =	simm.s32 $0x1BF5;
	[smem:$0x3FB1] =	sst s0  }
0x18: {  	s0 =	sld [smem:$0x3F94];
	_ =	swait.ge [sflag:s4], $0x0  }
0x19: {  	s7 =	sld [smem:$0x3F95]  }
0x1a: {  	s8 =	sadd.s32 $0xFFFFE003, lr  }
0x1b: {  	s9 =	sadd.s32 $0xFFFFFEF7, lr;
	s5 =	simm.s32 $0xFFFFFFFF;
	p2 =	slt.u32 s8, $0xFFFFF086  }
0x1c: {  	p1 =	slt.u32 s9, $0xF7A;
	s5 =	simm.s32 @!p2 $0x0  }
0x1d: {  	s5 =	simm.s32 @p1 $0x1;
	p0 =	seq.s32 s7, s2  }
0x1e: {  	s7 =	smul.u32 @!p0 $0xF7A, s2;
	p2 =	seq.s32 @!p0 s5, $0x0  }
0x1f: {  	s9 =	smul.u32 $0xF7A, s1;
	s8 =	simm.s32 @!p0 $0x1BF5;
	p2 =	por !p2, p0  }
0x20: {  	[sflag:s8] =	ssyncset.s32 @!p0 $0xFFFFF086;
	s6 =	sadd.s32 @!p0 s3, s7;
	s7 =	simm.s32 @!p0 $0x108  }
0x21: {  	s3 =	sadd.s32 s3, s9;
	s6 =	sadd.s32 @!p0 $0x88, s6;
	s7 =	simm.s32 @p2 $0x1082  }
0x22: {  	[simem:s7], [sflag:s8] =	dma.local @!p0 [hbm:s6], $0xF7A  }
0x23: {  	s9 =	sor.u32 $0xD0000000, s2;
	s6 =	simm.s32 $0x108;
	_ =	swait.ge @!p0 [sflag:s8], $0x0  }
0x24: {  	s3 =	sadd.s32 $0x88, s3;
	s6 =	simm.s32 @!p1 $0x1082;
	[sflag:s4] =	ssyncset.s32 $0xFFFFF086  }
0x25: {  	[simem:s6], [sflag:s4] =	dma.local [hbm:s3], $0xF7A  }
0x26: {  	[smem:$0x3F95] =	sst s1;
	(tag) =	ssettag s2;
	_ =	strace s9  }
0x27: {  	s1 =	sld [smem:$0x3FA5]  }
0x28: {  	s2 =	sld [smem:$0x3FA6]  }
0x29: {  	s4 =	sld [smem:$0x3FA8]  }
0x2a: {  	p0 =	seq.s32 s5, $0x0;
	s5 =	sld [smem:$0x3FA9]  }
0x2b: {  	s6 =	sld [smem:$0x3FAA]  }
0x2c: {  	s7 =	sld [smem:$0x3FAB]  }
0x2d: {  	s3 =	simm.s32 $0x108;
	s8 =	sld [smem:$0x3FAC]  }
0x2e: {  	s3 =	simm.s32 @!p0 $0x1082;
	s9 =	sld [smem:$0x3FAD]  }
0x2f: {  	lr =	sadd.s32 s0, s3;
	s0 =	sld [smem:$0x3FA4]  }
0x30: {  	s3 =	sld [smem:$0x3FA7]  }
0x31: {  	[smem:$0x3FB0] =	sst s10  }
0x32: {  	s10 =	sld [smem:$0x3FAE];
	_ =	sdelay $0x3  }
0x33: {  	p0 =	seq.s32 s10, $0x1;
	s10 =	sld [smem:$0x3FB0];
	_ =	sdelay $0x3  }
0x34: {  	[smem:$0x3FB0] =	sst s10  }
0x35: {  	s10 =	sld [smem:$0x3FAF];
	_ =	sdelay $0x3  }
0x36: {  	p1 =	seq.s32 s10, $0x1;
	s10 =	sld [smem:$0x3FB0];
	_ =	sdelay $0x3  }
0x37: {  	[smem:$0x3FB0] =	sst s10  }
0x38: {  	s10 =	sld [smem:$0x3FB1]  }
0x39: {  	_ = 	snop;
	(pc) =	sbr.ind lr, $3  }
0x3a: {  	_ = 	snop  }
0x3b: {  	_ = 	snop  }
0x3c: {  	p2 =	seq.s32 s10, $0x1;
	s10 =	sld [smem:$0x3FB0]  }
0x3d: {  	_ =	shalt  }
0x3e: {  	_ =	shalt  }
0x3f: {  	_ =	shalt  }
0x40: {  	_ =	shalt  }
0x41: {  	_ =	shalt  }
0x42: {  	_ =	shalt  }
0x43: {  	_ =	shalt  }
0x44: {  	_ =	shalt  }
0x45: {  	_ =	shalt  }
0x46: {  	_ =	shalt  }
0x47: {  	_ =	shalt  }
0x48: {  	_ =	shalt  }
0x49: {  	_ =	shalt  }
0x4a: {  	_ =	shalt  }
0x4b: {  	_ =	shalt  }
0x4c: {  	_ =	shalt  }
0x4d: {  	_ =	shalt  }
0x4e: {  	_ =	shalt  }
0x4f: {  	_ =	shalt  }
0x50: {  	_ =	shalt  }
0x51: {  	_ =	shalt  }
0x52: {  	_ =	shalt  }
0x53: {  	_ =	shalt  }
0x54: {  	_ =	shalt  }
0x55: {  	_ =	shalt  }
0x56: {  	_ =	shalt  }
0x57: {  	_ =	shalt  }
0x58: {  	_ =	shalt  }
0x59: {  	_ =	shalt  }
0x5a: {  	_ =	shalt  }
0x5b: {  	_ =	shalt  }
0x5c: {  	_ =	shalt  }
0x5d: {  	_ =	shalt  }
0x5e: {  	_ =	shalt  }
0x5f: {  	_ =	shalt  }
0x60: {  	_ =	shalt  }
0x61: {  	_ =	shalt  }
0x62: {  	_ =	shalt  }
0x63: {  	_ =	shalt  }
0x64: {  	_ =	shalt  }
0x65: {  	_ =	shalt  }
0x66: {  	_ =	shalt  }
0x67: {  	_ =	shalt  }
0x68: {  	_ =	shalt  }
0x69: {  	_ =	shalt  }
0x6a: {  	_ =	shalt  }
0x6b: {  	_ =	shalt  }
0x6c: {  	_ =	shalt  }
0x6d: {  	_ =	shalt  }
0x6e: {  	_ =	shalt  }
0x6f: {  	_ =	shalt  }
0x70: {  	_ =	shalt  }
0x71: {  	_ =	shalt  }
0x72: {  	_ =	shalt  }
0x73: {  	_ =	shalt  }
0x74: {  	_ =	shalt  }
0x75: {  	_ =	shalt  }
0x76: {  	_ =	shalt  }
0x77: {  	_ =	shalt  }
0x78: {  	_ =	shalt  }
0x79: {  	_ =	shalt  }
0x7a: {  	_ =	shalt  }
0x7b: {  	_ =	shalt  }
0x7c: {  	_ =	shalt  }
0x7d: {  	_ =	shalt  }
0x7e: {  	_ =	shalt  }
0x7f: {  	_ =	shalt  }
0x80: {  	_ =	shalt  }
0x81: {  	_ =	shalt  }
0x82: {  	_ =	shalt  }
0x83: {  	_ =	shalt  }
0x84: {  	_ =	shalt  }
0x85: {  	_ =	shalt  }
0x86: {  	_ =	shalt  }
0x87: {  	_ =	shalt  }
.Lfunc_end0:
.L_simem_size_0:
called_computation.1_lowered:
.L_overlay_start_0:
0x88: {  	s2 =	sld [smem:$0x3FD9]  }
0x89: {  	s3 =	sld [smem:$0x3FFE];
	_ =	sdelay $0x1  }
0x8a: {  	s1 =	srdreg.scid  }
0x8b: {  	s0 =	sand.u32 $0x1, s1  }
0x8c: {  	s14 =	sshll.u32 s0, $0xA;
	s2 =	sadd.s32 s3, s2  }
0x8d: {  	s2 =	sadd.s32 s2, s14  }
0x8e: {  	[smem:$0x3FBC] =	sst s2  }
0x8f: {  	_ = 	snop  }
0x90: {  	s2 =	sld [smem:$0x3FD0];
	_ =	sdelay $0x2  }
0x91: {  	s15 =	simm.s32 $0xA;
	s4 =	simm.s32 $0x10  }
0x92: {  	[smem:s4], [sflag:s15] =	dma.local [hbm:s2], $0x1  }
0x93: {  	_ =	swait.eq [sflag:s15], $0x1  }
0x94: {  	[sflag:s15] =	ssyncset.done $0x0  }
0x95: {  	s16 =	sld [smem:$0x10];
	[sflag:s15] =	ssyncadd.s32 $0xFFFFFFFF  }
0x96: {  	s17 =	sld [smem:$0x11];
	(tm) =	ssettm $0x1  }
0x97: {  	s18 =	sld [smem:$0x3FFB];
	_ =	sdelay $0x3  }
0x98: {  	_ =	strace s18  }
0x99: {  	s4 =	sld [smem:$0x3FFC];
	_ =	sdelay $0x3  }
0x9a: {  	_ =	strace s4  }
0x9b: {  	s4 =	sld [smem:$0x3FFD];
	_ =	sdelay $0x3  }
0x9c: {  	_ =	strace s4  }
0x9d: {  	_ =	strace $0x8FFFFFFF  }
0x9e: {  	s19 =	sld [smem:$0x3FDB];
	_ =	sdelay $0x1  }
0x9f: {  	s5 =	simm.s32 $_scs_section_size  }
0xa0: {  	s6 =	simm.s32 $_size__tile_overlayer_lowered;
	s7 =	simm.s32 $_tile_overlayer_lowered  }
0xa1: {  	s22 =	simm.s32 $0x1BFF;
	s21 =	sshll.u32 s7, $0x1;
	s4 =	sadd.s32 s5, s19  }
0xa2: {  	s8 =	simm.s32 $0x0;
	s20 =	sshll.u32 s6, $0x1;
	s6 =	sadd.s32 s21, s4  }
0xa3: {  	[timem:s8], [sflag:s22] =	dma.local [hbm:s6], s20  }
0xa4: {  	_ =	swait.ge [sflag:s22], s20  }
0xa5: {  	s5 =	ssub.s32 $0x0, s20;
	[sflag:s22] =	ssyncset.done $0x0  }
0xa6: {  	[sflag:s22] =	ssyncadd.s32 s5;
	_ =	sdelay $0x1  }
0xa7: {  	s23 =	simm.s32 $0x1B8B  }
0xa8: {  	_ =	swait.ge [sflag:s23], $0x1  }
0xa9: {  	[sflag:s23] =	ssyncset.done $0x0  }
0xaa: {  	s25 =	simm.s32 $0x1B8E;
	s24 =	sld [smem:$0x3FFE];
	[sflag:s23] =	ssyncadd.s32 $0xFFFFFFFF  }
0xab: {  	s26 =	simm.s32 $execute0_lowered;
	[smem:$0x3FD2] =	sst s25  }
0xac: {  	s6 =	sshll.u32 s26, $0x1;
	_ =	strace $0x80000049;
	[dreg:$0x1] =	wrdreg $0xFFFFFFFF  }
0xad: {  	s28 =	simm.s32 $_size_execute0_lowered;
	s4 =	sadd.s32 s4, s6;
	[dreg:$0x0] =	wrdreg $0x0  }
0xae: {  	s6 =	sshll.u32 s28, $0x1;
	[dreg:$0x2] =	wrdreg s4  }
0xaf: {  	[dreg:$0x3] =	wrdreg s6  }
0xb0: {  	[dreg:$0x4] =	wrdreg $0xC0  }
0xb1: {  	_ =	task [dreg:s8], $0x5FFFF  }
0xb2: {  	[dreg:$0x1] =	wrdreg $0xFFFFFFFF  }
0xb3: {  	[dreg:$0x0] =	wrdreg $0x60  }
0xb4: {  	[dreg:$0x2] =	wrdreg s16  }
0xb5: {  	[dreg:$0x3] =	wrdreg s17  }
0xb6: {  	[dreg:$0x4] =	wrdreg s24  }
0xb7: {  	[dreg:$0x5] =	wrdreg $0x150000  }
0xb8: {  	[dreg:$0x6] =	wrdreg $0x19E400  }
0xb9: {  	[dreg:$0x7] =	wrdreg $0x9  }
0xba: {  	_ =	task.clear_ibuf [dreg:s8], $0x8FFFF;
	_ =	strace $0x90000049  }
0xbb: {  	s29 =	simm.s32 $0x9;
	_ =	strace $0x8000004B  }
0xbc: {  	_ =	swait.ge [sflag:s29], $0x1  }
0xbd: {  	[sflag:s29] =	ssyncadd.s32 $0xFFFFFFFF  }
0xbe: {  	_ =	strace $0x9000004B  }
0xbf: {  	_ =	sfence  }
0xc0: {  	s30 =	sld [smem:$0x0];
	_ =	sdelay $0x2  }
0xc1: {  	s31 =	sshll.u32 s1, $0xD;
	s1 =	sshrl.u32 s1, $0x2  }
0xc2: {  	s3 =	sand.u32 $0x4000, s31;
	s1 =	sadd.s32 s1, s30  }
0xc3: {  	s0 =	sor.u32 s3, s0;
	s1 =	sshll.u32 s1, $0x11  }
0xc4: {  	s0 =	sor.u32 s1, s0  }
0xc5: {  	s0 =	sadd.s32 $0x8F2B, s0  }
0xc6: {  	[sflag:s0] =	ssyncadd.remote.s32 $0x1  }
0xc7: {  	_ =	sfence.sel $0xFFFF  }
0xc8: {  	[dreg:$0x0] =	wrdreg $0xFFFFFFFF;
	(pc) =	sbr.abs _section_cstart, $3  }
0xc9: {  	[dreg:$0x1] =	wrdreg $0xFFFFFFFF  }
0xca: {  	_ =	task.clear_ibuf [dreg:s8], $0x2FFFF;
	_ =	strace $0x9FFFFFFF  }
0xcb: {  	(tm) =	ssettm $0x7FFFFFFF  }
tec
execute0_lowered:
.L_overlay_start_1:
0x0: {  	(tag) =	ssettag $0x1  }
0x1: {  	s0 =	rddreg [dreg:$0x0]  }
0x2: {  	s3 =	rddreg [dreg:$0x1]  }
0x3: {  	s4 =	rddreg [dreg:$0x2]  }
0x4: {  	s1 =	rddreg [dreg:$0x3]  }
0x5: {  	s2 =	rddreg [dreg:$0x4]  }
0x6: {  	s5 =	srdreg.scid;
	s7 =	simm.s32 $0x0;
	s13 =	stileid.u32  }
0x7: {  	s21 =	simm.s32 $0x7000;
	s28 =	simm.s32 $0x9000;
	s29 =	simm.s32 $0xF000  }
0x8: {  	s31 =	simm.s32 $0x14000;
	s30 =	simm.s32 $0x9;
	s26 =	smul.u32 $0x4E40, s13  }
0x9: {  	s5 =	sand.u32 $0x1, s5;
	[smem:$0x7FF] =	sst s7;
	s15 =	smul.u32 $0x4E20, s13  }
0xa: {  	s24 =	sshll.u32 s13, $0x6;
	s7 =	simm.s32 $0xF;
	s6 =	sshll.u32 s5, $0x4  }
0xb: {  	_ =	strace $0x8000004A;
	s10 =	smul.u32 $0x9C40, s5;
	s5 =	ssub.s32 $0x2, s5  }
0xc: {  	s6 =	sor.u32 s13, s6;
	s9 =	sshrl.u32 s26, $0x3;
	s14 =	sshrl.u32 s5, $0x1  }
0xd: {  	s16 =	sadd.s32 s26, s1;
	s18 =	sshrl.u32 s15, $0x3;
	s19 =	sadd.s32 s15, s2  }
0xe: {  	s22 =	sadd.s32 s15, s1;
	s15 =	sor.u32 $0x1C11, s24;
	s24 =	simm.s32 $0x7  }
0xf: {  	s8 =	smul.u32 $0x4E, s6;
	s11 =	smin.u32 s6, $0x4;
	s9 =	sadd.s32 s9, s4  }
0x10: {  	s4 =	sadd.s32 s10, s4;
	s5 =	ssub.s32 s5, s14;
	s0 =	sadd.s32 s0, s18  }
0x11: {  	p0 =	sgt.u32 s6, $0x3;
	s10 =	simm.s32 $0x11;
	[dreg:$0xd] =	wrdreg s15  }
0x12: {  	s25 =	sshrl.u32 s19, $0x3;
	s26 =	sshrl.u32 s22, $0x3;
	[dreg:$0x9] =	wrdreg s0  }
0x13: {  	s19 =	simm.s32 $0x3;
	s22 =	simm.s32 $0x5;
	[dreg:$0xf] =	wrdreg s25  }
0x14: {  	s17 =	sadd.s32 $0x2600, s9;
	s20 =	sadd.s32 $0xCA00, s4;
	[dreg:$0x11] =	wrdreg s26  }
0x15: {  	s5 =	smax.u32 s5, $0x1;
	s26 =	simm.s32 $0x13000;
	[dreg:$0x8] =	wrdreg s17  }
0x16: {  	s9 =	simm.s32 $0x0;
	s8 =	sadd.s32 s11, s8;
	[dreg:$0xa] =	wrdreg s5  }
0x17: {  	s17 =	simm.s32 $0x80;
	s0 =	sadd.s32 s18, s20;
	s8 =	sshll.u32 s8, $0x4  }
0x18: {  	s20 =	simm.s32 $0xD000;
	[dreg:$0x10] =	wrdreg s0;
	s12 =	sadd.s32 s3, s8  }
0x19: {  	s5 =	simm.s32 $0xB;
	s11 =	sadd.s32 $0x4E0, s8;
	[dreg:$0x6] =	wrdreg s12  }
.Ltmp0:
0x1a: {  	s12 =	sadd.s32 $0x9C40, s3;
	s3 =	sadd.s32 s3, s11;
	(pc) =	sbr.rel .LBB2_1-.Ltmp0, $4  }
0x1b: {  	s0 =	simm.s32 $0xB000;
	[dreg:$0x7] =	wrdreg s3;
	s23 =	sadd.s32 s8, s12  }
0x1c: {  	s6 =	sadd.s32 @!p0 s11, s12;
	s3 =	sshrl.u32 s16, $0x3;
	[dreg:$0xb] =	wrdreg s23  }
0x1d: {  	s12 =	simm.s32 $0x11000;
	s8 =	simm.s32 $0x10;
	[dreg:$0xc] =	wrdreg s6  }
0x1e: {  	v0 =	vimm.s32 $0x0;
	v1 =	vimm.s32 $0x2710;
	[dreg:$0xe] =	wrdreg s3;
	s3 =	simm.s32 $0x1;
	s6 =	simm.s32 $0xD  }
.LBB2_4:
0x1f: {  	_ =	swait.ge [sflag:s8], $0x1000  }
0x20: {  	[sflag:s8] =	ssyncset.done $0x0  }
0x21: {  	[sflag:s8] =	ssyncadd.s32 $0xFFFFF000  }
0x22: {  	[spmem:s1] =	stream.indirect.scatter.add.f32 [tilespmem:s31], [sflag:$0x11], $0x20, s4, s17, $0xb8;
	[tilespmem:$0x1EC60] =	vst v63  }
0x23: {  	_ =	swait.ge [sflag:s10], $0x1000  }
0x24: {  	[sflag:s10] =	ssyncset.done $0x0  }
0x25: {  	[sflag:s10] =	ssyncadd.s32 $0xFFFFF000  }
0x26: {  	[bflag:$0x0] =	sbarrier.arrive $0xFFFF  }
0x27: {  	s15 =	rddreg [dreg:$0xd]  }
0x28: {  	s18 =	rddreg [dreg:$0x10]  }
0x29: {  	s9 =	rddreg [dreg:$0x11]  }
0x2a: {  	[hbm:s18], [sflag:s15] =	dma.local [spmem:s9], $0x9C4  }
0x2b: {  	_ =	swait.ge [sflag:s10], $0x9C4  }
0x2c: {  	s23 =	rddreg [dreg:$0x12]  }
0x2d: {  	s25 =	rddreg [dreg:$0xa];
	s9 =	sadd.s32 $0x1, s23  }
0x2e: {  	p1 =	sne.s32 s9, s25  }
.Ltmp1:
0x2f: {  	_ = 	snop;
	(pc) =	sbr.rel @!p1 .LBB2_5-.Ltmp1, $3  }
0x30: {  	_ =	sdelay $0x1  }
0x31: {  	[sflag:s10] =	ssyncset.done $0x0  }
0x32: {  	[sflag:s10] =	ssyncadd.s32 $0xFFFFF63C  }
.LBB2_1:
0x33: {  	[tilespmem:$0x2700] =	vst v0  }
0x34: {  	[tilespmem:$0x4F00] =	vst v1  }
0x35: {  	[tilespmem:$0x2710] =	vst v0  }
0x36: {  	[tilespmem:$0x4F10] =	vst v1  }
0x37: {  	[tilespmem:$0x2720] =	vst v0  }
0x38: {  	[tilespmem:$0x4F20] =	vst v1  }
0x39: {  	[tilespmem:$0x2730] =	vst v0  }
0x3a: {  	[tilespmem:$0x4F30] =	vst v1  }
0x3b: {  	[tilespmem:$0x2740] =	vst v0  }
0x3c: {  	[tilespmem:$0x4F40] =	vst v1  }
0x3d: {  	[tilespmem:$0x2750] =	vst v0  }
0x3e: {  	[tilespmem:$0x4F50] =	vst v1  }
0x3f: {  	[tilespmem:$0x2760] =	vst v0  }
0x40: {  	[tilespmem:$0x4F60] =	vst v1  }
0x41: {  	[tilespmem:$0x2770] =	vst v0  }
0x42: {  	[tilespmem:$0x4F70] =	vst v1  }
0x43: {  	[tilespmem:$0x2780] =	vst v0  }
0x44: {  	[tilespmem:$0x4F80] =	vst v1  }
0x45: {  	[tilespmem:$0x2790] =	vst v0  }
0x46: {  	[tilespmem:$0x4F90] =	vst v1  }
0x47: {  	[tilespmem:$0x27A0] =	vst v0  }
0x48: {  	[tilespmem:$0x4FA0] =	vst v1  }
0x49: {  	[tilespmem:$0x27B0] =	vst v0  }
0x4a: {  	[tilespmem:$0x4FB0] =	vst v1  }
0x4b: {  	[tilespmem:$0x27C0] =	vst v0  }
0x4c: {  	[tilespmem:$0x4FC0] =	vst v1  }
0x4d: {  	[tilespmem:$0x27D0] =	vst v0  }
0x4e: {  	[tilespmem:$0x4FD0] =	vst v1  }
0x4f: {  	[tilespmem:$0x27E0] =	vst v0  }
0x50: {  	[tilespmem:$0x4FE0] =	vst v1  }
0x51: {  	[dreg:$0x12] =	wrdreg s9;
	[tilespmem:$0x27F0] =	vst v0  }
0x52: {  	[tilespmem:$0x4FF0] =	vst v1;
	s16 =	simm.s32 $0x0;
	s4 =	rddreg [dreg:$0x6]  }
0x53: {  	[tilespmem:s16], [sflag:$0x11] =	stream.linear.gather [hbm4b:s4+s16], $0x2700, $0x38;
	[tilespmem:$0x1EC60] =	vst v63  }
0x54: {  	_ =	swait.ge [sflag:s10], $0x2700  }
0x55: {  	[sflag:s10] =	ssyncset.done $0x0  }
0x56: {  	s11 =	simm.s32 $0x2800;
	s18 =	rddreg [dreg:$0xb];
	[sflag:s10] =	ssyncadd.s32 $0xFFFFD900  }
0x57: {  	[tilespmem:s11], [sflag:$0x11] =	stream.linear.gather [hbm4b:s18+s16], $0x2700, $0x38;
	[tilespmem:$0x1EC60] =	vst v63  }
0x58: {  	_ =	swait.ge [sflag:s10], $0x2700  }
0x59: {  	s4 =	simm.s32 @!p0 $0x0;
	[sflag:s10] =	ssyncset.done $0x0  }
0x5a: {  	s11 =	simm.s32 @!p0 $0x2700;
	s13 =	rddreg [dreg:$0x7];
	[sflag:s10] =	ssyncadd.s32 $0xFFFFD900  }
0x5b: {  	[tilespmem:s11], [sflag:$0x11] =	stream.linear.gather @!p0 [hbm4b:s13+s4], $0x80, $0x38;
	[tilespmem:$0x1EC60] =	vst v63  }
0x5c: {  	s11 =	simm.s32 @!p0 $0x11  }
0x5d: {  	_ =	swait.ge @!p0 [sflag:s11], $0x80  }
0x5e: {  	[sflag:s11] =	ssyncset.done @!p0 $0x0  }
0x5f: {  	s13 =	simm.s32 @!p0 $0x4F00;
	s14 =	rddreg [dreg:$0xc];
	[sflag:s11] =	ssyncadd.s32 @!p0 $0xFFFFFF80  }
0x60: {  	[tilespmem:s13], [sflag:$0x11] =	stream.linear.gather @!p0 [hbm4b:s14+s4], $0x80, $0x38;
	[tilespmem:$0x1EC60] =	vst v63  }
0x61: {  	_ =	swait.ge @!p0 [sflag:s11], $0x80  }
0x62: {  	[sflag:s11] =	ssyncset.done @!p0 $0x0;
	s23 =	rddreg [dreg:$0x8]  }
0x63: {  	s25 =	rddreg [dreg:$0xe];
	[sflag:s11] =	ssyncadd.s32 @!p0 $0xFFFFFF80  }
0x64: {  	[spmem:s25], [sflag:s15] =	dma.local [hbm:s23], $0x9C8  }
0x65: {  	_ =	swait.ge [sflag:s10], $0x9C8  }
0x66: {  	[sflag:s10] =	ssyncset.done $0x0;
	s13 =	rddreg [dreg:$0x9]  }
0x67: {  	s14 =	rddreg [dreg:$0xf];
	[sflag:s10] =	ssyncadd.s32 $0xFFFFF638  }
0x68: {  	[spmem:s14], [sflag:s15] =	dma.local [hbm:s13], $0x9C4  }
0x69: {  	_ =	swait.ge [sflag:s10], $0x9C4  }
0x6a: {  	[sflag:s10] =	ssyncset.done $0x0  }
0x6b: {  	[sflag:s10] =	ssyncadd.s32 $0xFFFFF63C  }
0x6c: {  	s15 =	simm.s32 $0x5000;
	[bflag:$0x0] =	sbarrier.arrive $0xFFFF  }
0x6d: {  	[tilespmem:s15], [sflag:$0x1] =	stream.indirect.gather [spmem:s2], $0x20, s16, s17, $0xb8;
	[tilespmem:$0x1EC60] =	vst v63  }
0x6e: {  	s16 =	simm.s32 $0x6000  }
0x6f: {  	[tilespmem:s16], [sflag:$0x2] =	stream.indirect.gather [spmem:s2], $0x20, s17, s17, $0xb8;
	[tilespmem:$0x1EC60] =	vst v63  }
0x70: {  	s18 =	simm.s32 $0x100  }
0x71: {  	[tilespmem:s21], [sflag:$0x3] =	stream.indirect.gather [spmem:s2], $0x20, s18, s17, $0xb8;
	[tilespmem:$0x1EC60] =	vst v63  }
0x72: {  	s23 =	simm.s32 $0x180;
	s25 =	simm.s32 $0x8000  }
0x73: {  	[tilespmem:s25], [sflag:$0x4] =	stream.indirect.gather [spmem:s2], $0x20, s23, s17, $0xb8;
	[tilespmem:$0x1EC60] =	vst v63  }
0x74: {  	s9 =	simm.s32 $0x200  }
0x75: {  	[tilespmem:s28], [sflag:$0x5] =	stream.indirect.gather [spmem:s2], $0x20, s9, s17, $0xb8;
	[tilespmem:$0x1EC60] =	vst v63  }
0x76: {  	s11 =	simm.s32 $0x280;
	s13 =	simm.s32 $0xA000  }
0x77: {  	[tilespmem:s13], [sflag:$0x6] =	stream.indirect.gather [spmem:s2], $0x20, s11, s17, $0xb8;
	[tilespmem:$0x1EC60] =	vst v63  }
0x78: {  	s14 =	simm.s32 $0x300  }
0x79: {  	[tilespmem:s0], [sflag:$0x7] =	stream.indirect.gather [spmem:s2], $0x20, s14, s17, $0xb8;
	[tilespmem:$0x1EC60] =	vst v63  }
0x7a: {  	s15 =	simm.s32 $0x380;
	s16 =	simm.s32 $0xC000  }
0x7b: {  	[tilespmem:s16], [sflag:$0x8] =	stream.indirect.gather [spmem:s2], $0x20, s15, s17, $0xb8;
	[tilespmem:$0x1EC60] =	vst v63  }
0x7c: {  	s18 =	simm.s32 $0x400  }
0x7d: {  	[tilespmem:s20], [sflag:$0x9] =	stream.indirect.gather [spmem:s2], $0x20, s18, s17, $0xb8;
	[tilespmem:$0x1EC60] =	vst v63  }
0x7e: {  	s23 =	simm.s32 $0x480;
	s25 =	simm.s32 $0xE000  }
0x7f: {  	[tilespmem:s25], [sflag:$0xA] =	stream.indirect.gather [spmem:s2], $0x20, s23, s17, $0xb8;
	[tilespmem:$0x1EC60] =	vst v63  }
0x80: {  	s11 =	simm.s32 $0x500  }
0x81: {  	[tilespmem:s29], [sflag:$0xB] =	stream.indirect.gather [spmem:s2], $0x20, s11, s17, $0xb8;
	[tilespmem:$0x1EC60] =	vst v63  }
0x82: {  	s13 =	simm.s32 $0x580;
	s14 =	simm.s32 $0x10000  }
0x83: {  	[tilespmem:s14], [sflag:$0xC] =	stream.indirect.gather [spmem:s2], $0x20, s13, s17, $0xb8;
	[tilespmem:$0x1EC60] =	vst v63  }
0x84: {  	s15 =	simm.s32 $0x600  }
0x85: {  	[tilespmem:s12], [sflag:$0xD] =	stream.indirect.gather [spmem:s2], $0x20, s15, s17, $0xb8;
	[tilespmem:$0x1EC60] =	vst v63  }
0x86: {  	s16 =	simm.s32 $0x680;
	s18 =	simm.s32 $0x12000  }
0x87: {  	[tilespmem:s18], [sflag:$0xE] =	stream.indirect.gather [spmem:s2], $0x20, s16, s17, $0xb8;
	[tilespmem:$0x1EC60] =	vst v63  }
0x88: {  	s23 =	simm.s32 $0x700  }
0x89: {  	[tilespmem:s26], [sflag:$0xF] =	stream.indirect.gather [spmem:s2], $0x20, s23, s17, $0xb8;
	[tilespmem:$0x1EC60] =	vst v63  }
0x8a: {  	s25 =	simm.s32 $0x780;
	s11 =	simm.s32 $0x0  }
0x8b: {  	[tilespmem:s31], [sflag:$0x10] =	stream.indirect.gather [spmem:s2], $0x20, s25, s17, $0xb8;
	[tilespmem:$0x1EC60] =	vst v63  }
.LBB2_2:
0x8c: {  	_ =	swait.ge [sflag:s3], $0x1000  }
0x8d: {  	s13 =	sshra.s32 s11, $0x2;
	[sflag:s3] =	ssyncset.done $0x0  }
0x8e: {  	s9 =	simm.s32 $0x5000;
	s4 =	sadd.s32 $0x2800, s13;
	[sflag:s3] =	ssyncadd.s32 $0xFFFFF000  }
0x8f: {  	[spmem:s1] =	stream.indirect.scatter.add.f32 [tilespmem:s9], [sflag:$0x11], $0x20, s4, s17, $0xb8;
	[tilespmem:$0x1EC60] =	vst v63  }
0x90: {  	_ =	swait.ge [sflag:s10], $0x1000  }
0x91: {  	p1 =	seq.s32 s11, $0x8000;
	[sflag:s10] =	ssyncset.done $0x0  }
0x92: {  	s4 =	simm.s32 @p1 $0x2;
	[sflag:s10] =	ssyncadd.s32 $0xFFFFF000  }
0x93: {  	_ =	swait.ge @p1 [sflag:s4], $0x1000  }
0x94: {  	s23 =	sshra.s32 @p1 s11, $0x2;
	s25 =	simm.s32 @p1 $0x80;
	[sflag:s4] =	ssyncset.done @p1 $0x0  }
0x95: {  	s14 =	simm.s32 @p1 $0x6000;
	[sflag:s4] =	ssyncadd.s32 @p1 $0xFFFFF000;
	s4 =	sadd.s32 @p1 $0x2880, s23  }
0x96: {  	[spmem:s1] =	stream.indirect.scatter.add.f32 @p1 [tilespmem:s14], [sflag:$0x11], $0x20, s4, s25, $0xb8;
	[tilespmem:$0x1EC60] =	vst v63  }
0x97: {  	s4 =	simm.s32 @p1 $0x11  }
0x98: {  	_ =	swait.ge @p1 [sflag:s4], $0x1000  }
0x99: {  	s15 =	sshra.s32 @!p1 s11, $0x2;
	s16 =	simm.s32 @!p1 $0x80;
	[sflag:s4] =	ssyncset.done @p1 $0x0  }
0x9a: {  	s9 =	simm.s32 @!p1 $0x5000;
	s14 =	sadd.s32 @!p1 $0x800, s15;
	[sflag:s4] =	ssyncadd.s32 @p1 $0xFFFFF000  }
0x9b: {  	[tilespmem:s9], [sflag:$0x1] =	stream.indirect.gather @!p1 [spmem:s2], $0x20, s14, s16, $0xb8;
	[tilespmem:$0x1EC60] =	vst v63  }
0x9c: {  	s9 =	simm.s32 @!p1 $0x2  }
0x9d: {  	_ =	swait.ge @!p1 [sflag:s9], $0x1000  }
0x9e: {  	s18 =	simm.s32 @!p1 $0x6000;
	[sflag:s9] =	ssyncset.done @!p1 $0x0  }
0x9f: {  	s14 =	simm.s32 @!p1 $0x11;
	[sflag:s9] =	ssyncadd.s32 @!p1 $0xFFFFF000;
	s9 =	sadd.s32 @!p1 $0x2880, s15  }
0xa0: {  	[spmem:s1] =	stream.indirect.scatter.add.f32 @!p1 [tilespmem:s18], [sflag:$0x11], $0x20, s9, s16, $0xb8;
	[tilespmem:$0x1EC60] =	vst v63  }
0xa1: {  	_ =	swait.ge @!p1 [sflag:s14], $0x1000  }
0xa2: {  	[sflag:s14] =	ssyncset.done @!p1 $0x0  }
0xa3: {  	s9 =	sadd.s32 @!p1 $0x880, s15;
	[sflag:s14] =	ssyncadd.s32 @!p1 $0xFFFFF000  }
0xa4: {  	[tilespmem:s18], [sflag:$0x2] =	stream.indirect.gather @!p1 [spmem:s2], $0x20, s9, s16, $0xb8;
	[tilespmem:$0x1EC60] =	vst v63  }
0xa5: {  	_ =	swait.ge [sflag:s19], $0x1000  }
0xa6: {  	[sflag:s19] =	ssyncset.done $0x0  }
0xa7: {  	s18 =	sadd.s32 $0x2900, s13;
	[sflag:s19] =	ssyncadd.s32 $0xFFFFF000  }
0xa8: {  	[spmem:s1] =	stream.indirect.scatter.add.f32 [tilespmem:s21], [sflag:$0x11], $0x20, s18, s17, $0xb8;
	[tilespmem:$0x1EC60] =	vst v63  }
0xa9: {  	_ =	swait.ge [sflag:s10], $0x1000  }
0xaa: {  	[sflag:s10] =	ssyncset.done $0x0  }
0xab: {  	s9 =	simm.s32 @p1 $0x4;
	[sflag:s10] =	ssyncadd.s32 $0xFFFFF000  }
0xac: {  	_ =	swait.ge @p1 [sflag:s9], $0x1000  }
0xad: {  	[sflag:s9] =	ssyncset.done @p1 $0x0  }
0xae: {  	s18 =	simm.s32 @p1 $0x8000;
	[sflag:s9] =	ssyncadd.s32 @p1 $0xFFFFF000;
	s9 =	sadd.s32 @p1 $0x2980, s23  }
0xaf: {  	[spmem:s1] =	stream.indirect.scatter.add.f32 @p1 [tilespmem:s18], [sflag:$0x11], $0x20, s9, s25, $0xb8;
	[tilespmem:$0x1EC60] =	vst v63  }
0xb0: {  	_ =	swait.ge @p1 [sflag:s4], $0x1000  }
0xb1: {  	[sflag:s4] =	ssyncset.done @p1 $0x0  }
0xb2: {  	s9 =	sadd.s32 @!p1 $0x900, s15;
	s18 =	simm.s32 @!p1 $0x7000;
	[sflag:s4] =	ssyncadd.s32 @p1 $0xFFFFF000  }
0xb3: {  	[tilespmem:s18], [sflag:$0x3] =	stream.indirect.gather @!p1 [spmem:s2], $0x20, s9, s16, $0xb8;
	[tilespmem:$0x1EC60] =	vst v63  }
0xb4: {  	s9 =	simm.s32 @!p1 $0x4  }
0xb5: {  	_ =	swait.ge @!p1 [sflag:s9], $0x1000  }
0xb6: {  	[sflag:s9] =	ssyncset.done @!p1 $0x0  }
0xb7: {  	s18 =	simm.s32 @!p1 $0x8000;
	[sflag:s9] =	ssyncadd.s32 @!p1 $0xFFFFF000;
	s9 =	sadd.s32 @!p1 $0x2980, s15  }
0xb8: {  	[spmem:s1] =	stream.indirect.scatter.add.f32 @!p1 [tilespmem:s18], [sflag:$0x11], $0x20, s9, s16, $0xb8;
	[tilespmem:$0x1EC60] =	vst v63  }
0xb9: {  	_ =	swait.ge @!p1 [sflag:s14], $0x1000  }
0xba: {  	[sflag:s14] =	ssyncset.done @!p1 $0x0  }
0xbb: {  	s9 =	sadd.s32 @!p1 $0x980, s15;
	[sflag:s14] =	ssyncadd.s32 @!p1 $0xFFFFF000  }
0xbc: {  	[tilespmem:s18], [sflag:$0x4] =	stream.indirect.gather @!p1 [spmem:s2], $0x20, s9, s16, $0xb8;
	[tilespmem:$0x1EC60] =	vst v63  }
0xbd: {  	_ =	swait.ge [sflag:s22], $0x1000  }
0xbe: {  	[sflag:s22] =	ssyncset.done $0x0  }
0xbf: {  	s18 =	sadd.s32 $0x2A00, s13;
	[sflag:s22] =	ssyncadd.s32 $0xFFFFF000  }
0xc0: {  	[spmem:s1] =	stream.indirect.scatter.add.f32 [tilespmem:s28], [sflag:$0x11], $0x20, s18, s17, $0xb8;
	[tilespmem:$0x1EC60] =	vst v63  }
0xc1: {  	_ =	swait.ge [sflag:s10], $0x1000  }
0xc2: {  	[sflag:s10] =	ssyncset.done $0x0  }
0xc3: {  	s9 =	simm.s32 @p1 $0x6;
	[sflag:s10] =	ssyncadd.s32 $0xFFFFF000  }
0xc4: {  	_ =	swait.ge @p1 [sflag:s9], $0x1000  }
0xc5: {  	[sflag:s9] =	ssyncset.done @p1 $0x0  }
0xc6: {  	s18 =	simm.s32 @p1 $0xA000;
	[sflag:s9] =	ssyncadd.s32 @p1 $0xFFFFF000;
	s9 =	sadd.s32 @p1 $0x2A80, s23  }
0xc7: {  	[spmem:s1] =	stream.indirect.scatter.add.f32 @p1 [tilespmem:s18], [sflag:$0x11], $0x20, s9, s25, $0xb8;
	[tilespmem:$0x1EC60] =	vst v63  }
0xc8: {  	_ =	swait.ge @p1 [sflag:s4], $0x1000  }
0xc9: {  	[sflag:s4] =	ssyncset.done @p1 $0x0  }
0xca: {  	s9 =	sadd.s32 @!p1 $0xA00, s15;
	s18 =	simm.s32 @!p1 $0x9000;
	[sflag:s4] =	ssyncadd.s32 @p1 $0xFFFFF000  }
0xcb: {  	[tilespmem:s18], [sflag:$0x5] =	stream.indirect.gather @!p1 [spmem:s2], $0x20, s9, s16, $0xb8;
	[tilespmem:$0x1EC60] =	vst v63  }
0xcc: {  	s9 =	simm.s32 @!p1 $0x6  }
0xcd: {  	_ =	swait.ge @!p1 [sflag:s9], $0x1000  }
0xce: {  	[sflag:s9] =	ssyncset.done @!p1 $0x0  }
0xcf: {  	s18 =	simm.s32 @!p1 $0xA000;
	[sflag:s9] =	ssyncadd.s32 @!p1 $0xFFFFF000;
	s9 =	sadd.s32 @!p1 $0x2A80, s15  }
0xd0: {  	[spmem:s1] =	stream.indirect.scatter.add.f32 @!p1 [tilespmem:s18], [sflag:$0x11], $0x20, s9, s16, $0xb8;
	[tilespmem:$0x1EC60] =	vst v63  }
0xd1: {  	_ =	swait.ge @!p1 [sflag:s14], $0x1000  }
0xd2: {  	[sflag:s14] =	ssyncset.done @!p1 $0x0  }
0xd3: {  	s9 =	sadd.s32 @!p1 $0xA80, s15;
	[sflag:s14] =	ssyncadd.s32 @!p1 $0xFFFFF000  }
0xd4: {  	[tilespmem:s18], [sflag:$0x6] =	stream.indirect.gather @!p1 [spmem:s2], $0x20, s9, s16, $0xb8;
	[tilespmem:$0x1EC60] =	vst v63  }
0xd5: {  	_ =	swait.ge [sflag:s24], $0x1000  }
0xd6: {  	[sflag:s24] =	ssyncset.done $0x0  }
0xd7: {  	s18 =	sadd.s32 $0x2B00, s13;
	[sflag:s24] =	ssyncadd.s32 $0xFFFFF000  }
0xd8: {  	[spmem:s1] =	stream.indirect.scatter.add.f32 [tilespmem:s0], [sflag:$0x11], $0x20, s18, s17, $0xb8;
	[tilespmem:$0x1EC60] =	vst v63  }
0xd9: {  	_ =	swait.ge [sflag:s10], $0x1000  }
0xda: {  	[sflag:s10] =	ssyncset.done $0x0  }
0xdb: {  	s9 =	simm.s32 @p1 $0x8;
	[sflag:s10] =	ssyncadd.s32 $0xFFFFF000  }
0xdc: {  	_ =	swait.ge @p1 [sflag:s9], $0x1000  }
0xdd: {  	[sflag:s9] =	ssyncset.done @p1 $0x0  }
0xde: {  	s18 =	simm.s32 @p1 $0xC000;
	[sflag:s9] =	ssyncadd.s32 @p1 $0xFFFFF000;
	s9 =	sadd.s32 @p1 $0x2B80, s23  }
0xdf: {  	[spmem:s1] =	stream.indirect.scatter.add.f32 @p1 [tilespmem:s18], [sflag:$0x11], $0x20, s9, s25, $0xb8;
	[tilespmem:$0x1EC60] =	vst v63  }
0xe0: {  	_ =	swait.ge @p1 [sflag:s4], $0x1000  }
0xe1: {  	[sflag:s4] =	ssyncset.done @p1 $0x0  }
0xe2: {  	s9 =	sadd.s32 @!p1 $0xB00, s15;
	s18 =	simm.s32 @!p1 $0xB000;
	[sflag:s4] =	ssyncadd.s32 @p1 $0xFFFFF000  }
0xe3: {  	[tilespmem:s18], [sflag:$0x7] =	stream.indirect.gather @!p1 [spmem:s2], $0x20, s9, s16, $0xb8;
	[tilespmem:$0x1EC60] =	vst v63  }
0xe4: {  	s9 =	simm.s32 @!p1 $0x8  }
0xe5: {  	_ =	swait.ge @!p1 [sflag:s9], $0x1000  }
0xe6: {  	[sflag:s9] =	ssyncset.done @!p1 $0x0  }
0xe7: {  	s18 =	simm.s32 @!p1 $0xC000;
	[sflag:s9] =	ssyncadd.s32 @!p1 $0xFFFFF000;
	s9 =	sadd.s32 @!p1 $0x2B80, s15  }
0xe8: {  	[spmem:s1] =	stream.indirect.scatter.add.f32 @!p1 [tilespmem:s18], [sflag:$0x11], $0x20, s9, s16, $0xb8;
	[tilespmem:$0x1EC60] =	vst v63  }
0xe9: {  	_ =	swait.ge @!p1 [sflag:s14], $0x1000  }
0xea: {  	[sflag:s14] =	ssyncset.done @!p1 $0x0  }
0xeb: {  	s9 =	sadd.s32 @!p1 $0xB80, s15;
	[sflag:s14] =	ssyncadd.s32 @!p1 $0xFFFFF000  }
0xec: {  	[tilespmem:s18], [sflag:$0x8] =	stream.indirect.gather @!p1 [spmem:s2], $0x20, s9, s16, $0xb8;
	[tilespmem:$0x1EC60] =	vst v63  }
0xed: {  	_ =	swait.ge [sflag:s30], $0x1000  }
0xee: {  	[sflag:s30] =	ssyncset.done $0x0  }
0xef: {  	s18 =	sadd.s32 $0x2C00, s13;
	[sflag:s30] =	ssyncadd.s32 $0xFFFFF000  }
0xf0: {  	[spmem:s1] =	stream.indirect.scatter.add.f32 [tilespmem:s20], [sflag:$0x11], $0x20, s18, s17, $0xb8;
	[tilespmem:$0x1EC60] =	vst v63  }
0xf1: {  	_ =	swait.ge [sflag:s10], $0x1000  }
0xf2: {  	[sflag:s10] =	ssyncset.done $0x0  }
0xf3: {  	s9 =	simm.s32 @p1 $0xA;
	[sflag:s10] =	ssyncadd.s32 $0xFFFFF000  }
0xf4: {  	_ =	swait.ge @p1 [sflag:s9], $0x1000  }
0xf5: {  	[sflag:s9] =	ssyncset.done @p1 $0x0  }
0xf6: {  	s18 =	simm.s32 @p1 $0xE000;
	[sflag:s9] =	ssyncadd.s32 @p1 $0xFFFFF000;
	s9 =	sadd.s32 @p1 $0x2C80, s23  }
0xf7: {  	[spmem:s1] =	stream.indirect.scatter.add.f32 @p1 [tilespmem:s18], [sflag:$0x11], $0x20, s9, s25, $0xb8;
	[tilespmem:$0x1EC60] =	vst v63  }
0xf8: {  	_ =	swait.ge @p1 [sflag:s4], $0x1000  }
0xf9: {  	[sflag:s4] =	ssyncset.done @p1 $0x0  }
0xfa: {  	s9 =	sadd.s32 @!p1 $0xC00, s15;
	s18 =	simm.s32 @!p1 $0xD000;
	[sflag:s4] =	ssyncadd.s32 @p1 $0xFFFFF000  }
0xfb: {  	[tilespmem:s18], [sflag:$0x9] =	stream.indirect.gather @!p1 [spmem:s2], $0x20, s9, s16, $0xb8;
	[tilespmem:$0x1EC60] =	vst v63  }
0xfc: {  	s9 =	simm.s32 @!p1 $0xA  }
0xfd: {  	_ =	swait.ge @!p1 [sflag:s9], $0x1000  }
0xfe: {  	[sflag:s9] =	ssyncset.done @!p1 $0x0  }
0xff: {  	s18 =	simm.s32 @!p1 $0xE000;
	[sflag:s9] =	ssyncadd.s32 @!p1 $0xFFFFF000;
	s9 =	sadd.s32 @!p1 $0x2C80, s15  }
0x100: {  	[spmem:s1] =	stream.indirect.scatter.add.f32 @!p1 [tilespmem:s18], [sflag:$0x11], $0x20, s9, s16, $0xb8;
	[tilespmem:$0x1EC60] =	vst v63  }
0x101: {  	_ =	swait.ge @!p1 [sflag:s14], $0x1000  }
0x102: {  	[sflag:s14] =	ssyncset.done @!p1 $0x0  }
0x103: {  	s9 =	sadd.s32 @!p1 $0xC80, s15;
	[sflag:s14] =	ssyncadd.s32 @!p1 $0xFFFFF000  }
0x104: {  	[tilespmem:s18], [sflag:$0xA] =	stream.indirect.gather @!p1 [spmem:s2], $0x20, s9, s16, $0xb8;
	[tilespmem:$0x1EC60] =	vst v63  }
0x105: {  	_ =	swait.ge [sflag:s5], $0x1000  }
0x106: {  	[sflag:s5] =	ssyncset.done $0x0  }
0x107: {  	s18 =	sadd.s32 $0x2D00, s13;
	[sflag:s5] =	ssyncadd.s32 $0xFFFFF000  }
0x108: {  	[spmem:s1] =	stream.indirect.scatter.add.f32 [tilespmem:s29], [sflag:$0x11], $0x20, s18, s17, $0xb8;
	[tilespmem:$0x1EC60] =	vst v63  }
0x109: {  	_ =	swait.ge [sflag:s10], $0x1000  }
0x10a: {  	[sflag:s10] =	ssyncset.done $0x0  }
0x10b: {  	s9 =	simm.s32 @p1 $0xC;
	[sflag:s10] =	ssyncadd.s32 $0xFFFFF000  }
0x10c: {  	_ =	swait.ge @p1 [sflag:s9], $0x1000  }
0x10d: {  	[sflag:s9] =	ssyncset.done @p1 $0x0  }
0x10e: {  	s18 =	simm.s32 @p1 $0x10000;
	[sflag:s9] =	ssyncadd.s32 @p1 $0xFFFFF000;
	s9 =	sadd.s32 @p1 $0x2D80, s23  }
0x10f: {  	[spmem:s1] =	stream.indirect.scatter.add.f32 @p1 [tilespmem:s18], [sflag:$0x11], $0x20, s9, s25, $0xb8;
	[tilespmem:$0x1EC60] =	vst v63  }
0x110: {  	_ =	swait.ge @p1 [sflag:s4], $0x1000  }
0x111: {  	[sflag:s4] =	ssyncset.done @p1 $0x0  }
0x112: {  	s9 =	sadd.s32 @!p1 $0xD00, s15;
	s18 =	simm.s32 @!p1 $0xF000;
	[sflag:s4] =	ssyncadd.s32 @p1 $0xFFFFF000  }
0x113: {  	[tilespmem:s18], [sflag:$0xB] =	stream.indirect.gather @!p1 [spmem:s2], $0x20, s9, s16, $0xb8;
	[tilespmem:$0x1EC60] =	vst v63  }
0x114: {  	s9 =	simm.s32 @!p1 $0xC  }
0x115: {  	_ =	swait.ge @!p1 [sflag:s9], $0x1000  }
0x116: {  	[sflag:s9] =	ssyncset.done @!p1 $0x0  }
0x117: {  	s18 =	simm.s32 @!p1 $0x10000;
	[sflag:s9] =	ssyncadd.s32 @!p1 $0xFFFFF000;
	s9 =	sadd.s32 @!p1 $0x2D80, s15  }
0x118: {  	[spmem:s1] =	stream.indirect.scatter.add.f32 @!p1 [tilespmem:s18], [sflag:$0x11], $0x20, s9, s16, $0xb8;
	[tilespmem:$0x1EC60] =	vst v63  }
0x119: {  	_ =	swait.ge @!p1 [sflag:s14], $0x1000  }
0x11a: {  	[sflag:s14] =	ssyncset.done @!p1 $0x0  }
0x11b: {  	s9 =	sadd.s32 @!p1 $0xD80, s15;
	[sflag:s14] =	ssyncadd.s32 @!p1 $0xFFFFF000  }
0x11c: {  	[tilespmem:s18], [sflag:$0xC] =	stream.indirect.gather @!p1 [spmem:s2], $0x20, s9, s16, $0xb8;
	[tilespmem:$0x1EC60] =	vst v63  }
0x11d: {  	_ =	swait.ge [sflag:s6], $0x1000  }
0x11e: {  	[sflag:s6] =	ssyncset.done $0x0  }
0x11f: {  	s18 =	sadd.s32 $0x2E00, s13;
	[sflag:s6] =	ssyncadd.s32 $0xFFFFF000  }
0x120: {  	[spmem:s1] =	stream.indirect.scatter.add.f32 [tilespmem:s12], [sflag:$0x11], $0x20, s18, s17, $0xb8;
	[tilespmem:$0x1EC60] =	vst v63  }
0x121: {  	_ =	swait.ge [sflag:s10], $0x1000  }
0x122: {  	[sflag:s10] =	ssyncset.done $0x0  }
0x123: {  	s9 =	simm.s32 @p1 $0xE;
	[sflag:s10] =	ssyncadd.s32 $0xFFFFF000  }
0x124: {  	_ =	swait.ge @p1 [sflag:s9], $0x1000  }
0x125: {  	[sflag:s9] =	ssyncset.done @p1 $0x0  }
0x126: {  	s18 =	simm.s32 @p1 $0x12000;
	[sflag:s9] =	ssyncadd.s32 @p1 $0xFFFFF000;
	s9 =	sadd.s32 @p1 $0x2E80, s23  }
0x127: {  	[spmem:s1] =	stream.indirect.scatter.add.f32 @p1 [tilespmem:s18], [sflag:$0x11], $0x20, s9, s25, $0xb8;
	[tilespmem:$0x1EC60] =	vst v63  }
0x128: {  	_ =	swait.ge @p1 [sflag:s4], $0x1000  }
0x129: {  	[sflag:s4] =	ssyncset.done @p1 $0x0  }
0x12a: {  	s9 =	simm.s32 @!p1 $0x11000;
	[sflag:s4] =	ssyncadd.s32 @p1 $0xFFFFF000;
	s4 =	sadd.s32 @!p1 $0xE00, s15  }
0x12b: {  	[tilespmem:s9], [sflag:$0xD] =	stream.indirect.gather @!p1 [spmem:s2], $0x20, s4, s16, $0xb8;
	[tilespmem:$0x1EC60] =	vst v63  }
0x12c: {  	s4 =	simm.s32 @!p1 $0xE  }
0x12d: {  	_ =	swait.ge @!p1 [sflag:s4], $0x1000  }
0x12e: {  	[sflag:s4] =	ssyncset.done @!p1 $0x0  }
0x12f: {  	s9 =	simm.s32 @!p1 $0x12000;
	[sflag:s4] =	ssyncadd.s32 @!p1 $0xFFFFF000;
	s4 =	sadd.s32 @!p1 $0x2E80, s15  }
0x130: {  	[spmem:s1] =	stream.indirect.scatter.add.f32 @!p1 [tilespmem:s9], [sflag:$0x11], $0x20, s4, s16, $0xb8;
	[tilespmem:$0x1EC60] =	vst v63  }
0x131: {  	_ =	swait.ge @!p1 [sflag:s14], $0x1000  }
0x132: {  	[sflag:s14] =	ssyncset.done @!p1 $0x0  }
0x133: {  	s4 =	sadd.s32 @!p1 $0xE80, s15;
	[sflag:s14] =	ssyncadd.s32 @!p1 $0xFFFFF000  }
0x134: {  	[tilespmem:s9], [sflag:$0xE] =	stream.indirect.gather @!p1 [spmem:s2], $0x20, s4, s16, $0xb8;
	[tilespmem:$0x1EC60] =	vst v63  }
0x135: {  	_ =	swait.ge [sflag:s7], $0x1000  }
0x136: {  	[sflag:s7] =	ssyncset.done $0x0  }
.Ltmp2:
0x137: {  	s25 =	sadd.s32 $0x2F00, s13;
	[sflag:s7] =	ssyncadd.s32 $0xFFFFF000;
	(pc) =	sbr.rel @p1 .LBB2_4-.Ltmp2, $4  }
0x138: {  	[spmem:s1] =	stream.indirect.scatter.add.f32 [tilespmem:s26], [sflag:$0x11], $0x20, s25, s17, $0xb8;
	[tilespmem:$0x1EC60] =	vst v63  }
0x139: {  	_ =	swait.ge [sflag:s10], $0x1000  }
0x13a: {  	[sflag:s10] =	ssyncset.done $0x0  }
0x13b: {  	s4 =	sadd.s32 $0x2F80, s13;
	[sflag:s10] =	ssyncadd.s32 $0xFFFFF000  }
0x13c: {  	s9 =	sadd.s32 $0xF00, s13  }
0x13d: {  	[tilespmem:s26], [sflag:$0xF] =	stream.indirect.gather [spmem:s2], $0x20, s9, s17, $0xb8;
	[tilespmem:$0x1EC60] =	vst v63  }
0x13e: {  	_ =	swait.ge [sflag:s8], $0x1000  }
0x13f: {  	[sflag:s8] =	ssyncset.done $0x0  }
0x140: {  	[sflag:s8] =	ssyncadd.s32 $0xFFFFF000  }
0x141: {  	[spmem:s1] =	stream.indirect.scatter.add.f32 [tilespmem:s31], [sflag:$0x11], $0x20, s4, s17, $0xb8;
	[tilespmem:$0x1EC60] =	vst v63  }
.Ltmp3:
0x142: {  	_ = 	snop;
	(pc) =	sbr.rel .LBB2_2-.Ltmp3, $4  }
0x143: {  	_ =	swait.ge [sflag:s10], $0x1000  }
0x144: {  	[sflag:s10] =	ssyncset.done $0x0  }
0x145: {  	s25 =	sadd.s32 $0xF80, s13;
	s11 =	sadd.s32 $0x2000, s11;
	[sflag:s10] =	ssyncadd.s32 $0xFFFFF000  }
0x146: {  	[tilespmem:s31], [sflag:$0x10] =	stream.indirect.gather [spmem:s2], $0x20, s25, s17, $0xb8;
	[tilespmem:$0x1EC60] =	vst v63  }
.LBB2_5:
0x147: {  	_ =	sfence.sel $0x180000  }
0x148: {  	[bflag:$0x0] =	sbarrier.arrive $0xFFFF  }
0x149: {  	_ =	strace $0x9000004A  }
0x14a: {  	s0 =	stileid.u32;
	[bflag:$0x2] =	sbarrier.arrive $0xFFFF  }
0x14b: {  	p0 =	sne.s32 s0, $0x0;
	s0 =	rddreg [dreg:$0x5]  }
0x14c: {  	s0 =	sadd.s32 @!p0 $0x100000, s0  }
0x14d: {  	[sflag:s0] =	ssyncadd.tile.s32 @!p0 $0x1;
	_ =	shalt  }
.Lfunc_end2:
_tile_overlayer_lowered:
.L_overlay_start_2:
0x14e: {  	(tag) =	ssettag $0x2  }
0x14f: {  	s0 =	rddreg [dreg:$0x0];
	s2 =	stileid.u32  }
0x150: {  	s1 =	rddreg [dreg:$0x1];
	p0 =	sne.s32 s2, $0x0  }
0x151: {  	s3 =	rddreg [dreg:$0x2];
	[bflag:$0x3] =	sbarrier.arrive $0xFFFF;
	s2 =	simm.s32 @!p0 $0x1C11  }
0x152: {  	[timem:s3], [sflag:s2] =	dma.local @!p0 [hbm:s0], s1  }
0x153: {  	s0 =	simm.s32 @!p0 $0x11  }
0x154: {  	_ =	swait.ge @!p0 [sflag:s0], s1  }
0x155: {  	s1 =	ssub.s32 @!p0 $0x0, s1;
	[sflag:s0] =	ssyncset.done @!p0 $0x0  }
0x156: {  	[sflag:s0] =	ssyncadd.s32 @!p0 s1  }
0x157: {  	[bflag:$0x3] =	sbarrier.arrive $0xFFFF  }
0x158: {  	_ =	shalt  }

// kernel: kernel.7.cloned.1.call-start
scs
__scs_entry_jumppad:
0x0: {  	(pc) =	sbr.rel $0x88, $3  }
0x1: {  	(tag) =	ssettag $0x0;
	lr =	simm.s32 $0x1  }
0x2: {  	[smem:$0x3F95] =	sst lr;
	_ =	strace $0xD0000000  }
0x3: {  	_ = 	snop  }
0x4: {  	_ = 	snop  }
0x5: {  	_ = 	snop  }
0x6: {  	_ = 	snop  }
0x7: {  	_ = 	snop  }
__scs_overlays_trampoline_lowered:
0x8: {  	[smem:$0x3FA4] =	sst s0  }
0x9: {  	[smem:$0x3FA5] =	sst s1  }
0xa: {  	[smem:$0x3FA6] =	sst s2  }
0xb: {  	[smem:$0x3FA7] =	sst s3  }
0xc: {  	[smem:$0x3FA8] =	sst s4  }
0xd: {  	[smem:$0x3FA9] =	sst s5  }
0xe: {  	[smem:$0x3FAA] =	sst s6  }
0xf: {  	[smem:$0x3FAB] =	sst s7  }
0x10: {  	[smem:$0x3FAC] =	sst s8  }
0x11: {  	[smem:$0x3FAD] =	sst s9;
	s0 =	simm.s32 @!p0 $0x0  }
0x12: {  	s1 =	sld [smem:$0x3F93];
	s0 =	simm.s32 @p0 $0x1  }
0x13: {  	[smem:$0x3FAE] =	sst s0;
	s0 =	simm.s32 @!p1 $0x0  }
0x14: {  	s2 =	sld [smem:$0x3F92];
	s0 =	simm.s32 @p1 $0x1  }
0x15: {  	[smem:$0x3FAF] =	sst s0;
	s0 =	simm.s32 @!p2 $0x0  }
0x16: {  	s3 =	sld [smem:$0x3FDB];
	s0 =	simm.s32 @p2 $0x1  }
0x17: {  	s4 =	simm.s32 $0x1BF5;
	[smem:$0x3FB1] =	sst s0  }
0x18: {  	s0 =	sld [smem:$0x3F94];
	_ =	swait.ge [sflag:s4], $0x0  }
0x19: {  	s7 =	sld [smem:$0x3F95]  }
0x1a: {  	s8 =	sadd.s32 $0xFFFFE003, lr  }
0x1b: {  	s9 =	sadd.s32 $0xFFFFFEF7, lr;
	s5 =	simm.s32 $0xFFFFFFFF;
	p2 =	slt.u32 s8, $0xFFFFF086  }
0x1c: {  	p1 =	slt.u32 s9, $0xF7A;
	s5 =	simm.s32 @!p2 $0x0  }
0x1d: {  	s5 =	simm.s32 @p1 $0x1;
	p0 =	seq.s32 s7, s2  }
0x1e: {  	s7 =	smul.u32 @!p0 $0xF7A, s2;
	p2 =	seq.s32 @!p0 s5, $0x0  }
0x1f: {  	s9 =	smul.u32 $0xF7A, s1;
	s8 =	simm.s32 @!p0 $0x1BF5;
	p2 =	por !p2, p0  }
0x20: {  	[sflag:s8] =	ssyncset.s32 @!p0 $0xFFFFF086;
	s6 =	sadd.s32 @!p0 s3, s7;
	s7 =	simm.s32 @!p0 $0x108  }
0x21: {  	s3 =	sadd.s32 s3, s9;
	s6 =	sadd.s32 @!p0 $0x88, s6;
	s7 =	simm.s32 @p2 $0x1082  }
0x22: {  	[simem:s7], [sflag:s8] =	dma.local @!p0 [hbm:s6], $0xF7A  }
0x23: {  	s9 =	sor.u32 $0xD0000000, s2;
	s6 =	simm.s32 $0x108;
	_ =	swait.ge @!p0 [sflag:s8], $0x0  }
0x24: {  	s3 =	sadd.s32 $0x88, s3;
	s6 =	simm.s32 @!p1 $0x1082;
	[sflag:s4] =	ssyncset.s32 $0xFFFFF086  }
0x25: {  	[simem:s6], [sflag:s4] =	dma.local [hbm:s3], $0xF7A  }
0x26: {  	[smem:$0x3F95] =	sst s1;
	(tag) =	ssettag s2;
	_ =	strace s9  }
0x27: {  	s1 =	sld [smem:$0x3FA5]  }
0x28: {  	s2 =	sld [smem:$0x3FA6]  }
0x29: {  	s4 =	sld [smem:$0x3FA8]  }
0x2a: {  	p0 =	seq.s32 s5, $0x0;
	s5 =	sld [smem:$0x3FA9]  }
0x2b: {  	s6 =	sld [smem:$0x3FAA]  }
0x2c: {  	s7 =	sld [smem:$0x3FAB]  }
0x2d: {  	s3 =	simm.s32 $0x108;
	s8 =	sld [smem:$0x3FAC]  }
0x2e: {  	s3 =	simm.s32 @!p0 $0x1082;
	s9 =	sld [smem:$0x3FAD]  }
0x2f: {  	lr =	sadd.s32 s0, s3;
	s0 =	sld [smem:$0x3FA4]  }
0x30: {  	s3 =	sld [smem:$0x3FA7]  }
0x31: {  	[smem:$0x3FB0] =	sst s10  }
0x32: {  	s10 =	sld [smem:$0x3FAE];
	_ =	sdelay $0x3  }
0x33: {  	p0 =	seq.s32 s10, $0x1;
	s10 =	sld [smem:$0x3FB0];
	_ =	sdelay $0x3  }
0x34: {  	[smem:$0x3FB0] =	sst s10  }
0x35: {  	s10 =	sld [smem:$0x3FAF];
	_ =	sdelay $0x3  }
0x36: {  	p1 =	seq.s32 s10, $0x1;
	s10 =	sld [smem:$0x3FB0];
	_ =	sdelay $0x3  }
0x37: {  	[smem:$0x3FB0] =	sst s10  }
0x38: {  	s10 =	sld [smem:$0x3FB1]  }
0x39: {  	_ = 	snop;
	(pc) =	sbr.ind lr, $3  }
0x3a: {  	_ = 	snop  }
0x3b: {  	_ = 	snop  }
0x3c: {  	p2 =	seq.s32 s10, $0x1;
	s10 =	sld [smem:$0x3FB0]  }
0x3d: {  	_ =	shalt  }
0x3e: {  	_ =	shalt  }
0x3f: {  	_ =	shalt  }
0x40: {  	_ =	shalt  }
0x41: {  	_ =	shalt  }
0x42: {  	_ =	shalt  }
0x43: {  	_ =	shalt  }
0x44: {  	_ =	shalt  }
0x45: {  	_ =	shalt  }
0x46: {  	_ =	shalt  }
0x47: {  	_ =	shalt  }
0x48: {  	_ =	shalt  }
0x49: {  	_ =	shalt  }
0x4a: {  	_ =	shalt  }
0x4b: {  	_ =	shalt  }
0x4c: {  	_ =	shalt  }
0x4d: {  	_ =	shalt  }
0x4e: {  	_ =	shalt  }
0x4f: {  	_ =	shalt  }
0x50: {  	_ =	shalt  }
0x51: {  	_ =	shalt  }
0x52: {  	_ =	shalt  }
0x53: {  	_ =	shalt  }
0x54: {  	_ =	shalt  }
0x55: {  	_ =	shalt  }
0x56: {  	_ =	shalt  }
0x57: {  	_ =	shalt  }
0x58: {  	_ =	shalt  }
0x59: {  	_ =	shalt  }
0x5a: {  	_ =	shalt  }
0x5b: {  	_ =	shalt  }
0x5c: {  	_ =	shalt  }
0x5d: {  	_ =	shalt  }
0x5e: {  	_ =	shalt  }
0x5f: {  	_ =	shalt  }
0x60: {  	_ =	shalt  }
0x61: {  	_ =	shalt  }
0x62: {  	_ =	shalt  }
0x63: {  	_ =	shalt  }
0x64: {  	_ =	shalt  }
0x65: {  	_ =	shalt  }
0x66: {  	_ =	shalt  }
0x67: {  	_ =	shalt  }
0x68: {  	_ =	shalt  }
0x69: {  	_ =	shalt  }
0x6a: {  	_ =	shalt  }
0x6b: {  	_ =	shalt  }
0x6c: {  	_ =	shalt  }
0x6d: {  	_ =	shalt  }
0x6e: {  	_ =	shalt  }
0x6f: {  	_ =	shalt  }
0x70: {  	_ =	shalt  }
0x71: {  	_ =	shalt  }
0x72: {  	_ =	shalt  }
0x73: {  	_ =	shalt  }
0x74: {  	_ =	shalt  }
0x75: {  	_ =	shalt  }
0x76: {  	_ =	shalt  }
0x77: {  	_ =	shalt  }
0x78: {  	_ =	shalt  }
0x79: {  	_ =	shalt  }
0x7a: {  	_ =	shalt  }
0x7b: {  	_ =	shalt  }
0x7c: {  	_ =	shalt  }
0x7d: {  	_ =	shalt  }
0x7e: {  	_ =	shalt  }
0x7f: {  	_ =	shalt  }
0x80: {  	_ =	shalt  }
0x81: {  	_ =	shalt  }
0x82: {  	_ =	shalt  }
0x83: {  	_ =	shalt  }
0x84: {  	_ =	shalt  }
0x85: {  	_ =	shalt  }
0x86: {  	_ =	shalt  }
0x87: {  	_ =	shalt  }
.Lfunc_end0:
.L_simem_size_0:
called_computation_lowered:
.L_overlay_start_0:
0x88: {  	s2 =	sld [smem:$0x3FD9]  }
0x89: {  	s3 =	sld [smem:$0x3FFE];
	_ =	sdelay $0x1  }
0x8a: {  	s1 =	srdreg.scid  }
0x8b: {  	s0 =	sand.u32 $0x1, s1  }
0x8c: {  	s14 =	sshll.u32 s0, $0xA;
	s2 =	sadd.s32 s3, s2  }
0x8d: {  	s2 =	sadd.s32 s2, s14  }
0x8e: {  	[smem:$0x3FBC] =	sst s2  }
0x8f: {  	_ = 	snop  }
0x90: {  	s2 =	sld [smem:$0x3FD0];
	_ =	sdelay $0x2  }
0x91: {  	s15 =	simm.s32 $0xA;
	s4 =	simm.s32 $0x10  }
0x92: {  	[smem:s4], [sflag:s15] =	dma.local [hbm:s2], $0x1  }
0x93: {  	_ =	swait.eq [sflag:s15], $0x1  }
0x94: {  	[sflag:s15] =	ssyncset.done $0x0  }
0x95: {  	s16 =	sld [smem:$0x10];
	[sflag:s15] =	ssyncadd.s32 $0xFFFFFFFF  }
0x96: {  	s17 =	sld [smem:$0x11];
	(tm) =	ssettm $0x1  }
0x97: {  	s18 =	sld [smem:$0x3FFB];
	_ =	sdelay $0x3  }
0x98: {  	_ =	strace s18  }
0x99: {  	s4 =	sld [smem:$0x3FFC];
	_ =	sdelay $0x3  }
0x9a: {  	_ =	strace s4  }
0x9b: {  	s4 =	sld [smem:$0x3FFD];
	_ =	sdelay $0x3  }
0x9c: {  	_ =	strace s4  }
0x9d: {  	_ =	strace $0x8FFFFFFF  }
0x9e: {  	s19 =	sld [smem:$0x3FDB];
	_ =	sdelay $0x1  }
0x9f: {  	s5 =	simm.s32 $_scs_section_size  }
0xa0: {  	s6 =	simm.s32 $_size__tile_overlayer_lowered;
	s7 =	simm.s32 $_tile_overlayer_lowered  }
0xa1: {  	s22 =	simm.s32 $0x1BFF;
	s21 =	sshll.u32 s7, $0x1;
	s4 =	sadd.s32 s5, s19  }
0xa2: {  	s8 =	simm.s32 $0x0;
	s20 =	sshll.u32 s6, $0x1;
	s6 =	sadd.s32 s21, s4  }
0xa3: {  	[timem:s8], [sflag:s22] =	dma.local [hbm:s6], s20  }
0xa4: {  	_ =	swait.ge [sflag:s22], s20  }
0xa5: {  	s5 =	ssub.s32 $0x0, s20;
	[sflag:s22] =	ssyncset.done $0x0  }
0xa6: {  	[sflag:s22] =	ssyncadd.s32 s5;
	_ =	sdelay $0x1  }
0xa7: {  	s23 =	simm.s32 $0x1B8B  }
0xa8: {  	_ =	swait.ge [sflag:s23], $0x1  }
0xa9: {  	[sflag:s23] =	ssyncset.done $0x0  }
0xaa: {  	s25 =	simm.s32 $0x1B8E;
	s24 =	sld [smem:$0x3FFE];
	[sflag:s23] =	ssyncadd.s32 $0xFFFFFFFF  }
0xab: {  	s26 =	simm.s32 $execute0_lowered;
	[smem:$0x3FD2] =	sst s25  }
0xac: {  	s6 =	sshll.u32 s26, $0x1;
	_ =	strace $0x80000046;
	[dreg:$0x1] =	wrdreg $0xFFFFFFFF  }
0xad: {  	s28 =	simm.s32 $_size_execute0_lowered;
	s4 =	sadd.s32 s4, s6;
	[dreg:$0x0] =	wrdreg $0x0  }
0xae: {  	s6 =	sshll.u32 s28, $0x1;
	[dreg:$0x2] =	wrdreg s4  }
0xaf: {  	[dreg:$0x3] =	wrdreg s6  }
0xb0: {  	[dreg:$0x4] =	wrdreg $0xC0  }
0xb1: {  	_ =	task [dreg:s8], $0x5FFFF  }
0xb2: {  	[dreg:$0x1] =	wrdreg $0xFFFFFFFF  }
0xb3: {  	[dreg:$0x0] =	wrdreg $0x60  }
0xb4: {  	[dreg:$0x2] =	wrdreg s16  }
0xb5: {  	[dreg:$0x3] =	wrdreg s17  }
0xb6: {  	[dreg:$0x4] =	wrdreg s24  }
0xb7: {  	[dreg:$0x5] =	wrdreg $0xD0800  }
0xb8: {  	[dreg:$0x6] =	wrdreg $0x121400  }
0xb9: {  	[dreg:$0x7] =	wrdreg $0x11EC00  }
0xba: {  	[dreg:$0x8] =	wrdreg $0x9  }
0xbb: {  	_ =	task.clear_ibuf [dreg:s8], $0x9FFFF;
	_ =	strace $0x90000046  }
0xbc: {  	s29 =	simm.s32 $0x9;
	_ =	strace $0x80000048  }
0xbd: {  	_ =	swait.ge [sflag:s29], $0x1  }
0xbe: {  	[sflag:s29] =	ssyncadd.s32 $0xFFFFFFFF  }
0xbf: {  	_ =	strace $0x90000048  }
0xc0: {  	_ =	sfence  }
0xc1: {  	s30 =	sld [smem:$0x0];
	_ =	sdelay $0x2  }
0xc2: {  	s31 =	sshll.u32 s1, $0xD;
	s1 =	sshrl.u32 s1, $0x2  }
0xc3: {  	s3 =	sand.u32 $0x4000, s31;
	s1 =	sadd.s32 s1, s30  }
0xc4: {  	s0 =	sor.u32 s3, s0;
	s1 =	sshll.u32 s1, $0x11  }
0xc5: {  	s0 =	sor.u32 s1, s0  }
0xc6: {  	s0 =	sadd.s32 $0x8F2B, s0  }
0xc7: {  	[sflag:s0] =	ssyncadd.remote.s32 $0x1  }
0xc8: {  	_ =	sfence.sel $0xFFFF  }
0xc9: {  	[dreg:$0x0] =	wrdreg $0xFFFFFFFF;
	(pc) =	sbr.abs _section_cstart, $3  }
0xca: {  	[dreg:$0x1] =	wrdreg $0xFFFFFFFF  }
0xcb: {  	_ =	task.clear_ibuf [dreg:s8], $0x2FFFF;
	_ =	strace $0x9FFFFFFF  }
0xcc: {  	(tm) =	ssettm $0x7FFFFFFF  }
0xcd: {  	_ =	shalt  }
tec
execute0_lowered:
.L_overlay_start_1:
0x0: {  	(tag) =	ssettag $0x1  }
0x1: {  	s0 =	rddreg [dreg:$0x0]  }
0x2: {  	s3 =	rddreg [dreg:$0x1]  }
0x3: {  	s6 =	rddreg [dreg:$0x2]  }
0x4: {  	s1 =	rddreg [dreg:$0x3]  }
0x5: {  	s2 =	rddreg [dreg:$0x4]  }
0x6: {  	s4 =	rddreg [dreg:$0x5];
	s5 =	simm.s32 $0x0;
	s26 =	stileid.u32  }
0x7: {  	s8 =	srdreg.scid;
	s28 =	simm.s32 $0x7000;
	s7 =	smul.u32 $0x4E40, s26  }
0x8: {  	s30 =	simm.s32 $0x8000;
	s29 =	simm.s32 $0xB000;
	s9 =	smul.u32 $0x280, s26  }
0x9: {  	s31 =	simm.s32 $0xD000;
	s8 =	sand.u32 $0x1, s8;
	s20 =	smul.u32 $0x4E20, s26  }
0xa: {  	[smem:$0x7FF] =	sst s5;
	s22 =	sadd.s32 $0x9C40, s3;
	s11 =	smul.u32 $0x9C40, s8  }
0xb: {  	_ =	strace $0x80000047;
	s12 =	sshll.u32 s8, $0x4;
	s14 =	smul.u32 $0x500, s8  }
0xc: {  	s8 =	ssub.s32 $0x2, s8;
	[dreg:$0x9] =	wrdreg s22;
	s22 =	simm.s32 $0x5000  }
0xd: {  	s10 =	sshrl.u32 s7, $0x3;
	s13 =	sshrl.u32 s9, $0x3;
	s12 =	sor.u32 s26, s12  }
0xe: {  	s18 =	sshrl.u32 s8, $0x1;
	s24 =	sadd.s32 s7, s1;
	s25 =	sshrl.u32 s20, $0x3  }
0xf: {  	s7 =	simm.s32 $0x2;
	s10 =	sadd.s32 s10, s6;
	s15 =	sadd.s32 s13, s6  }
0x10: {  	s16 =	smul.u32 $0x4E, s12;
	s11 =	sadd.s32 s11, s6;
	s17 =	smin.u32 s12, $0x4  }
0x11: {  	s6 =	sadd.s32 s14, s6;
	s14 =	ssub.s32 s8, s18;
	s8 =	sadd.s32 s20, s2  }
0x12: {  	s0 =	sadd.s32 s0, s25;
	p0 =	sgt.u32 s12, $0x3;
	s12 =	simm.s32 $0x5  }
0x13: {  	s26 =	sadd.s32 $0x2600, s10;
	[dreg:$0xd] =	wrdreg s0;
	s18 =	sadd.s32 $0xC400, s15  }
0x14: {  	s6 =	sadd.s32 $0xCA00, s6;
	s10 =	simm.s32 $0x3;
	s15 =	simm.s32 $0x0  }
0x15: {  	s16 =	sadd.s32 s17, s16;
	[dreg:$0xc] =	wrdreg s26;
	s17 =	sadd.s32 s9, s4  }
0x16: {  	[dreg:$0xf] =	wrdreg s18;
	s9 =	simm.s32 $0x8;
	s19 =	sshll.u32 s16, $0x4  }
0x17: {  	[dreg:$0xe] =	wrdreg s17;
	s16 =	simm.s32 $0x9;
	s17 =	simm.s32 $0xA000  }
0x18: {  	s21 =	sadd.s32 s3, s19;
	[dreg:$0x7] =	wrdreg s19;
	s23 =	sadd.s32 $0x4E0, s19  }
0x19: {  	s19 =	sadd.s32 $0xD400, s11;
	s11 =	simm.s32 $0x4;
	[dreg:$0x8] =	wrdreg s21  }
0x1a: {  	[dreg:$0xa] =	wrdreg s23;
	s3 =	sadd.s32 s3, s23;
	s21 =	sadd.s32 s20, s1  }
0x1b: {  	s23 =	smax.u32 s14, $0x1;
	s20 =	simm.s32 $0x80;
	[dreg:$0xb] =	wrdreg s3  }
0x1c: {  	s0 =	sadd.s32 s25, s19;
	s25 =	sadd.s32 s13, s6;
	[dreg:$0x10] =	wrdreg s23  }
.Ltmp0:
0x1d: {  	s13 =	simm.s32 $0x6;
	[dreg:$0x13] =	wrdreg s0;
	(pc) =	sbr.rel .LBB2_1-.Ltmp0, $4  }
0x1e: {  	s14 =	simm.s32 $0x7;
	s3 =	sshrl.u32 s24, $0x3;
	[dreg:$0x14] =	wrdreg s25  }
0x1f: {  	s24 =	sshrl.u32 s8, $0x3;
	s26 =	sshrl.u32 s21, $0x3;
	[dreg:$0x11] =	wrdreg s3  }
0x20: {  	s0 =	simm.s32 $0x9000;
	[dreg:$0x12] =	wrdreg s24;
	s24 =	simm.s32 $0x6000  }
0x21: {  	v0 =	vimm.s32 $0x0;
	v1 =	vimm.s32 $0x2710;
	v2 =	vimm.f32 $1.000000000e+00;
	[dreg:$0x15] =	wrdreg s26;
	s3 =	simm.s32 $0xC000;
	s26 =	simm.s32 $0x1  }
.LBB2_4:
0x22: {  	[bflag:$0x0] =	sbarrier.arrive $0xFFFF  }
0x23: {  	s5 =	rddreg [dreg:$0x13]  }
0x24: {  	s8 =	rddreg [dreg:$0x15]  }
0x25: {  	[hbm:s5], [sflag:s6] =	dma.local [spmem:s8], $0x9C4  }
0x26: {  	_ =	swait.ge [sflag:s16], $0x9C4  }
0x27: {  	[sflag:s16] =	ssyncset.done $0x0  }
0x28: {  	s23 =	rddreg [dreg:$0x14];
	[sflag:s16] =	ssyncadd.s32 $0xFFFFF63C  }
0x29: {  	[hbm:s23], [sflag:s6] =	dma.local [spmem:s18], $0x50  }
0x2a: {  	_ =	swait.ge [sflag:s16], $0x50  }
0x2b: {  	s15 =	sadd.s32 $0x1, s15;
	s25 =	rddreg [dreg:$0x10]  }
0x2c: {  	p1 =	sne.s32 s15, s25  }
.Ltmp1:
0x2d: {  	_ = 	snop;
	(pc) =	sbr.rel @!p1 .LBB2_5-.Ltmp1, $3  }
0x2e: {  	_ =	sdelay $0x1  }
0x2f: {  	[sflag:s16] =	ssyncset.done $0x0  }
0x30: {  	[sflag:s16] =	ssyncadd.s32 $0xFFFFFFB0  }
.LBB2_1:
0x31: {  	[tilespmem:$0x2700] =	vst v0  }
0x32: {  	[tilespmem:$0x4F00] =	vst v1  }
0x33: {  	[tilespmem:$0x2710] =	vst v0  }
0x34: {  	[tilespmem:$0x4F10] =	vst v1  }
0x35: {  	[tilespmem:$0x2720] =	vst v0  }
0x36: {  	[tilespmem:$0x4F20] =	vst v1  }
0x37: {  	[tilespmem:$0x2730] =	vst v0  }
0x38: {  	[tilespmem:$0x4F30] =	vst v1  }
0x39: {  	[tilespmem:$0x2740] =	vst v0  }
0x3a: {  	[tilespmem:$0x4F40] =	vst v1  }
0x3b: {  	[tilespmem:$0x2750] =	vst v0  }
0x3c: {  	[tilespmem:$0x4F50] =	vst v1  }
0x3d: {  	[tilespmem:$0x2760] =	vst v0  }
0x3e: {  	[tilespmem:$0x4F60] =	vst v1  }
0x3f: {  	[tilespmem:$0x2770] =	vst v0  }
0x40: {  	[tilespmem:$0x4F70] =	vst v1  }
0x41: {  	[tilespmem:$0x2780] =	vst v0  }
0x42: {  	[tilespmem:$0x4F80] =	vst v1  }
0x43: {  	[tilespmem:$0x2790] =	vst v0  }
0x44: {  	[tilespmem:$0x4F90] =	vst v1  }
0x45: {  	[tilespmem:$0x27A0] =	vst v0  }
0x46: {  	[tilespmem:$0x4FA0] =	vst v1  }
0x47: {  	[tilespmem:$0x27B0] =	vst v0  }
0x48: {  	[tilespmem:$0x4FB0] =	vst v1  }
0x49: {  	[tilespmem:$0x27C0] =	vst v0  }
0x4a: {  	[tilespmem:$0x4FC0] =	vst v1  }
0x4b: {  	[tilespmem:$0x27D0] =	vst v0  }
0x4c: {  	[tilespmem:$0x4FD0] =	vst v1  }
0x4d: {  	[tilespmem:$0x27E0] =	vst v0  }
0x4e: {  	[tilespmem:$0x4FE0] =	vst v1  }
0x4f: {  	[tilespmem:$0x27F0] =	vst v0  }
0x50: {  	[tilespmem:$0x4FF0] =	vst v1;
	s8 =	simm.s32 $0x0;
	s5 =	rddreg [dreg:$0x8]  }
0x51: {  	[tilespmem:s8], [sflag:$0x9] =	stream.linear.gather [hbm4b:s5+s8], $0x2700, $0x38;
	[tilespmem:$0x16F60] =	vst v63  }
0x52: {  	_ =	swait.ge [sflag:s16], $0x2700  }
0x53: {  	s6 =	rddreg [dreg:$0x7]  }
0x54: {  	[sflag:s16] =	ssyncset.done $0x0;
	s19 =	rddreg [dreg:$0x9]  }
0x55: {  	s18 =	simm.s32 $0x2800;
	[sflag:s16] =	ssyncadd.s32 $0xFFFFD900;
	s6 =	sadd.s32 s6, s19  }
0x56: {  	[tilespmem:s18], [sflag:$0x9] =	stream.linear.gather [hbm4b:s6+s8], $0x2700, $0x38;
	[tilespmem:$0x16F60] =	vst v63  }
0x57: {  	_ =	swait.ge [sflag:s16], $0x2700  }
0x58: {  	s6 =	simm.s32 @!p0 $0x0;
	[sflag:s16] =	ssyncset.done $0x0  }
0x59: {  	s18 =	simm.s32 @!p0 $0x2700;
	s5 =	rddreg [dreg:$0xb];
	[sflag:s16] =	ssyncadd.s32 $0xFFFFD900  }
0x5a: {  	[tilespmem:s18], [sflag:$0x9] =	stream.linear.gather @!p0 [hbm4b:s5+s6], $0x80, $0x38;
	[tilespmem:$0x16F60] =	vst v63  }
0x5b: {  	s18 =	simm.s32 @!p0 $0x9  }
0x5c: {  	_ =	swait.ge @!p0 [sflag:s18], $0x80  }
0x5d: {  	[sflag:s18] =	ssyncset.done @!p0 $0x0;
	s5 =	rddreg [dreg:$0xa]  }
0x5e: {  	s21 =	simm.s32 @!p0 $0x4F00;
	[sflag:s18] =	ssyncadd.s32 @!p0 $0xFFFFFF80;
	s19 =	sadd.s32 @!p0 s5, s19  }
0x5f: {  	[tilespmem:s21], [sflag:$0x9] =	stream.linear.gather @!p0 [hbm4b:s19+s6], $0x80, $0x38;
	[tilespmem:$0x16F60] =	vst v63  }
0x60: {  	_ =	swait.ge @!p0 [sflag:s18], $0x80  }
0x61: {  	[sflag:s18] =	ssyncset.done @!p0 $0x0  }
0x62: {  	[sflag:s18] =	ssyncadd.s32 @!p0 $0xFFFFFF80  }
0x63: {  	[tilespmem:$0xD000] =	vst v2  }
0x64: {  	[tilespmem:$0xD010] =	vst v2  }
0x65: {  	[tilespmem:$0xD020] =	vst v2  }
0x66: {  	[tilespmem:$0xD030] =	vst v2  }
0x67: {  	[tilespmem:$0xD040] =	vst v2  }
0x68: {  	s19 =	stileid.u32;
	[tilespmem:$0xD050] =	vst v2  }
0x69: {  	s21 =	sshll.u32 s19, $0x6;
	s23 =	rddreg [dreg:$0xc];
	[tilespmem:$0xD060] =	vst v2  }
0x6a: {  	s6 =	sor.u32 $0x1C09, s21;
	s25 =	rddreg [dreg:$0x11];
	[tilespmem:$0xD070] =	vst v2  }
0x6b: {  	[spmem:s25], [sflag:s6] =	dma.local [hbm:s23], $0x9C8  }
0x6c: {  	_ =	swait.ge [sflag:s16], $0x9C8  }
0x6d: {  	[sflag:s16] =	ssyncset.done $0x0;
	s18 =	rddreg [dreg:$0xd]  }
0x6e: {  	s19 =	rddreg [dreg:$0x12];
	[sflag:s16] =	ssyncadd.s32 $0xFFFFF638  }
0x6f: {  	[spmem:s19], [sflag:s6] =	dma.local [hbm:s18], $0x9C4  }
0x70: {  	_ =	swait.ge [sflag:s16], $0x9C4  }
0x71: {  	[sflag:s16] =	ssyncset.done $0x0;
	s21 =	rddreg [dreg:$0xe]  }
0x72: {  	s23 =	rddreg [dreg:$0xf];
	[sflag:s16] =	ssyncadd.s32 $0xFFFFF63C;
	s18 =	sshrl.u32 s21, $0x3  }
0x73: {  	[spmem:s18], [sflag:s6] =	dma.local [hbm:s23], $0x50  }
0x74: {  	_ =	swait.ge [sflag:s16], $0x50  }
0x75: {  	[sflag:s16] =	ssyncset.done $0x0  }
0x76: {  	[sflag:s16] =	ssyncadd.s32 $0xFFFFFFB0  }
0x77: {  	[bflag:$0x0] =	sbarrier.arrive $0xFFFF  }
0x78: {  	[tilespmem:s22], [sflag:$0x1] =	stream.indirect.gather [spmem:s2], $0x20, s8, s20, $0xb8;
	[tilespmem:$0x16F60] =	vst v63  }
0x79: {  	_ = 	snop  }
0x7a: {  	[tilespmem:s24], [sflag:$0x2] =	stream.indirect.gather [spmem:s2], $0x20, s20, s20, $0xb8;
	[tilespmem:$0x16F60] =	vst v63  }
0x7b: {  	s25 =	simm.s32 $0x100  }
0x7c: {  	[tilespmem:s28], [sflag:$0x3] =	stream.indirect.gather [spmem:s2], $0x20, s25, s20, $0xb8;
	[tilespmem:$0x16F60] =	vst v63  }
0x7d: {  	s8 =	simm.s32 $0x180  }
0x7e: {  	[tilespmem:s30], [sflag:$0x4] =	stream.indirect.gather [spmem:s2], $0x20, s8, s20, $0xb8;
	[tilespmem:$0x16F60] =	vst v63  }
0x7f: {  	s19 =	simm.s32 $0x200  }
0x80: {  	[tilespmem:s0], [sflag:$0x5] =	stream.indirect.gather [spmem:s2], $0x20, s19, s20, $0xb8;
	[tilespmem:$0x16F60] =	vst v63  }
0x81: {  	s21 =	simm.s32 $0x280  }
0x82: {  	[tilespmem:s17], [sflag:$0x6] =	stream.indirect.gather [spmem:s2], $0x20, s21, s20, $0xb8;
	[tilespmem:$0x16F60] =	vst v63  }
0x83: {  	s23 =	simm.s32 $0x300  }
0x84: {  	[tilespmem:s29], [sflag:$0x7] =	stream.indirect.gather [spmem:s2], $0x20, s23, s20, $0xb8;
	[tilespmem:$0x16F60] =	vst v63  }
0x85: {  	s25 =	simm.s32 $0x380;
	s19 =	simm.s32 $0x0  }
0x86: {  	[tilespmem:s3], [sflag:$0x8] =	stream.indirect.gather [spmem:s2], $0x20, s25, s20, $0xb8;
	[tilespmem:$0x16F60] =	vst v63  }
.LBB2_2:
0x87: {  	_ =	swait.ge [sflag:s26], $0x1000  }
0x88: {  	s21 =	sshra.s32 s19, $0x2;
	[sflag:s26] =	ssyncset.done $0x0  }
0x89: {  	s23 =	sadd.s32 $0x2800, s21;
	[sflag:s26] =	ssyncadd.s32 $0xFFFFF000  }
0x8a: {  	[spmem:s1] =	stream.indirect.scatter.add.f32 [tilespmem:s22], [sflag:$0x9], $0x20, s23, s20, $0xb8;
	[tilespmem:$0x16F60] =	vst v63  }
0x8b: {  	_ =	swait.ge [sflag:s16], $0x1000  }
0x8c: {  	[sflag:s16] =	ssyncset.done $0x0  }
0x8d: {  	[sflag:s16] =	ssyncadd.s32 $0xFFFFF000  }
0x8e: {  	[spmem:s4] =	stream.indirect.scatter.add.f32 [tilespmem:s31], [sflag:$0x9], $0x1, s23, s20, $0xb8;
	[tilespmem:$0x16F60] =	vst v63  }
0x8f: {  	p1 =	seq.s32 s19, $0x9000;
	_ =	swait.ge [sflag:s16], $0x80  }
0x90: {  	s25 =	simm.s32 @!p1 $0x80;
	s23 =	sshra.s32 @!p1 s19, $0x2;
	[sflag:s16] =	ssyncset.done $0x0  }
0x91: {  	s8 =	simm.s32 @!p1 $0x5000;
	s5 =	sadd.s32 @!p1 $0x400, s23;
	[sflag:s16] =	ssyncadd.s32 $0xFFFFFF80  }
0x92: {  	[tilespmem:s8], [sflag:$0x1] =	stream.indirect.gather @!p1 [spmem:s2], $0x20, s5, s25, $0xb8;
	[tilespmem:$0x16F60] =	vst v63  }
0x93: {  	_ =	swait.ge [sflag:s7], $0x1000  }
0x94: {  	[sflag:s7] =	ssyncset.done $0x0  }
0x95: {  	s8 =	sadd.s32 $0x2880, s21;
	[sflag:s7] =	ssyncadd.s32 $0xFFFFF000  }
0x96: {  	[spmem:s1] =	stream.indirect.scatter.add.f32 [tilespmem:s24], [sflag:$0x9], $0x20, s8, s20, $0xb8;
	[tilespmem:$0x16F60] =	vst v63  }
0x97: {  	_ =	swait.ge [sflag:s16], $0x1000  }
0x98: {  	[sflag:s16] =	ssyncset.done $0x0  }
0x99: {  	[sflag:s16] =	ssyncadd.s32 $0xFFFFF000  }
0x9a: {  	[spmem:s4] =	stream.indirect.scatter.add.f32 [tilespmem:s31], [sflag:$0x9], $0x1, s8, s20, $0xb8;
	[tilespmem:$0x16F60] =	vst v63  }
0x9b: {  	_ =	swait.ge [sflag:s16], $0x80  }
0x9c: {  	[sflag:s16] =	ssyncset.done $0x0  }
0x9d: {  	s5 =	sadd.s32 @!p1 $0x480, s23;
	s8 =	simm.s32 @!p1 $0x6000;
	[sflag:s16] =	ssyncadd.s32 $0xFFFFFF80  }
0x9e: {  	[tilespmem:s8], [sflag:$0x2] =	stream.indirect.gather @!p1 [spmem:s2], $0x20, s5, s25, $0xb8;
	[tilespmem:$0x16F60] =	vst v63  }
0x9f: {  	_ =	swait.ge [sflag:s10], $0x1000  }
0xa0: {  	[sflag:s10] =	ssyncset.done $0x0  }
0xa1: {  	s8 =	sadd.s32 $0x2900, s21;
	[sflag:s10] =	ssyncadd.s32 $0xFFFFF000  }
0xa2: {  	[spmem:s1] =	stream.indirect.scatter.add.f32 [tilespmem:s28], [sflag:$0x9], $0x20, s8, s20, $0xb8;
	[tilespmem:$0x16F60] =	vst v63  }
0xa3: {  	_ =	swait.ge [sflag:s16], $0x1000  }
0xa4: {  	[sflag:s16] =	ssyncset.done $0x0  }
0xa5: {  	[sflag:s16] =	ssyncadd.s32 $0xFFFFF000  }
0xa6: {  	[spmem:s4] =	stream.indirect.scatter.add.f32 [tilespmem:s31], [sflag:$0x9], $0x1, s8, s20, $0xb8;
	[tilespmem:$0x16F60] =	vst v63  }
0xa7: {  	_ =	swait.ge [sflag:s16], $0x80  }
0xa8: {  	[sflag:s16] =	ssyncset.done $0x0  }
0xa9: {  	s5 =	sadd.s32 @!p1 $0x500, s23;
	s8 =	simm.s32 @!p1 $0x7000;
	[sflag:s16] =	ssyncadd.s32 $0xFFFFFF80  }
0xaa: {  	[tilespmem:s8], [sflag:$0x3] =	stream.indirect.gather @!p1 [spmem:s2], $0x20, s5, s25, $0xb8;
	[tilespmem:$0x16F60] =	vst v63  }
0xab: {  	_ =	swait.ge [sflag:s11], $0x1000  }
0xac: {  	[sflag:s11] =	ssyncset.done $0x0  }
0xad: {  	s8 =	sadd.s32 $0x2980, s21;
	[sflag:s11] =	ssyncadd.s32 $0xFFFFF000  }
0xae: {  	[spmem:s1] =	stream.indirect.scatter.add.f32 [tilespmem:s30], [sflag:$0x9], $0x20, s8, s20, $0xb8;
	[tilespmem:$0x16F60] =	vst v63  }
0xaf: {  	_ =	swait.ge [sflag:s16], $0x1000  }
0xb0: {  	[sflag:s16] =	ssyncset.done $0x0  }
0xb1: {  	[sflag:s16] =	ssyncadd.s32 $0xFFFFF000  }
0xb2: {  	[spmem:s4] =	stream.indirect.scatter.add.f32 [tilespmem:s31], [sflag:$0x9], $0x1, s8, s20, $0xb8;
	[tilespmem:$0x16F60] =	vst v63  }
0xb3: {  	_ =	swait.ge [sflag:s16], $0x80  }
0xb4: {  	[sflag:s16] =	ssyncset.done $0x0  }
0xb5: {  	s5 =	sadd.s32 @!p1 $0x580, s23;
	s8 =	simm.s32 @!p1 $0x8000;
	[sflag:s16] =	ssyncadd.s32 $0xFFFFFF80  }
0xb6: {  	[tilespmem:s8], [sflag:$0x4] =	stream.indirect.gather @!p1 [spmem:s2], $0x20, s5, s25, $0xb8;
	[tilespmem:$0x16F60] =	vst v63  }
0xb7: {  	_ =	swait.ge [sflag:s12], $0x1000  }
0xb8: {  	[sflag:s12] =	ssyncset.done $0x0  }
0xb9: {  	s8 =	sadd.s32 $0x2A00, s21;
	[sflag:s12] =	ssyncadd.s32 $0xFFFFF000  }
0xba: {  	[spmem:s1] =	stream.indirect.scatter.add.f32 [tilespmem:s0], [sflag:$0x9], $0x20, s8, s20, $0xb8;
	[tilespmem:$0x16F60] =	vst v63  }
0xbb: {  	_ =	swait.ge [sflag:s16], $0x1000  }
0xbc: {  	[sflag:s16] =	ssyncset.done $0x0  }
0xbd: {  	[sflag:s16] =	ssyncadd.s32 $0xFFFFF000  }
0xbe: {  	[spmem:s4] =	stream.indirect.scatter.add.f32 [tilespmem:s31], [sflag:$0x9], $0x1, s8, s20, $0xb8;
	[tilespmem:$0x16F60] =	vst v63  }
0xbf: {  	_ =	swait.ge [sflag:s16], $0x80  }
0xc0: {  	[sflag:s16] =	ssyncset.done $0x0  }
0xc1: {  	s5 =	sadd.s32 @!p1 $0x600, s23;
	s8 =	simm.s32 @!p1 $0x9000;
	[sflag:s16] =	ssyncadd.s32 $0xFFFFFF80  }
0xc2: {  	[tilespmem:s8], [sflag:$0x5] =	stream.indirect.gather @!p1 [spmem:s2], $0x20, s5, s25, $0xb8;
	[tilespmem:$0x16F60] =	vst v63  }
0xc3: {  	_ =	swait.ge [sflag:s13], $0x1000  }
0xc4: {  	[sflag:s13] =	ssyncset.done $0x0  }
0xc5: {  	s8 =	sadd.s32 $0x2A80, s21;
	[sflag:s13] =	ssyncadd.s32 $0xFFFFF000  }
0xc6: {  	[spmem:s1] =	stream.indirect.scatter.add.f32 [tilespmem:s17], [sflag:$0x9], $0x20, s8, s20, $0xb8;
	[tilespmem:$0x16F60] =	vst v63  }
0xc7: {  	_ =	swait.ge [sflag:s16], $0x1000  }
0xc8: {  	[sflag:s16] =	ssyncset.done $0x0  }
0xc9: {  	[sflag:s16] =	ssyncadd.s32 $0xFFFFF000  }
0xca: {  	[spmem:s4] =	stream.indirect.scatter.add.f32 [tilespmem:s31], [sflag:$0x9], $0x1, s8, s20, $0xb8;
	[tilespmem:$0x16F60] =	vst v63  }
0xcb: {  	_ =	swait.ge [sflag:s16], $0x80  }
0xcc: {  	[sflag:s16] =	ssyncset.done $0x0  }
0xcd: {  	s5 =	sadd.s32 @!p1 $0x680, s23;
	s8 =	simm.s32 @!p1 $0xA000;
	[sflag:s16] =	ssyncadd.s32 $0xFFFFFF80  }
0xce: {  	[tilespmem:s8], [sflag:$0x6] =	stream.indirect.gather @!p1 [spmem:s2], $0x20, s5, s25, $0xb8;
	[tilespmem:$0x16F60] =	vst v63  }
0xcf: {  	_ =	swait.ge [sflag:s14], $0x1000  }
0xd0: {  	[sflag:s14] =	ssyncset.done $0x0  }
0xd1: {  	s8 =	sadd.s32 $0x2B00, s21;
	[sflag:s14] =	ssyncadd.s32 $0xFFFFF000  }
0xd2: {  	[spmem:s1] =	stream.indirect.scatter.add.f32 [tilespmem:s29], [sflag:$0x9], $0x20, s8, s20, $0xb8;
	[tilespmem:$0x16F60] =	vst v63  }
0xd3: {  	_ =	swait.ge [sflag:s16], $0x1000  }
0xd4: {  	[sflag:s16] =	ssyncset.done $0x0  }
0xd5: {  	[sflag:s16] =	ssyncadd.s32 $0xFFFFF000  }
0xd6: {  	[spmem:s4] =	stream.indirect.scatter.add.f32 [tilespmem:s31], [sflag:$0x9], $0x1, s8, s20, $0xb8;
	[tilespmem:$0x16F60] =	vst v63  }
0xd7: {  	_ =	swait.ge [sflag:s16], $0x80  }
0xd8: {  	[sflag:s16] =	ssyncset.done $0x0  }
0xd9: {  	s5 =	sadd.s32 @!p1 $0x700, s23;
	s8 =	simm.s32 @!p1 $0xB000;
	[sflag:s16] =	ssyncadd.s32 $0xFFFFFF80  }
0xda: {  	[tilespmem:s8], [sflag:$0x7] =	stream.indirect.gather @!p1 [spmem:s2], $0x20, s5, s25, $0xb8;
	[tilespmem:$0x16F60] =	vst v63  }
0xdb: {  	_ =	swait.ge [sflag:s9], $0x1000  }
0xdc: {  	[sflag:s9] =	ssyncset.done $0x0  }
0xdd: {  	s25 =	sadd.s32 $0x2B80, s21;
	[sflag:s9] =	ssyncadd.s32 $0xFFFFF000  }
0xde: {  	[spmem:s1] =	stream.indirect.scatter.add.f32 [tilespmem:s3], [sflag:$0x9], $0x20, s25, s20, $0xb8;
	[tilespmem:$0x16F60] =	vst v63  }
0xdf: {  	_ =	swait.ge [sflag:s16], $0x1000  }
0xe0: {  	[sflag:s16] =	ssyncset.done $0x0  }
.Ltmp2:
0xe1: {  	[sflag:s16] =	ssyncadd.s32 $0xFFFFF000;
	(pc) =	sbr.rel @p1 .LBB2_4-.Ltmp2, $4  }
0xe2: {  	[spmem:s4] =	stream.indirect.scatter.add.f32 [tilespmem:s31], [sflag:$0x9], $0x1, s25, s20, $0xb8;
	[tilespmem:$0x16F60] =	vst v63  }
0xe3: {  	_ =	swait.ge [sflag:s16], $0x80  }
0xe4: {  	[sflag:s16] =	ssyncset.done $0x0  }
0xe5: {  	[sflag:s16] =	ssyncadd.s32 $0xFFFFFF80  }
.Ltmp3:
0xe6: {  	(pc) =	sbr.rel .LBB2_2-.Ltmp3, $3  }
0xe7: {  	_ =	sdelay $0x1  }
0xe8: {  	s5 =	sadd.s32 $0x780, s21;
	s19 =	sadd.s32 $0x1000, s19  }
0xe9: {  	[tilespmem:s3], [sflag:$0x8] =	stream.indirect.gather [spmem:s2], $0x20, s5, s20, $0xb8;
	[tilespmem:$0x16F60] =	vst v63  }
.LBB2_5:
0xea: {  	_ =	sfence.sel $0x180000  }
0xeb: {  	[bflag:$0x0] =	sbarrier.arrive $0xFFFF  }
0xec: {  	_ =	strace $0x90000047  }
0xed: {  	s0 =	stileid.u32;
	[bflag:$0x2] =	sbarrier.arrive $0xFFFF  }
0xee: {  	p0 =	sne.s32 s0, $0x0;
	s0 =	rddreg [dreg:$0x6]  }
0xef: {  	s0 =	sadd.s32 @!p0 $0x100000, s0  }
0xf0: {  	[sflag:s0] =	ssyncadd.tile.s32 @!p0 $0x1;
	_ =	shalt  }
.Lfunc_end2:
_tile_overlayer_lowered:
.L_overlay_start_2:
0xf1: {  	(tag) =	ssettag $0x2  }
0xf2: {  	s0 =	rddreg [dreg:$0x0];
	s2 =	stileid.u32  }
0xf3: {  	s1 =	rddreg [dreg:$0x1];
	p0 =	sne.s32 s2, $0x0  }
0xf4: {  	s3 =	rddreg [dreg:$0x2];
	[bflag:$0x3] =	sbarrier.arrive $0xFFFF;
	s2 =	simm.s32 @!p0 $0x1C09  }
0xf5: {  	[timem:s3], [sflag:s2] =	dma.local @!p0 [hbm:s0], s1  }
0xf6: {  	s0 =	simm.s32 @!p0 $0x9  }
0xf7: {  	_ =	swait.ge @!p0 [sflag:s0], s1  }
0xf8: {  	s1 =	ssub.s32 @!p0 $0x0, s1;
	[sflag:s0] =	ssyncset.done @!p0 $0x0  }
0xf9: {  	[sflag:s0] =	ssyncadd.s32 @!p0 s1  }
0xfa: {  	[bflag:$0x3] =	sbarrier.arrive $0xFFFF  }
0xfb: {  	_ =	shalt  }

</sc_bundles>
